<compile_context>
chip_gen: v7x
topology: tpu7x:2x2x1
jax: 0.10.2.dev20260603
libtpu: 0.0.44.dev20260713+nightly
codegen_flags: <defaults>
</compile_context>

<pallas_src>
import functools

import numpy as np
import jax
import jax.numpy as jnp
from jax import lax
from jax.experimental import pallas as pl
from jax.experimental.pallas import tpu as pltpu
from jax.experimental.pallas import tpu_sc as plsc

IN_CH = 256
N_HEADS = 4
HEAD_DIM = IN_CH // N_HEADS
N_NODES = 10000
N_EDGES = 160000

_NC = 2
_NS = 16
_NW = _NC * _NS
_L = 16

_EPW = N_EDGES // _NW
_C = 40
_NCHUNK = _EPW // _C


_EXPAND = np.repeat(np.eye(N_HEADS, dtype=np.float32), HEAD_DIM, axis=1)
_E_SRC = np.concatenate([_EXPAND, np.zeros_like(_EXPAND)], axis=0)
_E_TGT = np.concatenate([np.zeros_like(_EXPAND), _EXPAND], axis=0)



def _node_tables_body(x_ref, wst_ref, es_ref, et_ref, wp_ref, b_ref,
                      u_ref, v_ref):
    x = x_ref[...]
    g = jax.nn.sigmoid(
        jnp.dot(x, wst_ref[...], preferred_element_type=jnp.float32))
    gs = jnp.dot(g, es_ref[...], preferred_element_type=jnp.float32)
    gt = jnp.dot(g, et_ref[...], preferred_element_type=jnp.float32)
    wp = wp_ref[...]
    u_ref[...] = jnp.dot(gs * x, wp, preferred_element_type=jnp.float32) + b_ref[...]
    v_ref[...] = jnp.dot(gt * x, wp, preferred_element_type=jnp.float32)


def _node_tables(x, w_st, e_src, e_tgt, w_proj, b2):
    blk = 2000
    grid = (N_NODES // blk,)
    return pl.pallas_call(
        _node_tables_body,
        grid=grid,
        in_specs=[
            pl.BlockSpec((blk, IN_CH), lambda i: (i, 0)),
            pl.BlockSpec((IN_CH, 8), lambda i: (0, 0)),
            pl.BlockSpec((8, IN_CH), lambda i: (0, 0)),
            pl.BlockSpec((8, IN_CH), lambda i: (0, 0)),
            pl.BlockSpec((IN_CH, IN_CH), lambda i: (0, 0)),
            pl.BlockSpec((1, IN_CH), lambda i: (0, 0)),
        ],
        out_specs=[
            pl.BlockSpec((blk, IN_CH), lambda i: (i, 0)),
            pl.BlockSpec((blk, IN_CH), lambda i: (i, 0)),
        ],
        out_shape=[jax.ShapeDtypeStruct((N_NODES, IN_CH), jnp.float32),
                   jax.ShapeDtypeStruct((N_NODES, IN_CH), jnp.float32)],
    )(x, w_st, e_src, e_tgt, w_proj, b2)



_mesh = plsc.VectorSubcoreMesh(core_axis_name="c", subcore_axis_name="s")


_NSLOT = 4


@functools.partial(
    pl.kernel,
    mesh=_mesh,
    out_type=jax.ShapeDtypeStruct((N_EDGES, IN_CH), jnp.float32),
    scratch_types=(
        [pltpu.VMEM((_EPW,), jnp.int32),
         pltpu.VMEM((_EPW,), jnp.int32)]
        + [pltpu.VMEM((_C, IN_CH), jnp.float32)] * (2 * _NSLOT)
        + [pltpu.SemaphoreType.DMA] * (2 * _NSLOT)
    ),
)
def _edge_combine(u_hbm, v_hbm, src_hbm, tgt_hbm, out_hbm,
                  idx_s, idx_t, *bufs):
    rus = bufs[0:2 * _NSLOT:2]
    rvs = bufs[1:2 * _NSLOT:2]
    sgs = bufs[2 * _NSLOT:3 * _NSLOT]
    sws = bufs[3 * _NSLOT:4 * _NSLOT]

    wid = lax.axis_index("s") * _NC + lax.axis_index("c")
    base = wid * _EPW
    pltpu.sync_copy(src_hbm.at[pl.ds(base, _EPW)], idx_s)
    pltpu.sync_copy(tgt_hbm.at[pl.ds(base, _EPW)], idx_t)

    def fire(j, p):
        off = j * _C
        pltpu.async_copy(u_hbm.at[idx_s.at[pl.ds(off, _C)]], rus[p], sgs[p])
        pltpu.async_copy(v_hbm.at[idx_t.at[pl.ds(off, _C)]], rvs[p], sgs[p])

    def drain_gather(p):
        pltpu.make_async_copy(u_hbm.at[pl.ds(0, _C)], rus[p], sgs[p]).wait()
        pltpu.make_async_copy(v_hbm.at[pl.ds(0, _C)], rvs[p], sgs[p]).wait()

    def drain_wo(p):
        pltpu.make_async_copy(rus[p], out_hbm.at[pl.ds(0, _C)], sws[p]).wait()

    def add_and_fire_wo(j, p):
        def add_row(i, c):
            for k in range(IN_CH // _L):
                sl = pl.ds(k * _L, _L)
                plsc.addupdate(rus[p].at[i, sl], rvs[p][i, sl])
            return c
        lax.fori_loop(0, _C, add_row, 0)
        pltpu.async_copy(rus[p], out_hbm.at[pl.ds(base + j * _C, _C)], sws[p])

    fire(0, 0)
    fire(1, 1)

    fire(2, 2)
    drain_gather(0)
    add_and_fire_wo(0, 0)
    fire(3, 3)
    drain_gather(1)
    add_and_fire_wo(1, 1)
    drain_wo(0)
    fire(4, 0)
    drain_gather(2)
    add_and_fire_wo(2, 2)
    drain_wo(1)
    fire(5, 1)
    drain_gather(3)
    add_and_fire_wo(3, 3)

    def body(g, carry):
        j0 = 4 * g
        for p in range(_NSLOT):
            j = j0 + p
            pf = (p + 2) % _NSLOT

            @pl.when(j + 2 < _NCHUNK)
            def _():
                drain_wo(pf)
                fire(j + 2, pf)
            drain_gather(p)
            add_and_fire_wo(j, p)
        return carry

    lax.fori_loop(1, (_NCHUNK - 1) // _NSLOT, body, 0)

    drain_gather(0)
    add_and_fire_wo(_NCHUNK - 1, 0)
    drain_wo(1)
    drain_wo(2)
    drain_wo(3)
    drain_wo(0)



def kernel(node_embeddings, edge_index, W_src, W_tgt, W_proj, b_proj):
    eidx = edge_index.astype(jnp.int32)
    w_st = jnp.concatenate([W_src, W_tgt], axis=1)
    u_tab, v_tab = _node_tables(node_embeddings, w_st, _E_SRC, _E_TGT,
                                W_proj, b_proj.reshape(1, IN_CH))
    return _edge_combine(u_tab, v_tab, eidx[0], eidx[1])

# --- scband reference (transcript-rebuilt; emitter-appended) ---
"""Pipeline reference for scband-multi-head-attention-edge-emb-34256659153221 (READ-ONLY COPY).

The authoritative reference and input builder live on the scoring server;
editing this copy changes nothing except your own understanding.
"""

import jax, jax.numpy as jnp
import numpy as np

IN_CHANNELS = 256
OUT_CHANNELS = 256
NUM_HEADS = 4
HEAD_DIM = IN_CHANNELS // NUM_HEADS
N_NODES = 10000
N_EDGES = 160000


def setup_inputs(seed: int = 0) -> dict:
    key = jax.random.key(seed)
    k1, k2, k3, k4, k5, k6 = jax.random.split(key, 6)
    node_embeddings = jax.random.normal(k1, (N_NODES, IN_CHANNELS), dtype=jnp.float32)
    edge_index = jax.random.randint(k2, (2, N_EDGES), 0, N_NODES, dtype=jnp.int64) if jax.config.read('jax_enable_x64') else jax.random.randint(k2, (2, N_EDGES), 0, N_NODES, dtype=jnp.int32)
    # parameters (stored transposed vs torch nn.Linear weight: [in, out])
    s = 1.0 / np.sqrt(IN_CHANNELS)
    W_src = jax.random.uniform(k3, (IN_CHANNELS, NUM_HEADS), minval=-s, maxval=s, dtype=jnp.float32)
    W_tgt = jax.random.uniform(k4, (IN_CHANNELS, NUM_HEADS), minval=-s, maxval=s, dtype=jnp.float32)
    W_proj = jax.random.uniform(k5, (IN_CHANNELS, OUT_CHANNELS), minval=-s, maxval=s, dtype=jnp.float32)
    b_proj = jax.random.uniform(k6, (OUT_CHANNELS,), minval=-s, maxval=s, dtype=jnp.float32)
    return {"node_embeddings": node_embeddings, "edge_index": edge_index,
            "W_src": W_src, "W_tgt": W_tgt, "W_proj": W_proj, "b_proj": b_proj}


def reference(node_embeddings, edge_index, W_src, W_tgt, W_proj, b_proj):
    source_node_emb = jnp.take(node_embeddings, edge_index[0], axis=0)
    target_node_emb = jnp.take(node_embeddings, edge_index[1], axis=0)
    attn_source = jax.nn.sigmoid(source_node_emb @ W_src)  # [E, H]
    attn_target = jax.nn.sigmoid(target_node_emb @ W_tgt)  # [E, H]
    src_h = source_node_emb.reshape(-1, NUM_HEADS, HEAD_DIM)
    tgt_h = target_node_emb.reshape(-1, NUM_HEADS, HEAD_DIM)
    attn_src = attn_source[..., None] * src_h
    attn_tgt = attn_target[..., None] * tgt_h
    edge_attr = (attn_src + attn_tgt).reshape(-1, IN_CHANNELS)
    return edge_attr @ W_proj + b_proj

if __name__ == "__main__":
    import jax
    _d = setup_inputs()
    print(jax.jit(kernel)(*tuple(_d.values())))

</pallas_src>

<mosaic_0001>
#map = affine_map<(d0, d1) -> (0, 0)>
#map1 = affine_map<(d0, d1) -> (0)>
module attributes {stable_mosaic.version = 14 : i64} {
  func.func @_edge_combine(%arg0: i32, %arg1: i32, %arg2: memref<10000x256xf32, #tpu.memory_space<hbm>>, %arg3: memref<10000x256xf32, #tpu.memory_space<hbm>>, %arg4: memref<160000xi32, #tpu.memory_space<hbm>>, %arg5: memref<160000xi32, #tpu.memory_space<hbm>>, %arg6: memref<160000x256xf32, #tpu.memory_space<hbm>>, %arg7: memref<5000xi32, #tpu.memory_space<vmem>>, %arg8: memref<5000xi32, #tpu.memory_space<vmem>>, %arg9: memref<40x256xf32, #tpu.memory_space<vmem>>, %arg10: memref<40x256xf32, #tpu.memory_space<vmem>>, %arg11: memref<40x256xf32, #tpu.memory_space<vmem>>, %arg12: memref<40x256xf32, #tpu.memory_space<vmem>>, %arg13: memref<40x256xf32, #tpu.memory_space<vmem>>, %arg14: memref<40x256xf32, #tpu.memory_space<vmem>>, %arg15: memref<40x256xf32, #tpu.memory_space<vmem>>, %arg16: memref<40x256xf32, #tpu.memory_space<vmem>>, %arg17: memref<!tpu.dma_semaphore, #tpu.memory_space<semaphore_mem>>, %arg18: memref<!tpu.dma_semaphore, #tpu.memory_space<semaphore_mem>>, %arg19: memref<!tpu.dma_semaphore, #tpu.memory_space<semaphore_mem>>, %arg20: memref<!tpu.dma_semaphore, #tpu.memory_space<semaphore_mem>>, %arg21: memref<!tpu.dma_semaphore, #tpu.memory_space<semaphore_mem>>, %arg22: memref<!tpu.dma_semaphore, #tpu.memory_space<semaphore_mem>>, %arg23: memref<!tpu.dma_semaphore, #tpu.memory_space<semaphore_mem>>, %arg24: memref<!tpu.dma_semaphore, #tpu.memory_space<semaphore_mem>>) attributes {dimension_semantics = [#tpu.dimension_semantics<core_parallel>, #tpu.dimension_semantics<subcore_parallel>], iteration_bounds = array<i64: 2, 16>, scalar_prefetch = 0 : i64, scratch_operands = 18 : i64, tpu.core_type = #tpu.core_type<sc_vector_subcore>, window_params = [{transform_indices = #map}, {transform_indices = #map}, {transform_indices = #map1}, {transform_indices = #map1}, {transform_indices = #map}]} {
    %mul3A = arith.constant 2 : i32
    %mul3A_0 = arith.muli %arg1, %mul3A : i32
    %add3A = arith.addi %mul3A_0, %arg0 : i32
    %mul3A_1 = arith.constant 5000 : i32
    %mul3A_2 = arith.muli %add3A, %mul3A_1 : i32
    "tpu.region"() ({
      %run_scoped3A = tpu.sem_alloc : memref<!tpu.dma_semaphore, #tpu.memory_space<semaphore_mem>>
      %dma_start3A_222 = tpu.memref_slice %arg4[%mul3A_2] : memref<160000xi32, #tpu.memory_space<hbm>> -> memref<5000xi32, #tpu.memory_space<hbm>>
      %dma_start3A_223 = tpu.memref_slice %arg4[%mul3A_2] : memref<160000xi32, #tpu.memory_space<hbm>> -> memref<5000xi32, #tpu.memory_space<hbm>>
      tpu.enqueue_dma source(%dma_start3A_223 : memref<5000xi32, #tpu.memory_space<hbm>>) target(%arg7 : memref<5000xi32, #tpu.memory_space<vmem>>) target_semaphore(%run_scoped3A : memref<!tpu.dma_semaphore, #tpu.memory_space<semaphore_mem>>)
      %dma_wait3A_224 = tpu.memref_slice %arg4[%mul3A_2] : memref<160000xi32, #tpu.memory_space<hbm>> -> memref<5000xi32, #tpu.memory_space<hbm>>
      %dma_wait3A_225 = tpu.memref_slice %arg4[%mul3A_2] : memref<160000xi32, #tpu.memory_space<hbm>> -> memref<5000xi32, #tpu.memory_space<hbm>>
      tpu.wait_dma2 semaphore(%run_scoped3A : memref<!tpu.dma_semaphore, #tpu.memory_space<semaphore_mem>>) src(%dma_wait3A_225 : memref<5000xi32, #tpu.memory_space<hbm>>) dst(%arg7 : memref<5000xi32, #tpu.memory_space<vmem>>)
      tpu.yield
    }) : () -> ()
    "tpu.region"() ({
      %run_scoped3A = tpu.sem_alloc : memref<!tpu.dma_semaphore, #tpu.memory_space<semaphore_mem>>
      %dma_start3A_222 = tpu.memref_slice %arg5[%mul3A_2] : memref<160000xi32, #tpu.memory_space<hbm>> -> memref<5000xi32, #tpu.memory_space<hbm>>
      %dma_start3A_223 = tpu.memref_slice %arg5[%mul3A_2] : memref<160000xi32, #tpu.memory_space<hbm>> -> memref<5000xi32, #tpu.memory_space<hbm>>
      tpu.enqueue_dma source(%dma_start3A_223 : memref<5000xi32, #tpu.memory_space<hbm>>) target(%arg8 : memref<5000xi32, #tpu.memory_space<vmem>>) target_semaphore(%run_scoped3A : memref<!tpu.dma_semaphore, #tpu.memory_space<semaphore_mem>>)
      %dma_wait3A_224 = tpu.memref_slice %arg5[%mul3A_2] : memref<160000xi32, #tpu.memory_space<hbm>> -> memref<5000xi32, #tpu.memory_space<hbm>>
      %dma_wait3A_225 = tpu.memref_slice %arg5[%mul3A_2] : memref<160000xi32, #tpu.memory_space<hbm>> -> memref<5000xi32, #tpu.memory_space<hbm>>
      tpu.wait_dma2 semaphore(%run_scoped3A : memref<!tpu.dma_semaphore, #tpu.memory_space<semaphore_mem>>) src(%dma_wait3A_225 : memref<5000xi32, #tpu.memory_space<hbm>>) dst(%arg8 : memref<5000xi32, #tpu.memory_space<vmem>>)
      tpu.yield
    }) : () -> ()
    %dma_start3A = arith.constant 0 : i32
    %dma_start3A_3 = tpu.memref_slice %arg7[%dma_start3A] : memref<5000xi32, #tpu.memory_space<vmem>> -> memref<40xi32, #tpu.memory_space<vmem>>
    %dma_start3A_4 = arith.constant 0 : i32
    %dma_start3A_5 = arith.constant 0 : i32
    %dma_start3A_6 = tpu.memref_slice %arg2[%dma_start3A_4, %dma_start3A_5] : memref<10000x256xf32, #tpu.memory_space<hbm>> -> memref<10000x256xf32, #tpu.memory_space<hbm>>
    tpu.enqueue_indirect_dma source(%dma_start3A_6 : memref<10000x256xf32, #tpu.memory_space<hbm>>) target(%arg9 : memref<40x256xf32, #tpu.memory_space<vmem>>) offsets(%dma_start3A_3 : memref<40xi32, #tpu.memory_space<vmem>>) semaphore(%arg17 : memref<!tpu.dma_semaphore, #tpu.memory_space<semaphore_mem>>)
    %dma_start3A_7 = arith.constant 0 : i32
    %dma_start3A_8 = tpu.memref_slice %arg8[%dma_start3A_7] : memref<5000xi32, #tpu.memory_space<vmem>> -> memref<40xi32, #tpu.memory_space<vmem>>
    %dma_start3A_9 = arith.constant 0 : i32
    %dma_start3A_10 = arith.constant 0 : i32
    %dma_start3A_11 = tpu.memref_slice %arg3[%dma_start3A_9, %dma_start3A_10] : memref<10000x256xf32, #tpu.memory_space<hbm>> -> memref<10000x256xf32, #tpu.memory_space<hbm>>
    tpu.enqueue_indirect_dma source(%dma_start3A_11 : memref<10000x256xf32, #tpu.memory_space<hbm>>) target(%arg10 : memref<40x256xf32, #tpu.memory_space<vmem>>) offsets(%dma_start3A_8 : memref<40xi32, #tpu.memory_space<vmem>>) semaphore(%arg17 : memref<!tpu.dma_semaphore, #tpu.memory_space<semaphore_mem>>)
    %dma_start3A_12 = arith.constant 40 : i32
    %dma_start3A_13 = tpu.memref_slice %arg7[%dma_start3A_12] : memref<5000xi32, #tpu.memory_space<vmem>> -> memref<40xi32, #tpu.memory_space<vmem>>
    %dma_start3A_14 = arith.constant 0 : i32
    %dma_start3A_15 = arith.constant 0 : i32
    %dma_start3A_16 = tpu.memref_slice %arg2[%dma_start3A_14, %dma_start3A_15] : memref<10000x256xf32, #tpu.memory_space<hbm>> -> memref<10000x256xf32, #tpu.memory_space<hbm>>
    tpu.enqueue_indirect_dma source(%dma_start3A_16 : memref<10000x256xf32, #tpu.memory_space<hbm>>) target(%arg11 : memref<40x256xf32, #tpu.memory_space<vmem>>) offsets(%dma_start3A_13 : memref<40xi32, #tpu.memory_space<vmem>>) semaphore(%arg18 : memref<!tpu.dma_semaphore, #tpu.memory_space<semaphore_mem>>)
    %dma_start3A_17 = arith.constant 40 : i32
    %dma_start3A_18 = tpu.memref_slice %arg8[%dma_start3A_17] : memref<5000xi32, #tpu.memory_space<vmem>> -> memref<40xi32, #tpu.memory_space<vmem>>
    %dma_start3A_19 = arith.constant 0 : i32
    %dma_start3A_20 = arith.constant 0 : i32
    %dma_start3A_21 = tpu.memref_slice %arg3[%dma_start3A_19, %dma_start3A_20] : memref<10000x256xf32, #tpu.memory_space<hbm>> -> memref<10000x256xf32, #tpu.memory_space<hbm>>
    tpu.enqueue_indirect_dma source(%dma_start3A_21 : memref<10000x256xf32, #tpu.memory_space<hbm>>) target(%arg12 : memref<40x256xf32, #tpu.memory_space<vmem>>) offsets(%dma_start3A_18 : memref<40xi32, #tpu.memory_space<vmem>>) semaphore(%arg18 : memref<!tpu.dma_semaphore, #tpu.memory_space<semaphore_mem>>)
    %dma_start3A_22 = arith.constant 80 : i32
    %dma_start3A_23 = tpu.memref_slice %arg7[%dma_start3A_22] : memref<5000xi32, #tpu.memory_space<vmem>> -> memref<40xi32, #tpu.memory_space<vmem>>
    %dma_start3A_24 = arith.constant 0 : i32
    %dma_start3A_25 = arith.constant 0 : i32
    %dma_start3A_26 = tpu.memref_slice %arg2[%dma_start3A_24, %dma_start3A_25] : memref<10000x256xf32, #tpu.memory_space<hbm>> -> memref<10000x256xf32, #tpu.memory_space<hbm>>
    tpu.enqueue_indirect_dma source(%dma_start3A_26 : memref<10000x256xf32, #tpu.memory_space<hbm>>) target(%arg13 : memref<40x256xf32, #tpu.memory_space<vmem>>) offsets(%dma_start3A_23 : memref<40xi32, #tpu.memory_space<vmem>>) semaphore(%arg19 : memref<!tpu.dma_semaphore, #tpu.memory_space<semaphore_mem>>)
    %dma_start3A_27 = arith.constant 80 : i32
    %dma_start3A_28 = tpu.memref_slice %arg8[%dma_start3A_27] : memref<5000xi32, #tpu.memory_space<vmem>> -> memref<40xi32, #tpu.memory_space<vmem>>
    %dma_start3A_29 = arith.constant 0 : i32
    %dma_start3A_30 = arith.constant 0 : i32
    %dma_start3A_31 = tpu.memref_slice %arg3[%dma_start3A_29, %dma_start3A_30] : memref<10000x256xf32, #tpu.memory_space<hbm>> -> memref<10000x256xf32, #tpu.memory_space<hbm>>
    tpu.enqueue_indirect_dma source(%dma_start3A_31 : memref<10000x256xf32, #tpu.memory_space<hbm>>) target(%arg14 : memref<40x256xf32, #tpu.memory_space<vmem>>) offsets(%dma_start3A_28 : memref<40xi32, #tpu.memory_space<vmem>>) semaphore(%arg19 : memref<!tpu.dma_semaphore, #tpu.memory_space<semaphore_mem>>)
    %dma_wait3A = arith.constant 0 : i32
    %dma_wait3A_32 = arith.constant 0 : i32
    %dma_wait3A_33 = tpu.memref_slice %arg2[%dma_wait3A, %dma_wait3A_32] : memref<10000x256xf32, #tpu.memory_space<hbm>> -> memref<40x256xf32, #tpu.memory_space<hbm>>
    %dma_wait3A_34 = arith.constant 0 : i32
    %dma_wait3A_35 = arith.constant 0 : i32
    %dma_wait3A_36 = tpu.memref_slice %arg2[%dma_wait3A_34, %dma_wait3A_35] : memref<10000x256xf32, #tpu.memory_space<hbm>> -> memref<40x256xf32, #tpu.memory_space<hbm>>
    tpu.wait_dma2 semaphore(%arg17 : memref<!tpu.dma_semaphore, #tpu.memory_space<semaphore_mem>>) src(%dma_wait3A_36 : memref<40x256xf32, #tpu.memory_space<hbm>>) dst(%arg9 : memref<40x256xf32, #tpu.memory_space<vmem>>)
    %dma_wait3A_37 = arith.constant 0 : i32
    %dma_wait3A_38 = arith.constant 0 : i32
    %dma_wait3A_39 = tpu.memref_slice %arg3[%dma_wait3A_37, %dma_wait3A_38] : memref<10000x256xf32, #tpu.memory_space<hbm>> -> memref<40x256xf32, #tpu.memory_space<hbm>>
    %dma_wait3A_40 = arith.constant 0 : i32
    %dma_wait3A_41 = arith.constant 0 : i32
    %dma_wait3A_42 = tpu.memref_slice %arg3[%dma_wait3A_40, %dma_wait3A_41] : memref<10000x256xf32, #tpu.memory_space<hbm>> -> memref<40x256xf32, #tpu.memory_space<hbm>>
    tpu.wait_dma2 semaphore(%arg17 : memref<!tpu.dma_semaphore, #tpu.memory_space<semaphore_mem>>) src(%dma_wait3A_42 : memref<40x256xf32, #tpu.memory_space<hbm>>) dst(%arg10 : memref<40x256xf32, #tpu.memory_space<vmem>>)
    %scan3A = arith.constant 0 : i32
    %scan3A_43 = arith.constant 0 : i32
    %scan3A_44 = arith.constant 40 : i32
    %scan3A_45 = arith.addi %scan3A_43, %scan3A_44 : i32
    %scan3A_46 = arith.constant 1 : i32
    scf.for %scan3A_222 = %scan3A_43 to %scan3A_45 step %scan3A_46  : i32 {
      %get3A = arith.index_cast %scan3A_222 : i32 to index
      %get3A_223 = arith.constant 0 : index
      %get3A_224 = tpu.vector_load %arg10[%get3A, %get3A_223] {strides = array<i32>} : memref<40x256xf32, #tpu.memory_space<vmem>>, vector<1x16xf32>,
      %get3A_225 = vector.shape_cast %get3A_224 : vector<1x16xf32> to vector<16xf32>
      %swap3A = arith.index_cast %scan3A_222 : i32 to index
      %swap3A_226 = arith.constant 0 : index
      %swap3A_227 = tpu.vector_load %arg9[%swap3A, %swap3A_226] {strides = array<i32>} : memref<40x256xf32, #tpu.memory_space<vmem>>, vector<1x16xf32>,
      %swap3A_228 = vector.shape_cast %swap3A_227 : vector<1x16xf32> to vector<16xf32>
      %swap3A_229 = vector.shape_cast %get3A_225 : vector<16xf32> to vector<1x16xf32>
      tpu.vector_store %arg9[%swap3A, %swap3A_226], %swap3A_229 {add = true, strides = array<i32>} : memref<40x256xf32, #tpu.memory_space<vmem>>, vector<1x16xf32>,
      %get3A_230 = arith.index_cast %scan3A_222 : i32 to index
      %get3A_231 = arith.constant 16 : index
      %get3A_232 = tpu.vector_load %arg10[%get3A_230, %get3A_231] {strides = array<i32>} : memref<40x256xf32, #tpu.memory_space<vmem>>, vector<1x16xf32>,
      %get3A_233 = vector.shape_cast %get3A_232 : vector<1x16xf32> to vector<16xf32>
      %swap3A_234 = arith.index_cast %scan3A_222 : i32 to index
      %swap3A_235 = arith.constant 16 : index
      %swap3A_236 = tpu.vector_load %arg9[%swap3A_234, %swap3A_235] {strides = array<i32>} : memref<40x256xf32, #tpu.memory_space<vmem>>, vector<1x16xf32>,
      %swap3A_237 = vector.shape_cast %swap3A_236 : vector<1x16xf32> to vector<16xf32>
      %swap3A_238 = vector.shape_cast %get3A_233 : vector<16xf32> to vector<1x16xf32>
      tpu.vector_store %arg9[%swap3A_234, %swap3A_235], %swap3A_238 {add = true, strides = array<i32>} : memref<40x256xf32, #tpu.memory_space<vmem>>, vector<1x16xf32>,
      %get3A_239 = arith.index_cast %scan3A_222 : i32 to index
      %get3A_240 = arith.constant 32 : index
      %get3A_241 = tpu.vector_load %arg10[%get3A_239, %get3A_240] {strides = array<i32>} : memref<40x256xf32, #tpu.memory_space<vmem>>, vector<1x16xf32>,
      %get3A_242 = vector.shape_cast %get3A_241 : vector<1x16xf32> to vector<16xf32>
      %swap3A_243 = arith.index_cast %scan3A_222 : i32 to index
      %swap3A_244 = arith.constant 32 : index
      %swap3A_245 = tpu.vector_load %arg9[%swap3A_243, %swap3A_244] {strides = array<i32>} : memref<40x256xf32, #tpu.memory_space<vmem>>, vector<1x16xf32>,
      %swap3A_246 = vector.shape_cast %swap3A_245 : vector<1x16xf32> to vector<16xf32>
      %swap3A_247 = vector.shape_cast %get3A_242 : vector<16xf32> to vector<1x16xf32>
      tpu.vector_store %arg9[%swap3A_243, %swap3A_244], %swap3A_247 {add = true, strides = array<i32>} : memref<40x256xf32, #tpu.memory_space<vmem>>, vector<1x16xf32>,
      %get3A_248 = arith.index_cast %scan3A_222 : i32 to index
      %get3A_249 = arith.constant 48 : index
      %get3A_250 = tpu.vector_load %arg10[%get3A_248, %get3A_249] {strides = array<i32>} : memref<40x256xf32, #tpu.memory_space<vmem>>, vector<1x16xf32>,
      %get3A_251 = vector.shape_cast %get3A_250 : vector<1x16xf32> to vector<16xf32>
      %swap3A_252 = arith.index_cast %scan3A_222 : i32 to index
      %swap3A_253 = arith.constant 48 : index
      %swap3A_254 = tpu.vector_load %arg9[%swap3A_252, %swap3A_253] {strides = array<i32>} : memref<40x256xf32, #tpu.memory_space<vmem>>, vector<1x16xf32>,
      %swap3A_255 = vector.shape_cast %swap3A_254 : vector<1x16xf32> to vector<16xf32>
      %swap3A_256 = vector.shape_cast %get3A_251 : vector<16xf32> to vector<1x16xf32>
      tpu.vector_store %arg9[%swap3A_252, %swap3A_253], %swap3A_256 {add = true, strides = array<i32>} : memref<40x256xf32, #tpu.memory_space<vmem>>, vector<1x16xf32>,
      %get3A_257 = arith.index_cast %scan3A_222 : i32 to index
      %get3A_258 = arith.constant 64 : index
      %get3A_259 = tpu.vector_load %arg10[%get3A_257, %get3A_258] {strides = array<i32>} : memref<40x256xf32, #tpu.memory_space<vmem>>, vector<1x16xf32>,
      %get3A_260 = vector.shape_cast %get3A_259 : vector<1x16xf32> to vector<16xf32>
      %swap3A_261 = arith.index_cast %scan3A_222 : i32 to index
      %swap3A_262 = arith.constant 64 : index
      %swap3A_263 = tpu.vector_load %arg9[%swap3A_261, %swap3A_262] {strides = array<i32>} : memref<40x256xf32, #tpu.memory_space<vmem>>, vector<1x16xf32>,
      %swap3A_264 = vector.shape_cast %swap3A_263 : vector<1x16xf32> to vector<16xf32>
      %swap3A_265 = vector.shape_cast %get3A_260 : vector<16xf32> to vector<1x16xf32>
      tpu.vector_store %arg9[%swap3A_261, %swap3A_262], %swap3A_265 {add = true, strides = array<i32>} : memref<40x256xf32, #tpu.memory_space<vmem>>, vector<1x16xf32>,
      %get3A_266 = arith.index_cast %scan3A_222 : i32 to index
      %get3A_267 = arith.constant 80 : index
      %get3A_268 = tpu.vector_load %arg10[%get3A_266, %get3A_267] {strides = array<i32>} : memref<40x256xf32, #tpu.memory_space<vmem>>, vector<1x16xf32>,
      %get3A_269 = vector.shape_cast %get3A_268 : vector<1x16xf32> to vector<16xf32>
      %swap3A_270 = arith.index_cast %scan3A_222 : i32 to index
      %swap3A_271 = arith.constant 80 : index
      %swap3A_272 = tpu.vector_load %arg9[%swap3A_270, %swap3A_271] {strides = array<i32>} : memref<40x256xf32, #tpu.memory_space<vmem>>, vector<1x16xf32>,
      %swap3A_273 = vector.shape_cast %swap3A_272 : vector<1x16xf32> to vector<16xf32>
      %swap3A_274 = vector.shape_cast %get3A_269 : vector<16xf32> to vector<1x16xf32>
      tpu.vector_store %arg9[%swap3A_270, %swap3A_271], %swap3A_274 {add = true, strides = array<i32>} : memref<40x256xf32, #tpu.memory_space<vmem>>, vector<1x16xf32>,
      %get3A_275 = arith.index_cast %scan3A_222 : i32 to index
      %get3A_276 = arith.constant 96 : index
      %get3A_277 = tpu.vector_load %arg10[%get3A_275, %get3A_276] {strides = array<i32>} : memref<40x256xf32, #tpu.memory_space<vmem>>, vector<1x16xf32>,
      %get3A_278 = vector.shape_cast %get3A_277 : vector<1x16xf32> to vector<16xf32>
      %swap3A_279 = arith.index_cast %scan3A_222 : i32 to index
      %swap3A_280 = arith.constant 96 : index
      %swap3A_281 = tpu.vector_load %arg9[%swap3A_279, %swap3A_280] {strides = array<i32>} : memref<40x256xf32, #tpu.memory_space<vmem>>, vector<1x16xf32>,
      %swap3A_282 = vector.shape_cast %swap3A_281 : vector<1x16xf32> to vector<16xf32>
      %swap3A_283 = vector.shape_cast %get3A_278 : vector<16xf32> to vector<1x16xf32>
      tpu.vector_store %arg9[%swap3A_279, %swap3A_280], %swap3A_283 {add = true, strides = array<i32>} : memref<40x256xf32, #tpu.memory_space<vmem>>, vector<1x16xf32>,
      %get3A_284 = arith.index_cast %scan3A_222 : i32 to index
      %get3A_285 = arith.constant 112 : index
      %get3A_286 = tpu.vector_load %arg10[%get3A_284, %get3A_285] {strides = array<i32>} : memref<40x256xf32, #tpu.memory_space<vmem>>, vector<1x16xf32>,
      %get3A_287 = vector.shape_cast %get3A_286 : vector<1x16xf32> to vector<16xf32>
      %swap3A_288 = arith.index_cast %scan3A_222 : i32 to index
      %swap3A_289 = arith.constant 112 : index
      %swap3A_290 = tpu.vector_load %arg9[%swap3A_288, %swap3A_289] {strides = array<i32>} : memref<40x256xf32, #tpu.memory_space<vmem>>, vector<1x16xf32>,
      %swap3A_291 = vector.shape_cast %swap3A_290 : vector<1x16xf32> to vector<16xf32>
      %swap3A_292 = vector.shape_cast %get3A_287 : vector<16xf32> to vector<1x16xf32>
      tpu.vector_store %arg9[%swap3A_288, %swap3A_289], %swap3A_292 {add = true, strides = array<i32>} : memref<40x256xf32, #tpu.memory_space<vmem>>, vector<1x16xf32>,
      %get3A_293 = arith.index_cast %scan3A_222 : i32 to index
      %get3A_294 = arith.constant 128 : index
      %get3A_295 = tpu.vector_load %arg10[%get3A_293, %get3A_294] {strides = array<i32>} : memref<40x256xf32, #tpu.memory_space<vmem>>, vector<1x16xf32>,
      %get3A_296 = vector.shape_cast %get3A_295 : vector<1x16xf32> to vector<16xf32>
      %swap3A_297 = arith.index_cast %scan3A_222 : i32 to index
      %swap3A_298 = arith.constant 128 : index
      %swap3A_299 = tpu.vector_load %arg9[%swap3A_297, %swap3A_298] {strides = array<i32>} : memref<40x256xf32, #tpu.memory_space<vmem>>, vector<1x16xf32>,
      %swap3A_300 = vector.shape_cast %swap3A_299 : vector<1x16xf32> to vector<16xf32>
      %swap3A_301 = vector.shape_cast %get3A_296 : vector<16xf32> to vector<1x16xf32>
      tpu.vector_store %arg9[%swap3A_297, %swap3A_298], %swap3A_301 {add = true, strides = array<i32>} : memref<40x256xf32, #tpu.memory_space<vmem>>, vector<1x16xf32>,
      %get3A_302 = arith.index_cast %scan3A_222 : i32 to index
      %get3A_303 = arith.constant 144 : index
      %get3A_304 = tpu.vector_load %arg10[%get3A_302, %get3A_303] {strides = array<i32>} : memref<40x256xf32, #tpu.memory_space<vmem>>, vector<1x16xf32>,
      %get3A_305 = vector.shape_cast %get3A_304 : vector<1x16xf32> to vector<16xf32>
      %swap3A_306 = arith.index_cast %scan3A_222 : i32 to index
      %swap3A_307 = arith.constant 144 : index
      %swap3A_308 = tpu.vector_load %arg9[%swap3A_306, %swap3A_307] {strides = array<i32>} : memref<40x256xf32, #tpu.memory_space<vmem>>, vector<1x16xf32>,
      %swap3A_309 = vector.shape_cast %swap3A_308 : vector<1x16xf32> to vector<16xf32>
      %swap3A_310 = vector.shape_cast %get3A_305 : vector<16xf32> to vector<1x16xf32>
      tpu.vector_store %arg9[%swap3A_306, %swap3A_307], %swap3A_310 {add = true, strides = array<i32>} : memref<40x256xf32, #tpu.memory_space<vmem>>, vector<1x16xf32>,
      %get3A_311 = arith.index_cast %scan3A_222 : i32 to index
      %get3A_312 = arith.constant 160 : index
      %get3A_313 = tpu.vector_load %arg10[%get3A_311, %get3A_312] {strides = array<i32>} : memref<40x256xf32, #tpu.memory_space<vmem>>, vector<1x16xf32>,
      %get3A_314 = vector.shape_cast %get3A_313 : vector<1x16xf32> to vector<16xf32>
      %swap3A_315 = arith.index_cast %scan3A_222 : i32 to index
      %swap3A_316 = arith.constant 160 : index
      %swap3A_317 = tpu.vector_load %arg9[%swap3A_315, %swap3A_316] {strides = array<i32>} : memref<40x256xf32, #tpu.memory_space<vmem>>, vector<1x16xf32>,
      %swap3A_318 = vector.shape_cast %swap3A_317 : vector<1x16xf32> to vector<16xf32>
      %swap3A_319 = vector.shape_cast %get3A_314 : vector<16xf32> to vector<1x16xf32>
      tpu.vector_store %arg9[%swap3A_315, %swap3A_316], %swap3A_319 {add = true, strides = array<i32>} : memref<40x256xf32, #tpu.memory_space<vmem>>, vector<1x16xf32>,
      %get3A_320 = arith.index_cast %scan3A_222 : i32 to index
      %get3A_321 = arith.constant 176 : index
      %get3A_322 = tpu.vector_load %arg10[%get3A_320, %get3A_321] {strides = array<i32>} : memref<40x256xf32, #tpu.memory_space<vmem>>, vector<1x16xf32>,
      %get3A_323 = vector.shape_cast %get3A_322 : vector<1x16xf32> to vector<16xf32>
      %swap3A_324 = arith.index_cast %scan3A_222 : i32 to index
      %swap3A_325 = arith.constant 176 : index
      %swap3A_326 = tpu.vector_load %arg9[%swap3A_324, %swap3A_325] {strides = array<i32>} : memref<40x256xf32, #tpu.memory_space<vmem>>, vector<1x16xf32>,
      %swap3A_327 = vector.shape_cast %swap3A_326 : vector<1x16xf32> to vector<16xf32>
      %swap3A_328 = vector.shape_cast %get3A_323 : vector<16xf32> to vector<1x16xf32>
      tpu.vector_store %arg9[%swap3A_324, %swap3A_325], %swap3A_328 {add = true, strides = array<i32>} : memref<40x256xf32, #tpu.memory_space<vmem>>, vector<1x16xf32>,
      %get3A_329 = arith.index_cast %scan3A_222 : i32 to index
      %get3A_330 = arith.constant 192 : index
      %get3A_331 = tpu.vector_load %arg10[%get3A_329, %get3A_330] {strides = array<i32>} : memref<40x256xf32, #tpu.memory_space<vmem>>, vector<1x16xf32>,
      %get3A_332 = vector.shape_cast %get3A_331 : vector<1x16xf32> to vector<16xf32>
      %swap3A_333 = arith.index_cast %scan3A_222 : i32 to index
      %swap3A_334 = arith.constant 192 : index
      %swap3A_335 = tpu.vector_load %arg9[%swap3A_333, %swap3A_334] {strides = array<i32>} : memref<40x256xf32, #tpu.memory_space<vmem>>, vector<1x16xf32>,
      %swap3A_336 = vector.shape_cast %swap3A_335 : vector<1x16xf32> to vector<16xf32>
      %swap3A_337 = vector.shape_cast %get3A_332 : vector<16xf32> to vector<1x16xf32>
      tpu.vector_store %arg9[%swap3A_333, %swap3A_334], %swap3A_337 {add = true, strides = array<i32>} : memref<40x256xf32, #tpu.memory_space<vmem>>, vector<1x16xf32>,
      %get3A_338 = arith.index_cast %scan3A_222 : i32 to index
      %get3A_339 = arith.constant 208 : index
      %get3A_340 = tpu.vector_load %arg10[%get3A_338, %get3A_339] {strides = array<i32>} : memref<40x256xf32, #tpu.memory_space<vmem>>, vector<1x16xf32>,
      %get3A_341 = vector.shape_cast %get3A_340 : vector<1x16xf32> to vector<16xf32>
      %swap3A_342 = arith.index_cast %scan3A_222 : i32 to index
      %swap3A_343 = arith.constant 208 : index
      %swap3A_344 = tpu.vector_load %arg9[%swap3A_342, %swap3A_343] {strides = array<i32>} : memref<40x256xf32, #tpu.memory_space<vmem>>, vector<1x16xf32>,
      %swap3A_345 = vector.shape_cast %swap3A_344 : vector<1x16xf32> to vector<16xf32>
      %swap3A_346 = vector.shape_cast %get3A_341 : vector<16xf32> to vector<1x16xf32>
      tpu.vector_store %arg9[%swap3A_342, %swap3A_343], %swap3A_346 {add = true, strides = array<i32>} : memref<40x256xf32, #tpu.memory_space<vmem>>, vector<1x16xf32>,
      %get3A_347 = arith.index_cast %scan3A_222 : i32 to index
      %get3A_348 = arith.constant 224 : index
      %get3A_349 = tpu.vector_load %arg10[%get3A_347, %get3A_348] {strides = array<i32>} : memref<40x256xf32, #tpu.memory_space<vmem>>, vector<1x16xf32>,
      %get3A_350 = vector.shape_cast %get3A_349 : vector<1x16xf32> to vector<16xf32>
      %swap3A_351 = arith.index_cast %scan3A_222 : i32 to index
      %swap3A_352 = arith.constant 224 : index
      %swap3A_353 = tpu.vector_load %arg9[%swap3A_351, %swap3A_352] {strides = array<i32>} : memref<40x256xf32, #tpu.memory_space<vmem>>, vector<1x16xf32>,
      %swap3A_354 = vector.shape_cast %swap3A_353 : vector<1x16xf32> to vector<16xf32>
      %swap3A_355 = vector.shape_cast %get3A_350 : vector<16xf32> to vector<1x16xf32>
      tpu.vector_store %arg9[%swap3A_351, %swap3A_352], %swap3A_355 {add = true, strides = array<i32>} : memref<40x256xf32, #tpu.memory_space<vmem>>, vector<1x16xf32>,
      %get3A_356 = arith.index_cast %scan3A_222 : i32 to index
      %get3A_357 = arith.constant 240 : index
      %get3A_358 = tpu.vector_load %arg10[%get3A_356, %get3A_357] {strides = array<i32>} : memref<40x256xf32, #tpu.memory_space<vmem>>, vector<1x16xf32>,
      %get3A_359 = vector.shape_cast %get3A_358 : vector<1x16xf32> to vector<16xf32>
      %swap3A_360 = arith.index_cast %scan3A_222 : i32 to index
      %swap3A_361 = arith.constant 240 : index
      %swap3A_362 = tpu.vector_load %arg9[%swap3A_360, %swap3A_361] {strides = array<i32>} : memref<40x256xf32, #tpu.memory_space<vmem>>, vector<1x16xf32>,
      %swap3A_363 = vector.shape_cast %swap3A_362 : vector<1x16xf32> to vector<16xf32>
      %swap3A_364 = vector.shape_cast %get3A_359 : vector<16xf32> to vector<1x16xf32>
      tpu.vector_store %arg9[%swap3A_360, %swap3A_361], %swap3A_364 {add = true, strides = array<i32>} : memref<40x256xf32, #tpu.memory_space<vmem>>, vector<1x16xf32>,
    }
    %scan3A_47 = arith.constant 40 : i32
    %add3A_48 = arith.constant 0 : i32
    %add3A_49 = arith.addi %mul3A_2, %add3A_48 : i32
    %dma_start3A_50 = arith.constant 0 : i32
    %dma_start3A_51 = tpu.memref_slice %arg6[%add3A_49, %dma_start3A_50] : memref<160000x256xf32, #tpu.memory_space<hbm>> -> memref<40x256xf32, #tpu.memory_space<hbm>>
    %dma_start3A_52 = arith.constant 0 : i32
    %dma_start3A_53 = tpu.memref_slice %arg6[%add3A_49, %dma_start3A_52] : memref<160000x256xf32, #tpu.memory_space<hbm>> -> memref<40x256xf32, #tpu.memory_space<hbm>>
    tpu.enqueue_dma source(%arg9 : memref<40x256xf32, #tpu.memory_space<vmem>>) target(%dma_start3A_53 : memref<40x256xf32, #tpu.memory_space<hbm>>) target_semaphore(%arg21 : memref<!tpu.dma_semaphore, #tpu.memory_space<semaphore_mem>>)
    %dma_start3A_54 = arith.constant 120 : i32
    %dma_start3A_55 = tpu.memref_slice %arg7[%dma_start3A_54] : memref<5000xi32, #tpu.memory_space<vmem>> -> memref<40xi32, #tpu.memory_space<vmem>>
    %dma_start3A_56 = arith.constant 0 : i32
    %dma_start3A_57 = arith.constant 0 : i32
    %dma_start3A_58 = tpu.memref_slice %arg2[%dma_start3A_56, %dma_start3A_57] : memref<10000x256xf32, #tpu.memory_space<hbm>> -> memref<10000x256xf32, #tpu.memory_space<hbm>>
    tpu.enqueue_indirect_dma source(%dma_start3A_58 : memref<10000x256xf32, #tpu.memory_space<hbm>>) target(%arg15 : memref<40x256xf32, #tpu.memory_space<vmem>>) offsets(%dma_start3A_55 : memref<40xi32, #tpu.memory_space<vmem>>) semaphore(%arg20 : memref<!tpu.dma_semaphore, #tpu.memory_space<semaphore_mem>>)
    %dma_start3A_59 = arith.constant 120 : i32
    %dma_start3A_60 = tpu.memref_slice %arg8[%dma_start3A_59] : memref<5000xi32, #tpu.memory_space<vmem>> -> memref<40xi32, #tpu.memory_space<vmem>>
    %dma_start3A_61 = arith.constant 0 : i32
    %dma_start3A_62 = arith.constant 0 : i32
    %dma_start3A_63 = tpu.memref_slice %arg3[%dma_start3A_61, %dma_start3A_62] : memref<10000x256xf32, #tpu.memory_space<hbm>> -> memref<10000x256xf32, #tpu.memory_space<hbm>>
    tpu.enqueue_indirect_dma source(%dma_start3A_63 : memref<10000x256xf32, #tpu.memory_space<hbm>>) target(%arg16 : memref<40x256xf32, #tpu.memory_space<vmem>>) offsets(%dma_start3A_60 : memref<40xi32, #tpu.memory_space<vmem>>) semaphore(%arg20 : memref<!tpu.dma_semaphore, #tpu.memory_space<semaphore_mem>>)
    %dma_wait3A_64 = arith.constant 0 : i32
    %dma_wait3A_65 = arith.constant 0 : i32
    %dma_wait3A_66 = tpu.memref_slice %arg2[%dma_wait3A_64, %dma_wait3A_65] : memref<10000x256xf32, #tpu.memory_space<hbm>> -> memref<40x256xf32, #tpu.memory_space<hbm>>
    %dma_wait3A_67 = arith.constant 0 : i32
    %dma_wait3A_68 = arith.constant 0 : i32
    %dma_wait3A_69 = tpu.memref_slice %arg2[%dma_wait3A_67, %dma_wait3A_68] : memref<10000x256xf32, #tpu.memory_space<hbm>> -> memref<40x256xf32, #tpu.memory_space<hbm>>
    tpu.wait_dma2 semaphore(%arg18 : memref<!tpu.dma_semaphore, #tpu.memory_space<semaphore_mem>>) src(%dma_wait3A_69 : memref<40x256xf32, #tpu.memory_space<hbm>>) dst(%arg11 : memref<40x256xf32, #tpu.memory_space<vmem>>)
    %dma_wait3A_70 = arith.constant 0 : i32
    %dma_wait3A_71 = arith.constant 0 : i32
    %dma_wait3A_72 = tpu.memref_slice %arg3[%dma_wait3A_70, %dma_wait3A_71] : memref<10000x256xf32, #tpu.memory_space<hbm>> -> memref<40x256xf32, #tpu.memory_space<hbm>>
    %dma_wait3A_73 = arith.constant 0 : i32
    %dma_wait3A_74 = arith.constant 0 : i32
    %dma_wait3A_75 = tpu.memref_slice %arg3[%dma_wait3A_73, %dma_wait3A_74] : memref<10000x256xf32, #tpu.memory_space<hbm>> -> memref<40x256xf32, #tpu.memory_space<hbm>>
    tpu.wait_dma2 semaphore(%arg18 : memref<!tpu.dma_semaphore, #tpu.memory_space<semaphore_mem>>) src(%dma_wait3A_75 : memref<40x256xf32, #tpu.memory_space<hbm>>) dst(%arg12 : memref<40x256xf32, #tpu.memory_space<vmem>>)
    %scan3A_76 = arith.constant 0 : i32
    %scan3A_77 = arith.constant 0 : i32
    %scan3A_78 = arith.constant 40 : i32
    %scan3A_79 = arith.addi %scan3A_77, %scan3A_78 : i32
    %scan3A_80 = arith.constant 1 : i32
    scf.for %scan3A_222 = %scan3A_77 to %scan3A_79 step %scan3A_80  : i32 {
      %get3A = arith.index_cast %scan3A_222 : i32 to index
      %get3A_223 = arith.constant 0 : index
      %get3A_224 = tpu.vector_load %arg12[%get3A, %get3A_223] {strides = array<i32>} : memref<40x256xf32, #tpu.memory_space<vmem>>, vector<1x16xf32>,
      %get3A_225 = vector.shape_cast %get3A_224 : vector<1x16xf32> to vector<16xf32>
      %swap3A = arith.index_cast %scan3A_222 : i32 to index
      %swap3A_226 = arith.constant 0 : index
      %swap3A_227 = tpu.vector_load %arg11[%swap3A, %swap3A_226] {strides = array<i32>} : memref<40x256xf32, #tpu.memory_space<vmem>>, vector<1x16xf32>,
      %swap3A_228 = vector.shape_cast %swap3A_227 : vector<1x16xf32> to vector<16xf32>
      %swap3A_229 = vector.shape_cast %get3A_225 : vector<16xf32> to vector<1x16xf32>
      tpu.vector_store %arg11[%swap3A, %swap3A_226], %swap3A_229 {add = true, strides = array<i32>} : memref<40x256xf32, #tpu.memory_space<vmem>>, vector<1x16xf32>,
      %get3A_230 = arith.index_cast %scan3A_222 : i32 to index
      %get3A_231 = arith.constant 16 : index
      %get3A_232 = tpu.vector_load %arg12[%get3A_230, %get3A_231] {strides = array<i32>} : memref<40x256xf32, #tpu.memory_space<vmem>>, vector<1x16xf32>,
      %get3A_233 = vector.shape_cast %get3A_232 : vector<1x16xf32> to vector<16xf32>
      %swap3A_234 = arith.index_cast %scan3A_222 : i32 to index
      %swap3A_235 = arith.constant 16 : index
      %swap3A_236 = tpu.vector_load %arg11[%swap3A_234, %swap3A_235] {strides = array<i32>} : memref<40x256xf32, #tpu.memory_space<vmem>>, vector<1x16xf32>,
      %swap3A_237 = vector.shape_cast %swap3A_236 : vector<1x16xf32> to vector<16xf32>
      %swap3A_238 = vector.shape_cast %get3A_233 : vector<16xf32> to vector<1x16xf32>
      tpu.vector_store %arg11[%swap3A_234, %swap3A_235], %swap3A_238 {add = true, strides = array<i32>} : memref<40x256xf32, #tpu.memory_space<vmem>>, vector<1x16xf32>,
      %get3A_239 = arith.index_cast %scan3A_222 : i32 to index
      %get3A_240 = arith.constant 32 : index
      %get3A_241 = tpu.vector_load %arg12[%get3A_239, %get3A_240] {strides = array<i32>} : memref<40x256xf32, #tpu.memory_space<vmem>>, vector<1x16xf32>,
      %get3A_242 = vector.shape_cast %get3A_241 : vector<1x16xf32> to vector<16xf32>
      %swap3A_243 = arith.index_cast %scan3A_222 : i32 to index
      %swap3A_244 = arith.constant 32 : index
      %swap3A_245 = tpu.vector_load %arg11[%swap3A_243, %swap3A_244] {strides = array<i32>} : memref<40x256xf32, #tpu.memory_space<vmem>>, vector<1x16xf32>,
      %swap3A_246 = vector.shape_cast %swap3A_245 : vector<1x16xf32> to vector<16xf32>
      %swap3A_247 = vector.shape_cast %get3A_242 : vector<16xf32> to vector<1x16xf32>
      tpu.vector_store %arg11[%swap3A_243, %swap3A_244], %swap3A_247 {add = true, strides = array<i32>} : memref<40x256xf32, #tpu.memory_space<vmem>>, vector<1x16xf32>,
      %get3A_248 = arith.index_cast %scan3A_222 : i32 to index
      %get3A_249 = arith.constant 48 : index
      %get3A_250 = tpu.vector_load %arg12[%get3A_248, %get3A_249] {strides = array<i32>} : memref<40x256xf32, #tpu.memory_space<vmem>>, vector<1x16xf32>,
      %get3A_251 = vector.shape_cast %get3A_250 : vector<1x16xf32> to vector<16xf32>
      %swap3A_252 = arith.index_cast %scan3A_222 : i32 to index
      %swap3A_253 = arith.constant 48 : index
      %swap3A_254 = tpu.vector_load %arg11[%swap3A_252, %swap3A_253] {strides = array<i32>} : memref<40x256xf32, #tpu.memory_space<vmem>>, vector<1x16xf32>,
      %swap3A_255 = vector.shape_cast %swap3A_254 : vector<1x16xf32> to vector<16xf32>
      %swap3A_256 = vector.shape_cast %get3A_251 : vector<16xf32> to vector<1x16xf32>
      tpu.vector_store %arg11[%swap3A_252, %swap3A_253], %swap3A_256 {add = true, strides = array<i32>} : memref<40x256xf32, #tpu.memory_space<vmem>>, vector<1x16xf32>,
      %get3A_257 = arith.index_cast %scan3A_222 : i32 to index
      %get3A_258 = arith.constant 64 : index
      %get3A_259 = tpu.vector_load %arg12[%get3A_257, %get3A_258] {strides = array<i32>} : memref<40x256xf32, #tpu.memory_space<vmem>>, vector<1x16xf32>,
      %get3A_260 = vector.shape_cast %get3A_259 : vector<1x16xf32> to vector<16xf32>
      %swap3A_261 = arith.index_cast %scan3A_222 : i32 to index
      %swap3A_262 = arith.constant 64 : index
      %swap3A_263 = tpu.vector_load %arg11[%swap3A_261, %swap3A_262] {strides = array<i32>} : memref<40x256xf32, #tpu.memory_space<vmem>>, vector<1x16xf32>,
      %swap3A_264 = vector.shape_cast %swap3A_263 : vector<1x16xf32> to vector<16xf32>
      %swap3A_265 = vector.shape_cast %get3A_260 : vector<16xf32> to vector<1x16xf32>
      tpu.vector_store %arg11[%swap3A_261, %swap3A_262], %swap3A_265 {add = true, strides = array<i32>} : memref<40x256xf32, #tpu.memory_space<vmem>>, vector<1x16xf32>,
      %get3A_266 = arith.index_cast %scan3A_222 : i32 to index
      %get3A_267 = arith.constant 80 : index
      %get3A_268 = tpu.vector_load %arg12[%get3A_266, %get3A_267] {strides = array<i32>} : memref<40x256xf32, #tpu.memory_space<vmem>>, vector<1x16xf32>,
      %get3A_269 = vector.shape_cast %get3A_268 : vector<1x16xf32> to vector<16xf32>
      %swap3A_270 = arith.index_cast %scan3A_222 : i32 to index
      %swap3A_271 = arith.constant 80 : index
      %swap3A_272 = tpu.vector_load %arg11[%swap3A_270, %swap3A_271] {strides = array<i32>} : memref<40x256xf32, #tpu.memory_space<vmem>>, vector<1x16xf32>,
      %swap3A_273 = vector.shape_cast %swap3A_272 : vector<1x16xf32> to vector<16xf32>
      %swap3A_274 = vector.shape_cast %get3A_269 : vector<16xf32> to vector<1x16xf32>
      tpu.vector_store %arg11[%swap3A_270, %swap3A_271], %swap3A_274 {add = true, strides = array<i32>} : memref<40x256xf32, #tpu.memory_space<vmem>>, vector<1x16xf32>,
      %get3A_275 = arith.index_cast %scan3A_222 : i32 to index
      %get3A_276 = arith.constant 96 : index
      %get3A_277 = tpu.vector_load %arg12[%get3A_275, %get3A_276] {strides = array<i32>} : memref<40x256xf32, #tpu.memory_space<vmem>>, vector<1x16xf32>,
      %get3A_278 = vector.shape_cast %get3A_277 : vector<1x16xf32> to vector<16xf32>
      %swap3A_279 = arith.index_cast %scan3A_222 : i32 to index
      %swap3A_280 = arith.constant 96 : index
      %swap3A_281 = tpu.vector_load %arg11[%swap3A_279, %swap3A_280] {strides = array<i32>} : memref<40x256xf32, #tpu.memory_space<vmem>>, vector<1x16xf32>,
      %swap3A_282 = vector.shape_cast %swap3A_281 : vector<1x16xf32> to vector<16xf32>
      %swap3A_283 = vector.shape_cast %get3A_278 : vector<16xf32> to vector<1x16xf32>
      tpu.vector_store %arg11[%swap3A_279, %swap3A_280], %swap3A_283 {add = true, strides = array<i32>} : memref<40x256xf32, #tpu.memory_space<vmem>>, vector<1x16xf32>,
      %get3A_284 = arith.index_cast %scan3A_222 : i32 to index
      %get3A_285 = arith.constant 112 : index
      %get3A_286 = tpu.vector_load %arg12[%get3A_284, %get3A_285] {strides = array<i32>} : memref<40x256xf32, #tpu.memory_space<vmem>>, vector<1x16xf32>,
      %get3A_287 = vector.shape_cast %get3A_286 : vector<1x16xf32> to vector<16xf32>
      %swap3A_288 = arith.index_cast %scan3A_222 : i32 to index
      %swap3A_289 = arith.constant 112 : index
      %swap3A_290 = tpu.vector_load %arg11[%swap3A_288, %swap3A_289] {strides = array<i32>} : memref<40x256xf32, #tpu.memory_space<vmem>>, vector<1x16xf32>,
      %swap3A_291 = vector.shape_cast %swap3A_290 : vector<1x16xf32> to vector<16xf32>
      %swap3A_292 = vector.shape_cast %get3A_287 : vector<16xf32> to vector<1x16xf32>
      tpu.vector_store %arg11[%swap3A_288, %swap3A_289], %swap3A_292 {add = true, strides = array<i32>} : memref<40x256xf32, #tpu.memory_space<vmem>>, vector<1x16xf32>,
      %get3A_293 = arith.index_cast %scan3A_222 : i32 to index
      %get3A_294 = arith.constant 128 : index
      %get3A_295 = tpu.vector_load %arg12[%get3A_293, %get3A_294] {strides = array<i32>} : memref<40x256xf32, #tpu.memory_space<vmem>>, vector<1x16xf32>,
      %get3A_296 = vector.shape_cast %get3A_295 : vector<1x16xf32> to vector<16xf32>
      %swap3A_297 = arith.index_cast %scan3A_222 : i32 to index
      %swap3A_298 = arith.constant 128 : index
      %swap3A_299 = tpu.vector_load %arg11[%swap3A_297, %swap3A_298] {strides = array<i32>} : memref<40x256xf32, #tpu.memory_space<vmem>>, vector<1x16xf32>,
      %swap3A_300 = vector.shape_cast %swap3A_299 : vector<1x16xf32> to vector<16xf32>
      %swap3A_301 = vector.shape_cast %get3A_296 : vector<16xf32> to vector<1x16xf32>
      tpu.vector_store %arg11[%swap3A_297, %swap3A_298], %swap3A_301 {add = true, strides = array<i32>} : memref<40x256xf32, #tpu.memory_space<vmem>>, vector<1x16xf32>,
      %get3A_302 = arith.index_cast %scan3A_222 : i32 to index
      %get3A_303 = arith.constant 144 : index
      %get3A_304 = tpu.vector_load %arg12[%get3A_302, %get3A_303] {strides = array<i32>} : memref<40x256xf32, #tpu.memory_space<vmem>>, vector<1x16xf32>,
      %get3A_305 = vector.shape_cast %get3A_304 : vector<1x16xf32> to vector<16xf32>
      %swap3A_306 = arith.index_cast %scan3A_222 : i32 to index
      %swap3A_307 = arith.constant 144 : index
      %swap3A_308 = tpu.vector_load %arg11[%swap3A_306, %swap3A_307] {strides = array<i32>} : memref<40x256xf32, #tpu.memory_space<vmem>>, vector<1x16xf32>,
      %swap3A_309 = vector.shape_cast %swap3A_308 : vector<1x16xf32> to vector<16xf32>
      %swap3A_310 = vector.shape_cast %get3A_305 : vector<16xf32> to vector<1x16xf32>
      tpu.vector_store %arg11[%swap3A_306, %swap3A_307], %swap3A_310 {add = true, strides = array<i32>} : memref<40x256xf32, #tpu.memory_space<vmem>>, vector<1x16xf32>,
      %get3A_311 = arith.index_cast %scan3A_222 : i32 to index
      %get3A_312 = arith.constant 160 : index
      %get3A_313 = tpu.vector_load %arg12[%get3A_311, %get3A_312] {strides = array<i32>} : memref<40x256xf32, #tpu.memory_space<vmem>>, vector<1x16xf32>,
      %get3A_314 = vector.shape_cast %get3A_313 : vector<1x16xf32> to vector<16xf32>
      %swap3A_315 = arith.index_cast %scan3A_222 : i32 to index
      %swap3A_316 = arith.constant 160 : index
      %swap3A_317 = tpu.vector_load %arg11[%swap3A_315, %swap3A_316] {strides = array<i32>} : memref<40x256xf32, #tpu.memory_space<vmem>>, vector<1x16xf32>,
      %swap3A_318 = vector.shape_cast %swap3A_317 : vector<1x16xf32> to vector<16xf32>
      %swap3A_319 = vector.shape_cast %get3A_314 : vector<16xf32> to vector<1x16xf32>
      tpu.vector_store %arg11[%swap3A_315, %swap3A_316], %swap3A_319 {add = true, strides = array<i32>} : memref<40x256xf32, #tpu.memory_space<vmem>>, vector<1x16xf32>,
      %get3A_320 = arith.index_cast %scan3A_222 : i32 to index
      %get3A_321 = arith.constant 176 : index
      %get3A_322 = tpu.vector_load %arg12[%get3A_320, %get3A_321] {strides = array<i32>} : memref<40x256xf32, #tpu.memory_space<vmem>>, vector<1x16xf32>,
      %get3A_323 = vector.shape_cast %get3A_322 : vector<1x16xf32> to vector<16xf32>
      %swap3A_324 = arith.index_cast %scan3A_222 : i32 to index
      %swap3A_325 = arith.constant 176 : index
      %swap3A_326 = tpu.vector_load %arg11[%swap3A_324, %swap3A_325] {strides = array<i32>} : memref<40x256xf32, #tpu.memory_space<vmem>>, vector<1x16xf32>,
      %swap3A_327 = vector.shape_cast %swap3A_326 : vector<1x16xf32> to vector<16xf32>
      %swap3A_328 = vector.shape_cast %get3A_323 : vector<16xf32> to vector<1x16xf32>
      tpu.vector_store %arg11[%swap3A_324, %swap3A_325], %swap3A_328 {add = true, strides = array<i32>} : memref<40x256xf32, #tpu.memory_space<vmem>>, vector<1x16xf32>,
      %get3A_329 = arith.index_cast %scan3A_222 : i32 to index
      %get3A_330 = arith.constant 192 : index
      %get3A_331 = tpu.vector_load %arg12[%get3A_329, %get3A_330] {strides = array<i32>} : memref<40x256xf32, #tpu.memory_space<vmem>>, vector<1x16xf32>,
      %get3A_332 = vector.shape_cast %get3A_331 : vector<1x16xf32> to vector<16xf32>
      %swap3A_333 = arith.index_cast %scan3A_222 : i32 to index
      %swap3A_334 = arith.constant 192 : index
      %swap3A_335 = tpu.vector_load %arg11[%swap3A_333, %swap3A_334] {strides = array<i32>} : memref<40x256xf32, #tpu.memory_space<vmem>>, vector<1x16xf32>,
      %swap3A_336 = vector.shape_cast %swap3A_335 : vector<1x16xf32> to vector<16xf32>
      %swap3A_337 = vector.shape_cast %get3A_332 : vector<16xf32> to vector<1x16xf32>
      tpu.vector_store %arg11[%swap3A_333, %swap3A_334], %swap3A_337 {add = true, strides = array<i32>} : memref<40x256xf32, #tpu.memory_space<vmem>>, vector<1x16xf32>,
      %get3A_338 = arith.index_cast %scan3A_222 : i32 to index
      %get3A_339 = arith.constant 208 : index
      %get3A_340 = tpu.vector_load %arg12[%get3A_338, %get3A_339] {strides = array<i32>} : memref<40x256xf32, #tpu.memory_space<vmem>>, vector<1x16xf32>,
      %get3A_341 = vector.shape_cast %get3A_340 : vector<1x16xf32> to vector<16xf32>
      %swap3A_342 = arith.index_cast %scan3A_222 : i32 to index
      %swap3A_343 = arith.constant 208 : index
      %swap3A_344 = tpu.vector_load %arg11[%swap3A_342, %swap3A_343] {strides = array<i32>} : memref<40x256xf32, #tpu.memory_space<vmem>>, vector<1x16xf32>,
      %swap3A_345 = vector.shape_cast %swap3A_344 : vector<1x16xf32> to vector<16xf32>
      %swap3A_346 = vector.shape_cast %get3A_341 : vector<16xf32> to vector<1x16xf32>
      tpu.vector_store %arg11[%swap3A_342, %swap3A_343], %swap3A_346 {add = true, strides = array<i32>} : memref<40x256xf32, #tpu.memory_space<vmem>>, vector<1x16xf32>,
      %get3A_347 = arith.index_cast %scan3A_222 : i32 to index
      %get3A_348 = arith.constant 224 : index
      %get3A_349 = tpu.vector_load %arg12[%get3A_347, %get3A_348] {strides = array<i32>} : memref<40x256xf32, #tpu.memory_space<vmem>>, vector<1x16xf32>,
      %get3A_350 = vector.shape_cast %get3A_349 : vector<1x16xf32> to vector<16xf32>
      %swap3A_351 = arith.index_cast %scan3A_222 : i32 to index
      %swap3A_352 = arith.constant 224 : index
      %swap3A_353 = tpu.vector_load %arg11[%swap3A_351, %swap3A_352] {strides = array<i32>} : memref<40x256xf32, #tpu.memory_space<vmem>>, vector<1x16xf32>,
      %swap3A_354 = vector.shape_cast %swap3A_353 : vector<1x16xf32> to vector<16xf32>
      %swap3A_355 = vector.shape_cast %get3A_350 : vector<16xf32> to vector<1x16xf32>
      tpu.vector_store %arg11[%swap3A_351, %swap3A_352], %swap3A_355 {add = true, strides = array<i32>} : memref<40x256xf32, #tpu.memory_space<vmem>>, vector<1x16xf32>,
      %get3A_356 = arith.index_cast %scan3A_222 : i32 to index
      %get3A_357 = arith.constant 240 : index
      %get3A_358 = tpu.vector_load %arg12[%get3A_356, %get3A_357] {strides = array<i32>} : memref<40x256xf32, #tpu.memory_space<vmem>>, vector<1x16xf32>,
      %get3A_359 = vector.shape_cast %get3A_358 : vector<1x16xf32> to vector<16xf32>
      %swap3A_360 = arith.index_cast %scan3A_222 : i32 to index
      %swap3A_361 = arith.constant 240 : index
      %swap3A_362 = tpu.vector_load %arg11[%swap3A_360, %swap3A_361] {strides = array<i32>} : memref<40x256xf32, #tpu.memory_space<vmem>>, vector<1x16xf32>,
      %swap3A_363 = vector.shape_cast %swap3A_362 : vector<1x16xf32> to vector<16xf32>
      %swap3A_364 = vector.shape_cast %get3A_359 : vector<16xf32> to vector<1x16xf32>
      tpu.vector_store %arg11[%swap3A_360, %swap3A_361], %swap3A_364 {add = true, strides = array<i32>} : memref<40x256xf32, #tpu.memory_space<vmem>>, vector<1x16xf32>,
    }
    %scan3A_81 = arith.constant 40 : i32
    %add3A_82 = arith.constant 40 : i32
    %add3A_83 = arith.addi %mul3A_2, %add3A_82 : i32
    %dma_start3A_84 = arith.constant 0 : i32
    %dma_start3A_85 = tpu.memref_slice %arg6[%add3A_83, %dma_start3A_84] : memref<160000x256xf32, #tpu.memory_space<hbm>> -> memref<40x256xf32, #tpu.memory_space<hbm>>
    %dma_start3A_86 = arith.constant 0 : i32
    %dma_start3A_87 = tpu.memref_slice %arg6[%add3A_83, %dma_start3A_86] : memref<160000x256xf32, #tpu.memory_space<hbm>> -> memref<40x256xf32, #tpu.memory_space<hbm>>
    tpu.enqueue_dma source(%arg11 : memref<40x256xf32, #tpu.memory_space<vmem>>) target(%dma_start3A_87 : memref<40x256xf32, #tpu.memory_space<hbm>>) target_semaphore(%arg22 : memref<!tpu.dma_semaphore, #tpu.memory_space<semaphore_mem>>)
    %dma_wait3A_88 = arith.constant 0 : i32
    %dma_wait3A_89 = arith.constant 0 : i32
    %dma_wait3A_90 = tpu.memref_slice %arg6[%dma_wait3A_88, %dma_wait3A_89] : memref<160000x256xf32, #tpu.memory_space<hbm>> -> memref<40x256xf32, #tpu.memory_space<hbm>>
    %dma_wait3A_91 = arith.constant 0 : i32
    %dma_wait3A_92 = arith.constant 0 : i32
    %dma_wait3A_93 = tpu.memref_slice %arg6[%dma_wait3A_91, %dma_wait3A_92] : memref<160000x256xf32, #tpu.memory_space<hbm>> -> memref<40x256xf32, #tpu.memory_space<hbm>>
    tpu.wait_dma2 semaphore(%arg21 : memref<!tpu.dma_semaphore, #tpu.memory_space<semaphore_mem>>) src(%arg9 : memref<40x256xf32, #tpu.memory_space<vmem>>) dst(%dma_wait3A_93 : memref<40x256xf32, #tpu.memory_space<hbm>>)
    %dma_start3A_94 = arith.constant 160 : i32
    %dma_start3A_95 = tpu.memref_slice %arg7[%dma_start3A_94] : memref<5000xi32, #tpu.memory_space<vmem>> -> memref<40xi32, #tpu.memory_space<vmem>>
    %dma_start3A_96 = arith.constant 0 : i32
    %dma_start3A_97 = arith.constant 0 : i32
    %dma_start3A_98 = tpu.memref_slice %arg2[%dma_start3A_96, %dma_start3A_97] : memref<10000x256xf32, #tpu.memory_space<hbm>> -> memref<10000x256xf32, #tpu.memory_space<hbm>>
    tpu.enqueue_indirect_dma source(%dma_start3A_98 : memref<10000x256xf32, #tpu.memory_space<hbm>>) target(%arg9 : memref<40x256xf32, #tpu.memory_space<vmem>>) offsets(%dma_start3A_95 : memref<40xi32, #tpu.memory_space<vmem>>) semaphore(%arg17 : memref<!tpu.dma_semaphore, #tpu.memory_space<semaphore_mem>>)
    %dma_start3A_99 = arith.constant 160 : i32
    %dma_start3A_100 = tpu.memref_slice %arg8[%dma_start3A_99] : memref<5000xi32, #tpu.memory_space<vmem>> -> memref<40xi32, #tpu.memory_space<vmem>>
    %dma_start3A_101 = arith.constant 0 : i32
    %dma_start3A_102 = arith.constant 0 : i32
    %dma_start3A_103 = tpu.memref_slice %arg3[%dma_start3A_101, %dma_start3A_102] : memref<10000x256xf32, #tpu.memory_space<hbm>> -> memref<10000x256xf32, #tpu.memory_space<hbm>>
    tpu.enqueue_indirect_dma source(%dma_start3A_103 : memref<10000x256xf32, #tpu.memory_space<hbm>>) target(%arg10 : memref<40x256xf32, #tpu.memory_space<vmem>>) offsets(%dma_start3A_100 : memref<40xi32, #tpu.memory_space<vmem>>) semaphore(%arg17 : memref<!tpu.dma_semaphore, #tpu.memory_space<semaphore_mem>>)
    %dma_wait3A_104 = arith.constant 0 : i32
    %dma_wait3A_105 = arith.constant 0 : i32
    %dma_wait3A_106 = tpu.memref_slice %arg2[%dma_wait3A_104, %dma_wait3A_105] : memref<10000x256xf32, #tpu.memory_space<hbm>> -> memref<40x256xf32, #tpu.memory_space<hbm>>
    %dma_wait3A_107 = arith.constant 0 : i32
    %dma_wait3A_108 = arith.constant 0 : i32
    %dma_wait3A_109 = tpu.memref_slice %arg2[%dma_wait3A_107, %dma_wait3A_108] : memref<10000x256xf32, #tpu.memory_space<hbm>> -> memref<40x256xf32, #tpu.memory_space<hbm>>
    tpu.wait_dma2 semaphore(%arg19 : memref<!tpu.dma_semaphore, #tpu.memory_space<semaphore_mem>>) src(%dma_wait3A_109 : memref<40x256xf32, #tpu.memory_space<hbm>>) dst(%arg13 : memref<40x256xf32, #tpu.memory_space<vmem>>)
    %dma_wait3A_110 = arith.constant 0 : i32
    %dma_wait3A_111 = arith.constant 0 : i32
    %dma_wait3A_112 = tpu.memref_slice %arg3[%dma_wait3A_110, %dma_wait3A_111] : memref<10000x256xf32, #tpu.memory_space<hbm>> -> memref<40x256xf32, #tpu.memory_space<hbm>>
    %dma_wait3A_113 = arith.constant 0 : i32
    %dma_wait3A_114 = arith.constant 0 : i32
    %dma_wait3A_115 = tpu.memref_slice %arg3[%dma_wait3A_113, %dma_wait3A_114] : memref<10000x256xf32, #tpu.memory_space<hbm>> -> memref<40x256xf32, #tpu.memory_space<hbm>>
    tpu.wait_dma2 semaphore(%arg19 : memref<!tpu.dma_semaphore, #tpu.memory_space<semaphore_mem>>) src(%dma_wait3A_115 : memref<40x256xf32, #tpu.memory_space<hbm>>) dst(%arg14 : memref<40x256xf32, #tpu.memory_space<vmem>>)
    %scan3A_116 = arith.constant 0 : i32
    %scan3A_117 = arith.constant 0 : i32
    %scan3A_118 = arith.constant 40 : i32
    %scan3A_119 = arith.addi %scan3A_117, %scan3A_118 : i32
    %scan3A_120 = arith.constant 1 : i32
    scf.for %scan3A_222 = %scan3A_117 to %scan3A_119 step %scan3A_120  : i32 {
      %get3A = arith.index_cast %scan3A_222 : i32 to index
      %get3A_223 = arith.constant 0 : index
      %get3A_224 = tpu.vector_load %arg14[%get3A, %get3A_223] {strides = array<i32>} : memref<40x256xf32, #tpu.memory_space<vmem>>, vector<1x16xf32>,
      %get3A_225 = vector.shape_cast %get3A_224 : vector<1x16xf32> to vector<16xf32>
      %swap3A = arith.index_cast %scan3A_222 : i32 to index
      %swap3A_226 = arith.constant 0 : index
      %swap3A_227 = tpu.vector_load %arg13[%swap3A, %swap3A_226] {strides = array<i32>} : memref<40x256xf32, #tpu.memory_space<vmem>>, vector<1x16xf32>,
      %swap3A_228 = vector.shape_cast %swap3A_227 : vector<1x16xf32> to vector<16xf32>
      %swap3A_229 = vector.shape_cast %get3A_225 : vector<16xf32> to vector<1x16xf32>
      tpu.vector_store %arg13[%swap3A, %swap3A_226], %swap3A_229 {add = true, strides = array<i32>} : memref<40x256xf32, #tpu.memory_space<vmem>>, vector<1x16xf32>,
      %get3A_230 = arith.index_cast %scan3A_222 : i32 to index
      %get3A_231 = arith.constant 16 : index
      %get3A_232 = tpu.vector_load %arg14[%get3A_230, %get3A_231] {strides = array<i32>} : memref<40x256xf32, #tpu.memory_space<vmem>>, vector<1x16xf32>,
      %get3A_233 = vector.shape_cast %get3A_232 : vector<1x16xf32> to vector<16xf32>
      %swap3A_234 = arith.index_cast %scan3A_222 : i32 to index
      %swap3A_235 = arith.constant 16 : index
      %swap3A_236 = tpu.vector_load %arg13[%swap3A_234, %swap3A_235] {strides = array<i32>} : memref<40x256xf32, #tpu.memory_space<vmem>>, vector<1x16xf32>,
      %swap3A_237 = vector.shape_cast %swap3A_236 : vector<1x16xf32> to vector<16xf32>
      %swap3A_238 = vector.shape_cast %get3A_233 : vector<16xf32> to vector<1x16xf32>
      tpu.vector_store %arg13[%swap3A_234, %swap3A_235], %swap3A_238 {add = true, strides = array<i32>} : memref<40x256xf32, #tpu.memory_space<vmem>>, vector<1x16xf32>,
      %get3A_239 = arith.index_cast %scan3A_222 : i32 to index
      %get3A_240 = arith.constant 32 : index
      %get3A_241 = tpu.vector_load %arg14[%get3A_239, %get3A_240] {strides = array<i32>} : memref<40x256xf32, #tpu.memory_space<vmem>>, vector<1x16xf32>,
      %get3A_242 = vector.shape_cast %get3A_241 : vector<1x16xf32> to vector<16xf32>
      %swap3A_243 = arith.index_cast %scan3A_222 : i32 to index
      %swap3A_244 = arith.constant 32 : index
      %swap3A_245 = tpu.vector_load %arg13[%swap3A_243, %swap3A_244] {strides = array<i32>} : memref<40x256xf32, #tpu.memory_space<vmem>>, vector<1x16xf32>,
      %swap3A_246 = vector.shape_cast %swap3A_245 : vector<1x16xf32> to vector<16xf32>
      %swap3A_247 = vector.shape_cast %get3A_242 : vector<16xf32> to vector<1x16xf32>
      tpu.vector_store %arg13[%swap3A_243, %swap3A_244], %swap3A_247 {add = true, strides = array<i32>} : memref<40x256xf32, #tpu.memory_space<vmem>>, vector<1x16xf32>,
      %get3A_248 = arith.index_cast %scan3A_222 : i32 to index
      %get3A_249 = arith.constant 48 : index
      %get3A_250 = tpu.vector_load %arg14[%get3A_248, %get3A_249] {strides = array<i32>} : memref<40x256xf32, #tpu.memory_space<vmem>>, vector<1x16xf32>,
      %get3A_251 = vector.shape_cast %get3A_250 : vector<1x16xf32> to vector<16xf32>
      %swap3A_252 = arith.index_cast %scan3A_222 : i32 to index
      %swap3A_253 = arith.constant 48 : index
      %swap3A_254 = tpu.vector_load %arg13[%swap3A_252, %swap3A_253] {strides = array<i32>} : memref<40x256xf32, #tpu.memory_space<vmem>>, vector<1x16xf32>,
      %swap3A_255 = vector.shape_cast %swap3A_254 : vector<1x16xf32> to vector<16xf32>
      %swap3A_256 = vector.shape_cast %get3A_251 : vector<16xf32> to vector<1x16xf32>
      tpu.vector_store %arg13[%swap3A_252, %swap3A_253], %swap3A_256 {add = true, strides = array<i32>} : memref<40x256xf32, #tpu.memory_space<vmem>>, vector<1x16xf32>,
      %get3A_257 = arith.index_cast %scan3A_222 : i32 to index
      %get3A_258 = arith.constant 64 : index
      %get3A_259 = tpu.vector_load %arg14[%get3A_257, %get3A_258] {strides = array<i32>} : memref<40x256xf32, #tpu.memory_space<vmem>>, vector<1x16xf32>,
      %get3A_260 = vector.shape_cast %get3A_259 : vector<1x16xf32> to vector<16xf32>
      %swap3A_261 = arith.index_cast %scan3A_222 : i32 to index
      %swap3A_262 = arith.constant 64 : index
      %swap3A_263 = tpu.vector_load %arg13[%swap3A_261, %swap3A_262] {strides = array<i32>} : memref<40x256xf32, #tpu.memory_space<vmem>>, vector<1x16xf32>,
      %swap3A_264 = vector.shape_cast %swap3A_263 : vector<1x16xf32> to vector<16xf32>
      %swap3A_265 = vector.shape_cast %get3A_260 : vector<16xf32> to vector<1x16xf32>
      tpu.vector_store %arg13[%swap3A_261, %swap3A_262], %swap3A_265 {add = true, strides = array<i32>} : memref<40x256xf32, #tpu.memory_space<vmem>>, vector<1x16xf32>,
      %get3A_266 = arith.index_cast %scan3A_222 : i32 to index
      %get3A_267 = arith.constant 80 : index
      %get3A_268 = tpu.vector_load %arg14[%get3A_266, %get3A_267] {strides = array<i32>} : memref<40x256xf32, #tpu.memory_space<vmem>>, vector<1x16xf32>,
      %get3A_269 = vector.shape_cast %get3A_268 : vector<1x16xf32> to vector<16xf32>
      %swap3A_270 = arith.index_cast %scan3A_222 : i32 to index
      %swap3A_271 = arith.constant 80 : index
      %swap3A_272 = tpu.vector_load %arg13[%swap3A_270, %swap3A_271] {strides = array<i32>} : memref<40x256xf32, #tpu.memory_space<vmem>>, vector<1x16xf32>,
      %swap3A_273 = vector.shape_cast %swap3A_272 : vector<1x16xf32> to vector<16xf32>
      %swap3A_274 = vector.shape_cast %get3A_269 : vector<16xf32> to vector<1x16xf32>
      tpu.vector_store %arg13[%swap3A_270, %swap3A_271], %swap3A_274 {add = true, strides = array<i32>} : memref<40x256xf32, #tpu.memory_space<vmem>>, vector<1x16xf32>,
      %get3A_275 = arith.index_cast %scan3A_222 : i32 to index
      %get3A_276 = arith.constant 96 : index
      %get3A_277 = tpu.vector_load %arg14[%get3A_275, %get3A_276] {strides = array<i32>} : memref<40x256xf32, #tpu.memory_space<vmem>>, vector<1x16xf32>,
      %get3A_278 = vector.shape_cast %get3A_277 : vector<1x16xf32> to vector<16xf32>
      %swap3A_279 = arith.index_cast %scan3A_222 : i32 to index
      %swap3A_280 = arith.constant 96 : index
      %swap3A_281 = tpu.vector_load %arg13[%swap3A_279, %swap3A_280] {strides = array<i32>} : memref<40x256xf32, #tpu.memory_space<vmem>>, vector<1x16xf32>,
      %swap3A_282 = vector.shape_cast %swap3A_281 : vector<1x16xf32> to vector<16xf32>
      %swap3A_283 = vector.shape_cast %get3A_278 : vector<16xf32> to vector<1x16xf32>
      tpu.vector_store %arg13[%swap3A_279, %swap3A_280], %swap3A_283 {add = true, strides = array<i32>} : memref<40x256xf32, #tpu.memory_space<vmem>>, vector<1x16xf32>,
      %get3A_284 = arith.index_cast %scan3A_222 : i32 to index
      %get3A_285 = arith.constant 112 : index
      %get3A_286 = tpu.vector_load %arg14[%get3A_284, %get3A_285] {strides = array<i32>} : memref<40x256xf32, #tpu.memory_space<vmem>>, vector<1x16xf32>,
      %get3A_287 = vector.shape_cast %get3A_286 : vector<1x16xf32> to vector<16xf32>
      %swap3A_288 = arith.index_cast %scan3A_222 : i32 to index
      %swap3A_289 = arith.constant 112 : index
      %swap3A_290 = tpu.vector_load %arg13[%swap3A_288, %swap3A_289] {strides = array<i32>} : memref<40x256xf32, #tpu.memory_space<vmem>>, vector<1x16xf32>,
      %swap3A_291 = vector.shape_cast %swap3A_290 : vector<1x16xf32> to vector<16xf32>
      %swap3A_292 = vector.shape_cast %get3A_287 : vector<16xf32> to vector<1x16xf32>
      tpu.vector_store %arg13[%swap3A_288, %swap3A_289], %swap3A_292 {add = true, strides = array<i32>} : memref<40x256xf32, #tpu.memory_space<vmem>>, vector<1x16xf32>,
      %get3A_293 = arith.index_cast %scan3A_222 : i32 to index
      %get3A_294 = arith.constant 128 : index
      %get3A_295 = tpu.vector_load %arg14[%get3A_293, %get3A_294] {strides = array<i32>} : memref<40x256xf32, #tpu.memory_space<vmem>>, vector<1x16xf32>,
      %get3A_296 = vector.shape_cast %get3A_295 : vector<1x16xf32> to vector<16xf32>
      %swap3A_297 = arith.index_cast %scan3A_222 : i32 to index
      %swap3A_298 = arith.constant 128 : index
      %swap3A_299 = tpu.vector_load %arg13[%swap3A_297, %swap3A_298] {strides = array<i32>} : memref<40x256xf32, #tpu.memory_space<vmem>>, vector<1x16xf32>,
      %swap3A_300 = vector.shape_cast %swap3A_299 : vector<1x16xf32> to vector<16xf32>
      %swap3A_301 = vector.shape_cast %get3A_296 : vector<16xf32> to vector<1x16xf32>
      tpu.vector_store %arg13[%swap3A_297, %swap3A_298], %swap3A_301 {add = true, strides = array<i32>} : memref<40x256xf32, #tpu.memory_space<vmem>>, vector<1x16xf32>,
      %get3A_302 = arith.index_cast %scan3A_222 : i32 to index
      %get3A_303 = arith.constant 144 : index
      %get3A_304 = tpu.vector_load %arg14[%get3A_302, %get3A_303] {strides = array<i32>} : memref<40x256xf32, #tpu.memory_space<vmem>>, vector<1x16xf32>,
      %get3A_305 = vector.shape_cast %get3A_304 : vector<1x16xf32> to vector<16xf32>
      %swap3A_306 = arith.index_cast %scan3A_222 : i32 to index
      %swap3A_307 = arith.constant 144 : index
      %swap3A_308 = tpu.vector_load %arg13[%swap3A_306, %swap3A_307] {strides = array<i32>} : memref<40x256xf32, #tpu.memory_space<vmem>>, vector<1x16xf32>,
      %swap3A_309 = vector.shape_cast %swap3A_308 : vector<1x16xf32> to vector<16xf32>
      %swap3A_310 = vector.shape_cast %get3A_305 : vector<16xf32> to vector<1x16xf32>
      tpu.vector_store %arg13[%swap3A_306, %swap3A_307], %swap3A_310 {add = true, strides = array<i32>} : memref<40x256xf32, #tpu.memory_space<vmem>>, vector<1x16xf32>,
      %get3A_311 = arith.index_cast %scan3A_222 : i32 to index
      %get3A_312 = arith.constant 160 : index
      %get3A_313 = tpu.vector_load %arg14[%get3A_311, %get3A_312] {strides = array<i32>} : memref<40x256xf32, #tpu.memory_space<vmem>>, vector<1x16xf32>,
      %get3A_314 = vector.shape_cast %get3A_313 : vector<1x16xf32> to vector<16xf32>
      %swap3A_315 = arith.index_cast %scan3A_222 : i32 to index
      %swap3A_316 = arith.constant 160 : index
      %swap3A_317 = tpu.vector_load %arg13[%swap3A_315, %swap3A_316] {strides = array<i32>} : memref<40x256xf32, #tpu.memory_space<vmem>>, vector<1x16xf32>,
      %swap3A_318 = vector.shape_cast %swap3A_317 : vector<1x16xf32> to vector<16xf32>
      %swap3A_319 = vector.shape_cast %get3A_314 : vector<16xf32> to vector<1x16xf32>
      tpu.vector_store %arg13[%swap3A_315, %swap3A_316], %swap3A_319 {add = true, strides = array<i32>} : memref<40x256xf32, #tpu.memory_space<vmem>>, vector<1x16xf32>,
      %get3A_320 = arith.index_cast %scan3A_222 : i32 to index
      %get3A_321 = arith.constant 176 : index
      %get3A_322 = tpu.vector_load %arg14[%get3A_320, %get3A_321] {strides = array<i32>} : memref<40x256xf32, #tpu.memory_space<vmem>>, vector<1x16xf32>,
      %get3A_323 = vector.shape_cast %get3A_322 : vector<1x16xf32> to vector<16xf32>
      %swap3A_324 = arith.index_cast %scan3A_222 : i32 to index
      %swap3A_325 = arith.constant 176 : index
      %swap3A_326 = tpu.vector_load %arg13[%swap3A_324, %swap3A_325] {strides = array<i32>} : memref<40x256xf32, #tpu.memory_space<vmem>>, vector<1x16xf32>,
      %swap3A_327 = vector.shape_cast %swap3A_326 : vector<1x16xf32> to vector<16xf32>
      %swap3A_328 = vector.shape_cast %get3A_323 : vector<16xf32> to vector<1x16xf32>
      tpu.vector_store %arg13[%swap3A_324, %swap3A_325], %swap3A_328 {add = true, strides = array<i32>} : memref<40x256xf32, #tpu.memory_space<vmem>>, vector<1x16xf32>,
      %get3A_329 = arith.index_cast %scan3A_222 : i32 to index
      %get3A_330 = arith.constant 192 : index
      %get3A_331 = tpu.vector_load %arg14[%get3A_329, %get3A_330] {strides = array<i32>} : memref<40x256xf32, #tpu.memory_space<vmem>>, vector<1x16xf32>,
      %get3A_332 = vector.shape_cast %get3A_331 : vector<1x16xf32> to vector<16xf32>
      %swap3A_333 = arith.index_cast %scan3A_222 : i32 to index
      %swap3A_334 = arith.constant 192 : index
      %swap3A_335 = tpu.vector_load %arg13[%swap3A_333, %swap3A_334] {strides = array<i32>} : memref<40x256xf32, #tpu.memory_space<vmem>>, vector<1x16xf32>,
      %swap3A_336 = vector.shape_cast %swap3A_335 : vector<1x16xf32> to vector<16xf32>
      %swap3A_337 = vector.shape_cast %get3A_332 : vector<16xf32> to vector<1x16xf32>
      tpu.vector_store %arg13[%swap3A_333, %swap3A_334], %swap3A_337 {add = true, strides = array<i32>} : memref<40x256xf32, #tpu.memory_space<vmem>>, vector<1x16xf32>,
      %get3A_338 = arith.index_cast %scan3A_222 : i32 to index
      %get3A_339 = arith.constant 208 : index
      %get3A_340 = tpu.vector_load %arg14[%get3A_338, %get3A_339] {strides = array<i32>} : memref<40x256xf32, #tpu.memory_space<vmem>>, vector<1x16xf32>,
      %get3A_341 = vector.shape_cast %get3A_340 : vector<1x16xf32> to vector<16xf32>
      %swap3A_342 = arith.index_cast %scan3A_222 : i32 to index
      %swap3A_343 = arith.constant 208 : index
      %swap3A_344 = tpu.vector_load %arg13[%swap3A_342, %swap3A_343] {strides = array<i32>} : memref<40x256xf32, #tpu.memory_space<vmem>>, vector<1x16xf32>,
      %swap3A_345 = vector.shape_cast %swap3A_344 : vector<1x16xf32> to vector<16xf32>
      %swap3A_346 = vector.shape_cast %get3A_341 : vector<16xf32> to vector<1x16xf32>
      tpu.vector_store %arg13[%swap3A_342, %swap3A_343], %swap3A_346 {add = true, strides = array<i32>} : memref<40x256xf32, #tpu.memory_space<vmem>>, vector<1x16xf32>,
      %get3A_347 = arith.index_cast %scan3A_222 : i32 to index
      %get3A_348 = arith.constant 224 : index
      %get3A_349 = tpu.vector_load %arg14[%get3A_347, %get3A_348] {strides = array<i32>} : memref<40x256xf32, #tpu.memory_space<vmem>>, vector<1x16xf32>,
      %get3A_350 = vector.shape_cast %get3A_349 : vector<1x16xf32> to vector<16xf32>
      %swap3A_351 = arith.index_cast %scan3A_222 : i32 to index
      %swap3A_352 = arith.constant 224 : index
      %swap3A_353 = tpu.vector_load %arg13[%swap3A_351, %swap3A_352] {strides = array<i32>} : memref<40x256xf32, #tpu.memory_space<vmem>>, vector<1x16xf32>,
      %swap3A_354 = vector.shape_cast %swap3A_353 : vector<1x16xf32> to vector<16xf32>
      %swap3A_355 = vector.shape_cast %get3A_350 : vector<16xf32> to vector<1x16xf32>
      tpu.vector_store %arg13[%swap3A_351, %swap3A_352], %swap3A_355 {add = true, strides = array<i32>} : memref<40x256xf32, #tpu.memory_space<vmem>>, vector<1x16xf32>,
      %get3A_356 = arith.index_cast %scan3A_222 : i32 to index
      %get3A_357 = arith.constant 240 : index
      %get3A_358 = tpu.vector_load %arg14[%get3A_356, %get3A_357] {strides = array<i32>} : memref<40x256xf32, #tpu.memory_space<vmem>>, vector<1x16xf32>,
      %get3A_359 = vector.shape_cast %get3A_358 : vector<1x16xf32> to vector<16xf32>
      %swap3A_360 = arith.index_cast %scan3A_222 : i32 to index
      %swap3A_361 = arith.constant 240 : index
      %swap3A_362 = tpu.vector_load %arg13[%swap3A_360, %swap3A_361] {strides = array<i32>} : memref<40x256xf32, #tpu.memory_space<vmem>>, vector<1x16xf32>,
      %swap3A_363 = vector.shape_cast %swap3A_362 : vector<1x16xf32> to vector<16xf32>
      %swap3A_364 = vector.shape_cast %get3A_359 : vector<16xf32> to vector<1x16xf32>
      tpu.vector_store %arg13[%swap3A_360, %swap3A_361], %swap3A_364 {add = true, strides = array<i32>} : memref<40x256xf32, #tpu.memory_space<vmem>>, vector<1x16xf32>,
    }
    %scan3A_121 = arith.constant 40 : i32
    %add3A_122 = arith.constant 80 : i32
    %add3A_123 = arith.addi %mul3A_2, %add3A_122 : i32
    %dma_start3A_124 = arith.constant 0 : i32
    %dma_start3A_125 = tpu.memref_slice %arg6[%add3A_123, %dma_start3A_124] : memref<160000x256xf32, #tpu.memory_space<hbm>> -> memref<40x256xf32, #tpu.memory_space<hbm>>
    %dma_start3A_126 = arith.constant 0 : i32
    %dma_start3A_127 = tpu.memref_slice %arg6[%add3A_123, %dma_start3A_126] : memref<160000x256xf32, #tpu.memory_space<hbm>> -> memref<40x256xf32, #tpu.memory_space<hbm>>
    tpu.enqueue_dma source(%arg13 : memref<40x256xf32, #tpu.memory_space<vmem>>) target(%dma_start3A_127 : memref<40x256xf32, #tpu.memory_space<hbm>>) target_semaphore(%arg23 : memref<!tpu.dma_semaphore, #tpu.memory_space<semaphore_mem>>)
    %dma_wait3A_128 = arith.constant 0 : i32
    %dma_wait3A_129 = arith.constant 0 : i32
    %dma_wait3A_130 = tpu.memref_slice %arg6[%dma_wait3A_128, %dma_wait3A_129] : memref<160000x256xf32, #tpu.memory_space<hbm>> -> memref<40x256xf32, #tpu.memory_space<hbm>>
    %dma_wait3A_131 = arith.constant 0 : i32
    %dma_wait3A_132 = arith.constant 0 : i32
    %dma_wait3A_133 = tpu.memref_slice %arg6[%dma_wait3A_131, %dma_wait3A_132] : memref<160000x256xf32, #tpu.memory_space<hbm>> -> memref<40x256xf32, #tpu.memory_space<hbm>>
    tpu.wait_dma2 semaphore(%arg22 : memref<!tpu.dma_semaphore, #tpu.memory_space<semaphore_mem>>) src(%arg11 : memref<40x256xf32, #tpu.memory_space<vmem>>) dst(%dma_wait3A_133 : memref<40x256xf32, #tpu.memory_space<hbm>>)
    %dma_start3A_134 = arith.constant 200 : i32
    %dma_start3A_135 = tpu.memref_slice %arg7[%dma_start3A_134] : memref<5000xi32, #tpu.memory_space<vmem>> -> memref<40xi32, #tpu.memory_space<vmem>>
    %dma_start3A_136 = arith.constant 0 : i32
    %dma_start3A_137 = arith.constant 0 : i32
    %dma_start3A_138 = tpu.memref_slice %arg2[%dma_start3A_136, %dma_start3A_137] : memref<10000x256xf32, #tpu.memory_space<hbm>> -> memref<10000x256xf32, #tpu.memory_space<hbm>>
    tpu.enqueue_indirect_dma source(%dma_start3A_138 : memref<10000x256xf32, #tpu.memory_space<hbm>>) target(%arg11 : memref<40x256xf32, #tpu.memory_space<vmem>>) offsets(%dma_start3A_135 : memref<40xi32, #tpu.memory_space<vmem>>) semaphore(%arg18 : memref<!tpu.dma_semaphore, #tpu.memory_space<semaphore_mem>>)
    %dma_start3A_139 = arith.constant 200 : i32
    %dma_start3A_140 = tpu.memref_slice %arg8[%dma_start3A_139] : memref<5000xi32, #tpu.memory_space<vmem>> -> memref<40xi32, #tpu.memory_space<vmem>>
    %dma_start3A_141 = arith.constant 0 : i32
    %dma_start3A_142 = arith.constant 0 : i32
    %dma_start3A_143 = tpu.memref_slice %arg3[%dma_start3A_141, %dma_start3A_142] : memref<10000x256xf32, #tpu.memory_space<hbm>> -> memref<10000x256xf32, #tpu.memory_space<hbm>>
    tpu.enqueue_indirect_dma source(%dma_start3A_143 : memref<10000x256xf32, #tpu.memory_space<hbm>>) target(%arg12 : memref<40x256xf32, #tpu.memory_space<vmem>>) offsets(%dma_start3A_140 : memref<40xi32, #tpu.memory_space<vmem>>) semaphore(%arg18 : memref<!tpu.dma_semaphore, #tpu.memory_space<semaphore_mem>>)
    %dma_wait3A_144 = arith.constant 0 : i32
    %dma_wait3A_145 = arith.constant 0 : i32
    %dma_wait3A_146 = tpu.memref_slice %arg2[%dma_wait3A_144, %dma_wait3A_145] : memref<10000x256xf32, #tpu.memory_space<hbm>> -> memref<40x256xf32, #tpu.memory_space<hbm>>
    %dma_wait3A_147 = arith.constant 0 : i32
    %dma_wait3A_148 = arith.constant 0 : i32
    %dma_wait3A_149 = tpu.memref_slice %arg2[%dma_wait3A_147, %dma_wait3A_148] : memref<10000x256xf32, #tpu.memory_space<hbm>> -> memref<40x256xf32, #tpu.memory_space<hbm>>
    tpu.wait_dma2 semaphore(%arg20 : memref<!tpu.dma_semaphore, #tpu.memory_space<semaphore_mem>>) src(%dma_wait3A_149 : memref<40x256xf32, #tpu.memory_space<hbm>>) dst(%arg15 : memref<40x256xf32, #tpu.memory_space<vmem>>)
    %dma_wait3A_150 = arith.constant 0 : i32
    %dma_wait3A_151 = arith.constant 0 : i32
    %dma_wait3A_152 = tpu.memref_slice %arg3[%dma_wait3A_150, %dma_wait3A_151] : memref<10000x256xf32, #tpu.memory_space<hbm>> -> memref<40x256xf32, #tpu.memory_space<hbm>>
    %dma_wait3A_153 = arith.constant 0 : i32
    %dma_wait3A_154 = arith.constant 0 : i32
    %dma_wait3A_155 = tpu.memref_slice %arg3[%dma_wait3A_153, %dma_wait3A_154] : memref<10000x256xf32, #tpu.memory_space<hbm>> -> memref<40x256xf32, #tpu.memory_space<hbm>>
    tpu.wait_dma2 semaphore(%arg20 : memref<!tpu.dma_semaphore, #tpu.memory_space<semaphore_mem>>) src(%dma_wait3A_155 : memref<40x256xf32, #tpu.memory_space<hbm>>) dst(%arg16 : memref<40x256xf32, #tpu.memory_space<vmem>>)
    %scan3A_156 = arith.constant 0 : i32
    %scan3A_157 = arith.constant 0 : i32
    %scan3A_158 = arith.constant 40 : i32
    %scan3A_159 = arith.addi %scan3A_157, %scan3A_158 : i32
    %scan3A_160 = arith.constant 1 : i32
    scf.for %scan3A_222 = %scan3A_157 to %scan3A_159 step %scan3A_160  : i32 {
      %get3A = arith.index_cast %scan3A_222 : i32 to index
      %get3A_223 = arith.constant 0 : index
      %get3A_224 = tpu.vector_load %arg16[%get3A, %get3A_223] {strides = array<i32>} : memref<40x256xf32, #tpu.memory_space<vmem>>, vector<1x16xf32>,
      %get3A_225 = vector.shape_cast %get3A_224 : vector<1x16xf32> to vector<16xf32>
      %swap3A = arith.index_cast %scan3A_222 : i32 to index
      %swap3A_226 = arith.constant 0 : index
      %swap3A_227 = tpu.vector_load %arg15[%swap3A, %swap3A_226] {strides = array<i32>} : memref<40x256xf32, #tpu.memory_space<vmem>>, vector<1x16xf32>,
      %swap3A_228 = vector.shape_cast %swap3A_227 : vector<1x16xf32> to vector<16xf32>
      %swap3A_229 = vector.shape_cast %get3A_225 : vector<16xf32> to vector<1x16xf32>
      tpu.vector_store %arg15[%swap3A, %swap3A_226], %swap3A_229 {add = true, strides = array<i32>} : memref<40x256xf32, #tpu.memory_space<vmem>>, vector<1x16xf32>,
      %get3A_230 = arith.index_cast %scan3A_222 : i32 to index
      %get3A_231 = arith.constant 16 : index
      %get3A_232 = tpu.vector_load %arg16[%get3A_230, %get3A_231] {strides = array<i32>} : memref<40x256xf32, #tpu.memory_space<vmem>>, vector<1x16xf32>,
      %get3A_233 = vector.shape_cast %get3A_232 : vector<1x16xf32> to vector<16xf32>
      %swap3A_234 = arith.index_cast %scan3A_222 : i32 to index
      %swap3A_235 = arith.constant 16 : index
      %swap3A_236 = tpu.vector_load %arg15[%swap3A_234, %swap3A_235] {strides = array<i32>} : memref<40x256xf32, #tpu.memory_space<vmem>>, vector<1x16xf32>,
      %swap3A_237 = vector.shape_cast %swap3A_236 : vector<1x16xf32> to vector<16xf32>
      %swap3A_238 = vector.shape_cast %get3A_233 : vector<16xf32> to vector<1x16xf32>
      tpu.vector_store %arg15[%swap3A_234, %swap3A_235], %swap3A_238 {add = true, strides = array<i32>} : memref<40x256xf32, #tpu.memory_space<vmem>>, vector<1x16xf32>,
      %get3A_239 = arith.index_cast %scan3A_222 : i32 to index
      %get3A_240 = arith.constant 32 : index
      %get3A_241 = tpu.vector_load %arg16[%get3A_239, %get3A_240] {strides = array<i32>} : memref<40x256xf32, #tpu.memory_space<vmem>>, vector<1x16xf32>,
      %get3A_242 = vector.shape_cast %get3A_241 : vector<1x16xf32> to vector<16xf32>
      %swap3A_243 = arith.index_cast %scan3A_222 : i32 to index
      %swap3A_244 = arith.constant 32 : index
      %swap3A_245 = tpu.vector_load %arg15[%swap3A_243, %swap3A_244] {strides = array<i32>} : memref<40x256xf32, #tpu.memory_space<vmem>>, vector<1x16xf32>,
      %swap3A_246 = vector.shape_cast %swap3A_245 : vector<1x16xf32> to vector<16xf32>
      %swap3A_247 = vector.shape_cast %get3A_242 : vector<16xf32> to vector<1x16xf32>
      tpu.vector_store %arg15[%swap3A_243, %swap3A_244], %swap3A_247 {add = true, strides = array<i32>} : memref<40x256xf32, #tpu.memory_space<vmem>>, vector<1x16xf32>,
      %get3A_248 = arith.index_cast %scan3A_222 : i32 to index
      %get3A_249 = arith.constant 48 : index
      %get3A_250 = tpu.vector_load %arg16[%get3A_248, %get3A_249] {strides = array<i32>} : memref<40x256xf32, #tpu.memory_space<vmem>>, vector<1x16xf32>,
      %get3A_251 = vector.shape_cast %get3A_250 : vector<1x16xf32> to vector<16xf32>
      %swap3A_252 = arith.index_cast %scan3A_222 : i32 to index
      %swap3A_253 = arith.constant 48 : index
      %swap3A_254 = tpu.vector_load %arg15[%swap3A_252, %swap3A_253] {strides = array<i32>} : memref<40x256xf32, #tpu.memory_space<vmem>>, vector<1x16xf32>,
      %swap3A_255 = vector.shape_cast %swap3A_254 : vector<1x16xf32> to vector<16xf32>
      %swap3A_256 = vector.shape_cast %get3A_251 : vector<16xf32> to vector<1x16xf32>
      tpu.vector_store %arg15[%swap3A_252, %swap3A_253], %swap3A_256 {add = true, strides = array<i32>} : memref<40x256xf32, #tpu.memory_space<vmem>>, vector<1x16xf32>,
      %get3A_257 = arith.index_cast %scan3A_222 : i32 to index
      %get3A_258 = arith.constant 64 : index
      %get3A_259 = tpu.vector_load %arg16[%get3A_257, %get3A_258] {strides = array<i32>} : memref<40x256xf32, #tpu.memory_space<vmem>>, vector<1x16xf32>,
      %get3A_260 = vector.shape_cast %get3A_259 : vector<1x16xf32> to vector<16xf32>
      %swap3A_261 = arith.index_cast %scan3A_222 : i32 to index
      %swap3A_262 = arith.constant 64 : index
      %swap3A_263 = tpu.vector_load %arg15[%swap3A_261, %swap3A_262] {strides = array<i32>} : memref<40x256xf32, #tpu.memory_space<vmem>>, vector<1x16xf32>,
      %swap3A_264 = vector.shape_cast %swap3A_263 : vector<1x16xf32> to vector<16xf32>
      %swap3A_265 = vector.shape_cast %get3A_260 : vector<16xf32> to vector<1x16xf32>
      tpu.vector_store %arg15[%swap3A_261, %swap3A_262], %swap3A_265 {add = true, strides = array<i32>} : memref<40x256xf32, #tpu.memory_space<vmem>>, vector<1x16xf32>,
      %get3A_266 = arith.index_cast %scan3A_222 : i32 to index
      %get3A_267 = arith.constant 80 : index
      %get3A_268 = tpu.vector_load %arg16[%get3A_266, %get3A_267] {strides = array<i32>} : memref<40x256xf32, #tpu.memory_space<vmem>>, vector<1x16xf32>,
      %get3A_269 = vector.shape_cast %get3A_268 : vector<1x16xf32> to vector<16xf32>
      %swap3A_270 = arith.index_cast %scan3A_222 : i32 to index
      %swap3A_271 = arith.constant 80 : index
      %swap3A_272 = tpu.vector_load %arg15[%swap3A_270, %swap3A_271] {strides = array<i32>} : memref<40x256xf32, #tpu.memory_space<vmem>>, vector<1x16xf32>,
      %swap3A_273 = vector.shape_cast %swap3A_272 : vector<1x16xf32> to vector<16xf32>
      %swap3A_274 = vector.shape_cast %get3A_269 : vector<16xf32> to vector<1x16xf32>
      tpu.vector_store %arg15[%swap3A_270, %swap3A_271], %swap3A_274 {add = true, strides = array<i32>} : memref<40x256xf32, #tpu.memory_space<vmem>>, vector<1x16xf32>,
      %get3A_275 = arith.index_cast %scan3A_222 : i32 to index
      %get3A_276 = arith.constant 96 : index
      %get3A_277 = tpu.vector_load %arg16[%get3A_275, %get3A_276] {strides = array<i32>} : memref<40x256xf32, #tpu.memory_space<vmem>>, vector<1x16xf32>,
      %get3A_278 = vector.shape_cast %get3A_277 : vector<1x16xf32> to vector<16xf32>
      %swap3A_279 = arith.index_cast %scan3A_222 : i32 to index
      %swap3A_280 = arith.constant 96 : index
      %swap3A_281 = tpu.vector_load %arg15[%swap3A_279, %swap3A_280] {strides = array<i32>} : memref<40x256xf32, #tpu.memory_space<vmem>>, vector<1x16xf32>,
      %swap3A_282 = vector.shape_cast %swap3A_281 : vector<1x16xf32> to vector<16xf32>
      %swap3A_283 = vector.shape_cast %get3A_278 : vector<16xf32> to vector<1x16xf32>
      tpu.vector_store %arg15[%swap3A_279, %swap3A_280], %swap3A_283 {add = true, strides = array<i32>} : memref<40x256xf32, #tpu.memory_space<vmem>>, vector<1x16xf32>,
      %get3A_284 = arith.index_cast %scan3A_222 : i32 to index
      %get3A_285 = arith.constant 112 : index
      %get3A_286 = tpu.vector_load %arg16[%get3A_284, %get3A_285] {strides = array<i32>} : memref<40x256xf32, #tpu.memory_space<vmem>>, vector<1x16xf32>,
      %get3A_287 = vector.shape_cast %get3A_286 : vector<1x16xf32> to vector<16xf32>
      %swap3A_288 = arith.index_cast %scan3A_222 : i32 to index
      %swap3A_289 = arith.constant 112 : index
      %swap3A_290 = tpu.vector_load %arg15[%swap3A_288, %swap3A_289] {strides = array<i32>} : memref<40x256xf32, #tpu.memory_space<vmem>>, vector<1x16xf32>,
      %swap3A_291 = vector.shape_cast %swap3A_290 : vector<1x16xf32> to vector<16xf32>
      %swap3A_292 = vector.shape_cast %get3A_287 : vector<16xf32> to vector<1x16xf32>
      tpu.vector_store %arg15[%swap3A_288, %swap3A_289], %swap3A_292 {add = true, strides = array<i32>} : memref<40x256xf32, #tpu.memory_space<vmem>>, vector<1x16xf32>,
      %get3A_293 = arith.index_cast %scan3A_222 : i32 to index
      %get3A_294 = arith.constant 128 : index
      %get3A_295 = tpu.vector_load %arg16[%get3A_293, %get3A_294] {strides = array<i32>} : memref<40x256xf32, #tpu.memory_space<vmem>>, vector<1x16xf32>,
      %get3A_296 = vector.shape_cast %get3A_295 : vector<1x16xf32> to vector<16xf32>
      %swap3A_297 = arith.index_cast %scan3A_222 : i32 to index
      %swap3A_298 = arith.constant 128 : index
      %swap3A_299 = tpu.vector_load %arg15[%swap3A_297, %swap3A_298] {strides = array<i32>} : memref<40x256xf32, #tpu.memory_space<vmem>>, vector<1x16xf32>,
      %swap3A_300 = vector.shape_cast %swap3A_299 : vector<1x16xf32> to vector<16xf32>
      %swap3A_301 = vector.shape_cast %get3A_296 : vector<16xf32> to vector<1x16xf32>
      tpu.vector_store %arg15[%swap3A_297, %swap3A_298], %swap3A_301 {add = true, strides = array<i32>} : memref<40x256xf32, #tpu.memory_space<vmem>>, vector<1x16xf32>,
      %get3A_302 = arith.index_cast %scan3A_222 : i32 to index
      %get3A_303 = arith.constant 144 : index
      %get3A_304 = tpu.vector_load %arg16[%get3A_302, %get3A_303] {strides = array<i32>} : memref<40x256xf32, #tpu.memory_space<vmem>>, vector<1x16xf32>,
      %get3A_305 = vector.shape_cast %get3A_304 : vector<1x16xf32> to vector<16xf32>
      %swap3A_306 = arith.index_cast %scan3A_222 : i32 to index
      %swap3A_307 = arith.constant 144 : index
      %swap3A_308 = tpu.vector_load %arg15[%swap3A_306, %swap3A_307] {strides = array<i32>} : memref<40x256xf32, #tpu.memory_space<vmem>>, vector<1x16xf32>,
      %swap3A_309 = vector.shape_cast %swap3A_308 : vector<1x16xf32> to vector<16xf32>
      %swap3A_310 = vector.shape_cast %get3A_305 : vector<16xf32> to vector<1x16xf32>
      tpu.vector_store %arg15[%swap3A_306, %swap3A_307], %swap3A_310 {add = true, strides = array<i32>} : memref<40x256xf32, #tpu.memory_space<vmem>>, vector<1x16xf32>,
      %get3A_311 = arith.index_cast %scan3A_222 : i32 to index
      %get3A_312 = arith.constant 160 : index
      %get3A_313 = tpu.vector_load %arg16[%get3A_311, %get3A_312] {strides = array<i32>} : memref<40x256xf32, #tpu.memory_space<vmem>>, vector<1x16xf32>,
      %get3A_314 = vector.shape_cast %get3A_313 : vector<1x16xf32> to vector<16xf32>
      %swap3A_315 = arith.index_cast %scan3A_222 : i32 to index
      %swap3A_316 = arith.constant 160 : index
      %swap3A_317 = tpu.vector_load %arg15[%swap3A_315, %swap3A_316] {strides = array<i32>} : memref<40x256xf32, #tpu.memory_space<vmem>>, vector<1x16xf32>,
      %swap3A_318 = vector.shape_cast %swap3A_317 : vector<1x16xf32> to vector<16xf32>
      %swap3A_319 = vector.shape_cast %get3A_314 : vector<16xf32> to vector<1x16xf32>
      tpu.vector_store %arg15[%swap3A_315, %swap3A_316], %swap3A_319 {add = true, strides = array<i32>} : memref<40x256xf32, #tpu.memory_space<vmem>>, vector<1x16xf32>,
      %get3A_320 = arith.index_cast %scan3A_222 : i32 to index
      %get3A_321 = arith.constant 176 : index
      %get3A_322 = tpu.vector_load %arg16[%get3A_320, %get3A_321] {strides = array<i32>} : memref<40x256xf32, #tpu.memory_space<vmem>>, vector<1x16xf32>,
      %get3A_323 = vector.shape_cast %get3A_322 : vector<1x16xf32> to vector<16xf32>
      %swap3A_324 = arith.index_cast %scan3A_222 : i32 to index
      %swap3A_325 = arith.constant 176 : index
      %swap3A_326 = tpu.vector_load %arg15[%swap3A_324, %swap3A_325] {strides = array<i32>} : memref<40x256xf32, #tpu.memory_space<vmem>>, vector<1x16xf32>,
      %swap3A_327 = vector.shape_cast %swap3A_326 : vector<1x16xf32> to vector<16xf32>
      %swap3A_328 = vector.shape_cast %get3A_323 : vector<16xf32> to vector<1x16xf32>
      tpu.vector_store %arg15[%swap3A_324, %swap3A_325], %swap3A_328 {add = true, strides = array<i32>} : memref<40x256xf32, #tpu.memory_space<vmem>>, vector<1x16xf32>,
      %get3A_329 = arith.index_cast %scan3A_222 : i32 to index
      %get3A_330 = arith.constant 192 : index
      %get3A_331 = tpu.vector_load %arg16[%get3A_329, %get3A_330] {strides = array<i32>} : memref<40x256xf32, #tpu.memory_space<vmem>>, vector<1x16xf32>,
      %get3A_332 = vector.shape_cast %get3A_331 : vector<1x16xf32> to vector<16xf32>
      %swap3A_333 = arith.index_cast %scan3A_222 : i32 to index
      %swap3A_334 = arith.constant 192 : index
      %swap3A_335 = tpu.vector_load %arg15[%swap3A_333, %swap3A_334] {strides = array<i32>} : memref<40x256xf32, #tpu.memory_space<vmem>>, vector<1x16xf32>,
      %swap3A_336 = vector.shape_cast %swap3A_335 : vector<1x16xf32> to vector<16xf32>
      %swap3A_337 = vector.shape_cast %get3A_332 : vector<16xf32> to vector<1x16xf32>
      tpu.vector_store %arg15[%swap3A_333, %swap3A_334], %swap3A_337 {add = true, strides = array<i32>} : memref<40x256xf32, #tpu.memory_space<vmem>>, vector<1x16xf32>,
      %get3A_338 = arith.index_cast %scan3A_222 : i32 to index
      %get3A_339 = arith.constant 208 : index
      %get3A_340 = tpu.vector_load %arg16[%get3A_338, %get3A_339] {strides = array<i32>} : memref<40x256xf32, #tpu.memory_space<vmem>>, vector<1x16xf32>,
      %get3A_341 = vector.shape_cast %get3A_340 : vector<1x16xf32> to vector<16xf32>
      %swap3A_342 = arith.index_cast %scan3A_222 : i32 to index
      %swap3A_343 = arith.constant 208 : index
      %swap3A_344 = tpu.vector_load %arg15[%swap3A_342, %swap3A_343] {strides = array<i32>} : memref<40x256xf32, #tpu.memory_space<vmem>>, vector<1x16xf32>,
      %swap3A_345 = vector.shape_cast %swap3A_344 : vector<1x16xf32> to vector<16xf32>
      %swap3A_346 = vector.shape_cast %get3A_341 : vector<16xf32> to vector<1x16xf32>
      tpu.vector_store %arg15[%swap3A_342, %swap3A_343], %swap3A_346 {add = true, strides = array<i32>} : memref<40x256xf32, #tpu.memory_space<vmem>>, vector<1x16xf32>,
      %get3A_347 = arith.index_cast %scan3A_222 : i32 to index
      %get3A_348 = arith.constant 224 : index
      %get3A_349 = tpu.vector_load %arg16[%get3A_347, %get3A_348] {strides = array<i32>} : memref<40x256xf32, #tpu.memory_space<vmem>>, vector<1x16xf32>,
      %get3A_350 = vector.shape_cast %get3A_349 : vector<1x16xf32> to vector<16xf32>
      %swap3A_351 = arith.index_cast %scan3A_222 : i32 to index
      %swap3A_352 = arith.constant 224 : index
      %swap3A_353 = tpu.vector_load %arg15[%swap3A_351, %swap3A_352] {strides = array<i32>} : memref<40x256xf32, #tpu.memory_space<vmem>>, vector<1x16xf32>,
      %swap3A_354 = vector.shape_cast %swap3A_353 : vector<1x16xf32> to vector<16xf32>
      %swap3A_355 = vector.shape_cast %get3A_350 : vector<16xf32> to vector<1x16xf32>
      tpu.vector_store %arg15[%swap3A_351, %swap3A_352], %swap3A_355 {add = true, strides = array<i32>} : memref<40x256xf32, #tpu.memory_space<vmem>>, vector<1x16xf32>,
      %get3A_356 = arith.index_cast %scan3A_222 : i32 to index
      %get3A_357 = arith.constant 240 : index
      %get3A_358 = tpu.vector_load %arg16[%get3A_356, %get3A_357] {strides = array<i32>} : memref<40x256xf32, #tpu.memory_space<vmem>>, vector<1x16xf32>,
      %get3A_359 = vector.shape_cast %get3A_358 : vector<1x16xf32> to vector<16xf32>
      %swap3A_360 = arith.index_cast %scan3A_222 : i32 to index
      %swap3A_361 = arith.constant 240 : index
      %swap3A_362 = tpu.vector_load %arg15[%swap3A_360, %swap3A_361] {strides = array<i32>} : memref<40x256xf32, #tpu.memory_space<vmem>>, vector<1x16xf32>,
      %swap3A_363 = vector.shape_cast %swap3A_362 : vector<1x16xf32> to vector<16xf32>
      %swap3A_364 = vector.shape_cast %get3A_359 : vector<16xf32> to vector<1x16xf32>
      tpu.vector_store %arg15[%swap3A_360, %swap3A_361], %swap3A_364 {add = true, strides = array<i32>} : memref<40x256xf32, #tpu.memory_space<vmem>>, vector<1x16xf32>,
    }
    %scan3A_161 = arith.constant 40 : i32
    %add3A_162 = arith.constant 120 : i32
    %add3A_163 = arith.addi %mul3A_2, %add3A_162 : i32
    %dma_start3A_164 = arith.constant 0 : i32
    %dma_start3A_165 = tpu.memref_slice %arg6[%add3A_163, %dma_start3A_164] : memref<160000x256xf32, #tpu.memory_space<hbm>> -> memref<40x256xf32, #tpu.memory_space<hbm>>
    %dma_start3A_166 = arith.constant 0 : i32
    %dma_start3A_167 = tpu.memref_slice %arg6[%add3A_163, %dma_start3A_166] : memref<160000x256xf32, #tpu.memory_space<hbm>> -> memref<40x256xf32, #tpu.memory_space<hbm>>
    tpu.enqueue_dma source(%arg15 : memref<40x256xf32, #tpu.memory_space<vmem>>) target(%dma_start3A_167 : memref<40x256xf32, #tpu.memory_space<hbm>>) target_semaphore(%arg24 : memref<!tpu.dma_semaphore, #tpu.memory_space<semaphore_mem>>)
    %scan3A_168 = arith.constant 0 : i32
    %scan3A_169 = arith.constant 1 : i32
    %scan3A_170 = arith.constant 30 : i32
    %scan3A_171 = arith.addi %scan3A_169, %scan3A_170 : i32
    %scan3A_172 = arith.constant 1 : i32
    scf.for %scan3A_222 = %scan3A_169 to %scan3A_171 step %scan3A_172  : i32 {
      %mul3A_223 = arith.constant 4 : i32
      %mul3A_224 = arith.muli %mul3A_223, %scan3A_222 : i32
      %add3A_225 = arith.constant 0 : i32
      %add3A_226 = arith.addi %mul3A_224, %add3A_225 : i32
      %add3A_227 = arith.constant 2 : i32
      %add3A_228 = arith.addi %add3A_226, %add3A_227 : i32
      %lt3A = arith.constant 125 : i32
      %lt3A_229 = arith.cmpi slt, %add3A_228, %lt3A : i32
      %convert_element_type3A = arith.extui %lt3A_229 : i1 to i32
      %cond3A = arith.constant 0 : i32
      %cond3A_230 = arith.cmpi ne, %convert_element_type3A, %cond3A : i32
      scf.if %cond3A_230 {
        %dma_wait3A_358 = arith.constant 0 : i32
        %dma_wait3A_359 = arith.constant 0 : i32
        %dma_wait3A_360 = tpu.memref_slice %arg6[%dma_wait3A_358, %dma_wait3A_359] : memref<160000x256xf32, #tpu.memory_space<hbm>> -> memref<40x256xf32, #tpu.memory_space<hbm>>
        %dma_wait3A_361 = arith.constant 0 : i32
        %dma_wait3A_362 = arith.constant 0 : i32
        %dma_wait3A_363 = tpu.memref_slice %arg6[%dma_wait3A_361, %dma_wait3A_362] : memref<160000x256xf32, #tpu.memory_space<hbm>> -> memref<40x256xf32, #tpu.memory_space<hbm>>
        tpu.wait_dma2 semaphore(%arg23 : memref<!tpu.dma_semaphore, #tpu.memory_space<semaphore_mem>>) src(%arg13 : memref<40x256xf32, #tpu.memory_space<vmem>>) dst(%dma_wait3A_363 : memref<40x256xf32, #tpu.memory_space<hbm>>)
        %add3A_364 = arith.constant 2 : i32
        %add3A_365 = arith.addi %add3A_226, %add3A_364 : i32
        %mul3A_366 = arith.constant 40 : i32
        %mul3A_367 = arith.muli %add3A_365, %mul3A_366 : i32
        %dma_start3A_368 = tpu.memref_slice %arg7[%mul3A_367] : memref<5000xi32, #tpu.memory_space<vmem>> -> memref<40xi32, #tpu.memory_space<vmem>>
        %dma_start3A_369 = arith.constant 0 : i32
        %dma_start3A_370 = arith.constant 0 : i32
        %dma_start3A_371 = tpu.memref_slice %arg2[%dma_start3A_369, %dma_start3A_370] : memref<10000x256xf32, #tpu.memory_space<hbm>> -> memref<10000x256xf32, #tpu.memory_space<hbm>>
        tpu.enqueue_indirect_dma source(%dma_start3A_371 : memref<10000x256xf32, #tpu.memory_space<hbm>>) target(%arg13 : memref<40x256xf32, #tpu.memory_space<vmem>>) offsets(%dma_start3A_368 : memref<40xi32, #tpu.memory_space<vmem>>) semaphore(%arg19 : memref<!tpu.dma_semaphore, #tpu.memory_space<semaphore_mem>>)
        %dma_start3A_372 = tpu.memref_slice %arg8[%mul3A_367] : memref<5000xi32, #tpu.memory_space<vmem>> -> memref<40xi32, #tpu.memory_space<vmem>>
        %dma_start3A_373 = arith.constant 0 : i32
        %dma_start3A_374 = arith.constant 0 : i32
        %dma_start3A_375 = tpu.memref_slice %arg3[%dma_start3A_373, %dma_start3A_374] : memref<10000x256xf32, #tpu.memory_space<hbm>> -> memref<10000x256xf32, #tpu.memory_space<hbm>>
        tpu.enqueue_indirect_dma source(%dma_start3A_375 : memref<10000x256xf32, #tpu.memory_space<hbm>>) target(%arg14 : memref<40x256xf32, #tpu.memory_space<vmem>>) offsets(%dma_start3A_372 : memref<40xi32, #tpu.memory_space<vmem>>) semaphore(%arg19 : memref<!tpu.dma_semaphore, #tpu.memory_space<semaphore_mem>>)
      } else {
      }
      %dma_wait3A_231 = arith.constant 0 : i32
      %dma_wait3A_232 = arith.constant 0 : i32
      %dma_wait3A_233 = tpu.memref_slice %arg2[%dma_wait3A_231, %dma_wait3A_232] : memref<10000x256xf32, #tpu.memory_space<hbm>> -> memref<40x256xf32, #tpu.memory_space<hbm>>
      %dma_wait3A_234 = arith.constant 0 : i32
      %dma_wait3A_235 = arith.constant 0 : i32
      %dma_wait3A_236 = tpu.memref_slice %arg2[%dma_wait3A_234, %dma_wait3A_235] : memref<10000x256xf32, #tpu.memory_space<hbm>> -> memref<40x256xf32, #tpu.memory_space<hbm>>
      tpu.wait_dma2 semaphore(%arg17 : memref<!tpu.dma_semaphore, #tpu.memory_space<semaphore_mem>>) src(%dma_wait3A_236 : memref<40x256xf32, #tpu.memory_space<hbm>>) dst(%arg9 : memref<40x256xf32, #tpu.memory_space<vmem>>)
      %dma_wait3A_237 = arith.constant 0 : i32
      %dma_wait3A_238 = arith.constant 0 : i32
      %dma_wait3A_239 = tpu.memref_slice %arg3[%dma_wait3A_237, %dma_wait3A_238] : memref<10000x256xf32, #tpu.memory_space<hbm>> -> memref<40x256xf32, #tpu.memory_space<hbm>>
      %dma_wait3A_240 = arith.constant 0 : i32
      %dma_wait3A_241 = arith.constant 0 : i32
      %dma_wait3A_242 = tpu.memref_slice %arg3[%dma_wait3A_240, %dma_wait3A_241] : memref<10000x256xf32, #tpu.memory_space<hbm>> -> memref<40x256xf32, #tpu.memory_space<hbm>>
      tpu.wait_dma2 semaphore(%arg17 : memref<!tpu.dma_semaphore, #tpu.memory_space<semaphore_mem>>) src(%dma_wait3A_242 : memref<40x256xf32, #tpu.memory_space<hbm>>) dst(%arg10 : memref<40x256xf32, #tpu.memory_space<vmem>>)
      %scan3A_243 = arith.constant 0 : i32
      %scan3A_244 = arith.constant 0 : i32
      %scan3A_245 = arith.constant 40 : i32
      %scan3A_246 = arith.addi %scan3A_244, %scan3A_245 : i32
      %scan3A_247 = arith.constant 1 : i32
      scf.for %scan3A_358 = %scan3A_244 to %scan3A_246 step %scan3A_247  : i32 {
        %get3A = arith.index_cast %scan3A_358 : i32 to index
        %get3A_359 = arith.constant 0 : index
        %get3A_360 = tpu.vector_load %arg10[%get3A, %get3A_359] {strides = array<i32>} : memref<40x256xf32, #tpu.memory_space<vmem>>, vector<1x16xf32>,
        %get3A_361 = vector.shape_cast %get3A_360 : vector<1x16xf32> to vector<16xf32>
        %swap3A = arith.index_cast %scan3A_358 : i32 to index
        %swap3A_362 = arith.constant 0 : index
        %swap3A_363 = tpu.vector_load %arg9[%swap3A, %swap3A_362] {strides = array<i32>} : memref<40x256xf32, #tpu.memory_space<vmem>>, vector<1x16xf32>,
        %swap3A_364 = vector.shape_cast %swap3A_363 : vector<1x16xf32> to vector<16xf32>
        %swap3A_365 = vector.shape_cast %get3A_361 : vector<16xf32> to vector<1x16xf32>
        tpu.vector_store %arg9[%swap3A, %swap3A_362], %swap3A_365 {add = true, strides = array<i32>} : memref<40x256xf32, #tpu.memory_space<vmem>>, vector<1x16xf32>,
        %get3A_366 = arith.index_cast %scan3A_358 : i32 to index
        %get3A_367 = arith.constant 16 : index
        %get3A_368 = tpu.vector_load %arg10[%get3A_366, %get3A_367] {strides = array<i32>} : memref<40x256xf32, #tpu.memory_space<vmem>>, vector<1x16xf32>,
        %get3A_369 = vector.shape_cast %get3A_368 : vector<1x16xf32> to vector<16xf32>
        %swap3A_370 = arith.index_cast %scan3A_358 : i32 to index
        %swap3A_371 = arith.constant 16 : index
        %swap3A_372 = tpu.vector_load %arg9[%swap3A_370, %swap3A_371] {strides = array<i32>} : memref<40x256xf32, #tpu.memory_space<vmem>>, vector<1x16xf32>,
        %swap3A_373 = vector.shape_cast %swap3A_372 : vector<1x16xf32> to vector<16xf32>
        %swap3A_374 = vector.shape_cast %get3A_369 : vector<16xf32> to vector<1x16xf32>
        tpu.vector_store %arg9[%swap3A_370, %swap3A_371], %swap3A_374 {add = true, strides = array<i32>} : memref<40x256xf32, #tpu.memory_space<vmem>>, vector<1x16xf32>,
        %get3A_375 = arith.index_cast %scan3A_358 : i32 to index
        %get3A_376 = arith.constant 32 : index
        %get3A_377 = tpu.vector_load %arg10[%get3A_375, %get3A_376] {strides = array<i32>} : memref<40x256xf32, #tpu.memory_space<vmem>>, vector<1x16xf32>,
        %get3A_378 = vector.shape_cast %get3A_377 : vector<1x16xf32> to vector<16xf32>
        %swap3A_379 = arith.index_cast %scan3A_358 : i32 to index
        %swap3A_380 = arith.constant 32 : index
        %swap3A_381 = tpu.vector_load %arg9[%swap3A_379, %swap3A_380] {strides = array<i32>} : memref<40x256xf32, #tpu.memory_space<vmem>>, vector<1x16xf32>,
        %swap3A_382 = vector.shape_cast %swap3A_381 : vector<1x16xf32> to vector<16xf32>
        %swap3A_383 = vector.shape_cast %get3A_378 : vector<16xf32> to vector<1x16xf32>
        tpu.vector_store %arg9[%swap3A_379, %swap3A_380], %swap3A_383 {add = true, strides = array<i32>} : memref<40x256xf32, #tpu.memory_space<vmem>>, vector<1x16xf32>,
        %get3A_384 = arith.index_cast %scan3A_358 : i32 to index
        %get3A_385 = arith.constant 48 : index
        %get3A_386 = tpu.vector_load %arg10[%get3A_384, %get3A_385] {strides = array<i32>} : memref<40x256xf32, #tpu.memory_space<vmem>>, vector<1x16xf32>,
        %get3A_387 = vector.shape_cast %get3A_386 : vector<1x16xf32> to vector<16xf32>
        %swap3A_388 = arith.index_cast %scan3A_358 : i32 to index
        %swap3A_389 = arith.constant 48 : index
        %swap3A_390 = tpu.vector_load %arg9[%swap3A_388, %swap3A_389] {strides = array<i32>} : memref<40x256xf32, #tpu.memory_space<vmem>>, vector<1x16xf32>,
        %swap3A_391 = vector.shape_cast %swap3A_390 : vector<1x16xf32> to vector<16xf32>
        %swap3A_392 = vector.shape_cast %get3A_387 : vector<16xf32> to vector<1x16xf32>
        tpu.vector_store %arg9[%swap3A_388, %swap3A_389], %swap3A_392 {add = true, strides = array<i32>} : memref<40x256xf32, #tpu.memory_space<vmem>>, vector<1x16xf32>,
        %get3A_393 = arith.index_cast %scan3A_358 : i32 to index
        %get3A_394 = arith.constant 64 : index
        %get3A_395 = tpu.vector_load %arg10[%get3A_393, %get3A_394] {strides = array<i32>} : memref<40x256xf32, #tpu.memory_space<vmem>>, vector<1x16xf32>,
        %get3A_396 = vector.shape_cast %get3A_395 : vector<1x16xf32> to vector<16xf32>
        %swap3A_397 = arith.index_cast %scan3A_358 : i32 to index
        %swap3A_398 = arith.constant 64 : index
        %swap3A_399 = tpu.vector_load %arg9[%swap3A_397, %swap3A_398] {strides = array<i32>} : memref<40x256xf32, #tpu.memory_space<vmem>>, vector<1x16xf32>,
        %swap3A_400 = vector.shape_cast %swap3A_399 : vector<1x16xf32> to vector<16xf32>
        %swap3A_401 = vector.shape_cast %get3A_396 : vector<16xf32> to vector<1x16xf32>
        tpu.vector_store %arg9[%swap3A_397, %swap3A_398], %swap3A_401 {add = true, strides = array<i32>} : memref<40x256xf32, #tpu.memory_space<vmem>>, vector<1x16xf32>,
        %get3A_402 = arith.index_cast %scan3A_358 : i32 to index
        %get3A_403 = arith.constant 80 : index
        %get3A_404 = tpu.vector_load %arg10[%get3A_402, %get3A_403] {strides = array<i32>} : memref<40x256xf32, #tpu.memory_space<vmem>>, vector<1x16xf32>,
        %get3A_405 = vector.shape_cast %get3A_404 : vector<1x16xf32> to vector<16xf32>
        %swap3A_406 = arith.index_cast %scan3A_358 : i32 to index
        %swap3A_407 = arith.constant 80 : index
        %swap3A_408 = tpu.vector_load %arg9[%swap3A_406, %swap3A_407] {strides = array<i32>} : memref<40x256xf32, #tpu.memory_space<vmem>>, vector<1x16xf32>,
        %swap3A_409 = vector.shape_cast %swap3A_408 : vector<1x16xf32> to vector<16xf32>
        %swap3A_410 = vector.shape_cast %get3A_405 : vector<16xf32> to vector<1x16xf32>
        tpu.vector_store %arg9[%swap3A_406, %swap3A_407], %swap3A_410 {add = true, strides = array<i32>} : memref<40x256xf32, #tpu.memory_space<vmem>>, vector<1x16xf32>,
        %get3A_411 = arith.index_cast %scan3A_358 : i32 to index
        %get3A_412 = arith.constant 96 : index
        %get3A_413 = tpu.vector_load %arg10[%get3A_411, %get3A_412] {strides = array<i32>} : memref<40x256xf32, #tpu.memory_space<vmem>>, vector<1x16xf32>,
        %get3A_414 = vector.shape_cast %get3A_413 : vector<1x16xf32> to vector<16xf32>
        %swap3A_415 = arith.index_cast %scan3A_358 : i32 to index
        %swap3A_416 = arith.constant 96 : index
        %swap3A_417 = tpu.vector_load %arg9[%swap3A_415, %swap3A_416] {strides = array<i32>} : memref<40x256xf32, #tpu.memory_space<vmem>>, vector<1x16xf32>,
        %swap3A_418 = vector.shape_cast %swap3A_417 : vector<1x16xf32> to vector<16xf32>
        %swap3A_419 = vector.shape_cast %get3A_414 : vector<16xf32> to vector<1x16xf32>
        tpu.vector_store %arg9[%swap3A_415, %swap3A_416], %swap3A_419 {add = true, strides = array<i32>} : memref<40x256xf32, #tpu.memory_space<vmem>>, vector<1x16xf32>,
        %get3A_420 = arith.index_cast %scan3A_358 : i32 to index
        %get3A_421 = arith.constant 112 : index
        %get3A_422 = tpu.vector_load %arg10[%get3A_420, %get3A_421] {strides = array<i32>} : memref<40x256xf32, #tpu.memory_space<vmem>>, vector<1x16xf32>,
        %get3A_423 = vector.shape_cast %get3A_422 : vector<1x16xf32> to vector<16xf32>
        %swap3A_424 = arith.index_cast %scan3A_358 : i32 to index
        %swap3A_425 = arith.constant 112 : index
        %swap3A_426 = tpu.vector_load %arg9[%swap3A_424, %swap3A_425] {strides = array<i32>} : memref<40x256xf32, #tpu.memory_space<vmem>>, vector<1x16xf32>,
        %swap3A_427 = vector.shape_cast %swap3A_426 : vector<1x16xf32> to vector<16xf32>
        %swap3A_428 = vector.shape_cast %get3A_423 : vector<16xf32> to vector<1x16xf32>
        tpu.vector_store %arg9[%swap3A_424, %swap3A_425], %swap3A_428 {add = true, strides = array<i32>} : memref<40x256xf32, #tpu.memory_space<vmem>>, vector<1x16xf32>,
        %get3A_429 = arith.index_cast %scan3A_358 : i32 to index
        %get3A_430 = arith.constant 128 : index
        %get3A_431 = tpu.vector_load %arg10[%get3A_429, %get3A_430] {strides = array<i32>} : memref<40x256xf32, #tpu.memory_space<vmem>>, vector<1x16xf32>,
        %get3A_432 = vector.shape_cast %get3A_431 : vector<1x16xf32> to vector<16xf32>
        %swap3A_433 = arith.index_cast %scan3A_358 : i32 to index
        %swap3A_434 = arith.constant 128 : index
        %swap3A_435 = tpu.vector_load %arg9[%swap3A_433, %swap3A_434] {strides = array<i32>} : memref<40x256xf32, #tpu.memory_space<vmem>>, vector<1x16xf32>,
        %swap3A_436 = vector.shape_cast %swap3A_435 : vector<1x16xf32> to vector<16xf32>
        %swap3A_437 = vector.shape_cast %get3A_432 : vector<16xf32> to vector<1x16xf32>
        tpu.vector_store %arg9[%swap3A_433, %swap3A_434], %swap3A_437 {add = true, strides = array<i32>} : memref<40x256xf32, #tpu.memory_space<vmem>>, vector<1x16xf32>,
        %get3A_438 = arith.index_cast %scan3A_358 : i32 to index
        %get3A_439 = arith.constant 144 : index
        %get3A_440 = tpu.vector_load %arg10[%get3A_438, %get3A_439] {strides = array<i32>} : memref<40x256xf32, #tpu.memory_space<vmem>>, vector<1x16xf32>,
        %get3A_441 = vector.shape_cast %get3A_440 : vector<1x16xf32> to vector<16xf32>
        %swap3A_442 = arith.index_cast %scan3A_358 : i32 to index
        %swap3A_443 = arith.constant 144 : index
        %swap3A_444 = tpu.vector_load %arg9[%swap3A_442, %swap3A_443] {strides = array<i32>} : memref<40x256xf32, #tpu.memory_space<vmem>>, vector<1x16xf32>,
        %swap3A_445 = vector.shape_cast %swap3A_444 : vector<1x16xf32> to vector<16xf32>
        %swap3A_446 = vector.shape_cast %get3A_441 : vector<16xf32> to vector<1x16xf32>
        tpu.vector_store %arg9[%swap3A_442, %swap3A_443], %swap3A_446 {add = true, strides = array<i32>} : memref<40x256xf32, #tpu.memory_space<vmem>>, vector<1x16xf32>,
        %get3A_447 = arith.index_cast %scan3A_358 : i32 to index
        %get3A_448 = arith.constant 160 : index
        %get3A_449 = tpu.vector_load %arg10[%get3A_447, %get3A_448] {strides = array<i32>} : memref<40x256xf32, #tpu.memory_space<vmem>>, vector<1x16xf32>,
        %get3A_450 = vector.shape_cast %get3A_449 : vector<1x16xf32> to vector<16xf32>
        %swap3A_451 = arith.index_cast %scan3A_358 : i32 to index
        %swap3A_452 = arith.constant 160 : index
        %swap3A_453 = tpu.vector_load %arg9[%swap3A_451, %swap3A_452] {strides = array<i32>} : memref<40x256xf32, #tpu.memory_space<vmem>>, vector<1x16xf32>,
        %swap3A_454 = vector.shape_cast %swap3A_453 : vector<1x16xf32> to vector<16xf32>
        %swap3A_455 = vector.shape_cast %get3A_450 : vector<16xf32> to vector<1x16xf32>
        tpu.vector_store %arg9[%swap3A_451, %swap3A_452], %swap3A_455 {add = true, strides = array<i32>} : memref<40x256xf32, #tpu.memory_space<vmem>>, vector<1x16xf32>,
        %get3A_456 = arith.index_cast %scan3A_358 : i32 to index
        %get3A_457 = arith.constant 176 : index
        %get3A_458 = tpu.vector_load %arg10[%get3A_456, %get3A_457] {strides = array<i32>} : memref<40x256xf32, #tpu.memory_space<vmem>>, vector<1x16xf32>,
        %get3A_459 = vector.shape_cast %get3A_458 : vector<1x16xf32> to vector<16xf32>
        %swap3A_460 = arith.index_cast %scan3A_358 : i32 to index
        %swap3A_461 = arith.constant 176 : index
        %swap3A_462 = tpu.vector_load %arg9[%swap3A_460, %swap3A_461] {strides = array<i32>} : memref<40x256xf32, #tpu.memory_space<vmem>>, vector<1x16xf32>,
        %swap3A_463 = vector.shape_cast %swap3A_462 : vector<1x16xf32> to vector<16xf32>
        %swap3A_464 = vector.shape_cast %get3A_459 : vector<16xf32> to vector<1x16xf32>
        tpu.vector_store %arg9[%swap3A_460, %swap3A_461], %swap3A_464 {add = true, strides = array<i32>} : memref<40x256xf32, #tpu.memory_space<vmem>>, vector<1x16xf32>,
        %get3A_465 = arith.index_cast %scan3A_358 : i32 to index
        %get3A_466 = arith.constant 192 : index
        %get3A_467 = tpu.vector_load %arg10[%get3A_465, %get3A_466] {strides = array<i32>} : memref<40x256xf32, #tpu.memory_space<vmem>>, vector<1x16xf32>,
        %get3A_468 = vector.shape_cast %get3A_467 : vector<1x16xf32> to vector<16xf32>
        %swap3A_469 = arith.index_cast %scan3A_358 : i32 to index
        %swap3A_470 = arith.constant 192 : index
        %swap3A_471 = tpu.vector_load %arg9[%swap3A_469, %swap3A_470] {strides = array<i32>} : memref<40x256xf32, #tpu.memory_space<vmem>>, vector<1x16xf32>,
        %swap3A_472 = vector.shape_cast %swap3A_471 : vector<1x16xf32> to vector<16xf32>
        %swap3A_473 = vector.shape_cast %get3A_468 : vector<16xf32> to vector<1x16xf32>
        tpu.vector_store %arg9[%swap3A_469, %swap3A_470], %swap3A_473 {add = true, strides = array<i32>} : memref<40x256xf32, #tpu.memory_space<vmem>>, vector<1x16xf32>,
        %get3A_474 = arith.index_cast %scan3A_358 : i32 to index
        %get3A_475 = arith.constant 208 : index
        %get3A_476 = tpu.vector_load %arg10[%get3A_474, %get3A_475] {strides = array<i32>} : memref<40x256xf32, #tpu.memory_space<vmem>>, vector<1x16xf32>,
        %get3A_477 = vector.shape_cast %get3A_476 : vector<1x16xf32> to vector<16xf32>
        %swap3A_478 = arith.index_cast %scan3A_358 : i32 to index
        %swap3A_479 = arith.constant 208 : index
        %swap3A_480 = tpu.vector_load %arg9[%swap3A_478, %swap3A_479] {strides = array<i32>} : memref<40x256xf32, #tpu.memory_space<vmem>>, vector<1x16xf32>,
        %swap3A_481 = vector.shape_cast %swap3A_480 : vector<1x16xf32> to vector<16xf32>
        %swap3A_482 = vector.shape_cast %get3A_477 : vector<16xf32> to vector<1x16xf32>
        tpu.vector_store %arg9[%swap3A_478, %swap3A_479], %swap3A_482 {add = true, strides = array<i32>} : memref<40x256xf32, #tpu.memory_space<vmem>>, vector<1x16xf32>,
        %get3A_483 = arith.index_cast %scan3A_358 : i32 to index
        %get3A_484 = arith.constant 224 : index
        %get3A_485 = tpu.vector_load %arg10[%get3A_483, %get3A_484] {strides = array<i32>} : memref<40x256xf32, #tpu.memory_space<vmem>>, vector<1x16xf32>,
        %get3A_486 = vector.shape_cast %get3A_485 : vector<1x16xf32> to vector<16xf32>
        %swap3A_487 = arith.index_cast %scan3A_358 : i32 to index
        %swap3A_488 = arith.constant 224 : index
        %swap3A_489 = tpu.vector_load %arg9[%swap3A_487, %swap3A_488] {strides = array<i32>} : memref<40x256xf32, #tpu.memory_space<vmem>>, vector<1x16xf32>,
        %swap3A_490 = vector.shape_cast %swap3A_489 : vector<1x16xf32> to vector<16xf32>
        %swap3A_491 = vector.shape_cast %get3A_486 : vector<16xf32> to vector<1x16xf32>
        tpu.vector_store %arg9[%swap3A_487, %swap3A_488], %swap3A_491 {add = true, strides = array<i32>} : memref<40x256xf32, #tpu.memory_space<vmem>>, vector<1x16xf32>,
        %get3A_492 = arith.index_cast %scan3A_358 : i32 to index
        %get3A_493 = arith.constant 240 : index
        %get3A_494 = tpu.vector_load %arg10[%get3A_492, %get3A_493] {strides = array<i32>} : memref<40x256xf32, #tpu.memory_space<vmem>>, vector<1x16xf32>,
        %get3A_495 = vector.shape_cast %get3A_494 : vector<1x16xf32> to vector<16xf32>
        %swap3A_496 = arith.index_cast %scan3A_358 : i32 to index
        %swap3A_497 = arith.constant 240 : index
        %swap3A_498 = tpu.vector_load %arg9[%swap3A_496, %swap3A_497] {strides = array<i32>} : memref<40x256xf32, #tpu.memory_space<vmem>>, vector<1x16xf32>,
        %swap3A_499 = vector.shape_cast %swap3A_498 : vector<1x16xf32> to vector<16xf32>
        %swap3A_500 = vector.shape_cast %get3A_495 : vector<16xf32> to vector<1x16xf32>
        tpu.vector_store %arg9[%swap3A_496, %swap3A_497], %swap3A_500 {add = true, strides = array<i32>} : memref<40x256xf32, #tpu.memory_space<vmem>>, vector<1x16xf32>,
      }
      %scan3A_248 = arith.constant 40 : i32
      %mul3A_249 = arith.constant 40 : i32
      %mul3A_250 = arith.muli %add3A_226, %mul3A_249 : i32
      %add3A_251 = arith.addi %mul3A_2, %mul3A_250 : i32
      %dma_start3A_252 = arith.constant 0 : i32
      %dma_start3A_253 = tpu.memref_slice %arg6[%add3A_251, %dma_start3A_252] : memref<160000x256xf32, #tpu.memory_space<hbm>> -> memref<40x256xf32, #tpu.memory_space<hbm>>
      %dma_start3A_254 = arith.constant 0 : i32
      %dma_start3A_255 = tpu.memref_slice %arg6[%add3A_251, %dma_start3A_254] : memref<160000x256xf32, #tpu.memory_space<hbm>> -> memref<40x256xf32, #tpu.memory_space<hbm>>
      tpu.enqueue_dma source(%arg9 : memref<40x256xf32, #tpu.memory_space<vmem>>) target(%dma_start3A_255 : memref<40x256xf32, #tpu.memory_space<hbm>>) target_semaphore(%arg21 : memref<!tpu.dma_semaphore, #tpu.memory_space<semaphore_mem>>)
      %add3A_256 = arith.constant 1 : i32
      %add3A_257 = arith.addi %mul3A_224, %add3A_256 : i32
      %add3A_258 = arith.constant 2 : i32
      %add3A_259 = arith.addi %add3A_257, %add3A_258 : i32
      %lt3A_260 = arith.constant 125 : i32
      %lt3A_261 = arith.cmpi slt, %add3A_259, %lt3A_260 : i32
      %convert_element_type3A_262 = arith.extui %lt3A_261 : i1 to i32
      %cond3A_263 = arith.constant 0 : i32
      %cond3A_264 = arith.cmpi ne, %convert_element_type3A_262, %cond3A_263 : i32
      scf.if %cond3A_264 {
        %dma_wait3A_358 = arith.constant 0 : i32
        %dma_wait3A_359 = arith.constant 0 : i32
        %dma_wait3A_360 = tpu.memref_slice %arg6[%dma_wait3A_358, %dma_wait3A_359] : memref<160000x256xf32, #tpu.memory_space<hbm>> -> memref<40x256xf32, #tpu.memory_space<hbm>>
        %dma_wait3A_361 = arith.constant 0 : i32
        %dma_wait3A_362 = arith.constant 0 : i32
        %dma_wait3A_363 = tpu.memref_slice %arg6[%dma_wait3A_361, %dma_wait3A_362] : memref<160000x256xf32, #tpu.memory_space<hbm>> -> memref<40x256xf32, #tpu.memory_space<hbm>>
        tpu.wait_dma2 semaphore(%arg24 : memref<!tpu.dma_semaphore, #tpu.memory_space<semaphore_mem>>) src(%arg15 : memref<40x256xf32, #tpu.memory_space<vmem>>) dst(%dma_wait3A_363 : memref<40x256xf32, #tpu.memory_space<hbm>>)
        %add3A_364 = arith.constant 2 : i32
        %add3A_365 = arith.addi %add3A_257, %add3A_364 : i32
        %mul3A_366 = arith.constant 40 : i32
        %mul3A_367 = arith.muli %add3A_365, %mul3A_366 : i32
        %dma_start3A_368 = tpu.memref_slice %arg7[%mul3A_367] : memref<5000xi32, #tpu.memory_space<vmem>> -> memref<40xi32, #tpu.memory_space<vmem>>
        %dma_start3A_369 = arith.constant 0 : i32
        %dma_start3A_370 = arith.constant 0 : i32
        %dma_start3A_371 = tpu.memref_slice %arg2[%dma_start3A_369, %dma_start3A_370] : memref<10000x256xf32, #tpu.memory_space<hbm>> -> memref<10000x256xf32, #tpu.memory_space<hbm>>
        tpu.enqueue_indirect_dma source(%dma_start3A_371 : memref<10000x256xf32, #tpu.memory_space<hbm>>) target(%arg15 : memref<40x256xf32, #tpu.memory_space<vmem>>) offsets(%dma_start3A_368 : memref<40xi32, #tpu.memory_space<vmem>>) semaphore(%arg20 : memref<!tpu.dma_semaphore, #tpu.memory_space<semaphore_mem>>)
        %dma_start3A_372 = tpu.memref_slice %arg8[%mul3A_367] : memref<5000xi32, #tpu.memory_space<vmem>> -> memref<40xi32, #tpu.memory_space<vmem>>
        %dma_start3A_373 = arith.constant 0 : i32
        %dma_start3A_374 = arith.constant 0 : i32
        %dma_start3A_375 = tpu.memref_slice %arg3[%dma_start3A_373, %dma_start3A_374] : memref<10000x256xf32, #tpu.memory_space<hbm>> -> memref<10000x256xf32, #tpu.memory_space<hbm>>
        tpu.enqueue_indirect_dma source(%dma_start3A_375 : memref<10000x256xf32, #tpu.memory_space<hbm>>) target(%arg16 : memref<40x256xf32, #tpu.memory_space<vmem>>) offsets(%dma_start3A_372 : memref<40xi32, #tpu.memory_space<vmem>>) semaphore(%arg20 : memref<!tpu.dma_semaphore, #tpu.memory_space<semaphore_mem>>)
      } else {
      }
      %dma_wait3A_265 = arith.constant 0 : i32
      %dma_wait3A_266 = arith.constant 0 : i32
      %dma_wait3A_267 = tpu.memref_slice %arg2[%dma_wait3A_265, %dma_wait3A_266] : memref<10000x256xf32, #tpu.memory_space<hbm>> -> memref<40x256xf32, #tpu.memory_space<hbm>>
      %dma_wait3A_268 = arith.constant 0 : i32
      %dma_wait3A_269 = arith.constant 0 : i32
      %dma_wait3A_270 = tpu.memref_slice %arg2[%dma_wait3A_268, %dma_wait3A_269] : memref<10000x256xf32, #tpu.memory_space<hbm>> -> memref<40x256xf32, #tpu.memory_space<hbm>>
      tpu.wait_dma2 semaphore(%arg18 : memref<!tpu.dma_semaphore, #tpu.memory_space<semaphore_mem>>) src(%dma_wait3A_270 : memref<40x256xf32, #tpu.memory_space<hbm>>) dst(%arg11 : memref<40x256xf32, #tpu.memory_space<vmem>>)
      %dma_wait3A_271 = arith.constant 0 : i32
      %dma_wait3A_272 = arith.constant 0 : i32
      %dma_wait3A_273 = tpu.memref_slice %arg3[%dma_wait3A_271, %dma_wait3A_272] : memref<10000x256xf32, #tpu.memory_space<hbm>> -> memref<40x256xf32, #tpu.memory_space<hbm>>
      %dma_wait3A_274 = arith.constant 0 : i32
      %dma_wait3A_275 = arith.constant 0 : i32
      %dma_wait3A_276 = tpu.memref_slice %arg3[%dma_wait3A_274, %dma_wait3A_275] : memref<10000x256xf32, #tpu.memory_space<hbm>> -> memref<40x256xf32, #tpu.memory_space<hbm>>
      tpu.wait_dma2 semaphore(%arg18 : memref<!tpu.dma_semaphore, #tpu.memory_space<semaphore_mem>>) src(%dma_wait3A_276 : memref<40x256xf32, #tpu.memory_space<hbm>>) dst(%arg12 : memref<40x256xf32, #tpu.memory_space<vmem>>)
      %scan3A_277 = arith.constant 0 : i32
      %scan3A_278 = arith.constant 0 : i32
      %scan3A_279 = arith.constant 40 : i32
      %scan3A_280 = arith.addi %scan3A_278, %scan3A_279 : i32
      %scan3A_281 = arith.constant 1 : i32
      scf.for %scan3A_358 = %scan3A_278 to %scan3A_280 step %scan3A_281  : i32 {
        %get3A = arith.index_cast %scan3A_358 : i32 to index
        %get3A_359 = arith.constant 0 : index
        %get3A_360 = tpu.vector_load %arg12[%get3A, %get3A_359] {strides = array<i32>} : memref<40x256xf32, #tpu.memory_space<vmem>>, vector<1x16xf32>,
        %get3A_361 = vector.shape_cast %get3A_360 : vector<1x16xf32> to vector<16xf32>
        %swap3A = arith.index_cast %scan3A_358 : i32 to index
        %swap3A_362 = arith.constant 0 : index
        %swap3A_363 = tpu.vector_load %arg11[%swap3A, %swap3A_362] {strides = array<i32>} : memref<40x256xf32, #tpu.memory_space<vmem>>, vector<1x16xf32>,
        %swap3A_364 = vector.shape_cast %swap3A_363 : vector<1x16xf32> to vector<16xf32>
        %swap3A_365 = vector.shape_cast %get3A_361 : vector<16xf32> to vector<1x16xf32>
        tpu.vector_store %arg11[%swap3A, %swap3A_362], %swap3A_365 {add = true, strides = array<i32>} : memref<40x256xf32, #tpu.memory_space<vmem>>, vector<1x16xf32>,
        %get3A_366 = arith.index_cast %scan3A_358 : i32 to index
        %get3A_367 = arith.constant 16 : index
        %get3A_368 = tpu.vector_load %arg12[%get3A_366, %get3A_367] {strides = array<i32>} : memref<40x256xf32, #tpu.memory_space<vmem>>, vector<1x16xf32>,
        %get3A_369 = vector.shape_cast %get3A_368 : vector<1x16xf32> to vector<16xf32>
        %swap3A_370 = arith.index_cast %scan3A_358 : i32 to index
        %swap3A_371 = arith.constant 16 : index
        %swap3A_372 = tpu.vector_load %arg11[%swap3A_370, %swap3A_371] {strides = array<i32>} : memref<40x256xf32, #tpu.memory_space<vmem>>, vector<1x16xf32>,
        %swap3A_373 = vector.shape_cast %swap3A_372 : vector<1x16xf32> to vector<16xf32>
        %swap3A_374 = vector.shape_cast %get3A_369 : vector<16xf32> to vector<1x16xf32>
        tpu.vector_store %arg11[%swap3A_370, %swap3A_371], %swap3A_374 {add = true, strides = array<i32>} : memref<40x256xf32, #tpu.memory_space<vmem>>, vector<1x16xf32>,
        %get3A_375 = arith.index_cast %scan3A_358 : i32 to index
        %get3A_376 = arith.constant 32 : index
        %get3A_377 = tpu.vector_load %arg12[%get3A_375, %get3A_376] {strides = array<i32>} : memref<40x256xf32, #tpu.memory_space<vmem>>, vector<1x16xf32>,
        %get3A_378 = vector.shape_cast %get3A_377 : vector<1x16xf32> to vector<16xf32>
        %swap3A_379 = arith.index_cast %scan3A_358 : i32 to index
        %swap3A_380 = arith.constant 32 : index
        %swap3A_381 = tpu.vector_load %arg11[%swap3A_379, %swap3A_380] {strides = array<i32>} : memref<40x256xf32, #tpu.memory_space<vmem>>, vector<1x16xf32>,
        %swap3A_382 = vector.shape_cast %swap3A_381 : vector<1x16xf32> to vector<16xf32>
        %swap3A_383 = vector.shape_cast %get3A_378 : vector<16xf32> to vector<1x16xf32>
        tpu.vector_store %arg11[%swap3A_379, %swap3A_380], %swap3A_383 {add = true, strides = array<i32>} : memref<40x256xf32, #tpu.memory_space<vmem>>, vector<1x16xf32>,
        %get3A_384 = arith.index_cast %scan3A_358 : i32 to index
        %get3A_385 = arith.constant 48 : index
        %get3A_386 = tpu.vector_load %arg12[%get3A_384, %get3A_385] {strides = array<i32>} : memref<40x256xf32, #tpu.memory_space<vmem>>, vector<1x16xf32>,
        %get3A_387 = vector.shape_cast %get3A_386 : vector<1x16xf32> to vector<16xf32>
        %swap3A_388 = arith.index_cast %scan3A_358 : i32 to index
        %swap3A_389 = arith.constant 48 : index
        %swap3A_390 = tpu.vector_load %arg11[%swap3A_388, %swap3A_389] {strides = array<i32>} : memref<40x256xf32, #tpu.memory_space<vmem>>, vector<1x16xf32>,
        %swap3A_391 = vector.shape_cast %swap3A_390 : vector<1x16xf32> to vector<16xf32>
        %swap3A_392 = vector.shape_cast %get3A_387 : vector<16xf32> to vector<1x16xf32>
        tpu.vector_store %arg11[%swap3A_388, %swap3A_389], %swap3A_392 {add = true, strides = array<i32>} : memref<40x256xf32, #tpu.memory_space<vmem>>, vector<1x16xf32>,
        %get3A_393 = arith.index_cast %scan3A_358 : i32 to index
        %get3A_394 = arith.constant 64 : index
        %get3A_395 = tpu.vector_load %arg12[%get3A_393, %get3A_394] {strides = array<i32>} : memref<40x256xf32, #tpu.memory_space<vmem>>, vector<1x16xf32>,
        %get3A_396 = vector.shape_cast %get3A_395 : vector<1x16xf32> to vector<16xf32>
        %swap3A_397 = arith.index_cast %scan3A_358 : i32 to index
        %swap3A_398 = arith.constant 64 : index
        %swap3A_399 = tpu.vector_load %arg11[%swap3A_397, %swap3A_398] {strides = array<i32>} : memref<40x256xf32, #tpu.memory_space<vmem>>, vector<1x16xf32>,
        %swap3A_400 = vector.shape_cast %swap3A_399 : vector<1x16xf32> to vector<16xf32>
        %swap3A_401 = vector.shape_cast %get3A_396 : vector<16xf32> to vector<1x16xf32>
        tpu.vector_store %arg11[%swap3A_397, %swap3A_398], %swap3A_401 {add = true, strides = array<i32>} : memref<40x256xf32, #tpu.memory_space<vmem>>, vector<1x16xf32>,
        %get3A_402 = arith.index_cast %scan3A_358 : i32 to index
        %get3A_403 = arith.constant 80 : index
        %get3A_404 = tpu.vector_load %arg12[%get3A_402, %get3A_403] {strides = array<i32>} : memref<40x256xf32, #tpu.memory_space<vmem>>, vector<1x16xf32>,
        %get3A_405 = vector.shape_cast %get3A_404 : vector<1x16xf32> to vector<16xf32>
        %swap3A_406 = arith.index_cast %scan3A_358 : i32 to index
        %swap3A_407 = arith.constant 80 : index
        %swap3A_408 = tpu.vector_load %arg11[%swap3A_406, %swap3A_407] {strides = array<i32>} : memref<40x256xf32, #tpu.memory_space<vmem>>, vector<1x16xf32>,
        %swap3A_409 = vector.shape_cast %swap3A_408 : vector<1x16xf32> to vector<16xf32>
        %swap3A_410 = vector.shape_cast %get3A_405 : vector<16xf32> to vector<1x16xf32>
        tpu.vector_store %arg11[%swap3A_406, %swap3A_407], %swap3A_410 {add = true, strides = array<i32>} : memref<40x256xf32, #tpu.memory_space<vmem>>, vector<1x16xf32>,
        %get3A_411 = arith.index_cast %scan3A_358 : i32 to index
        %get3A_412 = arith.constant 96 : index
        %get3A_413 = tpu.vector_load %arg12[%get3A_411, %get3A_412] {strides = array<i32>} : memref<40x256xf32, #tpu.memory_space<vmem>>, vector<1x16xf32>,
        %get3A_414 = vector.shape_cast %get3A_413 : vector<1x16xf32> to vector<16xf32>
        %swap3A_415 = arith.index_cast %scan3A_358 : i32 to index
        %swap3A_416 = arith.constant 96 : index
        %swap3A_417 = tpu.vector_load %arg11[%swap3A_415, %swap3A_416] {strides = array<i32>} : memref<40x256xf32, #tpu.memory_space<vmem>>, vector<1x16xf32>,
        %swap3A_418 = vector.shape_cast %swap3A_417 : vector<1x16xf32> to vector<16xf32>
        %swap3A_419 = vector.shape_cast %get3A_414 : vector<16xf32> to vector<1x16xf32>
        tpu.vector_store %arg11[%swap3A_415, %swap3A_416], %swap3A_419 {add = true, strides = array<i32>} : memref<40x256xf32, #tpu.memory_space<vmem>>, vector<1x16xf32>,
        %get3A_420 = arith.index_cast %scan3A_358 : i32 to index
        %get3A_421 = arith.constant 112 : index
        %get3A_422 = tpu.vector_load %arg12[%get3A_420, %get3A_421] {strides = array<i32>} : memref<40x256xf32, #tpu.memory_space<vmem>>, vector<1x16xf32>,
        %get3A_423 = vector.shape_cast %get3A_422 : vector<1x16xf32> to vector<16xf32>
        %swap3A_424 = arith.index_cast %scan3A_358 : i32 to index
        %swap3A_425 = arith.constant 112 : index
        %swap3A_426 = tpu.vector_load %arg11[%swap3A_424, %swap3A_425] {strides = array<i32>} : memref<40x256xf32, #tpu.memory_space<vmem>>, vector<1x16xf32>,
        %swap3A_427 = vector.shape_cast %swap3A_426 : vector<1x16xf32> to vector<16xf32>
        %swap3A_428 = vector.shape_cast %get3A_423 : vector<16xf32> to vector<1x16xf32>
        tpu.vector_store %arg11[%swap3A_424, %swap3A_425], %swap3A_428 {add = true, strides = array<i32>} : memref<40x256xf32, #tpu.memory_space<vmem>>, vector<1x16xf32>,
        %get3A_429 = arith.index_cast %scan3A_358 : i32 to index
        %get3A_430 = arith.constant 128 : index
        %get3A_431 = tpu.vector_load %arg12[%get3A_429, %get3A_430] {strides = array<i32>} : memref<40x256xf32, #tpu.memory_space<vmem>>, vector<1x16xf32>,
        %get3A_432 = vector.shape_cast %get3A_431 : vector<1x16xf32> to vector<16xf32>
        %swap3A_433 = arith.index_cast %scan3A_358 : i32 to index
        %swap3A_434 = arith.constant 128 : index
        %swap3A_435 = tpu.vector_load %arg11[%swap3A_433, %swap3A_434] {strides = array<i32>} : memref<40x256xf32, #tpu.memory_space<vmem>>, vector<1x16xf32>,
        %swap3A_436 = vector.shape_cast %swap3A_435 : vector<1x16xf32> to vector<16xf32>
        %swap3A_437 = vector.shape_cast %get3A_432 : vector<16xf32> to vector<1x16xf32>
        tpu.vector_store %arg11[%swap3A_433, %swap3A_434], %swap3A_437 {add = true, strides = array<i32>} : memref<40x256xf32, #tpu.memory_space<vmem>>, vector<1x16xf32>,
        %get3A_438 = arith.index_cast %scan3A_358 : i32 to index
        %get3A_439 = arith.constant 144 : index
        %get3A_440 = tpu.vector_load %arg12[%get3A_438, %get3A_439] {strides = array<i32>} : memref<40x256xf32, #tpu.memory_space<vmem>>, vector<1x16xf32>,
        %get3A_441 = vector.shape_cast %get3A_440 : vector<1x16xf32> to vector<16xf32>
        %swap3A_442 = arith.index_cast %scan3A_358 : i32 to index
        %swap3A_443 = arith.constant 144 : index
        %swap3A_444 = tpu.vector_load %arg11[%swap3A_442, %swap3A_443] {strides = array<i32>} : memref<40x256xf32, #tpu.memory_space<vmem>>, vector<1x16xf32>,
        %swap3A_445 = vector.shape_cast %swap3A_444 : vector<1x16xf32> to vector<16xf32>
        %swap3A_446 = vector.shape_cast %get3A_441 : vector<16xf32> to vector<1x16xf32>
        tpu.vector_store %arg11[%swap3A_442, %swap3A_443], %swap3A_446 {add = true, strides = array<i32>} : memref<40x256xf32, #tpu.memory_space<vmem>>, vector<1x16xf32>,
        %get3A_447 = arith.index_cast %scan3A_358 : i32 to index
        %get3A_448 = arith.constant 160 : index
        %get3A_449 = tpu.vector_load %arg12[%get3A_447, %get3A_448] {strides = array<i32>} : memref<40x256xf32, #tpu.memory_space<vmem>>, vector<1x16xf32>,
        %get3A_450 = vector.shape_cast %get3A_449 : vector<1x16xf32> to vector<16xf32>
        %swap3A_451 = arith.index_cast %scan3A_358 : i32 to index
        %swap3A_452 = arith.constant 160 : index
        %swap3A_453 = tpu.vector_load %arg11[%swap3A_451, %swap3A_452] {strides = array<i32>} : memref<40x256xf32, #tpu.memory_space<vmem>>, vector<1x16xf32>,
        %swap3A_454 = vector.shape_cast %swap3A_453 : vector<1x16xf32> to vector<16xf32>
        %swap3A_455 = vector.shape_cast %get3A_450 : vector<16xf32> to vector<1x16xf32>
        tpu.vector_store %arg11[%swap3A_451, %swap3A_452], %swap3A_455 {add = true, strides = array<i32>} : memref<40x256xf32, #tpu.memory_space<vmem>>, vector<1x16xf32>,
        %get3A_456 = arith.index_cast %scan3A_358 : i32 to index
        %get3A_457 = arith.constant 176 : index
        %get3A_458 = tpu.vector_load %arg12[%get3A_456, %get3A_457] {strides = array<i32>} : memref<40x256xf32, #tpu.memory_space<vmem>>, vector<1x16xf32>,
        %get3A_459 = vector.shape_cast %get3A_458 : vector<1x16xf32> to vector<16xf32>
        %swap3A_460 = arith.index_cast %scan3A_358 : i32 to index
        %swap3A_461 = arith.constant 176 : index
        %swap3A_462 = tpu.vector_load %arg11[%swap3A_460, %swap3A_461] {strides = array<i32>} : memref<40x256xf32, #tpu.memory_space<vmem>>, vector<1x16xf32>,
        %swap3A_463 = vector.shape_cast %swap3A_462 : vector<1x16xf32> to vector<16xf32>
        %swap3A_464 = vector.shape_cast %get3A_459 : vector<16xf32> to vector<1x16xf32>
        tpu.vector_store %arg11[%swap3A_460, %swap3A_461], %swap3A_464 {add = true, strides = array<i32>} : memref<40x256xf32, #tpu.memory_space<vmem>>, vector<1x16xf32>,
        %get3A_465 = arith.index_cast %scan3A_358 : i32 to index
        %get3A_466 = arith.constant 192 : index
        %get3A_467 = tpu.vector_load %arg12[%get3A_465, %get3A_466] {strides = array<i32>} : memref<40x256xf32, #tpu.memory_space<vmem>>, vector<1x16xf32>,
        %get3A_468 = vector.shape_cast %get3A_467 : vector<1x16xf32> to vector<16xf32>
        %swap3A_469 = arith.index_cast %scan3A_358 : i32 to index
        %swap3A_470 = arith.constant 192 : index
        %swap3A_471 = tpu.vector_load %arg11[%swap3A_469, %swap3A_470] {strides = array<i32>} : memref<40x256xf32, #tpu.memory_space<vmem>>, vector<1x16xf32>,
        %swap3A_472 = vector.shape_cast %swap3A_471 : vector<1x16xf32> to vector<16xf32>
        %swap3A_473 = vector.shape_cast %get3A_468 : vector<16xf32> to vector<1x16xf32>
        tpu.vector_store %arg11[%swap3A_469, %swap3A_470], %swap3A_473 {add = true, strides = array<i32>} : memref<40x256xf32, #tpu.memory_space<vmem>>, vector<1x16xf32>,
        %get3A_474 = arith.index_cast %scan3A_358 : i32 to index
        %get3A_475 = arith.constant 208 : index
        %get3A_476 = tpu.vector_load %arg12[%get3A_474, %get3A_475] {strides = array<i32>} : memref<40x256xf32, #tpu.memory_space<vmem>>, vector<1x16xf32>,
        %get3A_477 = vector.shape_cast %get3A_476 : vector<1x16xf32> to vector<16xf32>
        %swap3A_478 = arith.index_cast %scan3A_358 : i32 to index
        %swap3A_479 = arith.constant 208 : index
        %swap3A_480 = tpu.vector_load %arg11[%swap3A_478, %swap3A_479] {strides = array<i32>} : memref<40x256xf32, #tpu.memory_space<vmem>>, vector<1x16xf32>,
        %swap3A_481 = vector.shape_cast %swap3A_480 : vector<1x16xf32> to vector<16xf32>
        %swap3A_482 = vector.shape_cast %get3A_477 : vector<16xf32> to vector<1x16xf32>
        tpu.vector_store %arg11[%swap3A_478, %swap3A_479], %swap3A_482 {add = true, strides = array<i32>} : memref<40x256xf32, #tpu.memory_space<vmem>>, vector<1x16xf32>,
        %get3A_483 = arith.index_cast %scan3A_358 : i32 to index
        %get3A_484 = arith.constant 224 : index
        %get3A_485 = tpu.vector_load %arg12[%get3A_483, %get3A_484] {strides = array<i32>} : memref<40x256xf32, #tpu.memory_space<vmem>>, vector<1x16xf32>,
        %get3A_486 = vector.shape_cast %get3A_485 : vector<1x16xf32> to vector<16xf32>
        %swap3A_487 = arith.index_cast %scan3A_358 : i32 to index
        %swap3A_488 = arith.constant 224 : index
        %swap3A_489 = tpu.vector_load %arg11[%swap3A_487, %swap3A_488] {strides = array<i32>} : memref<40x256xf32, #tpu.memory_space<vmem>>, vector<1x16xf32>,
        %swap3A_490 = vector.shape_cast %swap3A_489 : vector<1x16xf32> to vector<16xf32>
        %swap3A_491 = vector.shape_cast %get3A_486 : vector<16xf32> to vector<1x16xf32>
        tpu.vector_store %arg11[%swap3A_487, %swap3A_488], %swap3A_491 {add = true, strides = array<i32>} : memref<40x256xf32, #tpu.memory_space<vmem>>, vector<1x16xf32>,
        %get3A_492 = arith.index_cast %scan3A_358 : i32 to index
        %get3A_493 = arith.constant 240 : index
        %get3A_494 = tpu.vector_load %arg12[%get3A_492, %get3A_493] {strides = array<i32>} : memref<40x256xf32, #tpu.memory_space<vmem>>, vector<1x16xf32>,
        %get3A_495 = vector.shape_cast %get3A_494 : vector<1x16xf32> to vector<16xf32>
        %swap3A_496 = arith.index_cast %scan3A_358 : i32 to index
        %swap3A_497 = arith.constant 240 : index
        %swap3A_498 = tpu.vector_load %arg11[%swap3A_496, %swap3A_497] {strides = array<i32>} : memref<40x256xf32, #tpu.memory_space<vmem>>, vector<1x16xf32>,
        %swap3A_499 = vector.shape_cast %swap3A_498 : vector<1x16xf32> to vector<16xf32>
        %swap3A_500 = vector.shape_cast %get3A_495 : vector<16xf32> to vector<1x16xf32>
        tpu.vector_store %arg11[%swap3A_496, %swap3A_497], %swap3A_500 {add = true, strides = array<i32>} : memref<40x256xf32, #tpu.memory_space<vmem>>, vector<1x16xf32>,
      }
      %scan3A_282 = arith.constant 40 : i32
      %mul3A_283 = arith.constant 40 : i32
      %mul3A_284 = arith.muli %add3A_257, %mul3A_283 : i32
      %add3A_285 = arith.addi %mul3A_2, %mul3A_284 : i32
      %dma_start3A_286 = arith.constant 0 : i32
      %dma_start3A_287 = tpu.memref_slice %arg6[%add3A_285, %dma_start3A_286] : memref<160000x256xf32, #tpu.memory_space<hbm>> -> memref<40x256xf32, #tpu.memory_space<hbm>>
      %dma_start3A_288 = arith.constant 0 : i32
      %dma_start3A_289 = tpu.memref_slice %arg6[%add3A_285, %dma_start3A_288] : memref<160000x256xf32, #tpu.memory_space<hbm>> -> memref<40x256xf32, #tpu.memory_space<hbm>>
      tpu.enqueue_dma source(%arg11 : memref<40x256xf32, #tpu.memory_space<vmem>>) target(%dma_start3A_289 : memref<40x256xf32, #tpu.memory_space<hbm>>) target_semaphore(%arg22 : memref<!tpu.dma_semaphore, #tpu.memory_space<semaphore_mem>>)
      %add3A_290 = arith.constant 2 : i32
      %add3A_291 = arith.addi %mul3A_224, %add3A_290 : i32
      %add3A_292 = arith.constant 2 : i32
      %add3A_293 = arith.addi %add3A_291, %add3A_292 : i32
      %lt3A_294 = arith.constant 125 : i32
      %lt3A_295 = arith.cmpi slt, %add3A_293, %lt3A_294 : i32
      %convert_element_type3A_296 = arith.extui %lt3A_295 : i1 to i32
      %cond3A_297 = arith.constant 0 : i32
      %cond3A_298 = arith.cmpi ne, %convert_element_type3A_296, %cond3A_297 : i32
      scf.if %cond3A_298 {
        %dma_wait3A_358 = arith.constant 0 : i32
        %dma_wait3A_359 = arith.constant 0 : i32
        %dma_wait3A_360 = tpu.memref_slice %arg6[%dma_wait3A_358, %dma_wait3A_359] : memref<160000x256xf32, #tpu.memory_space<hbm>> -> memref<40x256xf32, #tpu.memory_space<hbm>>
        %dma_wait3A_361 = arith.constant 0 : i32
        %dma_wait3A_362 = arith.constant 0 : i32
        %dma_wait3A_363 = tpu.memref_slice %arg6[%dma_wait3A_361, %dma_wait3A_362] : memref<160000x256xf32, #tpu.memory_space<hbm>> -> memref<40x256xf32, #tpu.memory_space<hbm>>
        tpu.wait_dma2 semaphore(%arg21 : memref<!tpu.dma_semaphore, #tpu.memory_space<semaphore_mem>>) src(%arg9 : memref<40x256xf32, #tpu.memory_space<vmem>>) dst(%dma_wait3A_363 : memref<40x256xf32, #tpu.memory_space<hbm>>)
        %add3A_364 = arith.constant 2 : i32
        %add3A_365 = arith.addi %add3A_291, %add3A_364 : i32
        %mul3A_366 = arith.constant 40 : i32
        %mul3A_367 = arith.muli %add3A_365, %mul3A_366 : i32
        %dma_start3A_368 = tpu.memref_slice %arg7[%mul3A_367] : memref<5000xi32, #tpu.memory_space<vmem>> -> memref<40xi32, #tpu.memory_space<vmem>>
        %dma_start3A_369 = arith.constant 0 : i32
        %dma_start3A_370 = arith.constant 0 : i32
        %dma_start3A_371 = tpu.memref_slice %arg2[%dma_start3A_369, %dma_start3A_370] : memref<10000x256xf32, #tpu.memory_space<hbm>> -> memref<10000x256xf32, #tpu.memory_space<hbm>>
        tpu.enqueue_indirect_dma source(%dma_start3A_371 : memref<10000x256xf32, #tpu.memory_space<hbm>>) target(%arg9 : memref<40x256xf32, #tpu.memory_space<vmem>>) offsets(%dma_start3A_368 : memref<40xi32, #tpu.memory_space<vmem>>) semaphore(%arg17 : memref<!tpu.dma_semaphore, #tpu.memory_space<semaphore_mem>>)
        %dma_start3A_372 = tpu.memref_slice %arg8[%mul3A_367] : memref<5000xi32, #tpu.memory_space<vmem>> -> memref<40xi32, #tpu.memory_space<vmem>>
        %dma_start3A_373 = arith.constant 0 : i32
        %dma_start3A_374 = arith.constant 0 : i32
        %dma_start3A_375 = tpu.memref_slice %arg3[%dma_start3A_373, %dma_start3A_374] : memref<10000x256xf32, #tpu.memory_space<hbm>> -> memref<10000x256xf32, #tpu.memory_space<hbm>>
        tpu.enqueue_indirect_dma source(%dma_start3A_375 : memref<10000x256xf32, #tpu.memory_space<hbm>>) target(%arg10 : memref<40x256xf32, #tpu.memory_space<vmem>>) offsets(%dma_start3A_372 : memref<40xi32, #tpu.memory_space<vmem>>) semaphore(%arg17 : memref<!tpu.dma_semaphore, #tpu.memory_space<semaphore_mem>>)
      } else {
      }
      %dma_wait3A_299 = arith.constant 0 : i32
      %dma_wait3A_300 = arith.constant 0 : i32
      %dma_wait3A_301 = tpu.memref_slice %arg2[%dma_wait3A_299, %dma_wait3A_300] : memref<10000x256xf32, #tpu.memory_space<hbm>> -> memref<40x256xf32, #tpu.memory_space<hbm>>
      %dma_wait3A_302 = arith.constant 0 : i32
      %dma_wait3A_303 = arith.constant 0 : i32
      %dma_wait3A_304 = tpu.memref_slice %arg2[%dma_wait3A_302, %dma_wait3A_303] : memref<10000x256xf32, #tpu.memory_space<hbm>> -> memref<40x256xf32, #tpu.memory_space<hbm>>
      tpu.wait_dma2 semaphore(%arg19 : memref<!tpu.dma_semaphore, #tpu.memory_space<semaphore_mem>>) src(%dma_wait3A_304 : memref<40x256xf32, #tpu.memory_space<hbm>>) dst(%arg13 : memref<40x256xf32, #tpu.memory_space<vmem>>)
      %dma_wait3A_305 = arith.constant 0 : i32
      %dma_wait3A_306 = arith.constant 0 : i32
      %dma_wait3A_307 = tpu.memref_slice %arg3[%dma_wait3A_305, %dma_wait3A_306] : memref<10000x256xf32, #tpu.memory_space<hbm>> -> memref<40x256xf32, #tpu.memory_space<hbm>>
      %dma_wait3A_308 = arith.constant 0 : i32
      %dma_wait3A_309 = arith.constant 0 : i32
      %dma_wait3A_310 = tpu.memref_slice %arg3[%dma_wait3A_308, %dma_wait3A_309] : memref<10000x256xf32, #tpu.memory_space<hbm>> -> memref<40x256xf32, #tpu.memory_space<hbm>>
      tpu.wait_dma2 semaphore(%arg19 : memref<!tpu.dma_semaphore, #tpu.memory_space<semaphore_mem>>) src(%dma_wait3A_310 : memref<40x256xf32, #tpu.memory_space<hbm>>) dst(%arg14 : memref<40x256xf32, #tpu.memory_space<vmem>>)
      %scan3A_311 = arith.constant 0 : i32
      %scan3A_312 = arith.constant 0 : i32
      %scan3A_313 = arith.constant 40 : i32
      %scan3A_314 = arith.addi %scan3A_312, %scan3A_313 : i32
      %scan3A_315 = arith.constant 1 : i32
      scf.for %scan3A_358 = %scan3A_312 to %scan3A_314 step %scan3A_315  : i32 {
        %get3A = arith.index_cast %scan3A_358 : i32 to index
        %get3A_359 = arith.constant 0 : index
        %get3A_360 = tpu.vector_load %arg14[%get3A, %get3A_359] {strides = array<i32>} : memref<40x256xf32, #tpu.memory_space<vmem>>, vector<1x16xf32>,
        %get3A_361 = vector.shape_cast %get3A_360 : vector<1x16xf32> to vector<16xf32>
        %swap3A = arith.index_cast %scan3A_358 : i32 to index
        %swap3A_362 = arith.constant 0 : index
        %swap3A_363 = tpu.vector_load %arg13[%swap3A, %swap3A_362] {strides = array<i32>} : memref<40x256xf32, #tpu.memory_space<vmem>>, vector<1x16xf32>,
        %swap3A_364 = vector.shape_cast %swap3A_363 : vector<1x16xf32> to vector<16xf32>
        %swap3A_365 = vector.shape_cast %get3A_361 : vector<16xf32> to vector<1x16xf32>
        tpu.vector_store %arg13[%swap3A, %swap3A_362], %swap3A_365 {add = true, strides = array<i32>} : memref<40x256xf32, #tpu.memory_space<vmem>>, vector<1x16xf32>,
        %get3A_366 = arith.index_cast %scan3A_358 : i32 to index
        %get3A_367 = arith.constant 16 : index
        %get3A_368 = tpu.vector_load %arg14[%get3A_366, %get3A_367] {strides = array<i32>} : memref<40x256xf32, #tpu.memory_space<vmem>>, vector<1x16xf32>,
        %get3A_369 = vector.shape_cast %get3A_368 : vector<1x16xf32> to vector<16xf32>
        %swap3A_370 = arith.index_cast %scan3A_358 : i32 to index
        %swap3A_371 = arith.constant 16 : index
        %swap3A_372 = tpu.vector_load %arg13[%swap3A_370, %swap3A_371] {strides = array<i32>} : memref<40x256xf32, #tpu.memory_space<vmem>>, vector<1x16xf32>,
        %swap3A_373 = vector.shape_cast %swap3A_372 : vector<1x16xf32> to vector<16xf32>
        %swap3A_374 = vector.shape_cast %get3A_369 : vector<16xf32> to vector<1x16xf32>
        tpu.vector_store %arg13[%swap3A_370, %swap3A_371], %swap3A_374 {add = true, strides = array<i32>} : memref<40x256xf32, #tpu.memory_space<vmem>>, vector<1x16xf32>,
        %get3A_375 = arith.index_cast %scan3A_358 : i32 to index
        %get3A_376 = arith.constant 32 : index
        %get3A_377 = tpu.vector_load %arg14[%get3A_375, %get3A_376] {strides = array<i32>} : memref<40x256xf32, #tpu.memory_space<vmem>>, vector<1x16xf32>,
        %get3A_378 = vector.shape_cast %get3A_377 : vector<1x16xf32> to vector<16xf32>
        %swap3A_379 = arith.index_cast %scan3A_358 : i32 to index
        %swap3A_380 = arith.constant 32 : index
        %swap3A_381 = tpu.vector_load %arg13[%swap3A_379, %swap3A_380] {strides = array<i32>} : memref<40x256xf32, #tpu.memory_space<vmem>>, vector<1x16xf32>,
        %swap3A_382 = vector.shape_cast %swap3A_381 : vector<1x16xf32> to vector<16xf32>
        %swap3A_383 = vector.shape_cast %get3A_378 : vector<16xf32> to vector<1x16xf32>
        tpu.vector_store %arg13[%swap3A_379, %swap3A_380], %swap3A_383 {add = true, strides = array<i32>} : memref<40x256xf32, #tpu.memory_space<vmem>>, vector<1x16xf32>,
        %get3A_384 = arith.index_cast %scan3A_358 : i32 to index
        %get3A_385 = arith.constant 48 : index
        %get3A_386 = tpu.vector_load %arg14[%get3A_384, %get3A_385] {strides = array<i32>} : memref<40x256xf32, #tpu.memory_space<vmem>>, vector<1x16xf32>,
        %get3A_387 = vector.shape_cast %get3A_386 : vector<1x16xf32> to vector<16xf32>
        %swap3A_388 = arith.index_cast %scan3A_358 : i32 to index
        %swap3A_389 = arith.constant 48 : index
        %swap3A_390 = tpu.vector_load %arg13[%swap3A_388, %swap3A_389] {strides = array<i32>} : memref<40x256xf32, #tpu.memory_space<vmem>>, vector<1x16xf32>,
        %swap3A_391 = vector.shape_cast %swap3A_390 : vector<1x16xf32> to vector<16xf32>
        %swap3A_392 = vector.shape_cast %get3A_387 : vector<16xf32> to vector<1x16xf32>
        tpu.vector_store %arg13[%swap3A_388, %swap3A_389], %swap3A_392 {add = true, strides = array<i32>} : memref<40x256xf32, #tpu.memory_space<vmem>>, vector<1x16xf32>,
        %get3A_393 = arith.index_cast %scan3A_358 : i32 to index
        %get3A_394 = arith.constant 64 : index
        %get3A_395 = tpu.vector_load %arg14[%get3A_393, %get3A_394] {strides = array<i32>} : memref<40x256xf32, #tpu.memory_space<vmem>>, vector<1x16xf32>,
        %get3A_396 = vector.shape_cast %get3A_395 : vector<1x16xf32> to vector<16xf32>
        %swap3A_397 = arith.index_cast %scan3A_358 : i32 to index
        %swap3A_398 = arith.constant 64 : index
        %swap3A_399 = tpu.vector_load %arg13[%swap3A_397, %swap3A_398] {strides = array<i32>} : memref<40x256xf32, #tpu.memory_space<vmem>>, vector<1x16xf32>,
        %swap3A_400 = vector.shape_cast %swap3A_399 : vector<1x16xf32> to vector<16xf32>
        %swap3A_401 = vector.shape_cast %get3A_396 : vector<16xf32> to vector<1x16xf32>
        tpu.vector_store %arg13[%swap3A_397, %swap3A_398], %swap3A_401 {add = true, strides = array<i32>} : memref<40x256xf32, #tpu.memory_space<vmem>>, vector<1x16xf32>,
        %get3A_402 = arith.index_cast %scan3A_358 : i32 to index
        %get3A_403 = arith.constant 80 : index
        %get3A_404 = tpu.vector_load %arg14[%get3A_402, %get3A_403] {strides = array<i32>} : memref<40x256xf32, #tpu.memory_space<vmem>>, vector<1x16xf32>,
        %get3A_405 = vector.shape_cast %get3A_404 : vector<1x16xf32> to vector<16xf32>
        %swap3A_406 = arith.index_cast %scan3A_358 : i32 to index
        %swap3A_407 = arith.constant 80 : index
        %swap3A_408 = tpu.vector_load %arg13[%swap3A_406, %swap3A_407] {strides = array<i32>} : memref<40x256xf32, #tpu.memory_space<vmem>>, vector<1x16xf32>,
        %swap3A_409 = vector.shape_cast %swap3A_408 : vector<1x16xf32> to vector<16xf32>
        %swap3A_410 = vector.shape_cast %get3A_405 : vector<16xf32> to vector<1x16xf32>
        tpu.vector_store %arg13[%swap3A_406, %swap3A_407], %swap3A_410 {add = true, strides = array<i32>} : memref<40x256xf32, #tpu.memory_space<vmem>>, vector<1x16xf32>,
        %get3A_411 = arith.index_cast %scan3A_358 : i32 to index
        %get3A_412 = arith.constant 96 : index
        %get3A_413 = tpu.vector_load %arg14[%get3A_411, %get3A_412] {strides = array<i32>} : memref<40x256xf32, #tpu.memory_space<vmem>>, vector<1x16xf32>,
        %get3A_414 = vector.shape_cast %get3A_413 : vector<1x16xf32> to vector<16xf32>
        %swap3A_415 = arith.index_cast %scan3A_358 : i32 to index
        %swap3A_416 = arith.constant 96 : index
        %swap3A_417 = tpu.vector_load %arg13[%swap3A_415, %swap3A_416] {strides = array<i32>} : memref<40x256xf32, #tpu.memory_space<vmem>>, vector<1x16xf32>,
        %swap3A_418 = vector.shape_cast %swap3A_417 : vector<1x16xf32> to vector<16xf32>
        %swap3A_419 = vector.shape_cast %get3A_414 : vector<16xf32> to vector<1x16xf32>
        tpu.vector_store %arg13[%swap3A_415, %swap3A_416], %swap3A_419 {add = true, strides = array<i32>} : memref<40x256xf32, #tpu.memory_space<vmem>>, vector<1x16xf32>,
        %get3A_420 = arith.index_cast %scan3A_358 : i32 to index
        %get3A_421 = arith.constant 112 : index
        %get3A_422 = tpu.vector_load %arg14[%get3A_420, %get3A_421] {strides = array<i32>} : memref<40x256xf32, #tpu.memory_space<vmem>>, vector<1x16xf32>,
        %get3A_423 = vector.shape_cast %get3A_422 : vector<1x16xf32> to vector<16xf32>
        %swap3A_424 = arith.index_cast %scan3A_358 : i32 to index
        %swap3A_425 = arith.constant 112 : index
        %swap3A_426 = tpu.vector_load %arg13[%swap3A_424, %swap3A_425] {strides = array<i32>} : memref<40x256xf32, #tpu.memory_space<vmem>>, vector<1x16xf32>,
        %swap3A_427 = vector.shape_cast %swap3A_426 : vector<1x16xf32> to vector<16xf32>
        %swap3A_428 = vector.shape_cast %get3A_423 : vector<16xf32> to vector<1x16xf32>
        tpu.vector_store %arg13[%swap3A_424, %swap3A_425], %swap3A_428 {add = true, strides = array<i32>} : memref<40x256xf32, #tpu.memory_space<vmem>>, vector<1x16xf32>,
        %get3A_429 = arith.index_cast %scan3A_358 : i32 to index
        %get3A_430 = arith.constant 128 : index
        %get3A_431 = tpu.vector_load %arg14[%get3A_429, %get3A_430] {strides = array<i32>} : memref<40x256xf32, #tpu.memory_space<vmem>>, vector<1x16xf32>,
        %get3A_432 = vector.shape_cast %get3A_431 : vector<1x16xf32> to vector<16xf32>
        %swap3A_433 = arith.index_cast %scan3A_358 : i32 to index
        %swap3A_434 = arith.constant 128 : index
        %swap3A_435 = tpu.vector_load %arg13[%swap3A_433, %swap3A_434] {strides = array<i32>} : memref<40x256xf32, #tpu.memory_space<vmem>>, vector<1x16xf32>,
        %swap3A_436 = vector.shape_cast %swap3A_435 : vector<1x16xf32> to vector<16xf32>
        %swap3A_437 = vector.shape_cast %get3A_432 : vector<16xf32> to vector<1x16xf32>
        tpu.vector_store %arg13[%swap3A_433, %swap3A_434], %swap3A_437 {add = true, strides = array<i32>} : memref<40x256xf32, #tpu.memory_space<vmem>>, vector<1x16xf32>,
        %get3A_438 = arith.index_cast %scan3A_358 : i32 to index
        %get3A_439 = arith.constant 144 : index
        %get3A_440 = tpu.vector_load %arg14[%get3A_438, %get3A_439] {strides = array<i32>} : memref<40x256xf32, #tpu.memory_space<vmem>>, vector<1x16xf32>,
        %get3A_441 = vector.shape_cast %get3A_440 : vector<1x16xf32> to vector<16xf32>
        %swap3A_442 = arith.index_cast %scan3A_358 : i32 to index
        %swap3A_443 = arith.constant 144 : index
        %swap3A_444 = tpu.vector_load %arg13[%swap3A_442, %swap3A_443] {strides = array<i32>} : memref<40x256xf32, #tpu.memory_space<vmem>>, vector<1x16xf32>,
        %swap3A_445 = vector.shape_cast %swap3A_444 : vector<1x16xf32> to vector<16xf32>
        %swap3A_446 = vector.shape_cast %get3A_441 : vector<16xf32> to vector<1x16xf32>
        tpu.vector_store %arg13[%swap3A_442, %swap3A_443], %swap3A_446 {add = true, strides = array<i32>} : memref<40x256xf32, #tpu.memory_space<vmem>>, vector<1x16xf32>,
        %get3A_447 = arith.index_cast %scan3A_358 : i32 to index
        %get3A_448 = arith.constant 160 : index
        %get3A_449 = tpu.vector_load %arg14[%get3A_447, %get3A_448] {strides = array<i32>} : memref<40x256xf32, #tpu.memory_space<vmem>>, vector<1x16xf32>,
        %get3A_450 = vector.shape_cast %get3A_449 : vector<1x16xf32> to vector<16xf32>
        %swap3A_451 = arith.index_cast %scan3A_358 : i32 to index
        %swap3A_452 = arith.constant 160 : index
        %swap3A_453 = tpu.vector_load %arg13[%swap3A_451, %swap3A_452] {strides = array<i32>} : memref<40x256xf32, #tpu.memory_space<vmem>>, vector<1x16xf32>,
        %swap3A_454 = vector.shape_cast %swap3A_453 : vector<1x16xf32> to vector<16xf32>
        %swap3A_455 = vector.shape_cast %get3A_450 : vector<16xf32> to vector<1x16xf32>
        tpu.vector_store %arg13[%swap3A_451, %swap3A_452], %swap3A_455 {add = true, strides = array<i32>} : memref<40x256xf32, #tpu.memory_space<vmem>>, vector<1x16xf32>,
        %get3A_456 = arith.index_cast %scan3A_358 : i32 to index
        %get3A_457 = arith.constant 176 : index
        %get3A_458 = tpu.vector_load %arg14[%get3A_456, %get3A_457] {strides = array<i32>} : memref<40x256xf32, #tpu.memory_space<vmem>>, vector<1x16xf32>,
        %get3A_459 = vector.shape_cast %get3A_458 : vector<1x16xf32> to vector<16xf32>
        %swap3A_460 = arith.index_cast %scan3A_358 : i32 to index
        %swap3A_461 = arith.constant 176 : index
        %swap3A_462 = tpu.vector_load %arg13[%swap3A_460, %swap3A_461] {strides = array<i32>} : memref<40x256xf32, #tpu.memory_space<vmem>>, vector<1x16xf32>,
        %swap3A_463 = vector.shape_cast %swap3A_462 : vector<1x16xf32> to vector<16xf32>
        %swap3A_464 = vector.shape_cast %get3A_459 : vector<16xf32> to vector<1x16xf32>
        tpu.vector_store %arg13[%swap3A_460, %swap3A_461], %swap3A_464 {add = true, strides = array<i32>} : memref<40x256xf32, #tpu.memory_space<vmem>>, vector<1x16xf32>,
        %get3A_465 = arith.index_cast %scan3A_358 : i32 to index
        %get3A_466 = arith.constant 192 : index
        %get3A_467 = tpu.vector_load %arg14[%get3A_465, %get3A_466] {strides = array<i32>} : memref<40x256xf32, #tpu.memory_space<vmem>>, vector<1x16xf32>,
        %get3A_468 = vector.shape_cast %get3A_467 : vector<1x16xf32> to vector<16xf32>
        %swap3A_469 = arith.index_cast %scan3A_358 : i32 to index
        %swap3A_470 = arith.constant 192 : index
        %swap3A_471 = tpu.vector_load %arg13[%swap3A_469, %swap3A_470] {strides = array<i32>} : memref<40x256xf32, #tpu.memory_space<vmem>>, vector<1x16xf32>,
        %swap3A_472 = vector.shape_cast %swap3A_471 : vector<1x16xf32> to vector<16xf32>
        %swap3A_473 = vector.shape_cast %get3A_468 : vector<16xf32> to vector<1x16xf32>
        tpu.vector_store %arg13[%swap3A_469, %swap3A_470], %swap3A_473 {add = true, strides = array<i32>} : memref<40x256xf32, #tpu.memory_space<vmem>>, vector<1x16xf32>,
        %get3A_474 = arith.index_cast %scan3A_358 : i32 to index
        %get3A_475 = arith.constant 208 : index
        %get3A_476 = tpu.vector_load %arg14[%get3A_474, %get3A_475] {strides = array<i32>} : memref<40x256xf32, #tpu.memory_space<vmem>>, vector<1x16xf32>,
        %get3A_477 = vector.shape_cast %get3A_476 : vector<1x16xf32> to vector<16xf32>
        %swap3A_478 = arith.index_cast %scan3A_358 : i32 to index
        %swap3A_479 = arith.constant 208 : index
        %swap3A_480 = tpu.vector_load %arg13[%swap3A_478, %swap3A_479] {strides = array<i32>} : memref<40x256xf32, #tpu.memory_space<vmem>>, vector<1x16xf32>,
        %swap3A_481 = vector.shape_cast %swap3A_480 : vector<1x16xf32> to vector<16xf32>
        %swap3A_482 = vector.shape_cast %get3A_477 : vector<16xf32> to vector<1x16xf32>
        tpu.vector_store %arg13[%swap3A_478, %swap3A_479], %swap3A_482 {add = true, strides = array<i32>} : memref<40x256xf32, #tpu.memory_space<vmem>>, vector<1x16xf32>,
        %get3A_483 = arith.index_cast %scan3A_358 : i32 to index
        %get3A_484 = arith.constant 224 : index
        %get3A_485 = tpu.vector_load %arg14[%get3A_483, %get3A_484] {strides = array<i32>} : memref<40x256xf32, #tpu.memory_space<vmem>>, vector<1x16xf32>,
        %get3A_486 = vector.shape_cast %get3A_485 : vector<1x16xf32> to vector<16xf32>
        %swap3A_487 = arith.index_cast %scan3A_358 : i32 to index
        %swap3A_488 = arith.constant 224 : index
        %swap3A_489 = tpu.vector_load %arg13[%swap3A_487, %swap3A_488] {strides = array<i32>} : memref<40x256xf32, #tpu.memory_space<vmem>>, vector<1x16xf32>,
        %swap3A_490 = vector.shape_cast %swap3A_489 : vector<1x16xf32> to vector<16xf32>
        %swap3A_491 = vector.shape_cast %get3A_486 : vector<16xf32> to vector<1x16xf32>
        tpu.vector_store %arg13[%swap3A_487, %swap3A_488], %swap3A_491 {add = true, strides = array<i32>} : memref<40x256xf32, #tpu.memory_space<vmem>>, vector<1x16xf32>,
        %get3A_492 = arith.index_cast %scan3A_358 : i32 to index
        %get3A_493 = arith.constant 240 : index
        %get3A_494 = tpu.vector_load %arg14[%get3A_492, %get3A_493] {strides = array<i32>} : memref<40x256xf32, #tpu.memory_space<vmem>>, vector<1x16xf32>,
        %get3A_495 = vector.shape_cast %get3A_494 : vector<1x16xf32> to vector<16xf32>
        %swap3A_496 = arith.index_cast %scan3A_358 : i32 to index
        %swap3A_497 = arith.constant 240 : index
        %swap3A_498 = tpu.vector_load %arg13[%swap3A_496, %swap3A_497] {strides = array<i32>} : memref<40x256xf32, #tpu.memory_space<vmem>>, vector<1x16xf32>,
        %swap3A_499 = vector.shape_cast %swap3A_498 : vector<1x16xf32> to vector<16xf32>
        %swap3A_500 = vector.shape_cast %get3A_495 : vector<16xf32> to vector<1x16xf32>
        tpu.vector_store %arg13[%swap3A_496, %swap3A_497], %swap3A_500 {add = true, strides = array<i32>} : memref<40x256xf32, #tpu.memory_space<vmem>>, vector<1x16xf32>,
      }
      %scan3A_316 = arith.constant 40 : i32
      %mul3A_317 = arith.constant 40 : i32
      %mul3A_318 = arith.muli %add3A_291, %mul3A_317 : i32
      %add3A_319 = arith.addi %mul3A_2, %mul3A_318 : i32
      %dma_start3A_320 = arith.constant 0 : i32
      %dma_start3A_321 = tpu.memref_slice %arg6[%add3A_319, %dma_start3A_320] : memref<160000x256xf32, #tpu.memory_space<hbm>> -> memref<40x256xf32, #tpu.memory_space<hbm>>
      %dma_start3A_322 = arith.constant 0 : i32
      %dma_start3A_323 = tpu.memref_slice %arg6[%add3A_319, %dma_start3A_322] : memref<160000x256xf32, #tpu.memory_space<hbm>> -> memref<40x256xf32, #tpu.memory_space<hbm>>
      tpu.enqueue_dma source(%arg13 : memref<40x256xf32, #tpu.memory_space<vmem>>) target(%dma_start3A_323 : memref<40x256xf32, #tpu.memory_space<hbm>>) target_semaphore(%arg23 : memref<!tpu.dma_semaphore, #tpu.memory_space<semaphore_mem>>)
      %add3A_324 = arith.constant 3 : i32
      %add3A_325 = arith.addi %mul3A_224, %add3A_324 : i32
      %add3A_326 = arith.constant 2 : i32
      %add3A_327 = arith.addi %add3A_325, %add3A_326 : i32
      %lt3A_328 = arith.constant 125 : i32
      %lt3A_329 = arith.cmpi slt, %add3A_327, %lt3A_328 : i32
      %convert_element_type3A_330 = arith.extui %lt3A_329 : i1 to i32
      %cond3A_331 = arith.constant 0 : i32
      %cond3A_332 = arith.cmpi ne, %convert_element_type3A_330, %cond3A_331 : i32
      scf.if %cond3A_332 {
        %dma_wait3A_358 = arith.constant 0 : i32
        %dma_wait3A_359 = arith.constant 0 : i32
        %dma_wait3A_360 = tpu.memref_slice %arg6[%dma_wait3A_358, %dma_wait3A_359] : memref<160000x256xf32, #tpu.memory_space<hbm>> -> memref<40x256xf32, #tpu.memory_space<hbm>>
        %dma_wait3A_361 = arith.constant 0 : i32
        %dma_wait3A_362 = arith.constant 0 : i32
        %dma_wait3A_363 = tpu.memref_slice %arg6[%dma_wait3A_361, %dma_wait3A_362] : memref<160000x256xf32, #tpu.memory_space<hbm>> -> memref<40x256xf32, #tpu.memory_space<hbm>>
        tpu.wait_dma2 semaphore(%arg22 : memref<!tpu.dma_semaphore, #tpu.memory_space<semaphore_mem>>) src(%arg11 : memref<40x256xf32, #tpu.memory_space<vmem>>) dst(%dma_wait3A_363 : memref<40x256xf32, #tpu.memory_space<hbm>>)
        %add3A_364 = arith.constant 2 : i32
        %add3A_365 = arith.addi %add3A_325, %add3A_364 : i32
        %mul3A_366 = arith.constant 40 : i32
        %mul3A_367 = arith.muli %add3A_365, %mul3A_366 : i32
        %dma_start3A_368 = tpu.memref_slice %arg7[%mul3A_367] : memref<5000xi32, #tpu.memory_space<vmem>> -> memref<40xi32, #tpu.memory_space<vmem>>
        %dma_start3A_369 = arith.constant 0 : i32
        %dma_start3A_370 = arith.constant 0 : i32
        %dma_start3A_371 = tpu.memref_slice %arg2[%dma_start3A_369, %dma_start3A_370] : memref<10000x256xf32, #tpu.memory_space<hbm>> -> memref<10000x256xf32, #tpu.memory_space<hbm>>
        tpu.enqueue_indirect_dma source(%dma_start3A_371 : memref<10000x256xf32, #tpu.memory_space<hbm>>) target(%arg11 : memref<40x256xf32, #tpu.memory_space<vmem>>) offsets(%dma_start3A_368 : memref<40xi32, #tpu.memory_space<vmem>>) semaphore(%arg18 : memref<!tpu.dma_semaphore, #tpu.memory_space<semaphore_mem>>)
        %dma_start3A_372 = tpu.memref_slice %arg8[%mul3A_367] : memref<5000xi32, #tpu.memory_space<vmem>> -> memref<40xi32, #tpu.memory_space<vmem>>
        %dma_start3A_373 = arith.constant 0 : i32
        %dma_start3A_374 = arith.constant 0 : i32
        %dma_start3A_375 = tpu.memref_slice %arg3[%dma_start3A_373, %dma_start3A_374] : memref<10000x256xf32, #tpu.memory_space<hbm>> -> memref<10000x256xf32, #tpu.memory_space<hbm>>
        tpu.enqueue_indirect_dma source(%dma_start3A_375 : memref<10000x256xf32, #tpu.memory_space<hbm>>) target(%arg12 : memref<40x256xf32, #tpu.memory_space<vmem>>) offsets(%dma_start3A_372 : memref<40xi32, #tpu.memory_space<vmem>>) semaphore(%arg18 : memref<!tpu.dma_semaphore, #tpu.memory_space<semaphore_mem>>)
      } else {
      }
      %dma_wait3A_333 = arith.constant 0 : i32
      %dma_wait3A_334 = arith.constant 0 : i32
      %dma_wait3A_335 = tpu.memref_slice %arg2[%dma_wait3A_333, %dma_wait3A_334] : memref<10000x256xf32, #tpu.memory_space<hbm>> -> memref<40x256xf32, #tpu.memory_space<hbm>>
      %dma_wait3A_336 = arith.constant 0 : i32
      %dma_wait3A_337 = arith.constant 0 : i32
      %dma_wait3A_338 = tpu.memref_slice %arg2[%dma_wait3A_336, %dma_wait3A_337] : memref<10000x256xf32, #tpu.memory_space<hbm>> -> memref<40x256xf32, #tpu.memory_space<hbm>>
      tpu.wait_dma2 semaphore(%arg20 : memref<!tpu.dma_semaphore, #tpu.memory_space<semaphore_mem>>) src(%dma_wait3A_338 : memref<40x256xf32, #tpu.memory_space<hbm>>) dst(%arg15 : memref<40x256xf32, #tpu.memory_space<vmem>>)
      %dma_wait3A_339 = arith.constant 0 : i32
      %dma_wait3A_340 = arith.constant 0 : i32
      %dma_wait3A_341 = tpu.memref_slice %arg3[%dma_wait3A_339, %dma_wait3A_340] : memref<10000x256xf32, #tpu.memory_space<hbm>> -> memref<40x256xf32, #tpu.memory_space<hbm>>
      %dma_wait3A_342 = arith.constant 0 : i32
      %dma_wait3A_343 = arith.constant 0 : i32
      %dma_wait3A_344 = tpu.memref_slice %arg3[%dma_wait3A_342, %dma_wait3A_343] : memref<10000x256xf32, #tpu.memory_space<hbm>> -> memref<40x256xf32, #tpu.memory_space<hbm>>
      tpu.wait_dma2 semaphore(%arg20 : memref<!tpu.dma_semaphore, #tpu.memory_space<semaphore_mem>>) src(%dma_wait3A_344 : memref<40x256xf32, #tpu.memory_space<hbm>>) dst(%arg16 : memref<40x256xf32, #tpu.memory_space<vmem>>)
      %scan3A_345 = arith.constant 0 : i32
      %scan3A_346 = arith.constant 0 : i32
      %scan3A_347 = arith.constant 40 : i32
      %scan3A_348 = arith.addi %scan3A_346, %scan3A_347 : i32
      %scan3A_349 = arith.constant 1 : i32
      scf.for %scan3A_358 = %scan3A_346 to %scan3A_348 step %scan3A_349  : i32 {
        %get3A = arith.index_cast %scan3A_358 : i32 to index
        %get3A_359 = arith.constant 0 : index
        %get3A_360 = tpu.vector_load %arg16[%get3A, %get3A_359] {strides = array<i32>} : memref<40x256xf32, #tpu.memory_space<vmem>>, vector<1x16xf32>,
        %get3A_361 = vector.shape_cast %get3A_360 : vector<1x16xf32> to vector<16xf32>
        %swap3A = arith.index_cast %scan3A_358 : i32 to index
        %swap3A_362 = arith.constant 0 : index
        %swap3A_363 = tpu.vector_load %arg15[%swap3A, %swap3A_362] {strides = array<i32>} : memref<40x256xf32, #tpu.memory_space<vmem>>, vector<1x16xf32>,
        %swap3A_364 = vector.shape_cast %swap3A_363 : vector<1x16xf32> to vector<16xf32>
        %swap3A_365 = vector.shape_cast %get3A_361 : vector<16xf32> to vector<1x16xf32>
        tpu.vector_store %arg15[%swap3A, %swap3A_362], %swap3A_365 {add = true, strides = array<i32>} : memref<40x256xf32, #tpu.memory_space<vmem>>, vector<1x16xf32>,
        %get3A_366 = arith.index_cast %scan3A_358 : i32 to index
        %get3A_367 = arith.constant 16 : index
        %get3A_368 = tpu.vector_load %arg16[%get3A_366, %get3A_367] {strides = array<i32>} : memref<40x256xf32, #tpu.memory_space<vmem>>, vector<1x16xf32>,
        %get3A_369 = vector.shape_cast %get3A_368 : vector<1x16xf32> to vector<16xf32>
        %swap3A_370 = arith.index_cast %scan3A_358 : i32 to index
        %swap3A_371 = arith.constant 16 : index
        %swap3A_372 = tpu.vector_load %arg15[%swap3A_370, %swap3A_371] {strides = array<i32>} : memref<40x256xf32, #tpu.memory_space<vmem>>, vector<1x16xf32>,
        %swap3A_373 = vector.shape_cast %swap3A_372 : vector<1x16xf32> to vector<16xf32>
        %swap3A_374 = vector.shape_cast %get3A_369 : vector<16xf32> to vector<1x16xf32>
        tpu.vector_store %arg15[%swap3A_370, %swap3A_371], %swap3A_374 {add = true, strides = array<i32>} : memref<40x256xf32, #tpu.memory_space<vmem>>, vector<1x16xf32>,
        %get3A_375 = arith.index_cast %scan3A_358 : i32 to index
        %get3A_376 = arith.constant 32 : index
        %get3A_377 = tpu.vector_load %arg16[%get3A_375, %get3A_376] {strides = array<i32>} : memref<40x256xf32, #tpu.memory_space<vmem>>, vector<1x16xf32>,
        %get3A_378 = vector.shape_cast %get3A_377 : vector<1x16xf32> to vector<16xf32>
        %swap3A_379 = arith.index_cast %scan3A_358 : i32 to index
        %swap3A_380 = arith.constant 32 : index
        %swap3A_381 = tpu.vector_load %arg15[%swap3A_379, %swap3A_380] {strides = array<i32>} : memref<40x256xf32, #tpu.memory_space<vmem>>, vector<1x16xf32>,
        %swap3A_382 = vector.shape_cast %swap3A_381 : vector<1x16xf32> to vector<16xf32>
        %swap3A_383 = vector.shape_cast %get3A_378 : vector<16xf32> to vector<1x16xf32>
        tpu.vector_store %arg15[%swap3A_379, %swap3A_380], %swap3A_383 {add = true, strides = array<i32>} : memref<40x256xf32, #tpu.memory_space<vmem>>, vector<1x16xf32>,
        %get3A_384 = arith.index_cast %scan3A_358 : i32 to index
        %get3A_385 = arith.constant 48 : index
        %get3A_386 = tpu.vector_load %arg16[%get3A_384, %get3A_385] {strides = array<i32>} : memref<40x256xf32, #tpu.memory_space<vmem>>, vector<1x16xf32>,
        %get3A_387 = vector.shape_cast %get3A_386 : vector<1x16xf32> to vector<16xf32>
        %swap3A_388 = arith.index_cast %scan3A_358 : i32 to index
        %swap3A_389 = arith.constant 48 : index
        %swap3A_390 = tpu.vector_load %arg15[%swap3A_388, %swap3A_389] {strides = array<i32>} : memref<40x256xf32, #tpu.memory_space<vmem>>, vector<1x16xf32>,
        %swap3A_391 = vector.shape_cast %swap3A_390 : vector<1x16xf32> to vector<16xf32>
        %swap3A_392 = vector.shape_cast %get3A_387 : vector<16xf32> to vector<1x16xf32>
        tpu.vector_store %arg15[%swap3A_388, %swap3A_389], %swap3A_392 {add = true, strides = array<i32>} : memref<40x256xf32, #tpu.memory_space<vmem>>, vector<1x16xf32>,
        %get3A_393 = arith.index_cast %scan3A_358 : i32 to index
        %get3A_394 = arith.constant 64 : index
        %get3A_395 = tpu.vector_load %arg16[%get3A_393, %get3A_394] {strides = array<i32>} : memref<40x256xf32, #tpu.memory_space<vmem>>, vector<1x16xf32>,
        %get3A_396 = vector.shape_cast %get3A_395 : vector<1x16xf32> to vector<16xf32>
        %swap3A_397 = arith.index_cast %scan3A_358 : i32 to index
        %swap3A_398 = arith.constant 64 : index
        %swap3A_399 = tpu.vector_load %arg15[%swap3A_397, %swap3A_398] {strides = array<i32>} : memref<40x256xf32, #tpu.memory_space<vmem>>, vector<1x16xf32>,
        %swap3A_400 = vector.shape_cast %swap3A_399 : vector<1x16xf32> to vector<16xf32>
        %swap3A_401 = vector.shape_cast %get3A_396 : vector<16xf32> to vector<1x16xf32>
        tpu.vector_store %arg15[%swap3A_397, %swap3A_398], %swap3A_401 {add = true, strides = array<i32>} : memref<40x256xf32, #tpu.memory_space<vmem>>, vector<1x16xf32>,
        %get3A_402 = arith.index_cast %scan3A_358 : i32 to index
        %get3A_403 = arith.constant 80 : index
        %get3A_404 = tpu.vector_load %arg16[%get3A_402, %get3A_403] {strides = array<i32>} : memref<40x256xf32, #tpu.memory_space<vmem>>, vector<1x16xf32>,
        %get3A_405 = vector.shape_cast %get3A_404 : vector<1x16xf32> to vector<16xf32>
        %swap3A_406 = arith.index_cast %scan3A_358 : i32 to index
        %swap3A_407 = arith.constant 80 : index
        %swap3A_408 = tpu.vector_load %arg15[%swap3A_406, %swap3A_407] {strides = array<i32>} : memref<40x256xf32, #tpu.memory_space<vmem>>, vector<1x16xf32>,
        %swap3A_409 = vector.shape_cast %swap3A_408 : vector<1x16xf32> to vector<16xf32>
        %swap3A_410 = vector.shape_cast %get3A_405 : vector<16xf32> to vector<1x16xf32>
        tpu.vector_store %arg15[%swap3A_406, %swap3A_407], %swap3A_410 {add = true, strides = array<i32>} : memref<40x256xf32, #tpu.memory_space<vmem>>, vector<1x16xf32>,
        %get3A_411 = arith.index_cast %scan3A_358 : i32 to index
        %get3A_412 = arith.constant 96 : index
        %get3A_413 = tpu.vector_load %arg16[%get3A_411, %get3A_412] {strides = array<i32>} : memref<40x256xf32, #tpu.memory_space<vmem>>, vector<1x16xf32>,
        %get3A_414 = vector.shape_cast %get3A_413 : vector<1x16xf32> to vector<16xf32>
        %swap3A_415 = arith.index_cast %scan3A_358 : i32 to index
        %swap3A_416 = arith.constant 96 : index
        %swap3A_417 = tpu.vector_load %arg15[%swap3A_415, %swap3A_416] {strides = array<i32>} : memref<40x256xf32, #tpu.memory_space<vmem>>, vector<1x16xf32>,
        %swap3A_418 = vector.shape_cast %swap3A_417 : vector<1x16xf32> to vector<16xf32>
        %swap3A_419 = vector.shape_cast %get3A_414 : vector<16xf32> to vector<1x16xf32>
        tpu.vector_store %arg15[%swap3A_415, %swap3A_416], %swap3A_419 {add = true, strides = array<i32>} : memref<40x256xf32, #tpu.memory_space<vmem>>, vector<1x16xf32>,
        %get3A_420 = arith.index_cast %scan3A_358 : i32 to index
        %get3A_421 = arith.constant 112 : index
        %get3A_422 = tpu.vector_load %arg16[%get3A_420, %get3A_421] {strides = array<i32>} : memref<40x256xf32, #tpu.memory_space<vmem>>, vector<1x16xf32>,
        %get3A_423 = vector.shape_cast %get3A_422 : vector<1x16xf32> to vector<16xf32>
        %swap3A_424 = arith.index_cast %scan3A_358 : i32 to index
        %swap3A_425 = arith.constant 112 : index
        %swap3A_426 = tpu.vector_load %arg15[%swap3A_424, %swap3A_425] {strides = array<i32>} : memref<40x256xf32, #tpu.memory_space<vmem>>, vector<1x16xf32>,
        %swap3A_427 = vector.shape_cast %swap3A_426 : vector<1x16xf32> to vector<16xf32>
        %swap3A_428 = vector.shape_cast %get3A_423 : vector<16xf32> to vector<1x16xf32>
        tpu.vector_store %arg15[%swap3A_424, %swap3A_425], %swap3A_428 {add = true, strides = array<i32>} : memref<40x256xf32, #tpu.memory_space<vmem>>, vector<1x16xf32>,
        %get3A_429 = arith.index_cast %scan3A_358 : i32 to index
        %get3A_430 = arith.constant 128 : index
        %get3A_431 = tpu.vector_load %arg16[%get3A_429, %get3A_430] {strides = array<i32>} : memref<40x256xf32, #tpu.memory_space<vmem>>, vector<1x16xf32>,
        %get3A_432 = vector.shape_cast %get3A_431 : vector<1x16xf32> to vector<16xf32>
        %swap3A_433 = arith.index_cast %scan3A_358 : i32 to index
        %swap3A_434 = arith.constant 128 : index
        %swap3A_435 = tpu.vector_load %arg15[%swap3A_433, %swap3A_434] {strides = array<i32>} : memref<40x256xf32, #tpu.memory_space<vmem>>, vector<1x16xf32>,
        %swap3A_436 = vector.shape_cast %swap3A_435 : vector<1x16xf32> to vector<16xf32>
        %swap3A_437 = vector.shape_cast %get3A_432 : vector<16xf32> to vector<1x16xf32>
        tpu.vector_store %arg15[%swap3A_433, %swap3A_434], %swap3A_437 {add = true, strides = array<i32>} : memref<40x256xf32, #tpu.memory_space<vmem>>, vector<1x16xf32>,
        %get3A_438 = arith.index_cast %scan3A_358 : i32 to index
        %get3A_439 = arith.constant 144 : index
        %get3A_440 = tpu.vector_load %arg16[%get3A_438, %get3A_439] {strides = array<i32>} : memref<40x256xf32, #tpu.memory_space<vmem>>, vector<1x16xf32>,
        %get3A_441 = vector.shape_cast %get3A_440 : vector<1x16xf32> to vector<16xf32>
        %swap3A_442 = arith.index_cast %scan3A_358 : i32 to index
        %swap3A_443 = arith.constant 144 : index
        %swap3A_444 = tpu.vector_load %arg15[%swap3A_442, %swap3A_443] {strides = array<i32>} : memref<40x256xf32, #tpu.memory_space<vmem>>, vector<1x16xf32>,
        %swap3A_445 = vector.shape_cast %swap3A_444 : vector<1x16xf32> to vector<16xf32>
        %swap3A_446 = vector.shape_cast %get3A_441 : vector<16xf32> to vector<1x16xf32>
        tpu.vector_store %arg15[%swap3A_442, %swap3A_443], %swap3A_446 {add = true, strides = array<i32>} : memref<40x256xf32, #tpu.memory_space<vmem>>, vector<1x16xf32>,
        %get3A_447 = arith.index_cast %scan3A_358 : i32 to index
        %get3A_448 = arith.constant 160 : index
        %get3A_449 = tpu.vector_load %arg16[%get3A_447, %get3A_448] {strides = array<i32>} : memref<40x256xf32, #tpu.memory_space<vmem>>, vector<1x16xf32>,
        %get3A_450 = vector.shape_cast %get3A_449 : vector<1x16xf32> to vector<16xf32>
        %swap3A_451 = arith.index_cast %scan3A_358 : i32 to index
        %swap3A_452 = arith.constant 160 : index
        %swap3A_453 = tpu.vector_load %arg15[%swap3A_451, %swap3A_452] {strides = array<i32>} : memref<40x256xf32, #tpu.memory_space<vmem>>, vector<1x16xf32>,
        %swap3A_454 = vector.shape_cast %swap3A_453 : vector<1x16xf32> to vector<16xf32>
        %swap3A_455 = vector.shape_cast %get3A_450 : vector<16xf32> to vector<1x16xf32>
        tpu.vector_store %arg15[%swap3A_451, %swap3A_452], %swap3A_455 {add = true, strides = array<i32>} : memref<40x256xf32, #tpu.memory_space<vmem>>, vector<1x16xf32>,
        %get3A_456 = arith.index_cast %scan3A_358 : i32 to index
        %get3A_457 = arith.constant 176 : index
        %get3A_458 = tpu.vector_load %arg16[%get3A_456, %get3A_457] {strides = array<i32>} : memref<40x256xf32, #tpu.memory_space<vmem>>, vector<1x16xf32>,
        %get3A_459 = vector.shape_cast %get3A_458 : vector<1x16xf32> to vector<16xf32>
        %swap3A_460 = arith.index_cast %scan3A_358 : i32 to index
        %swap3A_461 = arith.constant 176 : index
        %swap3A_462 = tpu.vector_load %arg15[%swap3A_460, %swap3A_461] {strides = array<i32>} : memref<40x256xf32, #tpu.memory_space<vmem>>, vector<1x16xf32>,
        %swap3A_463 = vector.shape_cast %swap3A_462 : vector<1x16xf32> to vector<16xf32>
        %swap3A_464 = vector.shape_cast %get3A_459 : vector<16xf32> to vector<1x16xf32>
        tpu.vector_store %arg15[%swap3A_460, %swap3A_461], %swap3A_464 {add = true, strides = array<i32>} : memref<40x256xf32, #tpu.memory_space<vmem>>, vector<1x16xf32>,
        %get3A_465 = arith.index_cast %scan3A_358 : i32 to index
        %get3A_466 = arith.constant 192 : index
        %get3A_467 = tpu.vector_load %arg16[%get3A_465, %get3A_466] {strides = array<i32>} : memref<40x256xf32, #tpu.memory_space<vmem>>, vector<1x16xf32>,
        %get3A_468 = vector.shape_cast %get3A_467 : vector<1x16xf32> to vector<16xf32>
        %swap3A_469 = arith.index_cast %scan3A_358 : i32 to index
        %swap3A_470 = arith.constant 192 : index
        %swap3A_471 = tpu.vector_load %arg15[%swap3A_469, %swap3A_470] {strides = array<i32>} : memref<40x256xf32, #tpu.memory_space<vmem>>, vector<1x16xf32>,
        %swap3A_472 = vector.shape_cast %swap3A_471 : vector<1x16xf32> to vector<16xf32>
        %swap3A_473 = vector.shape_cast %get3A_468 : vector<16xf32> to vector<1x16xf32>
        tpu.vector_store %arg15[%swap3A_469, %swap3A_470], %swap3A_473 {add = true, strides = array<i32>} : memref<40x256xf32, #tpu.memory_space<vmem>>, vector<1x16xf32>,
        %get3A_474 = arith.index_cast %scan3A_358 : i32 to index
        %get3A_475 = arith.constant 208 : index
        %get3A_476 = tpu.vector_load %arg16[%get3A_474, %get3A_475] {strides = array<i32>} : memref<40x256xf32, #tpu.memory_space<vmem>>, vector<1x16xf32>,
        %get3A_477 = vector.shape_cast %get3A_476 : vector<1x16xf32> to vector<16xf32>
        %swap3A_478 = arith.index_cast %scan3A_358 : i32 to index
        %swap3A_479 = arith.constant 208 : index
        %swap3A_480 = tpu.vector_load %arg15[%swap3A_478, %swap3A_479] {strides = array<i32>} : memref<40x256xf32, #tpu.memory_space<vmem>>, vector<1x16xf32>,
        %swap3A_481 = vector.shape_cast %swap3A_480 : vector<1x16xf32> to vector<16xf32>
        %swap3A_482 = vector.shape_cast %get3A_477 : vector<16xf32> to vector<1x16xf32>
        tpu.vector_store %arg15[%swap3A_478, %swap3A_479], %swap3A_482 {add = true, strides = array<i32>} : memref<40x256xf32, #tpu.memory_space<vmem>>, vector<1x16xf32>,
        %get3A_483 = arith.index_cast %scan3A_358 : i32 to index
        %get3A_484 = arith.constant 224 : index
        %get3A_485 = tpu.vector_load %arg16[%get3A_483, %get3A_484] {strides = array<i32>} : memref<40x256xf32, #tpu.memory_space<vmem>>, vector<1x16xf32>,
        %get3A_486 = vector.shape_cast %get3A_485 : vector<1x16xf32> to vector<16xf32>
        %swap3A_487 = arith.index_cast %scan3A_358 : i32 to index
        %swap3A_488 = arith.constant 224 : index
        %swap3A_489 = tpu.vector_load %arg15[%swap3A_487, %swap3A_488] {strides = array<i32>} : memref<40x256xf32, #tpu.memory_space<vmem>>, vector<1x16xf32>,
        %swap3A_490 = vector.shape_cast %swap3A_489 : vector<1x16xf32> to vector<16xf32>
        %swap3A_491 = vector.shape_cast %get3A_486 : vector<16xf32> to vector<1x16xf32>
        tpu.vector_store %arg15[%swap3A_487, %swap3A_488], %swap3A_491 {add = true, strides = array<i32>} : memref<40x256xf32, #tpu.memory_space<vmem>>, vector<1x16xf32>,
        %get3A_492 = arith.index_cast %scan3A_358 : i32 to index
        %get3A_493 = arith.constant 240 : index
        %get3A_494 = tpu.vector_load %arg16[%get3A_492, %get3A_493] {strides = array<i32>} : memref<40x256xf32, #tpu.memory_space<vmem>>, vector<1x16xf32>,
        %get3A_495 = vector.shape_cast %get3A_494 : vector<1x16xf32> to vector<16xf32>
        %swap3A_496 = arith.index_cast %scan3A_358 : i32 to index
        %swap3A_497 = arith.constant 240 : index
        %swap3A_498 = tpu.vector_load %arg15[%swap3A_496, %swap3A_497] {strides = array<i32>} : memref<40x256xf32, #tpu.memory_space<vmem>>, vector<1x16xf32>,
        %swap3A_499 = vector.shape_cast %swap3A_498 : vector<1x16xf32> to vector<16xf32>
        %swap3A_500 = vector.shape_cast %get3A_495 : vector<16xf32> to vector<1x16xf32>
        tpu.vector_store %arg15[%swap3A_496, %swap3A_497], %swap3A_500 {add = true, strides = array<i32>} : memref<40x256xf32, #tpu.memory_space<vmem>>, vector<1x16xf32>,
      }
      %scan3A_350 = arith.constant 40 : i32
      %mul3A_351 = arith.constant 40 : i32
      %mul3A_352 = arith.muli %add3A_325, %mul3A_351 : i32
      %add3A_353 = arith.addi %mul3A_2, %mul3A_352 : i32
      %dma_start3A_354 = arith.constant 0 : i32
      %dma_start3A_355 = tpu.memref_slice %arg6[%add3A_353, %dma_start3A_354] : memref<160000x256xf32, #tpu.memory_space<hbm>> -> memref<40x256xf32, #tpu.memory_space<hbm>>
      %dma_start3A_356 = arith.constant 0 : i32
      %dma_start3A_357 = tpu.memref_slice %arg6[%add3A_353, %dma_start3A_356] : memref<160000x256xf32, #tpu.memory_space<hbm>> -> memref<40x256xf32, #tpu.memory_space<hbm>>
      tpu.enqueue_dma source(%arg15 : memref<40x256xf32, #tpu.memory_space<vmem>>) target(%dma_start3A_357 : memref<40x256xf32, #tpu.memory_space<hbm>>) target_semaphore(%arg24 : memref<!tpu.dma_semaphore, #tpu.memory_space<semaphore_mem>>)
    }
    %scan3A_173 = arith.constant 30 : i32
    %dma_wait3A_174 = arith.constant 0 : i32
    %dma_wait3A_175 = arith.constant 0 : i32
    %dma_wait3A_176 = tpu.memref_slice %arg2[%dma_wait3A_174, %dma_wait3A_175] : memref<10000x256xf32, #tpu.memory_space<hbm>> -> memref<40x256xf32, #tpu.memory_space<hbm>>
    %dma_wait3A_177 = arith.constant 0 : i32
    %dma_wait3A_178 = arith.constant 0 : i32
    %dma_wait3A_179 = tpu.memref_slice %arg2[%dma_wait3A_177, %dma_wait3A_178] : memref<10000x256xf32, #tpu.memory_space<hbm>> -> memref<40x256xf32, #tpu.memory_space<hbm>>
    tpu.wait_dma2 semaphore(%arg17 : memref<!tpu.dma_semaphore, #tpu.memory_space<semaphore_mem>>) src(%dma_wait3A_179 : memref<40x256xf32, #tpu.memory_space<hbm>>) dst(%arg9 : memref<40x256xf32, #tpu.memory_space<vmem>>)
    %dma_wait3A_180 = arith.constant 0 : i32
    %dma_wait3A_181 = arith.constant 0 : i32
    %dma_wait3A_182 = tpu.memref_slice %arg3[%dma_wait3A_180, %dma_wait3A_181] : memref<10000x256xf32, #tpu.memory_space<hbm>> -> memref<40x256xf32, #tpu.memory_space<hbm>>
    %dma_wait3A_183 = arith.constant 0 : i32
    %dma_wait3A_184 = arith.constant 0 : i32
    %dma_wait3A_185 = tpu.memref_slice %arg3[%dma_wait3A_183, %dma_wait3A_184] : memref<10000x256xf32, #tpu.memory_space<hbm>> -> memref<40x256xf32, #tpu.memory_space<hbm>>
    tpu.wait_dma2 semaphore(%arg17 : memref<!tpu.dma_semaphore, #tpu.memory_space<semaphore_mem>>) src(%dma_wait3A_185 : memref<40x256xf32, #tpu.memory_space<hbm>>) dst(%arg10 : memref<40x256xf32, #tpu.memory_space<vmem>>)
    %scan3A_186 = arith.constant 0 : i32
    %scan3A_187 = arith.constant 0 : i32
    %scan3A_188 = arith.constant 40 : i32
    %scan3A_189 = arith.addi %scan3A_187, %scan3A_188 : i32
    %scan3A_190 = arith.constant 1 : i32
    scf.for %scan3A_222 = %scan3A_187 to %scan3A_189 step %scan3A_190  : i32 {
      %get3A = arith.index_cast %scan3A_222 : i32 to index
      %get3A_223 = arith.constant 0 : index
      %get3A_224 = tpu.vector_load %arg10[%get3A, %get3A_223] {strides = array<i32>} : memref<40x256xf32, #tpu.memory_space<vmem>>, vector<1x16xf32>,
      %get3A_225 = vector.shape_cast %get3A_224 : vector<1x16xf32> to vector<16xf32>
      %swap3A = arith.index_cast %scan3A_222 : i32 to index
      %swap3A_226 = arith.constant 0 : index
      %swap3A_227 = tpu.vector_load %arg9[%swap3A, %swap3A_226] {strides = array<i32>} : memref<40x256xf32, #tpu.memory_space<vmem>>, vector<1x16xf32>,
      %swap3A_228 = vector.shape_cast %swap3A_227 : vector<1x16xf32> to vector<16xf32>
      %swap3A_229 = vector.shape_cast %get3A_225 : vector<16xf32> to vector<1x16xf32>
      tpu.vector_store %arg9[%swap3A, %swap3A_226], %swap3A_229 {add = true, strides = array<i32>} : memref<40x256xf32, #tpu.memory_space<vmem>>, vector<1x16xf32>,
      %get3A_230 = arith.index_cast %scan3A_222 : i32 to index
      %get3A_231 = arith.constant 16 : index
      %get3A_232 = tpu.vector_load %arg10[%get3A_230, %get3A_231] {strides = array<i32>} : memref<40x256xf32, #tpu.memory_space<vmem>>, vector<1x16xf32>,
      %get3A_233 = vector.shape_cast %get3A_232 : vector<1x16xf32> to vector<16xf32>
      %swap3A_234 = arith.index_cast %scan3A_222 : i32 to index
      %swap3A_235 = arith.constant 16 : index
      %swap3A_236 = tpu.vector_load %arg9[%swap3A_234, %swap3A_235] {strides = array<i32>} : memref<40x256xf32, #tpu.memory_space<vmem>>, vector<1x16xf32>,
      %swap3A_237 = vector.shape_cast %swap3A_236 : vector<1x16xf32> to vector<16xf32>
      %swap3A_238 = vector.shape_cast %get3A_233 : vector<16xf32> to vector<1x16xf32>
      tpu.vector_store %arg9[%swap3A_234, %swap3A_235], %swap3A_238 {add = true, strides = array<i32>} : memref<40x256xf32, #tpu.memory_space<vmem>>, vector<1x16xf32>,
      %get3A_239 = arith.index_cast %scan3A_222 : i32 to index
      %get3A_240 = arith.constant 32 : index
      %get3A_241 = tpu.vector_load %arg10[%get3A_239, %get3A_240] {strides = array<i32>} : memref<40x256xf32, #tpu.memory_space<vmem>>, vector<1x16xf32>,
      %get3A_242 = vector.shape_cast %get3A_241 : vector<1x16xf32> to vector<16xf32>
      %swap3A_243 = arith.index_cast %scan3A_222 : i32 to index
      %swap3A_244 = arith.constant 32 : index
      %swap3A_245 = tpu.vector_load %arg9[%swap3A_243, %swap3A_244] {strides = array<i32>} : memref<40x256xf32, #tpu.memory_space<vmem>>, vector<1x16xf32>,
      %swap3A_246 = vector.shape_cast %swap3A_245 : vector<1x16xf32> to vector<16xf32>
      %swap3A_247 = vector.shape_cast %get3A_242 : vector<16xf32> to vector<1x16xf32>
      tpu.vector_store %arg9[%swap3A_243, %swap3A_244], %swap3A_247 {add = true, strides = array<i32>} : memref<40x256xf32, #tpu.memory_space<vmem>>, vector<1x16xf32>,
      %get3A_248 = arith.index_cast %scan3A_222 : i32 to index
      %get3A_249 = arith.constant 48 : index
      %get3A_250 = tpu.vector_load %arg10[%get3A_248, %get3A_249] {strides = array<i32>} : memref<40x256xf32, #tpu.memory_space<vmem>>, vector<1x16xf32>,
      %get3A_251 = vector.shape_cast %get3A_250 : vector<1x16xf32> to vector<16xf32>
      %swap3A_252 = arith.index_cast %scan3A_222 : i32 to index
      %swap3A_253 = arith.constant 48 : index
      %swap3A_254 = tpu.vector_load %arg9[%swap3A_252, %swap3A_253] {strides = array<i32>} : memref<40x256xf32, #tpu.memory_space<vmem>>, vector<1x16xf32>,
      %swap3A_255 = vector.shape_cast %swap3A_254 : vector<1x16xf32> to vector<16xf32>
      %swap3A_256 = vector.shape_cast %get3A_251 : vector<16xf32> to vector<1x16xf32>
      tpu.vector_store %arg9[%swap3A_252, %swap3A_253], %swap3A_256 {add = true, strides = array<i32>} : memref<40x256xf32, #tpu.memory_space<vmem>>, vector<1x16xf32>,
      %get3A_257 = arith.index_cast %scan3A_222 : i32 to index
      %get3A_258 = arith.constant 64 : index
      %get3A_259 = tpu.vector_load %arg10[%get3A_257, %get3A_258] {strides = array<i32>} : memref<40x256xf32, #tpu.memory_space<vmem>>, vector<1x16xf32>,
      %get3A_260 = vector.shape_cast %get3A_259 : vector<1x16xf32> to vector<16xf32>
      %swap3A_261 = arith.index_cast %scan3A_222 : i32 to index
      %swap3A_262 = arith.constant 64 : index
      %swap3A_263 = tpu.vector_load %arg9[%swap3A_261, %swap3A_262] {strides = array<i32>} : memref<40x256xf32, #tpu.memory_space<vmem>>, vector<1x16xf32>,
      %swap3A_264 = vector.shape_cast %swap3A_263 : vector<1x16xf32> to vector<16xf32>
      %swap3A_265 = vector.shape_cast %get3A_260 : vector<16xf32> to vector<1x16xf32>
      tpu.vector_store %arg9[%swap3A_261, %swap3A_262], %swap3A_265 {add = true, strides = array<i32>} : memref<40x256xf32, #tpu.memory_space<vmem>>, vector<1x16xf32>,
      %get3A_266 = arith.index_cast %scan3A_222 : i32 to index
      %get3A_267 = arith.constant 80 : index
      %get3A_268 = tpu.vector_load %arg10[%get3A_266, %get3A_267] {strides = array<i32>} : memref<40x256xf32, #tpu.memory_space<vmem>>, vector<1x16xf32>,
      %get3A_269 = vector.shape_cast %get3A_268 : vector<1x16xf32> to vector<16xf32>
      %swap3A_270 = arith.index_cast %scan3A_222 : i32 to index
      %swap3A_271 = arith.constant 80 : index
      %swap3A_272 = tpu.vector_load %arg9[%swap3A_270, %swap3A_271] {strides = array<i32>} : memref<40x256xf32, #tpu.memory_space<vmem>>, vector<1x16xf32>,
      %swap3A_273 = vector.shape_cast %swap3A_272 : vector<1x16xf32> to vector<16xf32>
      %swap3A_274 = vector.shape_cast %get3A_269 : vector<16xf32> to vector<1x16xf32>
      tpu.vector_store %arg9[%swap3A_270, %swap3A_271], %swap3A_274 {add = true, strides = array<i32>} : memref<40x256xf32, #tpu.memory_space<vmem>>, vector<1x16xf32>,
      %get3A_275 = arith.index_cast %scan3A_222 : i32 to index
      %get3A_276 = arith.constant 96 : index
      %get3A_277 = tpu.vector_load %arg10[%get3A_275, %get3A_276] {strides = array<i32>} : memref<40x256xf32, #tpu.memory_space<vmem>>, vector<1x16xf32>,
      %get3A_278 = vector.shape_cast %get3A_277 : vector<1x16xf32> to vector<16xf32>
      %swap3A_279 = arith.index_cast %scan3A_222 : i32 to index
      %swap3A_280 = arith.constant 96 : index
      %swap3A_281 = tpu.vector_load %arg9[%swap3A_279, %swap3A_280] {strides = array<i32>} : memref<40x256xf32, #tpu.memory_space<vmem>>, vector<1x16xf32>,
      %swap3A_282 = vector.shape_cast %swap3A_281 : vector<1x16xf32> to vector<16xf32>
      %swap3A_283 = vector.shape_cast %get3A_278 : vector<16xf32> to vector<1x16xf32>
      tpu.vector_store %arg9[%swap3A_279, %swap3A_280], %swap3A_283 {add = true, strides = array<i32>} : memref<40x256xf32, #tpu.memory_space<vmem>>, vector<1x16xf32>,
      %get3A_284 = arith.index_cast %scan3A_222 : i32 to index
      %get3A_285 = arith.constant 112 : index
      %get3A_286 = tpu.vector_load %arg10[%get3A_284, %get3A_285] {strides = array<i32>} : memref<40x256xf32, #tpu.memory_space<vmem>>, vector<1x16xf32>,
      %get3A_287 = vector.shape_cast %get3A_286 : vector<1x16xf32> to vector<16xf32>
      %swap3A_288 = arith.index_cast %scan3A_222 : i32 to index
      %swap3A_289 = arith.constant 112 : index
      %swap3A_290 = tpu.vector_load %arg9[%swap3A_288, %swap3A_289] {strides = array<i32>} : memref<40x256xf32, #tpu.memory_space<vmem>>, vector<1x16xf32>,
      %swap3A_291 = vector.shape_cast %swap3A_290 : vector<1x16xf32> to vector<16xf32>
      %swap3A_292 = vector.shape_cast %get3A_287 : vector<16xf32> to vector<1x16xf32>
      tpu.vector_store %arg9[%swap3A_288, %swap3A_289], %swap3A_292 {add = true, strides = array<i32>} : memref<40x256xf32, #tpu.memory_space<vmem>>, vector<1x16xf32>,
      %get3A_293 = arith.index_cast %scan3A_222 : i32 to index
      %get3A_294 = arith.constant 128 : index
      %get3A_295 = tpu.vector_load %arg10[%get3A_293, %get3A_294] {strides = array<i32>} : memref<40x256xf32, #tpu.memory_space<vmem>>, vector<1x16xf32>,
      %get3A_296 = vector.shape_cast %get3A_295 : vector<1x16xf32> to vector<16xf32>
      %swap3A_297 = arith.index_cast %scan3A_222 : i32 to index
      %swap3A_298 = arith.constant 128 : index
      %swap3A_299 = tpu.vector_load %arg9[%swap3A_297, %swap3A_298] {strides = array<i32>} : memref<40x256xf32, #tpu.memory_space<vmem>>, vector<1x16xf32>,
      %swap3A_300 = vector.shape_cast %swap3A_299 : vector<1x16xf32> to vector<16xf32>
      %swap3A_301 = vector.shape_cast %get3A_296 : vector<16xf32> to vector<1x16xf32>
      tpu.vector_store %arg9[%swap3A_297, %swap3A_298], %swap3A_301 {add = true, strides = array<i32>} : memref<40x256xf32, #tpu.memory_space<vmem>>, vector<1x16xf32>,
      %get3A_302 = arith.index_cast %scan3A_222 : i32 to index
      %get3A_303 = arith.constant 144 : index
      %get3A_304 = tpu.vector_load %arg10[%get3A_302, %get3A_303] {strides = array<i32>} : memref<40x256xf32, #tpu.memory_space<vmem>>, vector<1x16xf32>,
      %get3A_305 = vector.shape_cast %get3A_304 : vector<1x16xf32> to vector<16xf32>
      %swap3A_306 = arith.index_cast %scan3A_222 : i32 to index
      %swap3A_307 = arith.constant 144 : index
      %swap3A_308 = tpu.vector_load %arg9[%swap3A_306, %swap3A_307] {strides = array<i32>} : memref<40x256xf32, #tpu.memory_space<vmem>>, vector<1x16xf32>,
      %swap3A_309 = vector.shape_cast %swap3A_308 : vector<1x16xf32> to vector<16xf32>
      %swap3A_310 = vector.shape_cast %get3A_305 : vector<16xf32> to vector<1x16xf32>
      tpu.vector_store %arg9[%swap3A_306, %swap3A_307], %swap3A_310 {add = true, strides = array<i32>} : memref<40x256xf32, #tpu.memory_space<vmem>>, vector<1x16xf32>,
      %get3A_311 = arith.index_cast %scan3A_222 : i32 to index
      %get3A_312 = arith.constant 160 : index
      %get3A_313 = tpu.vector_load %arg10[%get3A_311, %get3A_312] {strides = array<i32>} : memref<40x256xf32, #tpu.memory_space<vmem>>, vector<1x16xf32>,
      %get3A_314 = vector.shape_cast %get3A_313 : vector<1x16xf32> to vector<16xf32>
      %swap3A_315 = arith.index_cast %scan3A_222 : i32 to index
      %swap3A_316 = arith.constant 160 : index
      %swap3A_317 = tpu.vector_load %arg9[%swap3A_315, %swap3A_316] {strides = array<i32>} : memref<40x256xf32, #tpu.memory_space<vmem>>, vector<1x16xf32>,
      %swap3A_318 = vector.shape_cast %swap3A_317 : vector<1x16xf32> to vector<16xf32>
      %swap3A_319 = vector.shape_cast %get3A_314 : vector<16xf32> to vector<1x16xf32>
      tpu.vector_store %arg9[%swap3A_315, %swap3A_316], %swap3A_319 {add = true, strides = array<i32>} : memref<40x256xf32, #tpu.memory_space<vmem>>, vector<1x16xf32>,
      %get3A_320 = arith.index_cast %scan3A_222 : i32 to index
      %get3A_321 = arith.constant 176 : index
      %get3A_322 = tpu.vector_load %arg10[%get3A_320, %get3A_321] {strides = array<i32>} : memref<40x256xf32, #tpu.memory_space<vmem>>, vector<1x16xf32>,
      %get3A_323 = vector.shape_cast %get3A_322 : vector<1x16xf32> to vector<16xf32>
      %swap3A_324 = arith.index_cast %scan3A_222 : i32 to index
      %swap3A_325 = arith.constant 176 : index
      %swap3A_326 = tpu.vector_load %arg9[%swap3A_324, %swap3A_325] {strides = array<i32>} : memref<40x256xf32, #tpu.memory_space<vmem>>, vector<1x16xf32>,
      %swap3A_327 = vector.shape_cast %swap3A_326 : vector<1x16xf32> to vector<16xf32>
      %swap3A_328 = vector.shape_cast %get3A_323 : vector<16xf32> to vector<1x16xf32>
      tpu.vector_store %arg9[%swap3A_324, %swap3A_325], %swap3A_328 {add = true, strides = array<i32>} : memref<40x256xf32, #tpu.memory_space<vmem>>, vector<1x16xf32>,
      %get3A_329 = arith.index_cast %scan3A_222 : i32 to index
      %get3A_330 = arith.constant 192 : index
      %get3A_331 = tpu.vector_load %arg10[%get3A_329, %get3A_330] {strides = array<i32>} : memref<40x256xf32, #tpu.memory_space<vmem>>, vector<1x16xf32>,
      %get3A_332 = vector.shape_cast %get3A_331 : vector<1x16xf32> to vector<16xf32>
      %swap3A_333 = arith.index_cast %scan3A_222 : i32 to index
      %swap3A_334 = arith.constant 192 : index
      %swap3A_335 = tpu.vector_load %arg9[%swap3A_333, %swap3A_334] {strides = array<i32>} : memref<40x256xf32, #tpu.memory_space<vmem>>, vector<1x16xf32>,
      %swap3A_336 = vector.shape_cast %swap3A_335 : vector<1x16xf32> to vector<16xf32>
      %swap3A_337 = vector.shape_cast %get3A_332 : vector<16xf32> to vector<1x16xf32>
      tpu.vector_store %arg9[%swap3A_333, %swap3A_334], %swap3A_337 {add = true, strides = array<i32>} : memref<40x256xf32, #tpu.memory_space<vmem>>, vector<1x16xf32>,
      %get3A_338 = arith.index_cast %scan3A_222 : i32 to index
      %get3A_339 = arith.constant 208 : index
      %get3A_340 = tpu.vector_load %arg10[%get3A_338, %get3A_339] {strides = array<i32>} : memref<40x256xf32, #tpu.memory_space<vmem>>, vector<1x16xf32>,
      %get3A_341 = vector.shape_cast %get3A_340 : vector<1x16xf32> to vector<16xf32>
      %swap3A_342 = arith.index_cast %scan3A_222 : i32 to index
      %swap3A_343 = arith.constant 208 : index
      %swap3A_344 = tpu.vector_load %arg9[%swap3A_342, %swap3A_343] {strides = array<i32>} : memref<40x256xf32, #tpu.memory_space<vmem>>, vector<1x16xf32>,
      %swap3A_345 = vector.shape_cast %swap3A_344 : vector<1x16xf32> to vector<16xf32>
      %swap3A_346 = vector.shape_cast %get3A_341 : vector<16xf32> to vector<1x16xf32>
      tpu.vector_store %arg9[%swap3A_342, %swap3A_343], %swap3A_346 {add = true, strides = array<i32>} : memref<40x256xf32, #tpu.memory_space<vmem>>, vector<1x16xf32>,
      %get3A_347 = arith.index_cast %scan3A_222 : i32 to index
      %get3A_348 = arith.constant 224 : index
      %get3A_349 = tpu.vector_load %arg10[%get3A_347, %get3A_348] {strides = array<i32>} : memref<40x256xf32, #tpu.memory_space<vmem>>, vector<1x16xf32>,
      %get3A_350 = vector.shape_cast %get3A_349 : vector<1x16xf32> to vector<16xf32>
      %swap3A_351 = arith.index_cast %scan3A_222 : i32 to index
      %swap3A_352 = arith.constant 224 : index
      %swap3A_353 = tpu.vector_load %arg9[%swap3A_351, %swap3A_352] {strides = array<i32>} : memref<40x256xf32, #tpu.memory_space<vmem>>, vector<1x16xf32>,
      %swap3A_354 = vector.shape_cast %swap3A_353 : vector<1x16xf32> to vector<16xf32>
      %swap3A_355 = vector.shape_cast %get3A_350 : vector<16xf32> to vector<1x16xf32>
      tpu.vector_store %arg9[%swap3A_351, %swap3A_352], %swap3A_355 {add = true, strides = array<i32>} : memref<40x256xf32, #tpu.memory_space<vmem>>, vector<1x16xf32>,
      %get3A_356 = arith.index_cast %scan3A_222 : i32 to index
      %get3A_357 = arith.constant 240 : index
      %get3A_358 = tpu.vector_load %arg10[%get3A_356, %get3A_357] {strides = array<i32>} : memref<40x256xf32, #tpu.memory_space<vmem>>, vector<1x16xf32>,
      %get3A_359 = vector.shape_cast %get3A_358 : vector<1x16xf32> to vector<16xf32>
      %swap3A_360 = arith.index_cast %scan3A_222 : i32 to index
      %swap3A_361 = arith.constant 240 : index
      %swap3A_362 = tpu.vector_load %arg9[%swap3A_360, %swap3A_361] {strides = array<i32>} : memref<40x256xf32, #tpu.memory_space<vmem>>, vector<1x16xf32>,
      %swap3A_363 = vector.shape_cast %swap3A_362 : vector<1x16xf32> to vector<16xf32>
      %swap3A_364 = vector.shape_cast %get3A_359 : vector<16xf32> to vector<1x16xf32>
      tpu.vector_store %arg9[%swap3A_360, %swap3A_361], %swap3A_364 {add = true, strides = array<i32>} : memref<40x256xf32, #tpu.memory_space<vmem>>, vector<1x16xf32>,
    }
    %scan3A_191 = arith.constant 40 : i32
    %add3A_192 = arith.constant 4960 : i32
    %add3A_193 = arith.addi %mul3A_2, %add3A_192 : i32
    %dma_start3A_194 = arith.constant 0 : i32
    %dma_start3A_195 = tpu.memref_slice %arg6[%add3A_193, %dma_start3A_194] : memref<160000x256xf32, #tpu.memory_space<hbm>> -> memref<40x256xf32, #tpu.memory_space<hbm>>
    %dma_start3A_196 = arith.constant 0 : i32
    %dma_start3A_197 = tpu.memref_slice %arg6[%add3A_193, %dma_start3A_196] : memref<160000x256xf32, #tpu.memory_space<hbm>> -> memref<40x256xf32, #tpu.memory_space<hbm>>
    tpu.enqueue_dma source(%arg9 : memref<40x256xf32, #tpu.memory_space<vmem>>) target(%dma_start3A_197 : memref<40x256xf32, #tpu.memory_space<hbm>>) target_semaphore(%arg21 : memref<!tpu.dma_semaphore, #tpu.memory_space<semaphore_mem>>)
    %dma_wait3A_198 = arith.constant 0 : i32
    %dma_wait3A_199 = arith.constant 0 : i32
    %dma_wait3A_200 = tpu.memref_slice %arg6[%dma_wait3A_198, %dma_wait3A_199] : memref<160000x256xf32, #tpu.memory_space<hbm>> -> memref<40x256xf32, #tpu.memory_space<hbm>>
    %dma_wait3A_201 = arith.constant 0 : i32
    %dma_wait3A_202 = arith.constant 0 : i32
    %dma_wait3A_203 = tpu.memref_slice %arg6[%dma_wait3A_201, %dma_wait3A_202] : memref<160000x256xf32, #tpu.memory_space<hbm>> -> memref<40x256xf32, #tpu.memory_space<hbm>>
    tpu.wait_dma2 semaphore(%arg22 : memref<!tpu.dma_semaphore, #tpu.memory_space<semaphore_mem>>) src(%arg11 : memref<40x256xf32, #tpu.memory_space<vmem>>) dst(%dma_wait3A_203 : memref<40x256xf32, #tpu.memory_space<hbm>>)
    %dma_wait3A_204 = arith.constant 0 : i32
    %dma_wait3A_205 = arith.constant 0 : i32
    %dma_wait3A_206 = tpu.memref_slice %arg6[%dma_wait3A_204, %dma_wait3A_205] : memref<160000x256xf32, #tpu.memory_space<hbm>> -> memref<40x256xf32, #tpu.memory_space<hbm>>
    %dma_wait3A_207 = arith.constant 0 : i32
    %dma_wait3A_208 = arith.constant 0 : i32
    %dma_wait3A_209 = tpu.memref_slice %arg6[%dma_wait3A_207, %dma_wait3A_208] : memref<160000x256xf32, #tpu.memory_space<hbm>> -> memref<40x256xf32, #tpu.memory_space<hbm>>
    tpu.wait_dma2 semaphore(%arg23 : memref<!tpu.dma_semaphore, #tpu.memory_space<semaphore_mem>>) src(%arg13 : memref<40x256xf32, #tpu.memory_space<vmem>>) dst(%dma_wait3A_209 : memref<40x256xf32, #tpu.memory_space<hbm>>)
    %dma_wait3A_210 = arith.constant 0 : i32
    %dma_wait3A_211 = arith.constant 0 : i32
    %dma_wait3A_212 = tpu.memref_slice %arg6[%dma_wait3A_210, %dma_wait3A_211] : memref<160000x256xf32, #tpu.memory_space<hbm>> -> memref<40x256xf32, #tpu.memory_space<hbm>>
    %dma_wait3A_213 = arith.constant 0 : i32
    %dma_wait3A_214 = arith.constant 0 : i32
    %dma_wait3A_215 = tpu.memref_slice %arg6[%dma_wait3A_213, %dma_wait3A_214] : memref<160000x256xf32, #tpu.memory_space<hbm>> -> memref<40x256xf32, #tpu.memory_space<hbm>>
    tpu.wait_dma2 semaphore(%arg24 : memref<!tpu.dma_semaphore, #tpu.memory_space<semaphore_mem>>) src(%arg15 : memref<40x256xf32, #tpu.memory_space<vmem>>) dst(%dma_wait3A_215 : memref<40x256xf32, #tpu.memory_space<hbm>>)
    %dma_wait3A_216 = arith.constant 0 : i32
    %dma_wait3A_217 = arith.constant 0 : i32
    %dma_wait3A_218 = tpu.memref_slice %arg6[%dma_wait3A_216, %dma_wait3A_217] : memref<160000x256xf32, #tpu.memory_space<hbm>> -> memref<40x256xf32, #tpu.memory_space<hbm>>
    %dma_wait3A_219 = arith.constant 0 : i32
    %dma_wait3A_220 = arith.constant 0 : i32
    %dma_wait3A_221 = tpu.memref_slice %arg6[%dma_wait3A_219, %dma_wait3A_220] : memref<160000x256xf32, #tpu.memory_space<hbm>> -> memref<40x256xf32, #tpu.memory_space<hbm>>
    tpu.wait_dma2 semaphore(%arg21 : memref<!tpu.dma_semaphore, #tpu.memory_space<semaphore_mem>>) src(%arg9 : memref<40x256xf32, #tpu.memory_space<vmem>>) dst(%dma_wait3A_221 : memref<40x256xf32, #tpu.memory_space<hbm>>)
    return
  }
}

module attributes {stable_mosaic.version = 14 : i64} {
  func.func @_node_tables_body(%arg0: i32, %arg1: memref<2000x256xf32, #tpu.memory_space<vmem>>, %arg2: memref<256x8xf32, #tpu.memory_space<vmem>>, %arg3: memref<8x256xf32, #tpu.memory_space<vmem>>, %arg4: memref<8x256xf32, #tpu.memory_space<vmem>>, %arg5: memref<256x256xf32, #tpu.memory_space<vmem>>, %arg6: memref<1x256xf32, #tpu.memory_space<vmem>>, %arg7: memref<2000x256xf32, #tpu.memory_space<vmem>>, %arg8: memref<2000x256xf32, #tpu.memory_space<vmem>>) attributes {dimension_semantics = [#tpu.dimension_semantics<arbitrary>], iteration_bounds = array<i64: 5>, scalar_prefetch = 0 : i64, scratch_operands = 0 : i64, tpu.core_type = #tpu.core_type<tc>, window_params = [{transform_indices = @transform_0, window_bounds = array<i64: 2000, 256>}, {pipeline_mode = #tpu.pipeline_mode<synchronous>, transform_indices = @transform_1, window_bounds = array<i64: 256, 8>}, {pipeline_mode = #tpu.pipeline_mode<synchronous>, transform_indices = @transform_2, window_bounds = array<i64: 8, 256>}, {pipeline_mode = #tpu.pipeline_mode<synchronous>, transform_indices = @transform_3, window_bounds = array<i64: 8, 256>}, {pipeline_mode = #tpu.pipeline_mode<synchronous>, transform_indices = @transform_4, window_bounds = array<i64: 256, 256>}, {pipeline_mode = #tpu.pipeline_mode<synchronous>, transform_indices = @transform_5, window_bounds = array<i64: 1, 256>}, {transform_indices = @transform_6, window_bounds = array<i64: 2000, 256>}, {transform_indices = @transform_7, window_bounds = array<i64: 2000, 256>}]} {
    %get3A = arith.constant 0 : index
    %get3A_0 = arith.constant 0 : index
    %get3A_1 = vector.load %arg1[%get3A, %get3A_0] : memref<2000x256xf32, #tpu.memory_space<vmem>>, vector<2000x256xf32>
    %get3A_2 = arith.constant 0 : index
    %get3A_3 = arith.constant 0 : index
    %get3A_4 = vector.load %arg2[%get3A_2, %get3A_3] : memref<256x8xf32, #tpu.memory_space<vmem>>, vector<256x8xf32>
    %dot_general3A = arith.constant dense<0.000000e+00> : vector<2000x8xf32>
    %dot_general3A_5 = tpu.matmul %get3A_1, %get3A_4, %dot_general3A {dimension_numbers = #tpu.dot_dimension_numbers<[1], [0], [0], [1], [0, 0, 1, 1], [], []>, transpose_lhs_hint = false} : vector<2000x256xf32>, vector<256x8xf32>, vector<2000x8xf32> -> vector<2000x8xf32>
    %logistic3A = arith.negf %dot_general3A_5 : vector<2000x8xf32>
    %logistic3A_6 = math.exp %logistic3A : vector<2000x8xf32>
    %logistic3A_7 = arith.constant 1.000000e+00 : f32
    %logistic3A_8 = vector.broadcast %logistic3A_7 : f32 to vector<2000x8xf32>
    %logistic3A_9 = arith.addf %logistic3A_8, %logistic3A_6 : vector<2000x8xf32>
    %logistic3A_10 = arith.divf %logistic3A_8, %logistic3A_9 : vector<2000x8xf32>
    %get3A_11 = arith.constant 0 : index
    %get3A_12 = arith.constant 0 : index
    %get3A_13 = vector.load %arg3[%get3A_11, %get3A_12] : memref<8x256xf32, #tpu.memory_space<vmem>>, vector<8x256xf32>
    %dot_general3A_14 = arith.constant dense<0.000000e+00> : vector<2000x256xf32>
    %dot_general3A_15 = tpu.matmul %logistic3A_10, %get3A_13, %dot_general3A_14 {dimension_numbers = #tpu.dot_dimension_numbers<[1], [0], [0], [1], [0, 0, 1, 1], [], []>, transpose_lhs_hint = false} : vector<2000x8xf32>, vector<8x256xf32>, vector<2000x256xf32> -> vector<2000x256xf32>
    %get3A_16 = arith.constant 0 : index
    %get3A_17 = arith.constant 0 : index
    %get3A_18 = vector.load %arg4[%get3A_16, %get3A_17] : memref<8x256xf32, #tpu.memory_space<vmem>>, vector<8x256xf32>
    %dot_general3A_19 = arith.constant dense<0.000000e+00> : vector<2000x256xf32>
    %dot_general3A_20 = tpu.matmul %logistic3A_10, %get3A_18, %dot_general3A_19 {dimension_numbers = #tpu.dot_dimension_numbers<[1], [0], [0], [1], [0, 0, 1, 1], [], []>, transpose_lhs_hint = false} : vector<2000x8xf32>, vector<8x256xf32>, vector<2000x256xf32> -> vector<2000x256xf32>
    %get3A_21 = arith.constant 0 : index
    %get3A_22 = arith.constant 0 : index
    %get3A_23 = vector.load %arg5[%get3A_21, %get3A_22] : memref<256x256xf32, #tpu.memory_space<vmem>>, vector<256x256xf32>
    %mul3A = arith.mulf %dot_general3A_15, %get3A_1 : vector<2000x256xf32>
    %dot_general3A_24 = arith.constant dense<0.000000e+00> : vector<2000x256xf32>
    %dot_general3A_25 = tpu.matmul %mul3A, %get3A_23, %dot_general3A_24 {dimension_numbers = #tpu.dot_dimension_numbers<[1], [0], [0], [1], [0, 0, 1, 1], [], []>, transpose_lhs_hint = false} : vector<2000x256xf32>, vector<256x256xf32>, vector<2000x256xf32> -> vector<2000x256xf32>
    %get3A_26 = arith.constant 0 : index
    %get3A_27 = arith.constant 0 : index
    %get3A_28 = vector.load %arg6[%get3A_26, %get3A_27] : memref<1x256xf32, #tpu.memory_space<vmem>>, vector<1x256xf32>
    %add3A = vector.broadcast %get3A_28 : vector<1x256xf32> to vector<2000x256xf32>
    %add3A_29 = arith.addf %dot_general3A_25, %add3A : vector<2000x256xf32>
    %swap3A = arith.constant 0 : index
    %swap3A_30 = arith.constant 0 : index
    %swap3A_31 = vector.load %arg7[%swap3A, %swap3A_30] : memref<2000x256xf32, #tpu.memory_space<vmem>>, vector<2000x256xf32>
    tpu.vector_store %arg7[%swap3A, %swap3A_30], %add3A_29 {strides = array<i32>} : memref<2000x256xf32, #tpu.memory_space<vmem>>, vector<2000x256xf32>,
    %mul3A_32 = arith.mulf %dot_general3A_20, %get3A_1 : vector<2000x256xf32>
    %dot_general3A_33 = arith.constant dense<0.000000e+00> : vector<2000x256xf32>
    %dot_general3A_34 = tpu.matmul %mul3A_32, %get3A_23, %dot_general3A_33 {dimension_numbers = #tpu.dot_dimension_numbers<[1], [0], [0], [1], [0, 0, 1, 1], [], []>, transpose_lhs_hint = false} : vector<2000x256xf32>, vector<256x256xf32>, vector<2000x256xf32> -> vector<2000x256xf32>
    %swap3A_35 = arith.constant 0 : index
    %swap3A_36 = arith.constant 0 : index
    %swap3A_37 = vector.load %arg8[%swap3A_35, %swap3A_36] : memref<2000x256xf32, #tpu.memory_space<vmem>>, vector<2000x256xf32>
    tpu.vector_store %arg8[%swap3A_35, %swap3A_36], %dot_general3A_34 {strides = array<i32>} : memref<2000x256xf32, #tpu.memory_space<vmem>>, vector<2000x256xf32>,
    return
  }
  func.func @transform_0(%arg0: i32) -> (i32, i32) {
    %c0_i32 = arith.constant 0 : i32
    %c0_i32_0 = arith.constant 0 : i32
    return %arg0, %c0_i32 : i32, i32
  }
  func.func @transform_1(%arg0: i32) -> (i32, i32) {
    %c0_i32 = arith.constant 0 : i32
    %c0_i32_0 = arith.constant 0 : i32
    %c0_i32_1 = arith.constant 0 : i32
    return %c0_i32, %c0_i32_0 : i32, i32
  }
  func.func @transform_2(%arg0: i32) -> (i32, i32) {
    %c0_i32 = arith.constant 0 : i32
    %c0_i32_0 = arith.constant 0 : i32
    %c0_i32_1 = arith.constant 0 : i32
    return %c0_i32, %c0_i32_0 : i32, i32
  }
  func.func @transform_3(%arg0: i32) -> (i32, i32) {
    %c0_i32 = arith.constant 0 : i32
    %c0_i32_0 = arith.constant 0 : i32
    %c0_i32_1 = arith.constant 0 : i32
    return %c0_i32, %c0_i32_0 : i32, i32
  }
  func.func @transform_4(%arg0: i32) -> (i32, i32) {
    %c0_i32 = arith.constant 0 : i32
    %c0_i32_0 = arith.constant 0 : i32
    %c0_i32_1 = arith.constant 0 : i32
    return %c0_i32, %c0_i32_0 : i32, i32
  }
  func.func @transform_5(%arg0: i32) -> (i32, i32) {
    %c0_i32 = arith.constant 0 : i32
    %c0_i32_0 = arith.constant 0 : i32
    %c0_i32_1 = arith.constant 0 : i32
    return %c0_i32, %c0_i32_0 : i32, i32
  }
  func.func @transform_6(%arg0: i32) -> (i32, i32) {
    %c0_i32 = arith.constant 0 : i32
    %c0_i32_0 = arith.constant 0 : i32
    return %arg0, %c0_i32 : i32, i32
  }
  func.func @transform_7(%arg0: i32) -> (i32, i32) {
    %c0_i32 = arith.constant 0 : i32
    %c0_i32_0 = arith.constant 0 : i32
    return %arg0, %c0_i32 : i32, i32
  }
}

</mosaic_0001>

<sc_bundles>
// kernel: kernel.4.cloned.1.call-start
scs
__scs_entry_jumppad:
0x0: {  	(pc) =	sbr.rel $0x88, $3  }
0x1: {  	(tag) =	ssettag $0x0;
	lr =	simm.s32 $0x1  }
0x2: {  	[smem:$0x3F9B] =	sst lr;
	_ =	strace $0xD0000000  }
0x3: {  	_ = 	snop  }
0x4: {  	_ = 	snop  }
0x5: {  	_ = 	snop  }
0x6: {  	_ = 	snop  }
0x7: {  	_ = 	snop  }
__scs_overlays_trampoline_lowered:
0x8: {  	[smem:$0x3FAA] =	sst s0  }
0x9: {  	[smem:$0x3FAB] =	sst s1  }
0xa: {  	[smem:$0x3FAC] =	sst s2  }
0xb: {  	[smem:$0x3FAD] =	sst s3  }
0xc: {  	[smem:$0x3FAE] =	sst s4  }
0xd: {  	[smem:$0x3FAF] =	sst s5  }
0xe: {  	[smem:$0x3FB0] =	sst s6  }
0xf: {  	[smem:$0x3FB1] =	sst s7  }
0x10: {  	[smem:$0x3FB2] =	sst s8  }
0x11: {  	[smem:$0x3FB3] =	sst s9;
	s0 =	simm.s32 @!p0 $0x0  }
0x12: {  	s1 =	sld [smem:$0x3F99];
	s0 =	simm.s32 @p0 $0x1  }
0x13: {  	[smem:$0x3FB4] =	sst s0;
	s0 =	simm.s32 @!p1 $0x0  }
0x14: {  	s2 =	sld [smem:$0x3F98];
	s0 =	simm.s32 @p1 $0x1  }
0x15: {  	[smem:$0x3FB5] =	sst s0;
	s0 =	simm.s32 @!p2 $0x0  }
0x16: {  	s3 =	sld [smem:$0x3FDB];
	s0 =	simm.s32 @p2 $0x1  }
0x17: {  	s4 =	simm.s32 $0x1BF5;
	[smem:$0x3FB7] =	sst s0  }
0x18: {  	s0 =	sld [smem:$0x3F9A];
	_ =	swait.ge [sflag:s4], $0x0  }
0x19: {  	s7 =	sld [smem:$0x3F9B]  }
0x1a: {  	s8 =	sadd.s32 $0xFFFFE003, lr  }
0x1b: {  	s9 =	sadd.s32 $0xFFFFFEF7, lr;
	s5 =	simm.s32 $0xFFFFFFFF;
	p2 =	slt.u32 s8, $0xFFFFF086  }
0x1c: {  	p1 =	slt.u32 s9, $0xF7A;
	s5 =	simm.s32 @!p2 $0x0  }
0x1d: {  	s5 =	simm.s32 @p1 $0x1;
	p0 =	seq.s32 s7, s2  }
0x1e: {  	s7 =	smul.u32 @!p0 $0xF7A, s2;
	p2 =	seq.s32 @!p0 s5, $0x0  }
0x1f: {  	s9 =	smul.u32 $0xF7A, s1;
	s8 =	simm.s32 @!p0 $0x1BF5;
	p2 =	por !p2, p0  }
0x20: {  	[sflag:s8] =	ssyncset.s32 @!p0 $0xFFFFF086;
	s6 =	sadd.s32 @!p0 s3, s7;
	s7 =	simm.s32 @!p0 $0x108  }
0x21: {  	s3 =	sadd.s32 s3, s9;
	s6 =	sadd.s32 @!p0 $0x88, s6;
	s7 =	simm.s32 @p2 $0x1082  }
0x22: {  	[simem:s7], [sflag:s8] =	dma.local @!p0 [hbm:s6], $0xF7A  }
0x23: {  	s9 =	sor.u32 $0xD0000000, s2;
	s6 =	simm.s32 $0x108;
	_ =	swait.ge @!p0 [sflag:s8], $0x0  }
0x24: {  	s3 =	sadd.s32 $0x88, s3;
	s6 =	simm.s32 @!p1 $0x1082;
	[sflag:s4] =	ssyncset.s32 $0xFFFFF086  }
0x25: {  	[simem:s6], [sflag:s4] =	dma.local [hbm:s3], $0xF7A  }
0x26: {  	[smem:$0x3F9B] =	sst s1;
	(tag) =	ssettag s2;
	_ =	strace s9  }
0x27: {  	s1 =	sld [smem:$0x3FAB]  }
0x28: {  	s2 =	sld [smem:$0x3FAC]  }
0x29: {  	s4 =	sld [smem:$0x3FAE]  }
0x2a: {  	p0 =	seq.s32 s5, $0x0;
	s5 =	sld [smem:$0x3FAF]  }
0x2b: {  	s6 =	sld [smem:$0x3FB0]  }
0x2c: {  	s7 =	sld [smem:$0x3FB1]  }
0x2d: {  	s3 =	simm.s32 $0x108;
	s8 =	sld [smem:$0x3FB2]  }
0x2e: {  	s3 =	simm.s32 @!p0 $0x1082;
	s9 =	sld [smem:$0x3FB3]  }
0x2f: {  	lr =	sadd.s32 s0, s3;
	s0 =	sld [smem:$0x3FAA]  }
0x30: {  	s3 =	sld [smem:$0x3FAD]  }
0x31: {  	[smem:$0x3FB6] =	sst s10  }
0x32: {  	s10 =	sld [smem:$0x3FB4];
	_ =	sdelay $0x3  }
0x33: {  	p0 =	seq.s32 s10, $0x1;
	s10 =	sld [smem:$0x3FB6];
	_ =	sdelay $0x3  }
0x34: {  	[smem:$0x3FB6] =	sst s10  }
0x35: {  	s10 =	sld [smem:$0x3FB5];
	_ =	sdelay $0x3  }
0x36: {  	p1 =	seq.s32 s10, $0x1;
	s10 =	sld [smem:$0x3FB6];
	_ =	sdelay $0x3  }
0x37: {  	[smem:$0x3FB6] =	sst s10  }
0x38: {  	s10 =	sld [smem:$0x3FB7]  }
0x39: {  	_ = 	snop;
	(pc) =	sbr.ind lr, $3  }
0x3a: {  	_ = 	snop  }
0x3b: {  	_ = 	snop  }
0x3c: {  	p2 =	seq.s32 s10, $0x1;
	s10 =	sld [smem:$0x3FB6]  }
0x3d: {  	_ =	shalt  }
0x3e: {  	_ =	shalt  }
0x3f: {  	_ =	shalt  }
0x40: {  	_ =	shalt  }
0x41: {  	_ =	shalt  }
0x42: {  	_ =	shalt  }
0x43: {  	_ =	shalt  }
0x44: {  	_ =	shalt  }
0x45: {  	_ =	shalt  }
0x46: {  	_ =	shalt  }
0x47: {  	_ =	shalt  }
0x48: {  	_ =	shalt  }
0x49: {  	_ =	shalt  }
0x4a: {  	_ =	shalt  }
0x4b: {  	_ =	shalt  }
0x4c: {  	_ =	shalt  }
0x4d: {  	_ =	shalt  }
0x4e: {  	_ =	shalt  }
0x4f: {  	_ =	shalt  }
0x50: {  	_ =	shalt  }
0x51: {  	_ =	shalt  }
0x52: {  	_ =	shalt  }
0x53: {  	_ =	shalt  }
0x54: {  	_ =	shalt  }
0x55: {  	_ =	shalt  }
0x56: {  	_ =	shalt  }
0x57: {  	_ =	shalt  }
0x58: {  	_ =	shalt  }
0x59: {  	_ =	shalt  }
0x5a: {  	_ =	shalt  }
0x5b: {  	_ =	shalt  }
0x5c: {  	_ =	shalt  }
0x5d: {  	_ =	shalt  }
0x5e: {  	_ =	shalt  }
0x5f: {  	_ =	shalt  }
0x60: {  	_ =	shalt  }
0x61: {  	_ =	shalt  }
0x62: {  	_ =	shalt  }
0x63: {  	_ =	shalt  }
0x64: {  	_ =	shalt  }
0x65: {  	_ =	shalt  }
0x66: {  	_ =	shalt  }
0x67: {  	_ =	shalt  }
0x68: {  	_ =	shalt  }
0x69: {  	_ =	shalt  }
0x6a: {  	_ =	shalt  }
0x6b: {  	_ =	shalt  }
0x6c: {  	_ =	shalt  }
0x6d: {  	_ =	shalt  }
0x6e: {  	_ =	shalt  }
0x6f: {  	_ =	shalt  }
0x70: {  	_ =	shalt  }
0x71: {  	_ =	shalt  }
0x72: {  	_ =	shalt  }
0x73: {  	_ =	shalt  }
0x74: {  	_ =	shalt  }
0x75: {  	_ =	shalt  }
0x76: {  	_ =	shalt  }
0x77: {  	_ =	shalt  }
0x78: {  	_ =	shalt  }
0x79: {  	_ =	shalt  }
0x7a: {  	_ =	shalt  }
0x7b: {  	_ =	shalt  }
0x7c: {  	_ =	shalt  }
0x7d: {  	_ =	shalt  }
0x7e: {  	_ =	shalt  }
0x7f: {  	_ =	shalt  }
0x80: {  	_ =	shalt  }
0x81: {  	_ =	shalt  }
0x82: {  	_ =	shalt  }
0x83: {  	_ =	shalt  }
0x84: {  	_ =	shalt  }
0x85: {  	_ =	shalt  }
0x86: {  	_ =	shalt  }
0x87: {  	_ =	shalt  }
.Lfunc_end0:
.L_simem_size_0:
called_computation_lowered:
.L_overlay_start_0:
0x88: {  	s2 =	sld [smem:$0x3FD9]  }
0x89: {  	s3 =	sld [smem:$0x3FFE];
	_ =	sdelay $0x1  }
0x8a: {  	s1 =	srdreg.scid  }
0x8b: {  	s0 =	sand.u32 $0x1, s1  }
0x8c: {  	s17 =	sshll.u32 s0, $0xA;
	s2 =	sadd.s32 s3, s2  }
0x8d: {  	s2 =	sadd.s32 s2, s17  }
0x8e: {  	[smem:$0x3FC2] =	sst s2  }
0x8f: {  	_ = 	snop  }
0x90: {  	s2 =	sld [smem:$0x3FD0];
	(tm) =	ssettm $0x1  }
0x91: {  	s18 =	sld [smem:$0x3FFB];
	_ =	sdelay $0x3  }
0x92: {  	_ =	strace s18  }
0x93: {  	s3 =	sld [smem:$0x3FFC];
	_ =	sdelay $0x3  }
0x94: {  	_ =	strace s3  }
0x95: {  	s3 =	sld [smem:$0x3FFD];
	_ =	sdelay $0x3  }
0x96: {  	_ =	strace s3  }
0x97: {  	_ =	strace $0x8FFFFFFF  }
0x98: {  	s19 =	sld [smem:$0x3FDB];
	_ =	sdelay $0x1  }
0x99: {  	s4 =	simm.s32 $_scs_section_size  }
0x9a: {  	s5 =	simm.s32 $_size__tile_overlayer_lowered;
	s6 =	simm.s32 $_tile_overlayer_lowered  }
0x9b: {  	s22 =	simm.s32 $0x1BFF;
	s21 =	sshll.u32 s6, $0x1;
	s3 =	sadd.s32 s4, s19  }
0x9c: {  	s7 =	simm.s32 $0x0;
	s20 =	sshll.u32 s5, $0x1;
	s5 =	sadd.s32 s21, s3  }
0x9d: {  	[timem:s7], [sflag:s22] =	dma.local [hbm:s5], s20  }
0x9e: {  	_ =	swait.ge [sflag:s22], s20  }
0x9f: {  	s4 =	ssub.s32 $0x0, s20;
	[sflag:s22] =	ssyncset.done $0x0  }
0xa0: {  	[sflag:s22] =	ssyncadd.s32 s4;
	_ =	sdelay $0x1  }
0xa1: {  	s23 =	simm.s32 $0x1B8B  }
0xa2: {  	_ =	swait.ge [sflag:s23], $0x1  }
0xa3: {  	[sflag:s23] =	ssyncset.done $0x0  }
0xa4: {  	s25 =	simm.s32 $0x1B8E;
	s24 =	sld [smem:$0x3FFE];
	[sflag:s23] =	ssyncadd.s32 $0xFFFFFFFF  }
0xa5: {  	s26 =	simm.s32 $execute0_lowered;
	[smem:$0x3FD2] =	sst s25  }
0xa6: {  	s5 =	sshll.u32 s26, $0x1;
	_ =	strace $0x80000046;
	[dreg:$0x1] =	wrdreg $0xFFFFFFFF  }
0xa7: {  	s28 =	simm.s32 $_size_execute0_lowered;
	s3 =	sadd.s32 s3, s5;
	[dreg:$0x0] =	wrdreg $0x0  }
0xa8: {  	s5 =	sshll.u32 s28, $0x1;
	[dreg:$0x2] =	wrdreg s3  }
0xa9: {  	[dreg:$0x3] =	wrdreg s5  }
0xaa: {  	[dreg:$0x4] =	wrdreg $0xC0  }
0xab: {  	_ =	task [dreg:s7], $0x5FFFF  }
0xac: {  	[dreg:$0x1] =	wrdreg $0xFFFFFFFF  }
0xad: {  	[dreg:$0x0] =	wrdreg $0x60  }
0xae: {  	[dreg:$0x2] =	wrdreg s24  }
0xaf: {  	[dreg:$0x3] =	wrdreg s2  }
0xb0: {  	[dreg:$0x4] =	wrdreg $0x9  }
0xb1: {  	_ =	task.clear_ibuf [dreg:s7], $0x5FFFF;
	_ =	strace $0x90000046  }
0xb2: {  	s29 =	simm.s32 $0x9;
	_ =	strace $0x80000048  }
0xb3: {  	_ =	swait.ge [sflag:s29], $0x1  }
0xb4: {  	[sflag:s29] =	ssyncadd.s32 $0xFFFFFFFF  }
0xb5: {  	_ =	strace $0x90000048  }
0xb6: {  	_ =	sfence  }
0xb7: {  	s30 =	sld [smem:$0x0];
	_ =	sdelay $0x2  }
0xb8: {  	s31 =	sshll.u32 s1, $0xD;
	s1 =	sshrl.u32 s1, $0x2  }
0xb9: {  	s3 =	sand.u32 $0x4000, s31;
	s1 =	sadd.s32 s1, s30  }
0xba: {  	s0 =	sor.u32 s3, s0;
	s1 =	sshll.u32 s1, $0x11  }
0xbb: {  	s0 =	sor.u32 s1, s0  }
0xbc: {  	s0 =	sadd.s32 $0x8F2B, s0  }
0xbd: {  	[sflag:s0] =	ssyncadd.remote.s32 $0x1  }
0xbe: {  	_ =	sfence.sel $0xFFFF  }
0xbf: {  	[dreg:$0x0] =	wrdreg $0xFFFFFFFF;
	(pc) =	sbr.abs _section_cstart, $3  }
0xc0: {  	[dreg:$0x1] =	wrdreg $0xFFFFFFFF  }
0xc1: {  	_ =	task.clear_ibuf [dreg:s7], $0x2FFFF;
	_ =	strace $0x9FFFFFFF  }
0xc2: {  	(tm) =	ssettm $0x7FFFFFFF  }
0xc3: {  	_ =	shalt  }
tec
execute0_lowered:
.L_overlay_start_1:
0x0: {  	(tag) =	ssettag $0x1  }
0x1: {  	s0 =	rddreg [dreg:$0x0];
	s1 =	srdreg.scid  }
0x2: {  	s3 =	stileid.u32;
	s2 =	rddreg [dreg:$0x1];
	s18 =	simm.s32 $0x2800  }
0x3: {  	s28 =	simm.s32 $0x7000;
	s29 =	simm.s32 $0x7800;
	s11 =	simm.s32 $0xC800  }
0x4: {  	s17 =	simm.s32 $0x5;
	s1 =	sand.u32 $0x1, s1;
	s4 =	sshll.u32 s3, $0x1  }
0x5: {  	s10 =	simm.s32 $0x6;
	s12 =	simm.s32 $0x4;
	s7 =	sor.u32 s1, s4  }
0x6: {  	s14 =	simm.s32 $0x7;
	s15 =	simm.s32 $0x8;
	s4 =	smul.u32 $0x1388, s7  }
0x7: {  	s3 =	simm.s32 $0x0;
	s5 =	sadd.s32 $0xAA00, s0;
	s9 =	smul.u32 $0x138800, s7  }
0x8: {  	[smem:$0x7FF] =	sst s3;
	s1 =	ssub.s32 $0x2, s1;
	s7 =	smul.u32 $0x27100, s7  }
0x9: {  	s6 =	sadd.s32 $0x58C00, s0;
	_ =	strace $0x80000047;
	s20 =	sshrl.u32 s1, $0x1  }
0xa: {  	s1 =	ssub.s32 s1, s20;
	s8 =	sshrl.u32 s4, $0x3;
	s23 =	sadd.s32 s2, s7  }
0xb: {  	s31 =	smax.u32 s1, $0x1;
	s0 =	sadd.s32 s8, s0;
	[dreg:$0x5] =	wrdreg s23  }
0xc: {  	s22 =	sshrl.u32 s9, $0x3;
	[dreg:$0xa] =	wrdreg s31;
	s21 =	sadd.s32 $0x5A00, s0  }
0xd: {  	s24 =	sadd.s32 s2, s22;
	s0 =	sadd.s32 $0xA00, s0;
	[dreg:$0x3] =	wrdreg s21  }
0xe: {  	s16 =	simm.s32 $0x0;
	s25 =	sadd.s32 $0x500, s24;
	[dreg:$0x4] =	wrdreg s0  }
0xf: {  	s13 =	sadd.s32 $0x28, s4;
	s26 =	sadd.s32 $0xA00, s24;
	[dreg:$0x6] =	wrdreg s25  }
0x10: {  	s7 =	simm.s32 $0x1;
	s30 =	sadd.s32 $0xF00, s24;
	[dreg:$0x7] =	wrdreg s26  }
0x11: {  	v2 =	vlaneseq.u32;
	s9 =	simm.s32 $0x3;
	s8 =	simm.s32 $0x11800;
	[dreg:$0x8] =	wrdreg s30  }
0x12: {  	vm0 =	vmmov $0xffff;
	v1 =	vshrl.u32 v2, $0x3;
	s0 =	sadd.s32 $0x26C00, s24;
	s24 =	simm.s32 $0x5800;
	s25 =	simm.s32 $0x6000  }
0x13: {  	v0 =	vand.u32 $0x7, v2;
	v2 =	vor.u32 $0x8, v2;
	v1 =	vmul.u32 $0x8, v1;
	s26 =	simm.s32 $0x6800;
	[dreg:$0x9] =	wrdreg s0;
	s0 =	simm.s32 $0x2  }
.LBB2_1:
0x14: {  	[dreg:$0xb] =	wrdreg s16  }
0x15: {  	s1 =	rddreg [dreg:$0x3];
	s22 =	simm.s32 $0x9  }
0x16: {  	[tilespmem:s3], [sflag:$0x9] =	stream.linear.gather [hbm4b:s1+s3], $0x1388, $0x38;
	[tilespmem:$0x16800] =	vst v63  }
0x17: {  	_ =	swait.ge [sflag:s22], $0x1388  }
0x18: {  	[sflag:s22] =	ssyncset.done $0x0  }
0x19: {  	s19 =	simm.s32 $0x1400;
	s23 =	rddreg [dreg:$0x4];
	[sflag:s22] =	ssyncadd.s32 $0xFFFFEC78  }
0x1a: {  	[tilespmem:s19], [sflag:$0x9] =	stream.linear.gather [hbm4b:s23+s3], $0x1388, $0x38;
	[tilespmem:$0x16800] =	vst v63  }
0x1b: {  	_ =	swait.ge [sflag:s22], $0x1388  }
0x1c: {  	[sflag:s22] =	ssyncset.done $0x0  }
0x1d: {  	[sflag:s22] =	ssyncadd.s32 $0xFFFFEC78  }
0x1e: {  	v3 =	vld [tilespmem:$0x0];
	_ =	sdelay $0x4  }
0x1f: {  	v4 =	vshll.u32 v3, $0x1  }
0x20: {  	v3 =	vand.u32 $0x7, v3;
	v4 =	vand.u32 $0xFFFFFFF0, v4  }
0x21: {  	v3 =	vor.u32 v3, v4  }
0x22: {  	v4 =	vperm.xlane v3, v0;
	_ =	sdelay $0x1  }
0x23: {  	v3 =	vperm.xlane v3, v2;
	v4 =	vadd.s32 v1, v4;
	_ =	sdelay $0x1  }
0x24: {  	v3 =	vadd.s32 v1, v3;
	_ =	sdelay $0x2  }
0x25: {  	[tilespmem:s18], [sflag:$0x1] =	stream.indirect_vreg.gather [hbm4b:s5+s3], $0x80, v4, vm0, $0xb8;
	[tilespmem:$0x16800] =	vst v63  }
0x26: {  	s30 =	simm.s32 $0x3000  }
0x27: {  	[tilespmem:s30], [sflag:$0x1] =	stream.indirect_vreg.gather [hbm4b:s5+s3], $0x80, v3, vm0, $0xb8;
	[tilespmem:$0x16800] =	vst v63  }
0x28: {  	v3 =	vld [tilespmem:$0x10];
	_ =	sdelay $0x4  }
0x29: {  	v4 =	vshll.u32 v3, $0x1  }
0x2a: {  	v3 =	vand.u32 $0x7, v3;
	v4 =	vand.u32 $0xFFFFFFF0, v4  }
0x2b: {  	v3 =	vor.u32 v3, v4  }
0x2c: {  	v4 =	vperm.xlane v3, v0;
	_ =	sdelay $0x1  }
0x2d: {  	v3 =	vperm.xlane v3, v2;
	v4 =	vadd.s32 v1, v4;
	_ =	sdelay $0x1  }
0x2e: {  	v3 =	vadd.s32 v1, v3;
	_ =	sdelay $0x1  }
0x2f: {  	s31 =	simm.s32 $0x3800  }
0x30: {  	[tilespmem:s31], [sflag:$0x1] =	stream.indirect_vreg.gather [hbm4b:s5+s3], $0x80, v4, vm0, $0xb8;
	[tilespmem:$0x16800] =	vst v63  }
0x31: {  	s16 =	simm.s32 $0x4000  }
0x32: {  	[tilespmem:s16], [sflag:$0x1] =	stream.indirect_vreg.gather [hbm4b:s5+s3], $0x80, v3, vm0, $0xb8;
	[tilespmem:$0x16800] =	vst v63  }
0x33: {  	v3 =	vld.msk [tilespmem:$0x20], $0xff;
	_ =	sdelay $0x4  }
0x34: {  	v4 =	vshll.u32 v3, $0x1  }
0x35: {  	v3 =	vand.u32 $0x7, v3;
	v4 =	vand.u32 $0xFFFFFFF0, v4  }
0x36: {  	v3 =	vor.u32 v3, v4  }
0x37: {  	v3 =	vperm.xlane v3, v0;
	_ =	sdelay $0x1  }
0x38: {  	v3 =	vadd.s32 v1, v3;
	_ =	sdelay $0x3  }
0x39: {  	s19 =	simm.s32 $0x4800  }
0x3a: {  	[tilespmem:s19], [sflag:$0x1] =	stream.indirect_vreg.gather [hbm4b:s5+s3], $0x80, v3, vm0, $0xb8;
	[tilespmem:$0x16800] =	vst v63  }
0x3b: {  	v3 =	vld [tilespmem:$0x1400];
	_ =	sdelay $0x4  }
0x3c: {  	v4 =	vshll.u32 v3, $0x1  }
0x3d: {  	v3 =	vand.u32 $0x7, v3;
	v4 =	vand.u32 $0xFFFFFFF0, v4  }
0x3e: {  	v3 =	vor.u32 v3, v4  }
0x3f: {  	v4 =	vperm.xlane v3, v0;
	_ =	sdelay $0x1  }
0x40: {  	v3 =	vperm.xlane v3, v2;
	v4 =	vadd.s32 v1, v4;
	_ =	sdelay $0x1  }
0x41: {  	v3 =	vadd.s32 v1, v3;
	_ =	sdelay $0x1  }
0x42: {  	s20 =	simm.s32 $0x5000  }
0x43: {  	[tilespmem:s20], [sflag:$0x1] =	stream.indirect_vreg.gather [hbm4b:s6+s3], $0x80, v4, vm0, $0xb8;
	[tilespmem:$0x16800] =	vst v63  }
0x44: {  	_ = 	snop  }
0x45: {  	[tilespmem:s24], [sflag:$0x1] =	stream.indirect_vreg.gather [hbm4b:s6+s3], $0x80, v3, vm0, $0xb8;
	[tilespmem:$0x16800] =	vst v63  }
0x46: {  	v3 =	vld [tilespmem:$0x1410];
	_ =	sdelay $0x4  }
0x47: {  	v4 =	vshll.u32 v3, $0x1  }
0x48: {  	v3 =	vand.u32 $0x7, v3;
	v4 =	vand.u32 $0xFFFFFFF0, v4  }
0x49: {  	v3 =	vor.u32 v3, v4  }
0x4a: {  	v4 =	vperm.xlane v3, v0;
	_ =	sdelay $0x1  }
0x4b: {  	v3 =	vperm.xlane v3, v2;
	v4 =	vadd.s32 v1, v4;
	_ =	sdelay $0x1  }
0x4c: {  	v3 =	vadd.s32 v1, v3;
	_ =	sdelay $0x2  }
0x4d: {  	[tilespmem:s25], [sflag:$0x1] =	stream.indirect_vreg.gather [hbm4b:s6+s3], $0x80, v4, vm0, $0xb8;
	[tilespmem:$0x16800] =	vst v63  }
0x4e: {  	_ = 	snop  }
0x4f: {  	[tilespmem:s26], [sflag:$0x1] =	stream.indirect_vreg.gather [hbm4b:s6+s3], $0x80, v3, vm0, $0xb8;
	[tilespmem:$0x16800] =	vst v63  }
0x50: {  	v3 =	vld.msk [tilespmem:$0x1420], $0xff;
	_ =	sdelay $0x4  }
0x51: {  	v4 =	vshll.u32 v3, $0x1  }
0x52: {  	v3 =	vand.u32 $0x7, v3;
	v4 =	vand.u32 $0xFFFFFFF0, v4  }
0x53: {  	v3 =	vor.u32 v3, v4  }
0x54: {  	v3 =	vperm.xlane v3, v0;
	_ =	sdelay $0x1  }
0x55: {  	v3 =	vadd.s32 v1, v3;
	_ =	sdelay $0x4  }
0x56: {  	[tilespmem:s28], [sflag:$0x1] =	stream.indirect_vreg.gather [hbm4b:s6+s3], $0x80, v3, vm0, $0xb8;
	[tilespmem:$0x16800] =	vst v63  }
0x57: {  	v3 =	vld [tilespmem:$0x28];
	_ =	sdelay $0x4  }
0x58: {  	v4 =	vshll.u32 v3, $0x1  }
0x59: {  	v3 =	vand.u32 $0x7, v3;
	v4 =	vand.u32 $0xFFFFFFF0, v4  }
0x5a: {  	v3 =	vor.u32 v3, v4  }
0x5b: {  	v4 =	vperm.xlane v3, v0;
	_ =	sdelay $0x1  }
0x5c: {  	v3 =	vperm.xlane v3, v2;
	v4 =	vadd.s32 v1, v4;
	_ =	sdelay $0x1  }
0x5d: {  	v3 =	vadd.s32 v1, v3;
	_ =	sdelay $0x2  }
0x5e: {  	[tilespmem:s29], [sflag:$0x2] =	stream.indirect_vreg.gather [hbm4b:s5+s3], $0x80, v4, vm0, $0xb8;
	[tilespmem:$0x16800] =	vst v63  }
0x5f: {  	s21 =	simm.s32 $0x8000  }
0x60: {  	[tilespmem:s21], [sflag:$0x2] =	stream.indirect_vreg.gather [hbm4b:s5+s3], $0x80, v3, vm0, $0xb8;
	[tilespmem:$0x16800] =	vst v63  }
0x61: {  	v3 =	vld [tilespmem:$0x38];
	_ =	sdelay $0x4  }
0x62: {  	v4 =	vshll.u32 v3, $0x1  }
0x63: {  	v3 =	vand.u32 $0x7, v3;
	v4 =	vand.u32 $0xFFFFFFF0, v4  }
0x64: {  	v3 =	vor.u32 v3, v4  }
0x65: {  	v4 =	vperm.xlane v3, v0;
	_ =	sdelay $0x1  }
0x66: {  	v3 =	vperm.xlane v3, v2;
	v4 =	vadd.s32 v1, v4;
	_ =	sdelay $0x1  }
0x67: {  	v3 =	vadd.s32 v1, v3;
	_ =	sdelay $0x1  }
0x68: {  	s22 =	simm.s32 $0x8800  }
0x69: {  	[tilespmem:s22], [sflag:$0x2] =	stream.indirect_vreg.gather [hbm4b:s5+s3], $0x80, v4, vm0, $0xb8;
	[tilespmem:$0x16800] =	vst v63  }
0x6a: {  	s23 =	simm.s32 $0x9000  }
0x6b: {  	[tilespmem:s23], [sflag:$0x2] =	stream.indirect_vreg.gather [hbm4b:s5+s3], $0x80, v3, vm0, $0xb8;
	[tilespmem:$0x16800] =	vst v63  }
0x6c: {  	v3 =	vld.msk [tilespmem:$0x48], $0xff;
	_ =	sdelay $0x4  }
0x6d: {  	v4 =	vshll.u32 v3, $0x1  }
0x6e: {  	v3 =	vand.u32 $0x7, v3;
	v4 =	vand.u32 $0xFFFFFFF0, v4  }
0x6f: {  	v3 =	vor.u32 v3, v4  }
0x70: {  	v3 =	vperm.xlane v3, v0;
	_ =	sdelay $0x1  }
0x71: {  	v3 =	vadd.s32 v1, v3;
	_ =	sdelay $0x3  }
0x72: {  	s30 =	simm.s32 $0x9800  }
0x73: {  	[tilespmem:s30], [sflag:$0x2] =	stream.indirect_vreg.gather [hbm4b:s5+s3], $0x80, v3, vm0, $0xb8;
	[tilespmem:$0x16800] =	vst v63  }
0x74: {  	v3 =	vld [tilespmem:$0x1428];
	_ =	sdelay $0x4  }
0x75: {  	v4 =	vshll.u32 v3, $0x1  }
0x76: {  	v3 =	vand.u32 $0x7, v3;
	v4 =	vand.u32 $0xFFFFFFF0, v4  }
0x77: {  	v3 =	vor.u32 v3, v4  }
0x78: {  	v4 =	vperm.xlane v3, v0;
	_ =	sdelay $0x1  }
0x79: {  	v3 =	vperm.xlane v3, v2;
	v4 =	vadd.s32 v1, v4;
	_ =	sdelay $0x1  }
0x7a: {  	v3 =	vadd.s32 v1, v3;
	_ =	sdelay $0x1  }
0x7b: {  	s31 =	simm.s32 $0xA000  }
0x7c: {  	[tilespmem:s31], [sflag:$0x2] =	stream.indirect_vreg.gather [hbm4b:s6+s3], $0x80, v4, vm0, $0xb8;
	[tilespmem:$0x16800] =	vst v63  }
0x7d: {  	s16 =	simm.s32 $0xA800  }
0x7e: {  	[tilespmem:s16], [sflag:$0x2] =	stream.indirect_vreg.gather [hbm4b:s6+s3], $0x80, v3, vm0, $0xb8;
	[tilespmem:$0x16800] =	vst v63  }
0x7f: {  	v3 =	vld [tilespmem:$0x1438];
	_ =	sdelay $0x4  }
0x80: {  	v4 =	vshll.u32 v3, $0x1  }
0x81: {  	v3 =	vand.u32 $0x7, v3;
	v4 =	vand.u32 $0xFFFFFFF0, v4  }
0x82: {  	v3 =	vor.u32 v3, v4  }
0x83: {  	v4 =	vperm.xlane v3, v0;
	_ =	sdelay $0x1  }
0x84: {  	v3 =	vperm.xlane v3, v2;
	v4 =	vadd.s32 v1, v4;
	_ =	sdelay $0x1  }
0x85: {  	v3 =	vadd.s32 v1, v3;
	_ =	sdelay $0x1  }
0x86: {  	s19 =	simm.s32 $0xB000  }
0x87: {  	[tilespmem:s19], [sflag:$0x2] =	stream.indirect_vreg.gather [hbm4b:s6+s3], $0x80, v4, vm0, $0xb8;
	[tilespmem:$0x16800] =	vst v63  }
0x88: {  	s20 =	simm.s32 $0xB800  }
0x89: {  	[tilespmem:s20], [sflag:$0x2] =	stream.indirect_vreg.gather [hbm4b:s6+s3], $0x80, v3, vm0, $0xb8;
	[tilespmem:$0x16800] =	vst v63  }
0x8a: {  	v3 =	vld.msk [tilespmem:$0x1448], $0xff;
	_ =	sdelay $0x4  }
0x8b: {  	v4 =	vshll.u32 v3, $0x1  }
0x8c: {  	v3 =	vand.u32 $0x7, v3;
	v4 =	vand.u32 $0xFFFFFFF0, v4  }
0x8d: {  	v3 =	vor.u32 v3, v4  }
0x8e: {  	v3 =	vperm.xlane v3, v0;
	_ =	sdelay $0x1  }
0x8f: {  	v3 =	vadd.s32 v1, v3;
	_ =	sdelay $0x3  }
0x90: {  	s21 =	simm.s32 $0xC000  }
0x91: {  	[tilespmem:s21], [sflag:$0x2] =	stream.indirect_vreg.gather [hbm4b:s6+s3], $0x80, v3, vm0, $0xb8;
	[tilespmem:$0x16800] =	vst v63  }
0x92: {  	v3 =	vld [tilespmem:$0x50];
	_ =	sdelay $0x4  }
0x93: {  	v4 =	vshll.u32 v3, $0x1  }
0x94: {  	v3 =	vand.u32 $0x7, v3;
	v4 =	vand.u32 $0xFFFFFFF0, v4  }
0x95: {  	v3 =	vor.u32 v3, v4  }
0x96: {  	v4 =	vperm.xlane v3, v0;
	_ =	sdelay $0x1  }
0x97: {  	v3 =	vperm.xlane v3, v2;
	v4 =	vadd.s32 v1, v4;
	_ =	sdelay $0x1  }
0x98: {  	v3 =	vadd.s32 v1, v3;
	_ =	sdelay $0x2  }
0x99: {  	[tilespmem:s11], [sflag:$0x3] =	stream.indirect_vreg.gather [hbm4b:s5+s3], $0x80, v4, vm0, $0xb8;
	[tilespmem:$0x16800] =	vst v63  }
0x9a: {  	s22 =	simm.s32 $0xD000  }
0x9b: {  	[tilespmem:s22], [sflag:$0x3] =	stream.indirect_vreg.gather [hbm4b:s5+s3], $0x80, v3, vm0, $0xb8;
	[tilespmem:$0x16800] =	vst v63  }
0x9c: {  	v3 =	vld [tilespmem:$0x60];
	_ =	sdelay $0x4  }
0x9d: {  	v4 =	vshll.u32 v3, $0x1  }
0x9e: {  	v3 =	vand.u32 $0x7, v3;
	v4 =	vand.u32 $0xFFFFFFF0, v4  }
0x9f: {  	v3 =	vor.u32 v3, v4  }
0xa0: {  	v4 =	vperm.xlane v3, v0;
	_ =	sdelay $0x1  }
0xa1: {  	v3 =	vperm.xlane v3, v2;
	v4 =	vadd.s32 v1, v4;
	_ =	sdelay $0x1  }
0xa2: {  	v3 =	vadd.s32 v1, v3;
	_ =	sdelay $0x1  }
0xa3: {  	s23 =	simm.s32 $0xD800  }
0xa4: {  	[tilespmem:s23], [sflag:$0x3] =	stream.indirect_vreg.gather [hbm4b:s5+s3], $0x80, v4, vm0, $0xb8;
	[tilespmem:$0x16800] =	vst v63  }
0xa5: {  	s30 =	simm.s32 $0xE000  }
0xa6: {  	[tilespmem:s30], [sflag:$0x3] =	stream.indirect_vreg.gather [hbm4b:s5+s3], $0x80, v3, vm0, $0xb8;
	[tilespmem:$0x16800] =	vst v63  }
0xa7: {  	v3 =	vld.msk [tilespmem:$0x70], $0xff;
	_ =	sdelay $0x4  }
0xa8: {  	v4 =	vshll.u32 v3, $0x1  }
0xa9: {  	v3 =	vand.u32 $0x7, v3;
	v4 =	vand.u32 $0xFFFFFFF0, v4  }
0xaa: {  	v3 =	vor.u32 v3, v4  }
0xab: {  	v3 =	vperm.xlane v3, v0;
	_ =	sdelay $0x1  }
0xac: {  	v3 =	vadd.s32 v1, v3;
	_ =	sdelay $0x3  }
0xad: {  	s31 =	simm.s32 $0xE800  }
0xae: {  	[tilespmem:s31], [sflag:$0x3] =	stream.indirect_vreg.gather [hbm4b:s5+s3], $0x80, v3, vm0, $0xb8;
	[tilespmem:$0x16800] =	vst v63  }
0xaf: {  	v3 =	vld [tilespmem:$0x1450];
	_ =	sdelay $0x4  }
0xb0: {  	v4 =	vshll.u32 v3, $0x1  }
0xb1: {  	v3 =	vand.u32 $0x7, v3;
	v4 =	vand.u32 $0xFFFFFFF0, v4  }
0xb2: {  	v3 =	vor.u32 v3, v4  }
0xb3: {  	v4 =	vperm.xlane v3, v0;
	_ =	sdelay $0x1  }
0xb4: {  	v3 =	vperm.xlane v3, v2;
	v4 =	vadd.s32 v1, v4;
	_ =	sdelay $0x1  }
0xb5: {  	v3 =	vadd.s32 v1, v3;
	_ =	sdelay $0x1  }
0xb6: {  	s16 =	simm.s32 $0xF000  }
0xb7: {  	[tilespmem:s16], [sflag:$0x3] =	stream.indirect_vreg.gather [hbm4b:s6+s3], $0x80, v4, vm0, $0xb8;
	[tilespmem:$0x16800] =	vst v63  }
0xb8: {  	s19 =	simm.s32 $0xF800  }
0xb9: {  	[tilespmem:s19], [sflag:$0x3] =	stream.indirect_vreg.gather [hbm4b:s6+s3], $0x80, v3, vm0, $0xb8;
	[tilespmem:$0x16800] =	vst v63  }
0xba: {  	v3 =	vld [tilespmem:$0x1460];
	_ =	sdelay $0x4  }
0xbb: {  	v4 =	vshll.u32 v3, $0x1  }
0xbc: {  	v3 =	vand.u32 $0x7, v3;
	v4 =	vand.u32 $0xFFFFFFF0, v4  }
0xbd: {  	v3 =	vor.u32 v3, v4  }
0xbe: {  	v4 =	vperm.xlane v3, v0;
	_ =	sdelay $0x1  }
0xbf: {  	v3 =	vperm.xlane v3, v2;
	v4 =	vadd.s32 v1, v4;
	_ =	sdelay $0x1  }
0xc0: {  	v3 =	vadd.s32 v1, v3;
	_ =	sdelay $0x1  }
0xc1: {  	s20 =	simm.s32 $0x10000  }
0xc2: {  	[tilespmem:s20], [sflag:$0x3] =	stream.indirect_vreg.gather [hbm4b:s6+s3], $0x80, v4, vm0, $0xb8;
	[tilespmem:$0x16800] =	vst v63  }
0xc3: {  	s21 =	simm.s32 $0x10800  }
0xc4: {  	[tilespmem:s21], [sflag:$0x3] =	stream.indirect_vreg.gather [hbm4b:s6+s3], $0x80, v3, vm0, $0xb8;
	[tilespmem:$0x16800] =	vst v63  }
0xc5: {  	v3 =	vld.msk [tilespmem:$0x1470], $0xff;
	_ =	sdelay $0x4  }
0xc6: {  	v4 =	vshll.u32 v3, $0x1  }
0xc7: {  	v3 =	vand.u32 $0x7, v3;
	v4 =	vand.u32 $0xFFFFFFF0, v4  }
0xc8: {  	v3 =	vor.u32 v3, v4  }
0xc9: {  	v3 =	vperm.xlane v3, v0;
	_ =	sdelay $0x1  }
0xca: {  	v3 =	vadd.s32 v1, v3;
	_ =	sdelay $0x3  }
0xcb: {  	s22 =	simm.s32 $0x11000  }
0xcc: {  	[tilespmem:s22], [sflag:$0x3] =	stream.indirect_vreg.gather [hbm4b:s6+s3], $0x80, v3, vm0, $0xb8;
	[tilespmem:$0x16800] =	vst v63  }
0xcd: {  	_ =	swait.ge [sflag:s7], $0x2800  }
0xce: {  	[sflag:s7] =	ssyncset.done $0x0  }
0xcf: {  	[sflag:s7] =	ssyncadd.s32 $0xFFFFD800  }
0xd0: {  	_ =	swait.ge [sflag:s7], $0x2800  }
0xd1: {  	s23 =	sand.u32 $0x3800, s3;
	s30 =	sand.u32 $0x380, s3;
	[sflag:s7] =	ssyncset.done $0x0  }
0xd2: {  	s1 =	sor.u32 s30, s23;
	[sflag:s7] =	ssyncadd.s32 $0xFFFFD800  }
0xd3: {  	v3 =	vld [tilespmem:s1+$0x5470]  }
0xd4: {  	v4 =	vld [tilespmem:s1+$0x5000]  }
0xd5: {  	v5 =	vld [tilespmem:s1+$0x5010]  }
0xd6: {  	v6 =	vld [tilespmem:s1+$0x5020]  }
0xd7: {  	v7 =	vld [tilespmem:s1+$0x5030]  }
0xd8: {  	v8 =	vld [tilespmem:s1+$0x5040]  }
0xd9: {  	v9 =	vld [tilespmem:s1+$0x5050]  }
0xda: {  	v10 =	vld [tilespmem:s1+$0x5060]  }
0xdb: {  	v11 =	vld [tilespmem:s1+$0x5070]  }
0xdc: {  	v12 =	vld [tilespmem:s1+$0x5400]  }
0xdd: {  	v13 =	vld [tilespmem:s1+$0x5410]  }
0xde: {  	v14 =	vld [tilespmem:s1+$0x5420]  }
0xdf: {  	v15 =	vld [tilespmem:s1+$0x5430]  }
0xe0: {  	v16 =	vld [tilespmem:s1+$0x5440]  }
0xe1: {  	v17 =	vld [tilespmem:s1+$0x5450]  }
0xe2: {  	[tilespmem:s1+$0x2C70] =	vst.add.f32.msk $0xffff, v3  }
0xe3: {  	v3 =	vld [tilespmem:s1+$0x5460]  }
0xe4: {  	[tilespmem:s1+$0x2800] =	vst.add.f32.msk $0xffff, v4  }
0xe5: {  	[tilespmem:s1+$0x2810] =	vst.add.f32.msk $0xffff, v5  }
0xe6: {  	[tilespmem:s1+$0x2820] =	vst.add.f32.msk $0xffff, v6  }
0xe7: {  	[tilespmem:s1+$0x2830] =	vst.add.f32.msk $0xffff, v7  }
0xe8: {  	[tilespmem:s1+$0x2840] =	vst.add.f32.msk $0xffff, v8  }
0xe9: {  	[tilespmem:s1+$0x2850] =	vst.add.f32.msk $0xffff, v9  }
0xea: {  	[tilespmem:s1+$0x2860] =	vst.add.f32.msk $0xffff, v10  }
0xeb: {  	[tilespmem:s1+$0x2870] =	vst.add.f32.msk $0xffff, v11  }
0xec: {  	[tilespmem:s1+$0x2C00] =	vst.add.f32.msk $0xffff, v12  }
0xed: {  	[tilespmem:s1+$0x2C10] =	vst.add.f32.msk $0xffff, v13  }
0xee: {  	[tilespmem:s1+$0x2C20] =	vst.add.f32.msk $0xffff, v14  }
0xef: {  	[tilespmem:s1+$0x2C30] =	vst.add.f32.msk $0xffff, v15  }
0xf0: {  	s31 =	simm.s32 $0x100;
	s16 =	simm.s32 $0x80;
	[tilespmem:s1+$0x2C40] =	vst.add.f32.msk $0xffff, v16  }
0xf1: {  	s19 =	simm.s32 $0x200;
	s20 =	sand.u32 $0x3800, s31;
	s21 =	sand.u32 $0x380, s16;
	[tilespmem:s1+$0x2C50] =	vst.add.f32.msk $0xffff, v17  }
.LBB2_2:
0xf2: {  	p0 =	sne.s32 s19, $0x2700;
	[tilespmem:s1+$0x2C60] =	vst.add.f32.msk $0xffff, v3;
	s1 =	sor.u32 s21, s20  }
0xf3: {  	v3 =	vld [tilespmem:s1+$0x5470]  }
0xf4: {  	v4 =	vld [tilespmem:s1+$0x5000]  }
0xf5: {  	v5 =	vld [tilespmem:s1+$0x5010]  }
0xf6: {  	v6 =	vld [tilespmem:s1+$0x5020]  }
0xf7: {  	v7 =	vld [tilespmem:s1+$0x5030]  }
0xf8: {  	[tilespmem:s1+$0x2C70] =	vst.add.f32.msk $0xffff, v3  }
0xf9: {  	v8 =	vld [tilespmem:s1+$0x5040]  }
0xfa: {  	v9 =	vld [tilespmem:s1+$0x5050]  }
0xfb: {  	v10 =	vld [tilespmem:s1+$0x5060]  }
0xfc: {  	v11 =	vld [tilespmem:s1+$0x5070]  }
0xfd: {  	v12 =	vld [tilespmem:s1+$0x5400]  }
0xfe: {  	v13 =	vld [tilespmem:s1+$0x5410]  }
0xff: {  	v14 =	vld [tilespmem:s1+$0x5420]  }
0x100: {  	v15 =	vld [tilespmem:s1+$0x5430]  }
0x101: {  	v16 =	vld [tilespmem:s1+$0x5440]  }
0x102: {  	v17 =	vld [tilespmem:s1+$0x5450]  }
0x103: {  	v3 =	vld [tilespmem:s1+$0x5460]  }
0x104: {  	[tilespmem:s1+$0x2800] =	vst.add.f32.msk $0xffff, v4  }
0x105: {  	[tilespmem:s1+$0x2810] =	vst.add.f32.msk $0xffff, v5  }
0x106: {  	[tilespmem:s1+$0x2820] =	vst.add.f32.msk $0xffff, v6  }
0x107: {  	[tilespmem:s1+$0x2830] =	vst.add.f32.msk $0xffff, v7  }
0x108: {  	[tilespmem:s1+$0x2840] =	vst.add.f32.msk $0xffff, v8  }
0x109: {  	[tilespmem:s1+$0x2850] =	vst.add.f32.msk $0xffff, v9  }
0x10a: {  	[tilespmem:s1+$0x2860] =	vst.add.f32.msk $0xffff, v10  }
0x10b: {  	[tilespmem:s1+$0x2870] =	vst.add.f32.msk $0xffff, v11  }
0x10c: {  	[tilespmem:s1+$0x2C00] =	vst.add.f32.msk $0xffff, v12  }
.Ltmp0:
0x10d: {  	[tilespmem:s1+$0x2C10] =	vst.add.f32.msk $0xffff, v13;
	(pc) =	sbr.rel @p0 .LBB2_2-.Ltmp0, $4  }
0x10e: {  	[tilespmem:s1+$0x2C20] =	vst.add.f32.msk $0xffff, v14  }
0x10f: {  	[tilespmem:s1+$0x2C30] =	vst.add.f32.msk $0xffff, v15  }
0x110: {  	s16 =	sadd.s32 $0x80, s16;
	[tilespmem:s1+$0x2C40] =	vst.add.f32.msk $0xffff, v16  }
0x111: {  	s20 =	sand.u32 $0x3800, s19;
	s19 =	sadd.s32 $0x100, s19;
	s21 =	sand.u32 $0x380, s16;
	[tilespmem:s1+$0x2C50] =	vst.add.f32.msk $0xffff, v17  }
0x112: {  	s16 =	sor.u32 s21, s20;
	[tilespmem:s1+$0x2C60] =	vst.add.f32.msk $0xffff, v3  }
0x113: {  	v3 =	vld [tilespmem:s16+$0x5470]  }
0x114: {  	v4 =	vld [tilespmem:s16+$0x5000]  }
0x115: {  	v5 =	vld [tilespmem:s16+$0x5010]  }
0x116: {  	v6 =	vld [tilespmem:s16+$0x5020]  }
0x117: {  	v7 =	vld [tilespmem:s16+$0x5030]  }
0x118: {  	v8 =	vld [tilespmem:s16+$0x5050]  }
0x119: {  	v9 =	vld [tilespmem:s16+$0x5060]  }
0x11a: {  	v10 =	vld [tilespmem:s16+$0x5070]  }
0x11b: {  	v11 =	vld [tilespmem:s16+$0x5400]  }
0x11c: {  	v12 =	vld [tilespmem:s16+$0x5410]  }
0x11d: {  	v13 =	vld [tilespmem:s16+$0x5420]  }
0x11e: {  	v14 =	vld [tilespmem:s16+$0x5430]  }
0x11f: {  	v15 =	vld [tilespmem:s16+$0x5440]  }
0x120: {  	v16 =	vld [tilespmem:s16+$0x5450]  }
0x121: {  	v17 =	vld [tilespmem:s16+$0x5460]  }
0x122: {  	[tilespmem:s16+$0x2C70] =	vst.add.f32.msk $0xffff, v3  }
0x123: {  	v3 =	vld [tilespmem:s16+$0x5040]  }
0x124: {  	[tilespmem:s16+$0x2800] =	vst.add.f32.msk $0xffff, v4  }
0x125: {  	[tilespmem:s16+$0x2810] =	vst.add.f32.msk $0xffff, v5  }
0x126: {  	[tilespmem:s16+$0x2820] =	vst.add.f32.msk $0xffff, v6  }
0x127: {  	[tilespmem:s16+$0x2830] =	vst.add.f32.msk $0xffff, v7  }
0x128: {  	[tilespmem:s16+$0x2850] =	vst.add.f32.msk $0xffff, v8  }
0x129: {  	[tilespmem:s16+$0x2860] =	vst.add.f32.msk $0xffff, v9  }
0x12a: {  	[tilespmem:s16+$0x2870] =	vst.add.f32.msk $0xffff, v10  }
0x12b: {  	[tilespmem:s16+$0x2C00] =	vst.add.f32.msk $0xffff, v11  }
0x12c: {  	[tilespmem:s16+$0x2C10] =	vst.add.f32.msk $0xffff, v12  }
0x12d: {  	[tilespmem:s16+$0x2C20] =	vst.add.f32.msk $0xffff, v13  }
0x12e: {  	[tilespmem:s16+$0x2C30] =	vst.add.f32.msk $0xffff, v14  }
0x12f: {  	[tilespmem:s16+$0x2C40] =	vst.add.f32.msk $0xffff, v15  }
0x130: {  	[tilespmem:s16+$0x2C50] =	vst.add.f32.msk $0xffff, v16  }
0x131: {  	[tilespmem:s16+$0x2C60] =	vst.add.f32.msk $0xffff, v17  }
0x132: {  	s1 =	simm.s32 $0x0;
	s22 =	rddreg [dreg:$0x5];
	[tilespmem:s16+$0x2840] =	vst.add.f32.msk $0xffff, v3  }
0x133: {  	[hbm4b:s22+s1] =	stream.linear.scatter [tilespmem:s18], [sflag:$0x5], $0x2800, $0x38;
	[tilespmem:$0x16800] =	vst v63  }
0x134: {  	v3 =	vld [tilespmem:$0x78];
	_ =	sdelay $0x4  }
0x135: {  	v4 =	vshll.u32 v3, $0x1  }
0x136: {  	v3 =	vand.u32 $0x7, v3;
	v4 =	vand.u32 $0xFFFFFFF0, v4  }
0x137: {  	v3 =	vor.u32 v3, v4  }
0x138: {  	v4 =	vperm.xlane v3, v0;
	_ =	sdelay $0x1  }
0x139: {  	v3 =	vperm.xlane v3, v2;
	v4 =	vadd.s32 v1, v4;
	_ =	sdelay $0x1  }
0x13a: {  	v3 =	vadd.s32 v1, v3;
	_ =	sdelay $0x2  }
0x13b: {  	[tilespmem:s8], [sflag:$0x4] =	stream.indirect_vreg.gather [hbm4b:s5+s1], $0x80, v4, vm0, $0xb8;
	[tilespmem:$0x16800] =	vst v63  }
0x13c: {  	s23 =	simm.s32 $0x12000  }
0x13d: {  	[tilespmem:s23], [sflag:$0x4] =	stream.indirect_vreg.gather [hbm4b:s5+s1], $0x80, v3, vm0, $0xb8;
	[tilespmem:$0x16800] =	vst v63  }
0x13e: {  	v3 =	vld [tilespmem:$0x88];
	_ =	sdelay $0x4  }
0x13f: {  	v4 =	vshll.u32 v3, $0x1  }
0x140: {  	v3 =	vand.u32 $0x7, v3;
	v4 =	vand.u32 $0xFFFFFFF0, v4  }
0x141: {  	v3 =	vor.u32 v3, v4  }
0x142: {  	v4 =	vperm.xlane v3, v0;
	_ =	sdelay $0x1  }
0x143: {  	v3 =	vperm.xlane v3, v2;
	v4 =	vadd.s32 v1, v4;
	_ =	sdelay $0x1  }
0x144: {  	v3 =	vadd.s32 v1, v3;
	_ =	sdelay $0x1  }
0x145: {  	s30 =	simm.s32 $0x12800  }
0x146: {  	[tilespmem:s30], [sflag:$0x4] =	stream.indirect_vreg.gather [hbm4b:s5+s1], $0x80, v4, vm0, $0xb8;
	[tilespmem:$0x16800] =	vst v63  }
0x147: {  	s31 =	simm.s32 $0x13000  }
0x148: {  	[tilespmem:s31], [sflag:$0x4] =	stream.indirect_vreg.gather [hbm4b:s5+s1], $0x80, v3, vm0, $0xb8;
	[tilespmem:$0x16800] =	vst v63  }
0x149: {  	v3 =	vld.msk [tilespmem:$0x98], $0xff;
	_ =	sdelay $0x4  }
0x14a: {  	v4 =	vshll.u32 v3, $0x1  }
0x14b: {  	v3 =	vand.u32 $0x7, v3;
	v4 =	vand.u32 $0xFFFFFFF0, v4  }
0x14c: {  	v3 =	vor.u32 v3, v4  }
0x14d: {  	v3 =	vperm.xlane v3, v0;
	_ =	sdelay $0x1  }
0x14e: {  	v3 =	vadd.s32 v1, v3;
	_ =	sdelay $0x3  }
0x14f: {  	s19 =	simm.s32 $0x13800  }
0x150: {  	[tilespmem:s19], [sflag:$0x4] =	stream.indirect_vreg.gather [hbm4b:s5+s1], $0x80, v3, vm0, $0xb8;
	[tilespmem:$0x16800] =	vst v63  }
0x151: {  	v3 =	vld [tilespmem:$0x1478];
	_ =	sdelay $0x4  }
0x152: {  	v4 =	vshll.u32 v3, $0x1  }
0x153: {  	v3 =	vand.u32 $0x7, v3;
	v4 =	vand.u32 $0xFFFFFFF0, v4  }
0x154: {  	v3 =	vor.u32 v3, v4  }
0x155: {  	v4 =	vperm.xlane v3, v0;
	_ =	sdelay $0x1  }
0x156: {  	v3 =	vperm.xlane v3, v2;
	v4 =	vadd.s32 v1, v4;
	_ =	sdelay $0x1  }
0x157: {  	v3 =	vadd.s32 v1, v3;
	_ =	sdelay $0x1  }
0x158: {  	s20 =	simm.s32 $0x14000  }
0x159: {  	[tilespmem:s20], [sflag:$0x4] =	stream.indirect_vreg.gather [hbm4b:s6+s1], $0x80, v4, vm0, $0xb8;
	[tilespmem:$0x16800] =	vst v63  }
0x15a: {  	s21 =	simm.s32 $0x14800  }
0x15b: {  	[tilespmem:s21], [sflag:$0x4] =	stream.indirect_vreg.gather [hbm4b:s6+s1], $0x80, v3, vm0, $0xb8;
	[tilespmem:$0x16800] =	vst v63  }
0x15c: {  	v3 =	vld [tilespmem:$0x1488];
	_ =	sdelay $0x4  }
0x15d: {  	v4 =	vshll.u32 v3, $0x1  }
0x15e: {  	v3 =	vand.u32 $0x7, v3;
	v4 =	vand.u32 $0xFFFFFFF0, v4  }
0x15f: {  	v3 =	vor.u32 v3, v4  }
0x160: {  	v4 =	vperm.xlane v3, v0;
	_ =	sdelay $0x1  }
0x161: {  	v3 =	vperm.xlane v3, v2;
	v4 =	vadd.s32 v1, v4;
	_ =	sdelay $0x1  }
0x162: {  	v3 =	vadd.s32 v1, v3;
	_ =	sdelay $0x1  }
0x163: {  	s22 =	simm.s32 $0x15000  }
0x164: {  	[tilespmem:s22], [sflag:$0x4] =	stream.indirect_vreg.gather [hbm4b:s6+s1], $0x80, v4, vm0, $0xb8;
	[tilespmem:$0x16800] =	vst v63  }
0x165: {  	s23 =	simm.s32 $0x15800  }
0x166: {  	[tilespmem:s23], [sflag:$0x4] =	stream.indirect_vreg.gather [hbm4b:s6+s1], $0x80, v3, vm0, $0xb8;
	[tilespmem:$0x16800] =	vst v63  }
0x167: {  	v3 =	vld.msk [tilespmem:$0x1498], $0xff;
	_ =	sdelay $0x4  }
0x168: {  	v4 =	vshll.u32 v3, $0x1  }
0x169: {  	v3 =	vand.u32 $0x7, v3;
	v4 =	vand.u32 $0xFFFFFFF0, v4  }
0x16a: {  	v3 =	vor.u32 v3, v4  }
0x16b: {  	v3 =	vperm.xlane v3, v0;
	_ =	sdelay $0x1  }
0x16c: {  	v3 =	vadd.s32 v1, v3;
	_ =	sdelay $0x3  }
0x16d: {  	s30 =	simm.s32 $0x16000  }
0x16e: {  	[tilespmem:s30], [sflag:$0x4] =	stream.indirect_vreg.gather [hbm4b:s6+s1], $0x80, v3, vm0, $0xb8;
	[tilespmem:$0x16800] =	vst v63  }
0x16f: {  	_ =	swait.ge [sflag:s0], $0x2800  }
0x170: {  	[sflag:s0] =	ssyncset.done $0x0  }
0x171: {  	[sflag:s0] =	ssyncadd.s32 $0xFFFFD800  }
0x172: {  	_ =	swait.ge [sflag:s0], $0x2800  }
0x173: {  	s31 =	sand.u32 $0x3800, s1;
	s1 =	sand.u32 $0x380, s1;
	[sflag:s0] =	ssyncset.done $0x0  }
0x174: {  	s1 =	sor.u32 s1, s31;
	[sflag:s0] =	ssyncadd.s32 $0xFFFFD800  }
0x175: {  	v3 =	vld [tilespmem:s1+$0xA470]  }
0x176: {  	v4 =	vld [tilespmem:s1+$0xA000]  }
0x177: {  	v5 =	vld [tilespmem:s1+$0xA010]  }
0x178: {  	v52 =	vld [tilespmem:s1+$0xA020]  }
0x179: {  	v53 =	vld [tilespmem:s1+$0xA030]  }
0x17a: {  	v54 =	vld [tilespmem:s1+$0xA040]  }
0x17b: {  	v55 =	vld [tilespmem:s1+$0xA050]  }
0x17c: {  	v56 =	vld [tilespmem:s1+$0xA060]  }
0x17d: {  	v57 =	vld [tilespmem:s1+$0xA070]  }
0x17e: {  	v58 =	vld [tilespmem:s1+$0xA400]  }
0x17f: {  	v59 =	vld [tilespmem:s1+$0xA410]  }
0x180: {  	v60 =	vld [tilespmem:s1+$0xA420]  }
0x181: {  	v61 =	vld [tilespmem:s1+$0xA430]  }
0x182: {  	v62 =	vld [tilespmem:s1+$0xA440]  }
0x183: {  	v63 =	vld [tilespmem:s1+$0xA450]  }
0x184: {  	[tilespmem:s1+$0x7C70] =	vst.add.f32.msk $0xffff, v3  }
0x185: {  	v3 =	vld [tilespmem:s1+$0xA460]  }
0x186: {  	[tilespmem:s1+$0x7800] =	vst.add.f32.msk $0xffff, v4  }
0x187: {  	[tilespmem:s1+$0x7810] =	vst.add.f32.msk $0xffff, v5  }
0x188: {  	[tilespmem:s1+$0x7820] =	vst.add.f32.msk $0xffff, v52  }
0x189: {  	[tilespmem:s1+$0x7830] =	vst.add.f32.msk $0xffff, v53  }
0x18a: {  	[tilespmem:s1+$0x7840] =	vst.add.f32.msk $0xffff, v54  }
0x18b: {  	[tilespmem:s1+$0x7850] =	vst.add.f32.msk $0xffff, v55  }
0x18c: {  	[tilespmem:s1+$0x7860] =	vst.add.f32.msk $0xffff, v56  }
0x18d: {  	[tilespmem:s1+$0x7870] =	vst.add.f32.msk $0xffff, v57  }
0x18e: {  	[tilespmem:s1+$0x7C00] =	vst.add.f32.msk $0xffff, v58  }
0x18f: {  	[tilespmem:s1+$0x7C10] =	vst.add.f32.msk $0xffff, v59  }
0x190: {  	[tilespmem:s1+$0x7C20] =	vst.add.f32.msk $0xffff, v60  }
0x191: {  	[tilespmem:s1+$0x7C30] =	vst.add.f32.msk $0xffff, v61  }
0x192: {  	s16 =	simm.s32 $0x80;
	s19 =	simm.s32 $0x100;
	[tilespmem:s1+$0x7C40] =	vst.add.f32.msk $0xffff, v62  }
0x193: {  	s20 =	sand.u32 $0x3800, s19;
	s19 =	simm.s32 $0x200;
	s21 =	sand.u32 $0x380, s16;
	[tilespmem:s1+$0x7C50] =	vst.add.f32.msk $0xffff, v63  }
.LBB2_4:
0x194: {  	p0 =	sne.s32 s19, $0x2700;
	[tilespmem:s1+$0x7C60] =	vst.add.f32.msk $0xffff, v3;
	s1 =	sor.u32 s21, s20  }
0x195: {  	v3 =	vld [tilespmem:s1+$0xA470]  }
0x196: {  	v4 =	vld [tilespmem:s1+$0xA000]  }
0x197: {  	v5 =	vld [tilespmem:s1+$0xA010]  }
0x198: {  	v6 =	vld [tilespmem:s1+$0xA020]  }
0x199: {  	v7 =	vld [tilespmem:s1+$0xA030]  }
0x19a: {  	[tilespmem:s1+$0x7C70] =	vst.add.f32.msk $0xffff, v3  }
0x19b: {  	v8 =	vld [tilespmem:s1+$0xA040]  }
0x19c: {  	v9 =	vld [tilespmem:s1+$0xA050]  }
0x19d: {  	v10 =	vld [tilespmem:s1+$0xA060]  }
0x19e: {  	v11 =	vld [tilespmem:s1+$0xA070]  }
0x19f: {  	v12 =	vld [tilespmem:s1+$0xA400]  }
0x1a0: {  	v13 =	vld [tilespmem:s1+$0xA410]  }
0x1a1: {  	v14 =	vld [tilespmem:s1+$0xA420]  }
0x1a2: {  	v15 =	vld [tilespmem:s1+$0xA430]  }
0x1a3: {  	v16 =	vld [tilespmem:s1+$0xA440]  }
0x1a4: {  	v17 =	vld [tilespmem:s1+$0xA450]  }
0x1a5: {  	v3 =	vld [tilespmem:s1+$0xA460]  }
0x1a6: {  	[tilespmem:s1+$0x7800] =	vst.add.f32.msk $0xffff, v4  }
0x1a7: {  	[tilespmem:s1+$0x7810] =	vst.add.f32.msk $0xffff, v5  }
0x1a8: {  	[tilespmem:s1+$0x7820] =	vst.add.f32.msk $0xffff, v6  }
0x1a9: {  	[tilespmem:s1+$0x7830] =	vst.add.f32.msk $0xffff, v7  }
0x1aa: {  	[tilespmem:s1+$0x7840] =	vst.add.f32.msk $0xffff, v8  }
0x1ab: {  	[tilespmem:s1+$0x7850] =	vst.add.f32.msk $0xffff, v9  }
0x1ac: {  	[tilespmem:s1+$0x7860] =	vst.add.f32.msk $0xffff, v10  }
0x1ad: {  	[tilespmem:s1+$0x7870] =	vst.add.f32.msk $0xffff, v11  }
0x1ae: {  	[tilespmem:s1+$0x7C00] =	vst.add.f32.msk $0xffff, v12  }
.Ltmp1:
0x1af: {  	[tilespmem:s1+$0x7C10] =	vst.add.f32.msk $0xffff, v13;
	(pc) =	sbr.rel @p0 .LBB2_4-.Ltmp1, $4  }
0x1b0: {  	[tilespmem:s1+$0x7C20] =	vst.add.f32.msk $0xffff, v14  }
0x1b1: {  	[tilespmem:s1+$0x7C30] =	vst.add.f32.msk $0xffff, v15  }
0x1b2: {  	s16 =	sadd.s32 $0x80, s16;
	[tilespmem:s1+$0x7C40] =	vst.add.f32.msk $0xffff, v16  }
0x1b3: {  	s20 =	sand.u32 $0x3800, s19;
	s19 =	sadd.s32 $0x100, s19;
	s21 =	sand.u32 $0x380, s16;
	[tilespmem:s1+$0x7C50] =	vst.add.f32.msk $0xffff, v17  }
0x1b4: {  	s16 =	sor.u32 s21, s20;
	[tilespmem:s1+$0x7C60] =	vst.add.f32.msk $0xffff, v3  }
0x1b5: {  	v3 =	vld [tilespmem:s16+$0xA470]  }
0x1b6: {  	v4 =	vld [tilespmem:s16+$0xA000]  }
0x1b7: {  	v5 =	vld [tilespmem:s16+$0xA010]  }
0x1b8: {  	v6 =	vld [tilespmem:s16+$0xA020]  }
0x1b9: {  	v7 =	vld [tilespmem:s16+$0xA030]  }
0x1ba: {  	v8 =	vld [tilespmem:s16+$0xA050]  }
0x1bb: {  	v9 =	vld [tilespmem:s16+$0xA060]  }
0x1bc: {  	v10 =	vld [tilespmem:s16+$0xA070]  }
0x1bd: {  	v11 =	vld [tilespmem:s16+$0xA400]  }
0x1be: {  	v12 =	vld [tilespmem:s16+$0xA410]  }
0x1bf: {  	v13 =	vld [tilespmem:s16+$0xA420]  }
0x1c0: {  	v14 =	vld [tilespmem:s16+$0xA430]  }
0x1c1: {  	v15 =	vld [tilespmem:s16+$0xA440]  }
0x1c2: {  	v16 =	vld [tilespmem:s16+$0xA450]  }
0x1c3: {  	v17 =	vld [tilespmem:s16+$0xA460]  }
0x1c4: {  	[tilespmem:s16+$0x7C70] =	vst.add.f32.msk $0xffff, v3  }
0x1c5: {  	v3 =	vld [tilespmem:s16+$0xA040]  }
0x1c6: {  	[tilespmem:s16+$0x7800] =	vst.add.f32.msk $0xffff, v4  }
0x1c7: {  	[tilespmem:s16+$0x7810] =	vst.add.f32.msk $0xffff, v5  }
0x1c8: {  	[tilespmem:s16+$0x7820] =	vst.add.f32.msk $0xffff, v6  }
0x1c9: {  	[tilespmem:s16+$0x7830] =	vst.add.f32.msk $0xffff, v7  }
0x1ca: {  	[tilespmem:s16+$0x7850] =	vst.add.f32.msk $0xffff, v8  }
0x1cb: {  	[tilespmem:s16+$0x7860] =	vst.add.f32.msk $0xffff, v9  }
0x1cc: {  	[tilespmem:s16+$0x7870] =	vst.add.f32.msk $0xffff, v10  }
0x1cd: {  	[tilespmem:s16+$0x7C00] =	vst.add.f32.msk $0xffff, v11  }
0x1ce: {  	[tilespmem:s16+$0x7C10] =	vst.add.f32.msk $0xffff, v12  }
0x1cf: {  	[tilespmem:s16+$0x7C20] =	vst.add.f32.msk $0xffff, v13  }
0x1d0: {  	[tilespmem:s16+$0x7C30] =	vst.add.f32.msk $0xffff, v14  }
0x1d1: {  	[tilespmem:s16+$0x7C40] =	vst.add.f32.msk $0xffff, v15  }
0x1d2: {  	[tilespmem:s16+$0x7C50] =	vst.add.f32.msk $0xffff, v16  }
0x1d3: {  	[tilespmem:s16+$0x7C60] =	vst.add.f32.msk $0xffff, v17  }
0x1d4: {  	s1 =	simm.s32 $0x0;
	s19 =	rddreg [dreg:$0x6];
	[tilespmem:s16+$0x7840] =	vst.add.f32.msk $0xffff, v3  }
0x1d5: {  	[hbm4b:s19+s1] =	stream.linear.scatter [tilespmem:s29], [sflag:$0x6], $0x2800, $0x38;
	[tilespmem:$0x16800] =	vst v63  }
0x1d6: {  	_ =	swait.ge [sflag:s17], $0x2800  }
0x1d7: {  	[sflag:s17] =	ssyncset.done $0x0  }
0x1d8: {  	[sflag:s17] =	ssyncadd.s32 $0xFFFFD800  }
0x1d9: {  	v3 =	vld [tilespmem:$0xA0];
	_ =	sdelay $0x4  }
0x1da: {  	v4 =	vshll.u32 v3, $0x1  }
0x1db: {  	v3 =	vand.u32 $0x7, v3;
	v4 =	vand.u32 $0xFFFFFFF0, v4  }
0x1dc: {  	v3 =	vor.u32 v3, v4  }
0x1dd: {  	v4 =	vperm.xlane v3, v0;
	_ =	sdelay $0x1  }
0x1de: {  	v3 =	vperm.xlane v3, v2;
	v4 =	vadd.s32 v1, v4;
	_ =	sdelay $0x1  }
0x1df: {  	v3 =	vadd.s32 v1, v3;
	_ =	sdelay $0x2  }
0x1e0: {  	[tilespmem:s18], [sflag:$0x1] =	stream.indirect_vreg.gather [hbm4b:s5+s1], $0x80, v4, vm0, $0xb8;
	[tilespmem:$0x16800] =	vst v63  }
0x1e1: {  	s20 =	simm.s32 $0x3000  }
0x1e2: {  	[tilespmem:s20], [sflag:$0x1] =	stream.indirect_vreg.gather [hbm4b:s5+s1], $0x80, v3, vm0, $0xb8;
	[tilespmem:$0x16800] =	vst v63  }
0x1e3: {  	v3 =	vld [tilespmem:$0xB0];
	_ =	sdelay $0x4  }
0x1e4: {  	v4 =	vshll.u32 v3, $0x1  }
0x1e5: {  	v3 =	vand.u32 $0x7, v3;
	v4 =	vand.u32 $0xFFFFFFF0, v4  }
0x1e6: {  	v3 =	vor.u32 v3, v4  }
0x1e7: {  	v4 =	vperm.xlane v3, v0;
	_ =	sdelay $0x1  }
0x1e8: {  	v3 =	vperm.xlane v3, v2;
	v4 =	vadd.s32 v1, v4;
	_ =	sdelay $0x1  }
0x1e9: {  	v3 =	vadd.s32 v1, v3;
	_ =	sdelay $0x1  }
0x1ea: {  	s21 =	simm.s32 $0x3800  }
0x1eb: {  	[tilespmem:s21], [sflag:$0x1] =	stream.indirect_vreg.gather [hbm4b:s5+s1], $0x80, v4, vm0, $0xb8;
	[tilespmem:$0x16800] =	vst v63  }
0x1ec: {  	s22 =	simm.s32 $0x4000  }
0x1ed: {  	[tilespmem:s22], [sflag:$0x1] =	stream.indirect_vreg.gather [hbm4b:s5+s1], $0x80, v3, vm0, $0xb8;
	[tilespmem:$0x16800] =	vst v63  }
0x1ee: {  	v3 =	vld.msk [tilespmem:$0xC0], $0xff;
	_ =	sdelay $0x4  }
0x1ef: {  	v4 =	vshll.u32 v3, $0x1  }
0x1f0: {  	v3 =	vand.u32 $0x7, v3;
	v4 =	vand.u32 $0xFFFFFFF0, v4  }
0x1f1: {  	v3 =	vor.u32 v3, v4  }
0x1f2: {  	v3 =	vperm.xlane v3, v0;
	_ =	sdelay $0x1  }
0x1f3: {  	v3 =	vadd.s32 v1, v3;
	_ =	sdelay $0x3  }
0x1f4: {  	s23 =	simm.s32 $0x4800  }
0x1f5: {  	[tilespmem:s23], [sflag:$0x1] =	stream.indirect_vreg.gather [hbm4b:s5+s1], $0x80, v3, vm0, $0xb8;
	[tilespmem:$0x16800] =	vst v63  }
0x1f6: {  	v3 =	vld [tilespmem:$0x14A0];
	_ =	sdelay $0x4  }
0x1f7: {  	v4 =	vshll.u32 v3, $0x1  }
0x1f8: {  	v3 =	vand.u32 $0x7, v3;
	v4 =	vand.u32 $0xFFFFFFF0, v4  }
0x1f9: {  	v3 =	vor.u32 v3, v4  }
0x1fa: {  	v4 =	vperm.xlane v3, v0;
	_ =	sdelay $0x1  }
0x1fb: {  	v3 =	vperm.xlane v3, v2;
	v4 =	vadd.s32 v1, v4;
	_ =	sdelay $0x1  }
0x1fc: {  	v3 =	vadd.s32 v1, v3;
	_ =	sdelay $0x1  }
0x1fd: {  	s30 =	simm.s32 $0x5000  }
0x1fe: {  	[tilespmem:s30], [sflag:$0x1] =	stream.indirect_vreg.gather [hbm4b:s6+s1], $0x80, v4, vm0, $0xb8;
	[tilespmem:$0x16800] =	vst v63  }
0x1ff: {  	_ = 	snop  }
0x200: {  	[tilespmem:s24], [sflag:$0x1] =	stream.indirect_vreg.gather [hbm4b:s6+s1], $0x80, v3, vm0, $0xb8;
	[tilespmem:$0x16800] =	vst v63  }
0x201: {  	v3 =	vld [tilespmem:$0x14B0];
	_ =	sdelay $0x4  }
0x202: {  	v4 =	vshll.u32 v3, $0x1  }
0x203: {  	v3 =	vand.u32 $0x7, v3;
	v4 =	vand.u32 $0xFFFFFFF0, v4  }
0x204: {  	v3 =	vor.u32 v3, v4  }
0x205: {  	v4 =	vperm.xlane v3, v0;
	_ =	sdelay $0x1  }
0x206: {  	v3 =	vperm.xlane v3, v2;
	v4 =	vadd.s32 v1, v4;
	_ =	sdelay $0x1  }
0x207: {  	v3 =	vadd.s32 v1, v3;
	_ =	sdelay $0x2  }
0x208: {  	[tilespmem:s25], [sflag:$0x1] =	stream.indirect_vreg.gather [hbm4b:s6+s1], $0x80, v4, vm0, $0xb8;
	[tilespmem:$0x16800] =	vst v63  }
0x209: {  	_ = 	snop  }
0x20a: {  	[tilespmem:s26], [sflag:$0x1] =	stream.indirect_vreg.gather [hbm4b:s6+s1], $0x80, v3, vm0, $0xb8;
	[tilespmem:$0x16800] =	vst v63  }
0x20b: {  	v3 =	vld.msk [tilespmem:$0x14C0], $0xff;
	_ =	sdelay $0x4  }
0x20c: {  	v4 =	vshll.u32 v3, $0x1  }
0x20d: {  	v3 =	vand.u32 $0x7, v3;
	v4 =	vand.u32 $0xFFFFFFF0, v4  }
0x20e: {  	v3 =	vor.u32 v3, v4  }
0x20f: {  	v3 =	vperm.xlane v3, v0;
	_ =	sdelay $0x1  }
0x210: {  	v3 =	vadd.s32 v1, v3;
	_ =	sdelay $0x4  }
0x211: {  	[tilespmem:s28], [sflag:$0x1] =	stream.indirect_vreg.gather [hbm4b:s6+s1], $0x80, v3, vm0, $0xb8;
	[tilespmem:$0x16800] =	vst v63  }
0x212: {  	_ =	swait.ge [sflag:s9], $0x2800  }
0x213: {  	[sflag:s9] =	ssyncset.done $0x0  }
0x214: {  	[sflag:s9] =	ssyncadd.s32 $0xFFFFD800  }
0x215: {  	_ =	swait.ge [sflag:s9], $0x2800  }
0x216: {  	s31 =	sand.u32 $0x3800, s1;
	s1 =	sand.u32 $0x380, s1;
	[sflag:s9] =	ssyncset.done $0x0  }
0x217: {  	s1 =	sor.u32 s1, s31;
	[sflag:s9] =	ssyncadd.s32 $0xFFFFD800  }
0x218: {  	v3 =	vld [tilespmem:s1+$0xF470]  }
0x219: {  	v4 =	vld [tilespmem:s1+$0xF000]  }
0x21a: {  	v5 =	vld [tilespmem:s1+$0xF010]  }
0x21b: {  	v52 =	vld [tilespmem:s1+$0xF020]  }
0x21c: {  	v53 =	vld [tilespmem:s1+$0xF030]  }
0x21d: {  	v54 =	vld [tilespmem:s1+$0xF040]  }
0x21e: {  	v55 =	vld [tilespmem:s1+$0xF050]  }
0x21f: {  	v56 =	vld [tilespmem:s1+$0xF060]  }
0x220: {  	v57 =	vld [tilespmem:s1+$0xF070]  }
0x221: {  	v58 =	vld [tilespmem:s1+$0xF400]  }
0x222: {  	v59 =	vld [tilespmem:s1+$0xF410]  }
0x223: {  	v60 =	vld [tilespmem:s1+$0xF420]  }
0x224: {  	v61 =	vld [tilespmem:s1+$0xF430]  }
0x225: {  	v62 =	vld [tilespmem:s1+$0xF440]  }
0x226: {  	v63 =	vld [tilespmem:s1+$0xF450]  }
0x227: {  	[tilespmem:s1+$0xCC70] =	vst.add.f32.msk $0xffff, v3  }
0x228: {  	v3 =	vld [tilespmem:s1+$0xF460]  }
0x229: {  	[tilespmem:s1+$0xC800] =	vst.add.f32.msk $0xffff, v4  }
0x22a: {  	[tilespmem:s1+$0xC810] =	vst.add.f32.msk $0xffff, v5  }
0x22b: {  	[tilespmem:s1+$0xC820] =	vst.add.f32.msk $0xffff, v52  }
0x22c: {  	[tilespmem:s1+$0xC830] =	vst.add.f32.msk $0xffff, v53  }
0x22d: {  	[tilespmem:s1+$0xC840] =	vst.add.f32.msk $0xffff, v54  }
0x22e: {  	[tilespmem:s1+$0xC850] =	vst.add.f32.msk $0xffff, v55  }
0x22f: {  	[tilespmem:s1+$0xC860] =	vst.add.f32.msk $0xffff, v56  }
0x230: {  	[tilespmem:s1+$0xC870] =	vst.add.f32.msk $0xffff, v57  }
0x231: {  	[tilespmem:s1+$0xCC00] =	vst.add.f32.msk $0xffff, v58  }
0x232: {  	[tilespmem:s1+$0xCC10] =	vst.add.f32.msk $0xffff, v59  }
0x233: {  	[tilespmem:s1+$0xCC20] =	vst.add.f32.msk $0xffff, v60  }
0x234: {  	[tilespmem:s1+$0xCC30] =	vst.add.f32.msk $0xffff, v61  }
0x235: {  	s16 =	simm.s32 $0x80;
	s19 =	simm.s32 $0x100;
	[tilespmem:s1+$0xCC40] =	vst.add.f32.msk $0xffff, v62  }
0x236: {  	s20 =	sand.u32 $0x3800, s19;
	s19 =	simm.s32 $0x200;
	s21 =	sand.u32 $0x380, s16;
	[tilespmem:s1+$0xCC50] =	vst.add.f32.msk $0xffff, v63  }
.LBB2_6:
0x237: {  	p0 =	sne.s32 s19, $0x2700;
	[tilespmem:s1+$0xCC60] =	vst.add.f32.msk $0xffff, v3;
	s1 =	sor.u32 s21, s20  }
0x238: {  	v3 =	vld [tilespmem:s1+$0xF470]  }
0x239: {  	v4 =	vld [tilespmem:s1+$0xF000]  }
0x23a: {  	v5 =	vld [tilespmem:s1+$0xF010]  }
0x23b: {  	v6 =	vld [tilespmem:s1+$0xF020]  }
0x23c: {  	v7 =	vld [tilespmem:s1+$0xF030]  }
0x23d: {  	[tilespmem:s1+$0xCC70] =	vst.add.f32.msk $0xffff, v3  }
0x23e: {  	v8 =	vld [tilespmem:s1+$0xF040]  }
0x23f: {  	v9 =	vld [tilespmem:s1+$0xF050]  }
0x240: {  	v10 =	vld [tilespmem:s1+$0xF060]  }
0x241: {  	v11 =	vld [tilespmem:s1+$0xF070]  }
0x242: {  	v12 =	vld [tilespmem:s1+$0xF400]  }
0x243: {  	v13 =	vld [tilespmem:s1+$0xF410]  }
0x244: {  	v14 =	vld [tilespmem:s1+$0xF420]  }
0x245: {  	v15 =	vld [tilespmem:s1+$0xF430]  }
0x246: {  	v16 =	vld [tilespmem:s1+$0xF440]  }
0x247: {  	v17 =	vld [tilespmem:s1+$0xF450]  }
0x248: {  	v3 =	vld [tilespmem:s1+$0xF460]  }
0x249: {  	[tilespmem:s1+$0xC800] =	vst.add.f32.msk $0xffff, v4  }
0x24a: {  	[tilespmem:s1+$0xC810] =	vst.add.f32.msk $0xffff, v5  }
0x24b: {  	[tilespmem:s1+$0xC820] =	vst.add.f32.msk $0xffff, v6  }
0x24c: {  	[tilespmem:s1+$0xC830] =	vst.add.f32.msk $0xffff, v7  }
0x24d: {  	[tilespmem:s1+$0xC840] =	vst.add.f32.msk $0xffff, v8  }
0x24e: {  	[tilespmem:s1+$0xC850] =	vst.add.f32.msk $0xffff, v9  }
0x24f: {  	[tilespmem:s1+$0xC860] =	vst.add.f32.msk $0xffff, v10  }
0x250: {  	[tilespmem:s1+$0xC870] =	vst.add.f32.msk $0xffff, v11  }
0x251: {  	[tilespmem:s1+$0xCC00] =	vst.add.f32.msk $0xffff, v12  }
.Ltmp2:
0x252: {  	[tilespmem:s1+$0xCC10] =	vst.add.f32.msk $0xffff, v13;
	(pc) =	sbr.rel @p0 .LBB2_6-.Ltmp2, $4  }
0x253: {  	[tilespmem:s1+$0xCC20] =	vst.add.f32.msk $0xffff, v14  }
0x254: {  	[tilespmem:s1+$0xCC30] =	vst.add.f32.msk $0xffff, v15  }
0x255: {  	s16 =	sadd.s32 $0x80, s16;
	[tilespmem:s1+$0xCC40] =	vst.add.f32.msk $0xffff, v16  }
0x256: {  	s20 =	sand.u32 $0x3800, s19;
	s19 =	sadd.s32 $0x100, s19;
	s21 =	sand.u32 $0x380, s16;
	[tilespmem:s1+$0xCC50] =	vst.add.f32.msk $0xffff, v17  }
0x257: {  	s16 =	sor.u32 s21, s20;
	[tilespmem:s1+$0xCC60] =	vst.add.f32.msk $0xffff, v3  }
0x258: {  	v3 =	vld [tilespmem:s16+$0xF470]  }
0x259: {  	v4 =	vld [tilespmem:s16+$0xF000]  }
0x25a: {  	v5 =	vld [tilespmem:s16+$0xF010]  }
0x25b: {  	v6 =	vld [tilespmem:s16+$0xF020]  }
0x25c: {  	v7 =	vld [tilespmem:s16+$0xF030]  }
0x25d: {  	v8 =	vld [tilespmem:s16+$0xF050]  }
0x25e: {  	v9 =	vld [tilespmem:s16+$0xF060]  }
0x25f: {  	v10 =	vld [tilespmem:s16+$0xF070]  }
0x260: {  	v11 =	vld [tilespmem:s16+$0xF400]  }
0x261: {  	v12 =	vld [tilespmem:s16+$0xF410]  }
0x262: {  	v13 =	vld [tilespmem:s16+$0xF420]  }
0x263: {  	v14 =	vld [tilespmem:s16+$0xF430]  }
0x264: {  	v15 =	vld [tilespmem:s16+$0xF440]  }
0x265: {  	v16 =	vld [tilespmem:s16+$0xF450]  }
0x266: {  	v17 =	vld [tilespmem:s16+$0xF460]  }
0x267: {  	[tilespmem:s16+$0xCC70] =	vst.add.f32.msk $0xffff, v3  }
0x268: {  	v3 =	vld [tilespmem:s16+$0xF040]  }
0x269: {  	[tilespmem:s16+$0xC800] =	vst.add.f32.msk $0xffff, v4  }
0x26a: {  	[tilespmem:s16+$0xC810] =	vst.add.f32.msk $0xffff, v5  }
0x26b: {  	[tilespmem:s16+$0xC820] =	vst.add.f32.msk $0xffff, v6  }
0x26c: {  	[tilespmem:s16+$0xC830] =	vst.add.f32.msk $0xffff, v7  }
0x26d: {  	[tilespmem:s16+$0xC850] =	vst.add.f32.msk $0xffff, v8  }
0x26e: {  	[tilespmem:s16+$0xC860] =	vst.add.f32.msk $0xffff, v9  }
0x26f: {  	[tilespmem:s16+$0xC870] =	vst.add.f32.msk $0xffff, v10  }
0x270: {  	[tilespmem:s16+$0xCC00] =	vst.add.f32.msk $0xffff, v11  }
0x271: {  	[tilespmem:s16+$0xCC10] =	vst.add.f32.msk $0xffff, v12  }
0x272: {  	[tilespmem:s16+$0xCC20] =	vst.add.f32.msk $0xffff, v13  }
0x273: {  	[tilespmem:s16+$0xCC30] =	vst.add.f32.msk $0xffff, v14  }
0x274: {  	[tilespmem:s16+$0xCC40] =	vst.add.f32.msk $0xffff, v15  }
0x275: {  	[tilespmem:s16+$0xCC50] =	vst.add.f32.msk $0xffff, v16  }
0x276: {  	[tilespmem:s16+$0xCC60] =	vst.add.f32.msk $0xffff, v17  }
0x277: {  	s1 =	simm.s32 $0x0;
	s22 =	rddreg [dreg:$0x7];
	[tilespmem:s16+$0xC840] =	vst.add.f32.msk $0xffff, v3  }
0x278: {  	[hbm4b:s22+s1] =	stream.linear.scatter [tilespmem:s11], [sflag:$0x7], $0x2800, $0x38;
	[tilespmem:$0x16800] =	vst v63  }
0x279: {  	_ =	swait.ge [sflag:s10], $0x2800  }
0x27a: {  	[sflag:s10] =	ssyncset.done $0x0  }
0x27b: {  	[sflag:s10] =	ssyncadd.s32 $0xFFFFD800  }
0x27c: {  	v3 =	vld [tilespmem:$0xC8];
	_ =	sdelay $0x4  }
0x27d: {  	v4 =	vshll.u32 v3, $0x1  }
0x27e: {  	v3 =	vand.u32 $0x7, v3;
	v4 =	vand.u32 $0xFFFFFFF0, v4  }
0x27f: {  	v3 =	vor.u32 v3, v4  }
0x280: {  	v4 =	vperm.xlane v3, v0;
	_ =	sdelay $0x1  }
0x281: {  	v3 =	vperm.xlane v3, v2;
	v4 =	vadd.s32 v1, v4;
	_ =	sdelay $0x1  }
0x282: {  	v3 =	vadd.s32 v1, v3;
	_ =	sdelay $0x2  }
0x283: {  	[tilespmem:s29], [sflag:$0x2] =	stream.indirect_vreg.gather [hbm4b:s5+s1], $0x80, v4, vm0, $0xb8;
	[tilespmem:$0x16800] =	vst v63  }
0x284: {  	s23 =	simm.s32 $0x8000  }
0x285: {  	[tilespmem:s23], [sflag:$0x2] =	stream.indirect_vreg.gather [hbm4b:s5+s1], $0x80, v3, vm0, $0xb8;
	[tilespmem:$0x16800] =	vst v63  }
0x286: {  	v3 =	vld [tilespmem:$0xD8];
	_ =	sdelay $0x4  }
0x287: {  	v4 =	vshll.u32 v3, $0x1  }
0x288: {  	v3 =	vand.u32 $0x7, v3;
	v4 =	vand.u32 $0xFFFFFFF0, v4  }
0x289: {  	v3 =	vor.u32 v3, v4  }
0x28a: {  	v4 =	vperm.xlane v3, v0;
	_ =	sdelay $0x1  }
0x28b: {  	v3 =	vperm.xlane v3, v2;
	v4 =	vadd.s32 v1, v4;
	_ =	sdelay $0x1  }
0x28c: {  	v3 =	vadd.s32 v1, v3;
	_ =	sdelay $0x1  }
0x28d: {  	s30 =	simm.s32 $0x8800  }
0x28e: {  	[tilespmem:s30], [sflag:$0x2] =	stream.indirect_vreg.gather [hbm4b:s5+s1], $0x80, v4, vm0, $0xb8;
	[tilespmem:$0x16800] =	vst v63  }
0x28f: {  	s31 =	simm.s32 $0x9000  }
0x290: {  	[tilespmem:s31], [sflag:$0x2] =	stream.indirect_vreg.gather [hbm4b:s5+s1], $0x80, v3, vm0, $0xb8;
	[tilespmem:$0x16800] =	vst v63  }
0x291: {  	v3 =	vld.msk [tilespmem:$0xE8], $0xff;
	_ =	sdelay $0x4  }
0x292: {  	v4 =	vshll.u32 v3, $0x1  }
0x293: {  	v3 =	vand.u32 $0x7, v3;
	v4 =	vand.u32 $0xFFFFFFF0, v4  }
0x294: {  	v3 =	vor.u32 v3, v4  }
0x295: {  	v3 =	vperm.xlane v3, v0;
	_ =	sdelay $0x1  }
0x296: {  	v3 =	vadd.s32 v1, v3;
	_ =	sdelay $0x3  }
0x297: {  	s19 =	simm.s32 $0x9800  }
0x298: {  	[tilespmem:s19], [sflag:$0x2] =	stream.indirect_vreg.gather [hbm4b:s5+s1], $0x80, v3, vm0, $0xb8;
	[tilespmem:$0x16800] =	vst v63  }
0x299: {  	v3 =	vld [tilespmem:$0x14C8];
	_ =	sdelay $0x4  }
0x29a: {  	v4 =	vshll.u32 v3, $0x1  }
0x29b: {  	v3 =	vand.u32 $0x7, v3;
	v4 =	vand.u32 $0xFFFFFFF0, v4  }
0x29c: {  	v3 =	vor.u32 v3, v4  }
0x29d: {  	v4 =	vperm.xlane v3, v0;
	_ =	sdelay $0x1  }
0x29e: {  	v3 =	vperm.xlane v3, v2;
	v4 =	vadd.s32 v1, v4;
	_ =	sdelay $0x1  }
0x29f: {  	v3 =	vadd.s32 v1, v3;
	_ =	sdelay $0x1  }
0x2a0: {  	s20 =	simm.s32 $0xA000  }
0x2a1: {  	[tilespmem:s20], [sflag:$0x2] =	stream.indirect_vreg.gather [hbm4b:s6+s1], $0x80, v4, vm0, $0xb8;
	[tilespmem:$0x16800] =	vst v63  }
0x2a2: {  	s21 =	simm.s32 $0xA800  }
0x2a3: {  	[tilespmem:s21], [sflag:$0x2] =	stream.indirect_vreg.gather [hbm4b:s6+s1], $0x80, v3, vm0, $0xb8;
	[tilespmem:$0x16800] =	vst v63  }
0x2a4: {  	v3 =	vld [tilespmem:$0x14D8];
	_ =	sdelay $0x4  }
0x2a5: {  	v4 =	vshll.u32 v3, $0x1  }
0x2a6: {  	v3 =	vand.u32 $0x7, v3;
	v4 =	vand.u32 $0xFFFFFFF0, v4  }
0x2a7: {  	v3 =	vor.u32 v3, v4  }
0x2a8: {  	v4 =	vperm.xlane v3, v0;
	_ =	sdelay $0x1  }
0x2a9: {  	v3 =	vperm.xlane v3, v2;
	v4 =	vadd.s32 v1, v4;
	_ =	sdelay $0x1  }
0x2aa: {  	v3 =	vadd.s32 v1, v3;
	_ =	sdelay $0x1  }
0x2ab: {  	s22 =	simm.s32 $0xB000  }
0x2ac: {  	[tilespmem:s22], [sflag:$0x2] =	stream.indirect_vreg.gather [hbm4b:s6+s1], $0x80, v4, vm0, $0xb8;
	[tilespmem:$0x16800] =	vst v63  }
0x2ad: {  	s23 =	simm.s32 $0xB800  }
0x2ae: {  	[tilespmem:s23], [sflag:$0x2] =	stream.indirect_vreg.gather [hbm4b:s6+s1], $0x80, v3, vm0, $0xb8;
	[tilespmem:$0x16800] =	vst v63  }
0x2af: {  	v3 =	vld.msk [tilespmem:$0x14E8], $0xff;
	_ =	sdelay $0x4  }
0x2b0: {  	v4 =	vshll.u32 v3, $0x1  }
0x2b1: {  	v3 =	vand.u32 $0x7, v3;
	v4 =	vand.u32 $0xFFFFFFF0, v4  }
0x2b2: {  	v3 =	vor.u32 v3, v4  }
0x2b3: {  	v3 =	vperm.xlane v3, v0;
	_ =	sdelay $0x1  }
0x2b4: {  	v3 =	vadd.s32 v1, v3;
	_ =	sdelay $0x3  }
0x2b5: {  	s30 =	simm.s32 $0xC000  }
0x2b6: {  	[tilespmem:s30], [sflag:$0x2] =	stream.indirect_vreg.gather [hbm4b:s6+s1], $0x80, v3, vm0, $0xb8;
	[tilespmem:$0x16800] =	vst v63  }
0x2b7: {  	_ =	swait.ge [sflag:s12], $0x2800  }
0x2b8: {  	[sflag:s12] =	ssyncset.done $0x0  }
0x2b9: {  	[sflag:s12] =	ssyncadd.s32 $0xFFFFD800  }
0x2ba: {  	_ =	swait.ge [sflag:s12], $0x2800  }
0x2bb: {  	s31 =	sand.u32 $0x3800, s1;
	s1 =	sand.u32 $0x380, s1;
	[sflag:s12] =	ssyncset.done $0x0  }
0x2bc: {  	s1 =	sor.u32 s1, s31;
	[sflag:s12] =	ssyncadd.s32 $0xFFFFD800  }
0x2bd: {  	v3 =	vld [tilespmem:s1+$0x14470]  }
0x2be: {  	v4 =	vld [tilespmem:s1+$0x14000]  }
0x2bf: {  	v5 =	vld [tilespmem:s1+$0x14010]  }
0x2c0: {  	v52 =	vld [tilespmem:s1+$0x14020]  }
0x2c1: {  	v53 =	vld [tilespmem:s1+$0x14030]  }
0x2c2: {  	v54 =	vld [tilespmem:s1+$0x14040]  }
0x2c3: {  	v55 =	vld [tilespmem:s1+$0x14050]  }
0x2c4: {  	v56 =	vld [tilespmem:s1+$0x14060]  }
0x2c5: {  	v57 =	vld [tilespmem:s1+$0x14070]  }
0x2c6: {  	v58 =	vld [tilespmem:s1+$0x14400]  }
0x2c7: {  	v59 =	vld [tilespmem:s1+$0x14410]  }
0x2c8: {  	v60 =	vld [tilespmem:s1+$0x14420]  }
0x2c9: {  	v61 =	vld [tilespmem:s1+$0x14430]  }
0x2ca: {  	v62 =	vld [tilespmem:s1+$0x14440]  }
0x2cb: {  	v63 =	vld [tilespmem:s1+$0x14450]  }
0x2cc: {  	[tilespmem:s1+$0x11C70] =	vst.add.f32.msk $0xffff, v3  }
0x2cd: {  	v3 =	vld [tilespmem:s1+$0x14460]  }
0x2ce: {  	[tilespmem:s1+$0x11800] =	vst.add.f32.msk $0xffff, v4  }
0x2cf: {  	[tilespmem:s1+$0x11810] =	vst.add.f32.msk $0xffff, v5  }
0x2d0: {  	[tilespmem:s1+$0x11820] =	vst.add.f32.msk $0xffff, v52  }
0x2d1: {  	[tilespmem:s1+$0x11830] =	vst.add.f32.msk $0xffff, v53  }
0x2d2: {  	[tilespmem:s1+$0x11840] =	vst.add.f32.msk $0xffff, v54  }
0x2d3: {  	[tilespmem:s1+$0x11850] =	vst.add.f32.msk $0xffff, v55  }
0x2d4: {  	[tilespmem:s1+$0x11860] =	vst.add.f32.msk $0xffff, v56  }
0x2d5: {  	[tilespmem:s1+$0x11870] =	vst.add.f32.msk $0xffff, v57  }
0x2d6: {  	[tilespmem:s1+$0x11C00] =	vst.add.f32.msk $0xffff, v58  }
0x2d7: {  	[tilespmem:s1+$0x11C10] =	vst.add.f32.msk $0xffff, v59  }
0x2d8: {  	[tilespmem:s1+$0x11C20] =	vst.add.f32.msk $0xffff, v60  }
0x2d9: {  	[tilespmem:s1+$0x11C30] =	vst.add.f32.msk $0xffff, v61  }
0x2da: {  	s16 =	simm.s32 $0x80;
	s19 =	simm.s32 $0x100;
	[tilespmem:s1+$0x11C40] =	vst.add.f32.msk $0xffff, v62  }
0x2db: {  	s20 =	sand.u32 $0x3800, s19;
	s19 =	simm.s32 $0x200;
	s21 =	sand.u32 $0x380, s16;
	[tilespmem:s1+$0x11C50] =	vst.add.f32.msk $0xffff, v63  }
.LBB2_8:
0x2dc: {  	p0 =	sne.s32 s19, $0x2700;
	[tilespmem:s1+$0x11C60] =	vst.add.f32.msk $0xffff, v3;
	s1 =	sor.u32 s21, s20  }
0x2dd: {  	v3 =	vld [tilespmem:s1+$0x14470]  }
0x2de: {  	v4 =	vld [tilespmem:s1+$0x14000]  }
0x2df: {  	v5 =	vld [tilespmem:s1+$0x14010]  }
0x2e0: {  	v6 =	vld [tilespmem:s1+$0x14020]  }
0x2e1: {  	v7 =	vld [tilespmem:s1+$0x14030]  }
0x2e2: {  	[tilespmem:s1+$0x11C70] =	vst.add.f32.msk $0xffff, v3  }
0x2e3: {  	v8 =	vld [tilespmem:s1+$0x14040]  }
0x2e4: {  	v9 =	vld [tilespmem:s1+$0x14050]  }
0x2e5: {  	v10 =	vld [tilespmem:s1+$0x14060]  }
0x2e6: {  	v11 =	vld [tilespmem:s1+$0x14070]  }
0x2e7: {  	v12 =	vld [tilespmem:s1+$0x14400]  }
0x2e8: {  	v13 =	vld [tilespmem:s1+$0x14410]  }
0x2e9: {  	v14 =	vld [tilespmem:s1+$0x14420]  }
0x2ea: {  	v15 =	vld [tilespmem:s1+$0x14430]  }
0x2eb: {  	v16 =	vld [tilespmem:s1+$0x14440]  }
0x2ec: {  	v17 =	vld [tilespmem:s1+$0x14450]  }
0x2ed: {  	v3 =	vld [tilespmem:s1+$0x14460]  }
0x2ee: {  	[tilespmem:s1+$0x11800] =	vst.add.f32.msk $0xffff, v4  }
0x2ef: {  	[tilespmem:s1+$0x11810] =	vst.add.f32.msk $0xffff, v5  }
0x2f0: {  	[tilespmem:s1+$0x11820] =	vst.add.f32.msk $0xffff, v6  }
0x2f1: {  	[tilespmem:s1+$0x11830] =	vst.add.f32.msk $0xffff, v7  }
0x2f2: {  	[tilespmem:s1+$0x11840] =	vst.add.f32.msk $0xffff, v8  }
0x2f3: {  	[tilespmem:s1+$0x11850] =	vst.add.f32.msk $0xffff, v9  }
0x2f4: {  	[tilespmem:s1+$0x11860] =	vst.add.f32.msk $0xffff, v10  }
0x2f5: {  	[tilespmem:s1+$0x11870] =	vst.add.f32.msk $0xffff, v11  }
0x2f6: {  	[tilespmem:s1+$0x11C00] =	vst.add.f32.msk $0xffff, v12  }
.Ltmp3:
0x2f7: {  	[tilespmem:s1+$0x11C10] =	vst.add.f32.msk $0xffff, v13;
	(pc) =	sbr.rel @p0 .LBB2_8-.Ltmp3, $4  }
0x2f8: {  	[tilespmem:s1+$0x11C20] =	vst.add.f32.msk $0xffff, v14  }
0x2f9: {  	[tilespmem:s1+$0x11C30] =	vst.add.f32.msk $0xffff, v15  }
0x2fa: {  	s16 =	sadd.s32 $0x80, s16;
	[tilespmem:s1+$0x11C40] =	vst.add.f32.msk $0xffff, v16  }
0x2fb: {  	s20 =	sand.u32 $0x3800, s19;
	s19 =	sadd.s32 $0x100, s19;
	s21 =	sand.u32 $0x380, s16;
	[tilespmem:s1+$0x11C50] =	vst.add.f32.msk $0xffff, v17  }
0x2fc: {  	s16 =	sor.u32 s21, s20;
	[tilespmem:s1+$0x11C60] =	vst.add.f32.msk $0xffff, v3  }
0x2fd: {  	v3 =	vld [tilespmem:s16+$0x14470]  }
0x2fe: {  	v4 =	vld [tilespmem:s16+$0x14000]  }
0x2ff: {  	v5 =	vld [tilespmem:s16+$0x14010]  }
0x300: {  	v6 =	vld [tilespmem:s16+$0x14020]  }
0x301: {  	v7 =	vld [tilespmem:s16+$0x14030]  }
0x302: {  	v8 =	vld [tilespmem:s16+$0x14050]  }
0x303: {  	v9 =	vld [tilespmem:s16+$0x14060]  }
0x304: {  	v10 =	vld [tilespmem:s16+$0x14070]  }
0x305: {  	v11 =	vld [tilespmem:s16+$0x14400]  }
0x306: {  	v12 =	vld [tilespmem:s16+$0x14410]  }
0x307: {  	v13 =	vld [tilespmem:s16+$0x14420]  }
0x308: {  	v14 =	vld [tilespmem:s16+$0x14430]  }
0x309: {  	v15 =	vld [tilespmem:s16+$0x14440]  }
0x30a: {  	v16 =	vld [tilespmem:s16+$0x14450]  }
0x30b: {  	v17 =	vld [tilespmem:s16+$0x14460]  }
0x30c: {  	[tilespmem:s16+$0x11C70] =	vst.add.f32.msk $0xffff, v3  }
0x30d: {  	v3 =	vld [tilespmem:s16+$0x14040]  }
0x30e: {  	[tilespmem:s16+$0x11800] =	vst.add.f32.msk $0xffff, v4  }
0x30f: {  	[tilespmem:s16+$0x11810] =	vst.add.f32.msk $0xffff, v5  }
0x310: {  	[tilespmem:s16+$0x11820] =	vst.add.f32.msk $0xffff, v6  }
0x311: {  	[tilespmem:s16+$0x11830] =	vst.add.f32.msk $0xffff, v7  }
0x312: {  	[tilespmem:s16+$0x11850] =	vst.add.f32.msk $0xffff, v8  }
0x313: {  	[tilespmem:s16+$0x11860] =	vst.add.f32.msk $0xffff, v9  }
0x314: {  	[tilespmem:s16+$0x11870] =	vst.add.f32.msk $0xffff, v10  }
0x315: {  	[tilespmem:s16+$0x11C00] =	vst.add.f32.msk $0xffff, v11  }
0x316: {  	[tilespmem:s16+$0x11C10] =	vst.add.f32.msk $0xffff, v12  }
0x317: {  	[tilespmem:s16+$0x11C20] =	vst.add.f32.msk $0xffff, v13  }
0x318: {  	[tilespmem:s16+$0x11C30] =	vst.add.f32.msk $0xffff, v14  }
0x319: {  	[tilespmem:s16+$0x11C40] =	vst.add.f32.msk $0xffff, v15  }
0x31a: {  	[tilespmem:s16+$0x11C50] =	vst.add.f32.msk $0xffff, v16  }
0x31b: {  	[tilespmem:s16+$0x11C60] =	vst.add.f32.msk $0xffff, v17  }
0x31c: {  	s31 =	rddreg [dreg:$0x8];
	[tilespmem:s16+$0x11840] =	vst.add.f32.msk $0xffff, v3;
	s16 =	simm.s32 $0x1  }
0x31d: {  	[hbm4b:s31+s3] =	stream.linear.scatter [tilespmem:s8], [sflag:$0x8], $0x2800, $0x38;
	[tilespmem:$0x16800] =	vst v63  }
.LBB2_10:
0x31e: {  	_ =	swait.ge [sflag:s14], $0x2800  }
0x31f: {  	s30 =	smul.u32 $0xA0, s16;
	[sflag:s14] =	ssyncset.done $0x0  }
0x320: {  	[sflag:s14] =	ssyncadd.s32 $0xFFFFD800  }
0x321: {  	v3 =	vld [tilespmem:s30+$0x50];
	_ =	sdelay $0x4  }
0x322: {  	v4 =	vshll.u32 v3, $0x1  }
0x323: {  	v3 =	vand.u32 $0x7, v3;
	v4 =	vand.u32 $0xFFFFFFF0, v4  }
0x324: {  	v3 =	vor.u32 v3, v4  }
0x325: {  	v4 =	vperm.xlane v3, v0;
	_ =	sdelay $0x1  }
0x326: {  	v3 =	vperm.xlane v3, v2;
	v4 =	vadd.s32 v1, v4;
	_ =	sdelay $0x1  }
0x327: {  	v3 =	vadd.s32 v1, v3;
	_ =	sdelay $0x1  }
0x328: {  	s1 =	simm.s32 $0x0  }
0x329: {  	[tilespmem:s11], [sflag:$0x3] =	stream.indirect_vreg.gather [hbm4b:s5+s1], $0x80, v4, vm0, $0xb8;
	[tilespmem:$0x16800] =	vst v63  }
0x32a: {  	s19 =	simm.s32 $0xD000  }
0x32b: {  	[tilespmem:s19], [sflag:$0x3] =	stream.indirect_vreg.gather [hbm4b:s5+s1], $0x80, v3, vm0, $0xb8;
	[tilespmem:$0x16800] =	vst v63  }
0x32c: {  	v3 =	vld [tilespmem:s30+$0x60];
	_ =	sdelay $0x4  }
0x32d: {  	v4 =	vshll.u32 v3, $0x1  }
0x32e: {  	v3 =	vand.u32 $0x7, v3;
	v4 =	vand.u32 $0xFFFFFFF0, v4  }
0x32f: {  	v3 =	vor.u32 v3, v4  }
0x330: {  	v4 =	vperm.xlane v3, v0;
	_ =	sdelay $0x1  }
0x331: {  	v3 =	vperm.xlane v3, v2;
	v4 =	vadd.s32 v1, v4;
	_ =	sdelay $0x1  }
0x332: {  	v3 =	vadd.s32 v1, v3;
	_ =	sdelay $0x1  }
0x333: {  	s23 =	simm.s32 $0xD800  }
0x334: {  	[tilespmem:s23], [sflag:$0x3] =	stream.indirect_vreg.gather [hbm4b:s5+s1], $0x80, v4, vm0, $0xb8;
	[tilespmem:$0x16800] =	vst v63  }
0x335: {  	s20 =	simm.s32 $0xE000  }
0x336: {  	[tilespmem:s20], [sflag:$0x3] =	stream.indirect_vreg.gather [hbm4b:s5+s1], $0x80, v3, vm0, $0xb8;
	[tilespmem:$0x16800] =	vst v63  }
0x337: {  	v3 =	vld.msk [tilespmem:s30+$0x70], $0xff;
	_ =	sdelay $0x4  }
0x338: {  	v4 =	vshll.u32 v3, $0x1  }
0x339: {  	v3 =	vand.u32 $0x7, v3;
	v4 =	vand.u32 $0xFFFFFFF0, v4  }
0x33a: {  	v3 =	vor.u32 v3, v4  }
0x33b: {  	v3 =	vperm.xlane v3, v0;
	_ =	sdelay $0x1  }
0x33c: {  	v3 =	vadd.s32 v1, v3;
	_ =	sdelay $0x3  }
0x33d: {  	s21 =	simm.s32 $0xE800  }
0x33e: {  	[tilespmem:s21], [sflag:$0x3] =	stream.indirect_vreg.gather [hbm4b:s5+s1], $0x80, v3, vm0, $0xb8;
	[tilespmem:$0x16800] =	vst v63  }
0x33f: {  	v3 =	vld [tilespmem:s30+$0x1450];
	_ =	sdelay $0x4  }
0x340: {  	v4 =	vshll.u32 v3, $0x1  }
0x341: {  	v3 =	vand.u32 $0x7, v3;
	v4 =	vand.u32 $0xFFFFFFF0, v4  }
0x342: {  	v3 =	vor.u32 v3, v4  }
0x343: {  	v4 =	vperm.xlane v3, v0;
	_ =	sdelay $0x1  }
0x344: {  	v3 =	vperm.xlane v3, v2;
	v4 =	vadd.s32 v1, v4;
	_ =	sdelay $0x1  }
0x345: {  	v3 =	vadd.s32 v1, v3;
	_ =	sdelay $0x1  }
0x346: {  	s22 =	simm.s32 $0xF000  }
0x347: {  	[tilespmem:s22], [sflag:$0x3] =	stream.indirect_vreg.gather [hbm4b:s6+s1], $0x80, v4, vm0, $0xb8;
	[tilespmem:$0x16800] =	vst v63  }
0x348: {  	s23 =	simm.s32 $0xF800  }
0x349: {  	[tilespmem:s23], [sflag:$0x3] =	stream.indirect_vreg.gather [hbm4b:s6+s1], $0x80, v3, vm0, $0xb8;
	[tilespmem:$0x16800] =	vst v63  }
0x34a: {  	v3 =	vld [tilespmem:s30+$0x1460];
	_ =	sdelay $0x4  }
0x34b: {  	v4 =	vshll.u32 v3, $0x1  }
0x34c: {  	v3 =	vand.u32 $0x7, v3;
	v4 =	vand.u32 $0xFFFFFFF0, v4  }
0x34d: {  	v3 =	vor.u32 v3, v4  }
0x34e: {  	v4 =	vperm.xlane v3, v0;
	_ =	sdelay $0x1  }
0x34f: {  	v3 =	vperm.xlane v3, v2;
	v4 =	vadd.s32 v1, v4;
	_ =	sdelay $0x1  }
0x350: {  	v3 =	vadd.s32 v1, v3;
	_ =	sdelay $0x1  }
0x351: {  	s20 =	simm.s32 $0x10000  }
0x352: {  	[tilespmem:s20], [sflag:$0x3] =	stream.indirect_vreg.gather [hbm4b:s6+s1], $0x80, v4, vm0, $0xb8;
	[tilespmem:$0x16800] =	vst v63  }
0x353: {  	s21 =	simm.s32 $0x10800  }
0x354: {  	[tilespmem:s21], [sflag:$0x3] =	stream.indirect_vreg.gather [hbm4b:s6+s1], $0x80, v3, vm0, $0xb8;
	[tilespmem:$0x16800] =	vst v63  }
0x355: {  	v3 =	vld.msk [tilespmem:s30+$0x1470], $0xff;
	_ =	sdelay $0x4  }
0x356: {  	v4 =	vshll.u32 v3, $0x1  }
0x357: {  	v3 =	vand.u32 $0x7, v3;
	v4 =	vand.u32 $0xFFFFFFF0, v4  }
0x358: {  	v3 =	vor.u32 v3, v4  }
0x359: {  	v3 =	vperm.xlane v3, v0;
	_ =	sdelay $0x1  }
0x35a: {  	v3 =	vadd.s32 v1, v3;
	_ =	sdelay $0x3  }
0x35b: {  	s22 =	simm.s32 $0x11000  }
0x35c: {  	[tilespmem:s22], [sflag:$0x3] =	stream.indirect_vreg.gather [hbm4b:s6+s1], $0x80, v3, vm0, $0xb8;
	[tilespmem:$0x16800] =	vst v63  }
0x35d: {  	_ =	swait.ge [sflag:s7], $0x2800  }
0x35e: {  	[sflag:s7] =	ssyncset.done $0x0  }
0x35f: {  	[sflag:s7] =	ssyncadd.s32 $0xFFFFD800  }
0x360: {  	_ =	swait.ge [sflag:s7], $0x2800  }
0x361: {  	s23 =	sand.u32 $0x3800, s1;
	s1 =	sand.u32 $0x380, s1;
	[sflag:s7] =	ssyncset.done $0x0  }
0x362: {  	s31 =	sor.u32 s1, s23;
	[sflag:s7] =	ssyncadd.s32 $0xFFFFD800  }
0x363: {  	v3 =	vld [tilespmem:s31+$0x5470]  }
0x364: {  	v4 =	vld [tilespmem:s31+$0x5000]  }
0x365: {  	v5 =	vld [tilespmem:s31+$0x5010]  }
0x366: {  	v6 =	vld [tilespmem:s31+$0x5020]  }
0x367: {  	v7 =	vld [tilespmem:s31+$0x5030]  }
0x368: {  	v8 =	vld [tilespmem:s31+$0x5040]  }
0x369: {  	v9 =	vld [tilespmem:s31+$0x5050]  }
0x36a: {  	v10 =	vld [tilespmem:s31+$0x5060]  }
0x36b: {  	v11 =	vld [tilespmem:s31+$0x5070]  }
0x36c: {  	v12 =	vld [tilespmem:s31+$0x5400]  }
0x36d: {  	v13 =	vld [tilespmem:s31+$0x5410]  }
0x36e: {  	v14 =	vld [tilespmem:s31+$0x5420]  }
0x36f: {  	v15 =	vld [tilespmem:s31+$0x5430]  }
0x370: {  	v16 =	vld [tilespmem:s31+$0x5440]  }
0x371: {  	v17 =	vld [tilespmem:s31+$0x5450]  }
0x372: {  	[tilespmem:s31+$0x2C70] =	vst.add.f32.msk $0xffff, v3  }
0x373: {  	v3 =	vld [tilespmem:s31+$0x5460]  }
0x374: {  	[tilespmem:s31+$0x2800] =	vst.add.f32.msk $0xffff, v4  }
0x375: {  	[tilespmem:s31+$0x2810] =	vst.add.f32.msk $0xffff, v5  }
0x376: {  	[tilespmem:s31+$0x2820] =	vst.add.f32.msk $0xffff, v6  }
0x377: {  	[tilespmem:s31+$0x2830] =	vst.add.f32.msk $0xffff, v7  }
0x378: {  	[tilespmem:s31+$0x2840] =	vst.add.f32.msk $0xffff, v8  }
0x379: {  	[tilespmem:s31+$0x2850] =	vst.add.f32.msk $0xffff, v9  }
0x37a: {  	[tilespmem:s31+$0x2860] =	vst.add.f32.msk $0xffff, v10  }
0x37b: {  	[tilespmem:s31+$0x2870] =	vst.add.f32.msk $0xffff, v11  }
0x37c: {  	[tilespmem:s31+$0x2C00] =	vst.add.f32.msk $0xffff, v12  }
0x37d: {  	[tilespmem:s31+$0x2C10] =	vst.add.f32.msk $0xffff, v13  }
0x37e: {  	[tilespmem:s31+$0x2C20] =	vst.add.f32.msk $0xffff, v14  }
0x37f: {  	s20 =	simm.s32 $0x100;
	[tilespmem:s31+$0x2C30] =	vst.add.f32.msk $0xffff, v15  }
0x380: {  	s19 =	simm.s32 $0x80;
	s21 =	sand.u32 $0x3800, s20;
	[tilespmem:s31+$0x2C40] =	vst.add.f32.msk $0xffff, v16  }
0x381: {  	s20 =	simm.s32 $0x200;
	s22 =	sand.u32 $0x380, s19;
	s1 =	sadd.s32 $0x50, s30;
	[tilespmem:s31+$0x2C50] =	vst.add.f32.msk $0xffff, v17  }
.LBB2_11:
0x382: {  	p0 =	sne.s32 s20, $0x2700;
	[tilespmem:s31+$0x2C60] =	vst.add.f32.msk $0xffff, v3;
	s31 =	sor.u32 s22, s21  }
0x383: {  	v3 =	vld [tilespmem:s31+$0x5470]  }
0x384: {  	v4 =	vld [tilespmem:s31+$0x5000]  }
0x385: {  	v5 =	vld [tilespmem:s31+$0x5010]  }
0x386: {  	v6 =	vld [tilespmem:s31+$0x5020]  }
0x387: {  	v7 =	vld [tilespmem:s31+$0x5030]  }
0x388: {  	[tilespmem:s31+$0x2C70] =	vst.add.f32.msk $0xffff, v3  }
0x389: {  	v8 =	vld [tilespmem:s31+$0x5040]  }
0x38a: {  	v9 =	vld [tilespmem:s31+$0x5050]  }
0x38b: {  	v10 =	vld [tilespmem:s31+$0x5060]  }
0x38c: {  	v11 =	vld [tilespmem:s31+$0x5070]  }
0x38d: {  	v12 =	vld [tilespmem:s31+$0x5400]  }
0x38e: {  	v13 =	vld [tilespmem:s31+$0x5410]  }
0x38f: {  	v14 =	vld [tilespmem:s31+$0x5420]  }
0x390: {  	v15 =	vld [tilespmem:s31+$0x5430]  }
0x391: {  	v16 =	vld [tilespmem:s31+$0x5440]  }
0x392: {  	v17 =	vld [tilespmem:s31+$0x5450]  }
0x393: {  	v3 =	vld [tilespmem:s31+$0x5460]  }
0x394: {  	[tilespmem:s31+$0x2800] =	vst.add.f32.msk $0xffff, v4  }
0x395: {  	[tilespmem:s31+$0x2810] =	vst.add.f32.msk $0xffff, v5  }
0x396: {  	[tilespmem:s31+$0x2820] =	vst.add.f32.msk $0xffff, v6  }
0x397: {  	[tilespmem:s31+$0x2830] =	vst.add.f32.msk $0xffff, v7  }
0x398: {  	[tilespmem:s31+$0x2840] =	vst.add.f32.msk $0xffff, v8  }
0x399: {  	[tilespmem:s31+$0x2850] =	vst.add.f32.msk $0xffff, v9  }
0x39a: {  	[tilespmem:s31+$0x2860] =	vst.add.f32.msk $0xffff, v10  }
0x39b: {  	[tilespmem:s31+$0x2870] =	vst.add.f32.msk $0xffff, v11  }
0x39c: {  	[tilespmem:s31+$0x2C00] =	vst.add.f32.msk $0xffff, v12  }
.Ltmp4:
0x39d: {  	[tilespmem:s31+$0x2C10] =	vst.add.f32.msk $0xffff, v13;
	(pc) =	sbr.rel @p0 .LBB2_11-.Ltmp4, $4  }
0x39e: {  	[tilespmem:s31+$0x2C20] =	vst.add.f32.msk $0xffff, v14  }
0x39f: {  	[tilespmem:s31+$0x2C30] =	vst.add.f32.msk $0xffff, v15  }
0x3a0: {  	s19 =	sadd.s32 $0x80, s19;
	[tilespmem:s31+$0x2C40] =	vst.add.f32.msk $0xffff, v16  }
0x3a1: {  	s21 =	sand.u32 $0x3800, s20;
	s20 =	sadd.s32 $0x100, s20;
	s22 =	sand.u32 $0x380, s19;
	[tilespmem:s31+$0x2C50] =	vst.add.f32.msk $0xffff, v17  }
0x3a2: {  	s19 =	sor.u32 s22, s21;
	[tilespmem:s31+$0x2C60] =	vst.add.f32.msk $0xffff, v3  }
0x3a3: {  	v3 =	vld [tilespmem:s19+$0x5470]  }
0x3a4: {  	v4 =	vld [tilespmem:s19+$0x5000]  }
0x3a5: {  	v5 =	vld [tilespmem:s19+$0x5010]  }
0x3a6: {  	v6 =	vld [tilespmem:s19+$0x5020]  }
0x3a7: {  	v7 =	vld [tilespmem:s19+$0x5030]  }
0x3a8: {  	v8 =	vld [tilespmem:s19+$0x5050]  }
0x3a9: {  	v9 =	vld [tilespmem:s19+$0x5060]  }
0x3aa: {  	v10 =	vld [tilespmem:s19+$0x5070]  }
0x3ab: {  	v11 =	vld [tilespmem:s19+$0x5400]  }
0x3ac: {  	v12 =	vld [tilespmem:s19+$0x5410]  }
0x3ad: {  	v13 =	vld [tilespmem:s19+$0x5420]  }
0x3ae: {  	v14 =	vld [tilespmem:s19+$0x5430]  }
0x3af: {  	v15 =	vld [tilespmem:s19+$0x5440]  }
0x3b0: {  	v16 =	vld [tilespmem:s19+$0x5450]  }
0x3b1: {  	v17 =	vld [tilespmem:s19+$0x5460]  }
0x3b2: {  	[tilespmem:s19+$0x2C70] =	vst.add.f32.msk $0xffff, v3  }
0x3b3: {  	v3 =	vld [tilespmem:s19+$0x5040]  }
0x3b4: {  	[tilespmem:s19+$0x2800] =	vst.add.f32.msk $0xffff, v4  }
0x3b5: {  	[tilespmem:s19+$0x2810] =	vst.add.f32.msk $0xffff, v5  }
0x3b6: {  	[tilespmem:s19+$0x2820] =	vst.add.f32.msk $0xffff, v6  }
0x3b7: {  	[tilespmem:s19+$0x2830] =	vst.add.f32.msk $0xffff, v7  }
0x3b8: {  	[tilespmem:s19+$0x2850] =	vst.add.f32.msk $0xffff, v8  }
0x3b9: {  	[tilespmem:s19+$0x2860] =	vst.add.f32.msk $0xffff, v9  }
0x3ba: {  	[tilespmem:s19+$0x2870] =	vst.add.f32.msk $0xffff, v10  }
0x3bb: {  	[tilespmem:s19+$0x2C00] =	vst.add.f32.msk $0xffff, v11  }
0x3bc: {  	[tilespmem:s19+$0x2C10] =	vst.add.f32.msk $0xffff, v12  }
0x3bd: {  	[tilespmem:s19+$0x2C20] =	vst.add.f32.msk $0xffff, v13  }
0x3be: {  	[tilespmem:s19+$0x2C30] =	vst.add.f32.msk $0xffff, v14  }
0x3bf: {  	[tilespmem:s19+$0x2C40] =	vst.add.f32.msk $0xffff, v15  }
0x3c0: {  	s20 =	sadd.s32 s4, s30;
	[tilespmem:s19+$0x2C50] =	vst.add.f32.msk $0xffff, v16  }
0x3c1: {  	s20 =	sshll.u32 s20, $0x5;
	[tilespmem:s19+$0x2C60] =	vst.add.f32.msk $0xffff, v17  }
0x3c2: {  	s20 =	sadd.s32 s2, s20;
	[tilespmem:s19+$0x2840] =	vst.add.f32.msk $0xffff, v3;
	s19 =	simm.s32 $0x0  }
0x3c3: {  	[hbm4b:s20+s19] =	stream.linear.scatter [tilespmem:s18], [sflag:$0x5], $0x2800, $0x38;
	[tilespmem:$0x16800] =	vst v63  }
0x3c4: {  	_ =	swait.ge [sflag:s15], $0x2800  }
0x3c5: {  	[sflag:s15] =	ssyncset.done $0x0  }
0x3c6: {  	[sflag:s15] =	ssyncadd.s32 $0xFFFFD800  }
0x3c7: {  	v3 =	vld [tilespmem:s30+$0x78];
	_ =	sdelay $0x4  }
0x3c8: {  	v4 =	vshll.u32 v3, $0x1  }
0x3c9: {  	v3 =	vand.u32 $0x7, v3;
	v4 =	vand.u32 $0xFFFFFFF0, v4  }
0x3ca: {  	v3 =	vor.u32 v3, v4  }
0x3cb: {  	v4 =	vperm.xlane v3, v0;
	_ =	sdelay $0x1  }
0x3cc: {  	v3 =	vperm.xlane v3, v2;
	v4 =	vadd.s32 v1, v4;
	_ =	sdelay $0x1  }
0x3cd: {  	v3 =	vadd.s32 v1, v3;
	_ =	sdelay $0x2  }
0x3ce: {  	[tilespmem:s8], [sflag:$0x4] =	stream.indirect_vreg.gather [hbm4b:s5+s19], $0x80, v4, vm0, $0xb8;
	[tilespmem:$0x16800] =	vst v63  }
0x3cf: {  	s22 =	simm.s32 $0x12000  }
0x3d0: {  	[tilespmem:s22], [sflag:$0x4] =	stream.indirect_vreg.gather [hbm4b:s5+s19], $0x80, v3, vm0, $0xb8;
	[tilespmem:$0x16800] =	vst v63  }
0x3d1: {  	v3 =	vld [tilespmem:s30+$0x88];
	_ =	sdelay $0x4  }
0x3d2: {  	v4 =	vshll.u32 v3, $0x1  }
0x3d3: {  	v3 =	vand.u32 $0x7, v3;
	v4 =	vand.u32 $0xFFFFFFF0, v4  }
0x3d4: {  	v3 =	vor.u32 v3, v4  }
0x3d5: {  	v4 =	vperm.xlane v3, v0;
	_ =	sdelay $0x1  }
0x3d6: {  	v3 =	vperm.xlane v3, v2;
	v4 =	vadd.s32 v1, v4;
	_ =	sdelay $0x1  }
0x3d7: {  	v3 =	vadd.s32 v1, v3;
	_ =	sdelay $0x1  }
0x3d8: {  	s23 =	simm.s32 $0x12800  }
0x3d9: {  	[tilespmem:s23], [sflag:$0x4] =	stream.indirect_vreg.gather [hbm4b:s5+s19], $0x80, v4, vm0, $0xb8;
	[tilespmem:$0x16800] =	vst v63  }
0x3da: {  	s21 =	simm.s32 $0x13000  }
0x3db: {  	[tilespmem:s21], [sflag:$0x4] =	stream.indirect_vreg.gather [hbm4b:s5+s19], $0x80, v3, vm0, $0xb8;
	[tilespmem:$0x16800] =	vst v63  }
0x3dc: {  	v3 =	vld.msk [tilespmem:s30+$0x98], $0xff;
	_ =	sdelay $0x4  }
0x3dd: {  	v4 =	vshll.u32 v3, $0x1  }
0x3de: {  	v3 =	vand.u32 $0x7, v3;
	v4 =	vand.u32 $0xFFFFFFF0, v4  }
0x3df: {  	v3 =	vor.u32 v3, v4  }
0x3e0: {  	v3 =	vperm.xlane v3, v0;
	_ =	sdelay $0x1  }
0x3e1: {  	v3 =	vadd.s32 v1, v3;
	_ =	sdelay $0x3  }
0x3e2: {  	s22 =	simm.s32 $0x13800  }
0x3e3: {  	[tilespmem:s22], [sflag:$0x4] =	stream.indirect_vreg.gather [hbm4b:s5+s19], $0x80, v3, vm0, $0xb8;
	[tilespmem:$0x16800] =	vst v63  }
0x3e4: {  	v3 =	vld [tilespmem:s30+$0x1478];
	_ =	sdelay $0x4  }
0x3e5: {  	v4 =	vshll.u32 v3, $0x1  }
0x3e6: {  	v3 =	vand.u32 $0x7, v3;
	v4 =	vand.u32 $0xFFFFFFF0, v4  }
0x3e7: {  	v3 =	vor.u32 v3, v4  }
0x3e8: {  	v4 =	vperm.xlane v3, v0;
	_ =	sdelay $0x1  }
0x3e9: {  	v3 =	vperm.xlane v3, v2;
	v4 =	vadd.s32 v1, v4;
	_ =	sdelay $0x1  }
0x3ea: {  	v3 =	vadd.s32 v1, v3;
	_ =	sdelay $0x1  }
0x3eb: {  	s23 =	simm.s32 $0x14000  }
0x3ec: {  	[tilespmem:s23], [sflag:$0x4] =	stream.indirect_vreg.gather [hbm4b:s6+s19], $0x80, v4, vm0, $0xb8;
	[tilespmem:$0x16800] =	vst v63  }
0x3ed: {  	s21 =	simm.s32 $0x14800  }
0x3ee: {  	[tilespmem:s21], [sflag:$0x4] =	stream.indirect_vreg.gather [hbm4b:s6+s19], $0x80, v3, vm0, $0xb8;
	[tilespmem:$0x16800] =	vst v63  }
0x3ef: {  	v3 =	vld [tilespmem:s30+$0x1488];
	_ =	sdelay $0x4  }
0x3f0: {  	v4 =	vshll.u32 v3, $0x1  }
0x3f1: {  	v3 =	vand.u32 $0x7, v3;
	v4 =	vand.u32 $0xFFFFFFF0, v4  }
0x3f2: {  	v3 =	vor.u32 v3, v4  }
0x3f3: {  	v4 =	vperm.xlane v3, v0;
	_ =	sdelay $0x1  }
0x3f4: {  	v3 =	vperm.xlane v3, v2;
	v4 =	vadd.s32 v1, v4;
	_ =	sdelay $0x1  }
0x3f5: {  	v3 =	vadd.s32 v1, v3;
	_ =	sdelay $0x1  }
0x3f6: {  	s22 =	simm.s32 $0x15000  }
0x3f7: {  	[tilespmem:s22], [sflag:$0x4] =	stream.indirect_vreg.gather [hbm4b:s6+s19], $0x80, v4, vm0, $0xb8;
	[tilespmem:$0x16800] =	vst v63  }
0x3f8: {  	s23 =	simm.s32 $0x15800  }
0x3f9: {  	[tilespmem:s23], [sflag:$0x4] =	stream.indirect_vreg.gather [hbm4b:s6+s19], $0x80, v3, vm0, $0xb8;
	[tilespmem:$0x16800] =	vst v63  }
0x3fa: {  	v3 =	vld.msk [tilespmem:s30+$0x1498], $0xff;
	_ =	sdelay $0x4  }
0x3fb: {  	v4 =	vshll.u32 v3, $0x1  }
0x3fc: {  	v3 =	vand.u32 $0x7, v3;
	v4 =	vand.u32 $0xFFFFFFF0, v4  }
0x3fd: {  	v3 =	vor.u32 v3, v4  }
0x3fe: {  	v3 =	vperm.xlane v3, v0;
	_ =	sdelay $0x1  }
0x3ff: {  	v3 =	vadd.s32 v1, v3;
	_ =	sdelay $0x3  }
0x400: {  	s21 =	simm.s32 $0x16000  }
0x401: {  	[tilespmem:s21], [sflag:$0x4] =	stream.indirect_vreg.gather [hbm4b:s6+s19], $0x80, v3, vm0, $0xb8;
	[tilespmem:$0x16800] =	vst v63  }
0x402: {  	_ =	swait.ge [sflag:s0], $0x2800  }
0x403: {  	[sflag:s0] =	ssyncset.done $0x0  }
0x404: {  	[sflag:s0] =	ssyncadd.s32 $0xFFFFD800  }
0x405: {  	_ =	swait.ge [sflag:s0], $0x2800  }
0x406: {  	s22 =	sand.u32 $0x3800, s19;
	s19 =	sand.u32 $0x380, s19;
	[sflag:s0] =	ssyncset.done $0x0  }
0x407: {  	s19 =	sor.u32 s19, s22;
	[sflag:s0] =	ssyncadd.s32 $0xFFFFD800  }
0x408: {  	v3 =	vld [tilespmem:s19+$0xA470]  }
0x409: {  	v4 =	vld [tilespmem:s19+$0xA000]  }
0x40a: {  	v5 =	vld [tilespmem:s19+$0xA010]  }
0x40b: {  	v52 =	vld [tilespmem:s19+$0xA020]  }
0x40c: {  	v53 =	vld [tilespmem:s19+$0xA030]  }
0x40d: {  	v54 =	vld [tilespmem:s19+$0xA040]  }
0x40e: {  	v55 =	vld [tilespmem:s19+$0xA050]  }
0x40f: {  	v56 =	vld [tilespmem:s19+$0xA060]  }
0x410: {  	v57 =	vld [tilespmem:s19+$0xA070]  }
0x411: {  	v58 =	vld [tilespmem:s19+$0xA400]  }
0x412: {  	v59 =	vld [tilespmem:s19+$0xA410]  }
0x413: {  	v60 =	vld [tilespmem:s19+$0xA420]  }
0x414: {  	v61 =	vld [tilespmem:s19+$0xA430]  }
0x415: {  	v62 =	vld [tilespmem:s19+$0xA440]  }
0x416: {  	v63 =	vld [tilespmem:s19+$0xA450]  }
0x417: {  	[tilespmem:s19+$0x7C70] =	vst.add.f32.msk $0xffff, v3  }
0x418: {  	v3 =	vld [tilespmem:s19+$0xA460]  }
0x419: {  	[tilespmem:s19+$0x7800] =	vst.add.f32.msk $0xffff, v4  }
0x41a: {  	[tilespmem:s19+$0x7810] =	vst.add.f32.msk $0xffff, v5  }
0x41b: {  	[tilespmem:s19+$0x7820] =	vst.add.f32.msk $0xffff, v52  }
0x41c: {  	[tilespmem:s19+$0x7830] =	vst.add.f32.msk $0xffff, v53  }
0x41d: {  	[tilespmem:s19+$0x7840] =	vst.add.f32.msk $0xffff, v54  }
0x41e: {  	[tilespmem:s19+$0x7850] =	vst.add.f32.msk $0xffff, v55  }
0x41f: {  	[tilespmem:s19+$0x7860] =	vst.add.f32.msk $0xffff, v56  }
0x420: {  	[tilespmem:s19+$0x7870] =	vst.add.f32.msk $0xffff, v57  }
0x421: {  	[tilespmem:s19+$0x7C00] =	vst.add.f32.msk $0xffff, v58  }
0x422: {  	[tilespmem:s19+$0x7C10] =	vst.add.f32.msk $0xffff, v59  }
0x423: {  	[tilespmem:s19+$0x7C20] =	vst.add.f32.msk $0xffff, v60  }
0x424: {  	[tilespmem:s19+$0x7C30] =	vst.add.f32.msk $0xffff, v61  }
0x425: {  	s31 =	sadd.s32 $0x78, s30;
	s20 =	simm.s32 $0x80;
	s23 =	simm.s32 $0x100;
	[tilespmem:s19+$0x7C40] =	vst.add.f32.msk $0xffff, v62  }
0x426: {  	s21 =	simm.s32 $0x200;
	s22 =	sand.u32 $0x3800, s23;
	s23 =	sand.u32 $0x380, s20;
	[tilespmem:s19+$0x7C50] =	vst.add.f32.msk $0xffff, v63  }
.LBB2_13:
0x427: {  	p0 =	sne.s32 s21, $0x2700;
	[tilespmem:s19+$0x7C60] =	vst.add.f32.msk $0xffff, v3;
	s19 =	sor.u32 s23, s22  }
0x428: {  	v3 =	vld [tilespmem:s19+$0xA470]  }
0x429: {  	v4 =	vld [tilespmem:s19+$0xA000]  }
0x42a: {  	v5 =	vld [tilespmem:s19+$0xA010]  }
0x42b: {  	v6 =	vld [tilespmem:s19+$0xA020]  }
0x42c: {  	v7 =	vld [tilespmem:s19+$0xA030]  }
0x42d: {  	[tilespmem:s19+$0x7C70] =	vst.add.f32.msk $0xffff, v3  }
0x42e: {  	v8 =	vld [tilespmem:s19+$0xA040]  }
0x42f: {  	v9 =	vld [tilespmem:s19+$0xA050]  }
0x430: {  	v10 =	vld [tilespmem:s19+$0xA060]  }
0x431: {  	v11 =	vld [tilespmem:s19+$0xA070]  }
0x432: {  	v12 =	vld [tilespmem:s19+$0xA400]  }
0x433: {  	v13 =	vld [tilespmem:s19+$0xA410]  }
0x434: {  	v14 =	vld [tilespmem:s19+$0xA420]  }
0x435: {  	v15 =	vld [tilespmem:s19+$0xA430]  }
0x436: {  	v16 =	vld [tilespmem:s19+$0xA440]  }
0x437: {  	v17 =	vld [tilespmem:s19+$0xA450]  }
0x438: {  	v3 =	vld [tilespmem:s19+$0xA460]  }
0x439: {  	[tilespmem:s19+$0x7800] =	vst.add.f32.msk $0xffff, v4  }
0x43a: {  	[tilespmem:s19+$0x7810] =	vst.add.f32.msk $0xffff, v5  }
0x43b: {  	[tilespmem:s19+$0x7820] =	vst.add.f32.msk $0xffff, v6  }
0x43c: {  	[tilespmem:s19+$0x7830] =	vst.add.f32.msk $0xffff, v7  }
0x43d: {  	[tilespmem:s19+$0x7840] =	vst.add.f32.msk $0xffff, v8  }
0x43e: {  	[tilespmem:s19+$0x7850] =	vst.add.f32.msk $0xffff, v9  }
0x43f: {  	[tilespmem:s19+$0x7860] =	vst.add.f32.msk $0xffff, v10  }
0x440: {  	[tilespmem:s19+$0x7870] =	vst.add.f32.msk $0xffff, v11  }
0x441: {  	[tilespmem:s19+$0x7C00] =	vst.add.f32.msk $0xffff, v12  }
.Ltmp5:
0x442: {  	[tilespmem:s19+$0x7C10] =	vst.add.f32.msk $0xffff, v13;
	(pc) =	sbr.rel @p0 .LBB2_13-.Ltmp5, $4  }
0x443: {  	[tilespmem:s19+$0x7C20] =	vst.add.f32.msk $0xffff, v14  }
0x444: {  	[tilespmem:s19+$0x7C30] =	vst.add.f32.msk $0xffff, v15  }
0x445: {  	s20 =	sadd.s32 $0x80, s20;
	[tilespmem:s19+$0x7C40] =	vst.add.f32.msk $0xffff, v16  }
0x446: {  	s22 =	sand.u32 $0x3800, s21;
	s21 =	sadd.s32 $0x100, s21;
	s23 =	sand.u32 $0x380, s20;
	[tilespmem:s19+$0x7C50] =	vst.add.f32.msk $0xffff, v17  }
0x447: {  	s20 =	sor.u32 s23, s22;
	[tilespmem:s19+$0x7C60] =	vst.add.f32.msk $0xffff, v3  }
0x448: {  	v3 =	vld [tilespmem:s20+$0xA470]  }
0x449: {  	v4 =	vld [tilespmem:s20+$0xA000]  }
0x44a: {  	v5 =	vld [tilespmem:s20+$0xA010]  }
0x44b: {  	v6 =	vld [tilespmem:s20+$0xA020]  }
0x44c: {  	v7 =	vld [tilespmem:s20+$0xA030]  }
0x44d: {  	v8 =	vld [tilespmem:s20+$0xA050]  }
0x44e: {  	v9 =	vld [tilespmem:s20+$0xA060]  }
0x44f: {  	v10 =	vld [tilespmem:s20+$0xA070]  }
0x450: {  	v11 =	vld [tilespmem:s20+$0xA400]  }
0x451: {  	v12 =	vld [tilespmem:s20+$0xA410]  }
0x452: {  	v13 =	vld [tilespmem:s20+$0xA420]  }
0x453: {  	v14 =	vld [tilespmem:s20+$0xA430]  }
0x454: {  	v15 =	vld [tilespmem:s20+$0xA440]  }
0x455: {  	v16 =	vld [tilespmem:s20+$0xA450]  }
0x456: {  	v17 =	vld [tilespmem:s20+$0xA460]  }
0x457: {  	[tilespmem:s20+$0x7C70] =	vst.add.f32.msk $0xffff, v3  }
0x458: {  	v3 =	vld [tilespmem:s20+$0xA040]  }
0x459: {  	[tilespmem:s20+$0x7800] =	vst.add.f32.msk $0xffff, v4  }
0x45a: {  	[tilespmem:s20+$0x7810] =	vst.add.f32.msk $0xffff, v5  }
0x45b: {  	[tilespmem:s20+$0x7820] =	vst.add.f32.msk $0xffff, v6  }
0x45c: {  	[tilespmem:s20+$0x7830] =	vst.add.f32.msk $0xffff, v7  }
0x45d: {  	[tilespmem:s20+$0x7850] =	vst.add.f32.msk $0xffff, v8  }
0x45e: {  	[tilespmem:s20+$0x7860] =	vst.add.f32.msk $0xffff, v9  }
0x45f: {  	[tilespmem:s20+$0x7870] =	vst.add.f32.msk $0xffff, v10  }
0x460: {  	[tilespmem:s20+$0x7C00] =	vst.add.f32.msk $0xffff, v11  }
0x461: {  	[tilespmem:s20+$0x7C10] =	vst.add.f32.msk $0xffff, v12  }
0x462: {  	[tilespmem:s20+$0x7C20] =	vst.add.f32.msk $0xffff, v13  }
0x463: {  	[tilespmem:s20+$0x7C30] =	vst.add.f32.msk $0xffff, v14  }
0x464: {  	[tilespmem:s20+$0x7C40] =	vst.add.f32.msk $0xffff, v15  }
0x465: {  	s22 =	sadd.s32 s30, s13;
	[tilespmem:s20+$0x7C50] =	vst.add.f32.msk $0xffff, v16  }
0x466: {  	s19 =	sshll.u32 s22, $0x5;
	[tilespmem:s20+$0x7C60] =	vst.add.f32.msk $0xffff, v17  }
0x467: {  	s23 =	sadd.s32 s2, s19;
	s19 =	simm.s32 $0x0;
	[tilespmem:s20+$0x7840] =	vst.add.f32.msk $0xffff, v3  }
0x468: {  	[hbm4b:s23+s19] =	stream.linear.scatter [tilespmem:s29], [sflag:$0x6], $0x2800, $0x38;
	[tilespmem:$0x16800] =	vst v63  }
0x469: {  	_ =	swait.ge [sflag:s17], $0x2800  }
0x46a: {  	[sflag:s17] =	ssyncset.done $0x0  }
0x46b: {  	[sflag:s17] =	ssyncadd.s32 $0xFFFFD800  }
0x46c: {  	v3 =	vld [tilespmem:s30+$0xA0];
	_ =	sdelay $0x4  }
0x46d: {  	v4 =	vshll.u32 v3, $0x1  }
0x46e: {  	v3 =	vand.u32 $0x7, v3;
	v4 =	vand.u32 $0xFFFFFFF0, v4  }
0x46f: {  	v3 =	vor.u32 v3, v4  }
0x470: {  	v4 =	vperm.xlane v3, v0;
	_ =	sdelay $0x1  }
0x471: {  	v3 =	vperm.xlane v3, v2;
	v4 =	vadd.s32 v1, v4;
	_ =	sdelay $0x1  }
0x472: {  	v3 =	vadd.s32 v1, v3;
	_ =	sdelay $0x2  }
0x473: {  	[tilespmem:s18], [sflag:$0x1] =	stream.indirect_vreg.gather [hbm4b:s5+s19], $0x80, v4, vm0, $0xb8;
	[tilespmem:$0x16800] =	vst v63  }
0x474: {  	s21 =	simm.s32 $0x3000  }
0x475: {  	[tilespmem:s21], [sflag:$0x1] =	stream.indirect_vreg.gather [hbm4b:s5+s19], $0x80, v3, vm0, $0xb8;
	[tilespmem:$0x16800] =	vst v63  }
0x476: {  	v3 =	vld [tilespmem:s30+$0xB0];
	_ =	sdelay $0x4  }
0x477: {  	v4 =	vshll.u32 v3, $0x1  }
0x478: {  	v3 =	vand.u32 $0x7, v3;
	v4 =	vand.u32 $0xFFFFFFF0, v4  }
0x479: {  	v3 =	vor.u32 v3, v4  }
0x47a: {  	v4 =	vperm.xlane v3, v0;
	_ =	sdelay $0x1  }
0x47b: {  	v3 =	vperm.xlane v3, v2;
	v4 =	vadd.s32 v1, v4;
	_ =	sdelay $0x1  }
0x47c: {  	v3 =	vadd.s32 v1, v3;
	_ =	sdelay $0x1  }
0x47d: {  	s22 =	simm.s32 $0x3800  }
0x47e: {  	[tilespmem:s22], [sflag:$0x1] =	stream.indirect_vreg.gather [hbm4b:s5+s19], $0x80, v4, vm0, $0xb8;
	[tilespmem:$0x16800] =	vst v63  }
0x47f: {  	s23 =	simm.s32 $0x4000  }
0x480: {  	[tilespmem:s23], [sflag:$0x1] =	stream.indirect_vreg.gather [hbm4b:s5+s19], $0x80, v3, vm0, $0xb8;
	[tilespmem:$0x16800] =	vst v63  }
0x481: {  	v3 =	vld.msk [tilespmem:s30+$0xC0], $0xff;
	_ =	sdelay $0x4  }
0x482: {  	v4 =	vshll.u32 v3, $0x1  }
0x483: {  	v3 =	vand.u32 $0x7, v3;
	v4 =	vand.u32 $0xFFFFFFF0, v4  }
0x484: {  	v3 =	vor.u32 v3, v4  }
0x485: {  	v3 =	vperm.xlane v3, v0;
	_ =	sdelay $0x1  }
0x486: {  	v3 =	vadd.s32 v1, v3;
	_ =	sdelay $0x3  }
0x487: {  	s21 =	simm.s32 $0x4800  }
0x488: {  	[tilespmem:s21], [sflag:$0x1] =	stream.indirect_vreg.gather [hbm4b:s5+s19], $0x80, v3, vm0, $0xb8;
	[tilespmem:$0x16800] =	vst v63  }
0x489: {  	v3 =	vld [tilespmem:s30+$0x14A0];
	_ =	sdelay $0x4  }
0x48a: {  	v4 =	vshll.u32 v3, $0x1  }
0x48b: {  	v3 =	vand.u32 $0x7, v3;
	v4 =	vand.u32 $0xFFFFFFF0, v4  }
0x48c: {  	v3 =	vor.u32 v3, v4  }
0x48d: {  	v4 =	vperm.xlane v3, v0;
	_ =	sdelay $0x1  }
0x48e: {  	v3 =	vperm.xlane v3, v2;
	v4 =	vadd.s32 v1, v4;
	_ =	sdelay $0x1  }
0x48f: {  	v3 =	vadd.s32 v1, v3;
	_ =	sdelay $0x1  }
0x490: {  	s22 =	simm.s32 $0x5000  }
0x491: {  	[tilespmem:s22], [sflag:$0x1] =	stream.indirect_vreg.gather [hbm4b:s6+s19], $0x80, v4, vm0, $0xb8;
	[tilespmem:$0x16800] =	vst v63  }
0x492: {  	_ = 	snop  }
0x493: {  	[tilespmem:s24], [sflag:$0x1] =	stream.indirect_vreg.gather [hbm4b:s6+s19], $0x80, v3, vm0, $0xb8;
	[tilespmem:$0x16800] =	vst v63  }
0x494: {  	v3 =	vld [tilespmem:s30+$0x14B0];
	_ =	sdelay $0x4  }
0x495: {  	v4 =	vshll.u32 v3, $0x1  }
0x496: {  	v3 =	vand.u32 $0x7, v3;
	v4 =	vand.u32 $0xFFFFFFF0, v4  }
0x497: {  	v3 =	vor.u32 v3, v4  }
0x498: {  	v4 =	vperm.xlane v3, v0;
	_ =	sdelay $0x1  }
0x499: {  	v3 =	vperm.xlane v3, v2;
	v4 =	vadd.s32 v1, v4;
	_ =	sdelay $0x1  }
0x49a: {  	v3 =	vadd.s32 v1, v3;
	_ =	sdelay $0x2  }
0x49b: {  	[tilespmem:s25], [sflag:$0x1] =	stream.indirect_vreg.gather [hbm4b:s6+s19], $0x80, v4, vm0, $0xb8;
	[tilespmem:$0x16800] =	vst v63  }
0x49c: {  	_ = 	snop  }
0x49d: {  	[tilespmem:s26], [sflag:$0x1] =	stream.indirect_vreg.gather [hbm4b:s6+s19], $0x80, v3, vm0, $0xb8;
	[tilespmem:$0x16800] =	vst v63  }
0x49e: {  	v3 =	vld.msk [tilespmem:s30+$0x14C0], $0xff;
	_ =	sdelay $0x4  }
0x49f: {  	v4 =	vshll.u32 v3, $0x1  }
0x4a0: {  	v3 =	vand.u32 $0x7, v3;
	v4 =	vand.u32 $0xFFFFFFF0, v4  }
0x4a1: {  	v3 =	vor.u32 v3, v4  }
0x4a2: {  	v3 =	vperm.xlane v3, v0;
	_ =	sdelay $0x1  }
0x4a3: {  	v3 =	vadd.s32 v1, v3;
	_ =	sdelay $0x4  }
0x4a4: {  	[tilespmem:s28], [sflag:$0x1] =	stream.indirect_vreg.gather [hbm4b:s6+s19], $0x80, v3, vm0, $0xb8;
	[tilespmem:$0x16800] =	vst v63  }
0x4a5: {  	_ =	swait.ge [sflag:s9], $0x2800  }
0x4a6: {  	[sflag:s9] =	ssyncset.done $0x0  }
0x4a7: {  	[sflag:s9] =	ssyncadd.s32 $0xFFFFD800  }
0x4a8: {  	_ =	swait.ge [sflag:s9], $0x2800  }
0x4a9: {  	s23 =	sand.u32 $0x3800, s19;
	s19 =	sand.u32 $0x380, s19;
	[sflag:s9] =	ssyncset.done $0x0  }
0x4aa: {  	s19 =	sor.u32 s19, s23;
	[sflag:s9] =	ssyncadd.s32 $0xFFFFD800  }
0x4ab: {  	v3 =	vld [tilespmem:s19+$0xF470]  }
0x4ac: {  	v4 =	vld [tilespmem:s19+$0xF000]  }
0x4ad: {  	v5 =	vld [tilespmem:s19+$0xF010]  }
0x4ae: {  	v52 =	vld [tilespmem:s19+$0xF020]  }
0x4af: {  	v53 =	vld [tilespmem:s19+$0xF030]  }
0x4b0: {  	v54 =	vld [tilespmem:s19+$0xF040]  }
0x4b1: {  	v55 =	vld [tilespmem:s19+$0xF050]  }
0x4b2: {  	v56 =	vld [tilespmem:s19+$0xF060]  }
0x4b3: {  	v57 =	vld [tilespmem:s19+$0xF070]  }
0x4b4: {  	v58 =	vld [tilespmem:s19+$0xF400]  }
0x4b5: {  	v59 =	vld [tilespmem:s19+$0xF410]  }
0x4b6: {  	v60 =	vld [tilespmem:s19+$0xF420]  }
0x4b7: {  	v61 =	vld [tilespmem:s19+$0xF430]  }
0x4b8: {  	v62 =	vld [tilespmem:s19+$0xF440]  }
0x4b9: {  	v63 =	vld [tilespmem:s19+$0xF450]  }
0x4ba: {  	[tilespmem:s19+$0xCC70] =	vst.add.f32.msk $0xffff, v3  }
0x4bb: {  	v3 =	vld [tilespmem:s19+$0xF460]  }
0x4bc: {  	[tilespmem:s19+$0xC800] =	vst.add.f32.msk $0xffff, v4  }
0x4bd: {  	[tilespmem:s19+$0xC810] =	vst.add.f32.msk $0xffff, v5  }
0x4be: {  	[tilespmem:s19+$0xC820] =	vst.add.f32.msk $0xffff, v52  }
0x4bf: {  	[tilespmem:s19+$0xC830] =	vst.add.f32.msk $0xffff, v53  }
0x4c0: {  	[tilespmem:s19+$0xC840] =	vst.add.f32.msk $0xffff, v54  }
0x4c1: {  	[tilespmem:s19+$0xC850] =	vst.add.f32.msk $0xffff, v55  }
0x4c2: {  	[tilespmem:s19+$0xC860] =	vst.add.f32.msk $0xffff, v56  }
0x4c3: {  	[tilespmem:s19+$0xC870] =	vst.add.f32.msk $0xffff, v57  }
0x4c4: {  	[tilespmem:s19+$0xCC00] =	vst.add.f32.msk $0xffff, v58  }
0x4c5: {  	[tilespmem:s19+$0xCC10] =	vst.add.f32.msk $0xffff, v59  }
0x4c6: {  	[tilespmem:s19+$0xCC20] =	vst.add.f32.msk $0xffff, v60  }
0x4c7: {  	[tilespmem:s19+$0xCC30] =	vst.add.f32.msk $0xffff, v61  }
0x4c8: {  	s20 =	simm.s32 $0x80;
	s21 =	simm.s32 $0x100;
	[tilespmem:s19+$0xCC40] =	vst.add.f32.msk $0xffff, v62  }
0x4c9: {  	s22 =	sand.u32 $0x3800, s21;
	s21 =	simm.s32 $0x200;
	s23 =	sand.u32 $0x380, s20;
	[tilespmem:s19+$0xCC50] =	vst.add.f32.msk $0xffff, v63  }
.LBB2_15:
0x4ca: {  	p0 =	sne.s32 s21, $0x2700;
	[tilespmem:s19+$0xCC60] =	vst.add.f32.msk $0xffff, v3;
	s19 =	sor.u32 s23, s22  }
0x4cb: {  	v3 =	vld [tilespmem:s19+$0xF470]  }
0x4cc: {  	v4 =	vld [tilespmem:s19+$0xF000]  }
0x4cd: {  	v5 =	vld [tilespmem:s19+$0xF010]  }
0x4ce: {  	v6 =	vld [tilespmem:s19+$0xF020]  }
0x4cf: {  	v7 =	vld [tilespmem:s19+$0xF030]  }
0x4d0: {  	[tilespmem:s19+$0xCC70] =	vst.add.f32.msk $0xffff, v3  }
0x4d1: {  	v8 =	vld [tilespmem:s19+$0xF040]  }
0x4d2: {  	v9 =	vld [tilespmem:s19+$0xF050]  }
0x4d3: {  	v10 =	vld [tilespmem:s19+$0xF060]  }
0x4d4: {  	v11 =	vld [tilespmem:s19+$0xF070]  }
0x4d5: {  	v12 =	vld [tilespmem:s19+$0xF400]  }
0x4d6: {  	v13 =	vld [tilespmem:s19+$0xF410]  }
0x4d7: {  	v14 =	vld [tilespmem:s19+$0xF420]  }
0x4d8: {  	v15 =	vld [tilespmem:s19+$0xF430]  }
0x4d9: {  	v16 =	vld [tilespmem:s19+$0xF440]  }
0x4da: {  	v17 =	vld [tilespmem:s19+$0xF450]  }
0x4db: {  	v3 =	vld [tilespmem:s19+$0xF460]  }
0x4dc: {  	[tilespmem:s19+$0xC800] =	vst.add.f32.msk $0xffff, v4  }
0x4dd: {  	[tilespmem:s19+$0xC810] =	vst.add.f32.msk $0xffff, v5  }
0x4de: {  	[tilespmem:s19+$0xC820] =	vst.add.f32.msk $0xffff, v6  }
0x4df: {  	[tilespmem:s19+$0xC830] =	vst.add.f32.msk $0xffff, v7  }
0x4e0: {  	[tilespmem:s19+$0xC840] =	vst.add.f32.msk $0xffff, v8  }
0x4e1: {  	[tilespmem:s19+$0xC850] =	vst.add.f32.msk $0xffff, v9  }
0x4e2: {  	[tilespmem:s19+$0xC860] =	vst.add.f32.msk $0xffff, v10  }
0x4e3: {  	[tilespmem:s19+$0xC870] =	vst.add.f32.msk $0xffff, v11  }
0x4e4: {  	[tilespmem:s19+$0xCC00] =	vst.add.f32.msk $0xffff, v12  }
.Ltmp6:
0x4e5: {  	[tilespmem:s19+$0xCC10] =	vst.add.f32.msk $0xffff, v13;
	(pc) =	sbr.rel @p0 .LBB2_15-.Ltmp6, $4  }
0x4e6: {  	[tilespmem:s19+$0xCC20] =	vst.add.f32.msk $0xffff, v14  }
0x4e7: {  	[tilespmem:s19+$0xCC30] =	vst.add.f32.msk $0xffff, v15  }
0x4e8: {  	s20 =	sadd.s32 $0x80, s20;
	[tilespmem:s19+$0xCC40] =	vst.add.f32.msk $0xffff, v16  }
0x4e9: {  	s22 =	sand.u32 $0x3800, s21;
	s21 =	sadd.s32 $0x100, s21;
	s23 =	sand.u32 $0x380, s20;
	[tilespmem:s19+$0xCC50] =	vst.add.f32.msk $0xffff, v17  }
0x4ea: {  	s20 =	sor.u32 s23, s22;
	[tilespmem:s19+$0xCC60] =	vst.add.f32.msk $0xffff, v3  }
0x4eb: {  	v3 =	vld [tilespmem:s20+$0xF470]  }
0x4ec: {  	v4 =	vld [tilespmem:s20+$0xF000]  }
0x4ed: {  	v5 =	vld [tilespmem:s20+$0xF010]  }
0x4ee: {  	v6 =	vld [tilespmem:s20+$0xF020]  }
0x4ef: {  	v7 =	vld [tilespmem:s20+$0xF030]  }
0x4f0: {  	v8 =	vld [tilespmem:s20+$0xF050]  }
0x4f1: {  	v9 =	vld [tilespmem:s20+$0xF060]  }
0x4f2: {  	v10 =	vld [tilespmem:s20+$0xF070]  }
0x4f3: {  	v11 =	vld [tilespmem:s20+$0xF400]  }
0x4f4: {  	v12 =	vld [tilespmem:s20+$0xF410]  }
0x4f5: {  	v13 =	vld [tilespmem:s20+$0xF420]  }
0x4f6: {  	v14 =	vld [tilespmem:s20+$0xF430]  }
0x4f7: {  	v15 =	vld [tilespmem:s20+$0xF440]  }
0x4f8: {  	v16 =	vld [tilespmem:s20+$0xF450]  }
0x4f9: {  	v17 =	vld [tilespmem:s20+$0xF460]  }
0x4fa: {  	[tilespmem:s20+$0xCC70] =	vst.add.f32.msk $0xffff, v3  }
0x4fb: {  	v3 =	vld [tilespmem:s20+$0xF040]  }
0x4fc: {  	[tilespmem:s20+$0xC800] =	vst.add.f32.msk $0xffff, v4  }
0x4fd: {  	[tilespmem:s20+$0xC810] =	vst.add.f32.msk $0xffff, v5  }
0x4fe: {  	[tilespmem:s20+$0xC820] =	vst.add.f32.msk $0xffff, v6  }
0x4ff: {  	[tilespmem:s20+$0xC830] =	vst.add.f32.msk $0xffff, v7  }
0x500: {  	[tilespmem:s20+$0xC850] =	vst.add.f32.msk $0xffff, v8  }
0x501: {  	[tilespmem:s20+$0xC860] =	vst.add.f32.msk $0xffff, v9  }
0x502: {  	[tilespmem:s20+$0xC870] =	vst.add.f32.msk $0xffff, v10  }
0x503: {  	[tilespmem:s20+$0xCC00] =	vst.add.f32.msk $0xffff, v11  }
0x504: {  	[tilespmem:s20+$0xCC10] =	vst.add.f32.msk $0xffff, v12  }
0x505: {  	[tilespmem:s20+$0xCC20] =	vst.add.f32.msk $0xffff, v13  }
0x506: {  	p0 =	seq.s32 s16, $0x1E;
	[tilespmem:s20+$0xCC30] =	vst.add.f32.msk $0xffff, v14  }
.Ltmp7:
0x507: {  	[tilespmem:s20+$0xCC40] =	vst.add.f32.msk $0xffff, v15;
	(pc) =	sbr.rel @p0 .LBB2_18-.Ltmp7, $4  }
0x508: {  	s1 =	sadd.s32 s4, s1;
	[tilespmem:s20+$0xCC50] =	vst.add.f32.msk $0xffff, v16  }
0x509: {  	s1 =	sshll.u32 s1, $0x5;
	[tilespmem:s20+$0xCC60] =	vst.add.f32.msk $0xffff, v17  }
0x50a: {  	s1 =	sadd.s32 s2, s1;
	[tilespmem:s20+$0xC840] =	vst.add.f32.msk $0xffff, v3  }
0x50b: {  	[hbm4b:s1+s3] =	stream.linear.scatter [tilespmem:s11], [sflag:$0x7], $0x2800, $0x38;
	[tilespmem:$0x16800] =	vst v63  }
0x50c: {  	_ =	swait.ge [sflag:s10], $0x2800  }
0x50d: {  	[sflag:s10] =	ssyncset.done $0x0  }
0x50e: {  	[sflag:s10] =	ssyncadd.s32 $0xFFFFD800  }
0x50f: {  	v3 =	vld [tilespmem:s30+$0xC8];
	_ =	sdelay $0x4  }
0x510: {  	v4 =	vshll.u32 v3, $0x1  }
0x511: {  	v3 =	vand.u32 $0x7, v3;
	v4 =	vand.u32 $0xFFFFFFF0, v4  }
0x512: {  	v3 =	vor.u32 v3, v4  }
0x513: {  	v4 =	vperm.xlane v3, v0;
	_ =	sdelay $0x1  }
0x514: {  	v3 =	vperm.xlane v3, v2;
	v4 =	vadd.s32 v1, v4;
	_ =	sdelay $0x1  }
0x515: {  	v3 =	vadd.s32 v1, v3;
	_ =	sdelay $0x2  }
0x516: {  	[tilespmem:s29], [sflag:$0x2] =	stream.indirect_vreg.gather [hbm4b:s5+s3], $0x80, v4, vm0, $0xb8;
	[tilespmem:$0x16800] =	vst v63  }
0x517: {  	s1 =	simm.s32 $0x8000  }
0x518: {  	[tilespmem:s1], [sflag:$0x2] =	stream.indirect_vreg.gather [hbm4b:s5+s3], $0x80, v3, vm0, $0xb8;
	[tilespmem:$0x16800] =	vst v63  }
0x519: {  	v3 =	vld [tilespmem:s30+$0xD8];
	_ =	sdelay $0x4  }
0x51a: {  	v59 =	vshll.u32 v3, $0x1  }
0x51b: {  	v3 =	vand.u32 $0x7, v3;
	v4 =	vand.u32 $0xFFFFFFF0, v59  }
0x51c: {  	v3 =	vor.u32 v3, v4  }
0x51d: {  	v4 =	vperm.xlane v3, v0;
	_ =	sdelay $0x1  }
0x51e: {  	v3 =	vperm.xlane v3, v2;
	v4 =	vadd.s32 v1, v4;
	_ =	sdelay $0x1  }
0x51f: {  	v3 =	vadd.s32 v1, v3;
	_ =	sdelay $0x1  }
0x520: {  	s22 =	simm.s32 $0x8800  }
0x521: {  	[tilespmem:s22], [sflag:$0x2] =	stream.indirect_vreg.gather [hbm4b:s5+s3], $0x80, v4, vm0, $0xb8;
	[tilespmem:$0x16800] =	vst v63  }
0x522: {  	s23 =	simm.s32 $0x9000  }
0x523: {  	[tilespmem:s23], [sflag:$0x2] =	stream.indirect_vreg.gather [hbm4b:s5+s3], $0x80, v3, vm0, $0xb8;
	[tilespmem:$0x16800] =	vst v63  }
0x524: {  	v3 =	vld.msk [tilespmem:s30+$0xE8], $0xff;
	_ =	sdelay $0x4  }
0x525: {  	v60 =	vshll.u32 v3, $0x1  }
0x526: {  	v3 =	vand.u32 $0x7, v3;
	v4 =	vand.u32 $0xFFFFFFF0, v60  }
0x527: {  	v3 =	vor.u32 v3, v4  }
0x528: {  	v3 =	vperm.xlane v3, v0;
	_ =	sdelay $0x1  }
0x529: {  	v3 =	vadd.s32 v1, v3;
	_ =	sdelay $0x3  }
0x52a: {  	s19 =	simm.s32 $0x9800  }
0x52b: {  	[tilespmem:s19], [sflag:$0x2] =	stream.indirect_vreg.gather [hbm4b:s5+s3], $0x80, v3, vm0, $0xb8;
	[tilespmem:$0x16800] =	vst v63  }
0x52c: {  	v3 =	vld [tilespmem:s30+$0x14C8];
	_ =	sdelay $0x4  }
0x52d: {  	v61 =	vshll.u32 v3, $0x1  }
0x52e: {  	v3 =	vand.u32 $0x7, v3;
	v4 =	vand.u32 $0xFFFFFFF0, v61  }
0x52f: {  	v3 =	vor.u32 v3, v4  }
0x530: {  	v4 =	vperm.xlane v3, v0;
	_ =	sdelay $0x1  }
0x531: {  	v3 =	vperm.xlane v3, v2;
	v4 =	vadd.s32 v1, v4;
	_ =	sdelay $0x1  }
0x532: {  	v3 =	vadd.s32 v1, v3;
	_ =	sdelay $0x1  }
0x533: {  	s20 =	simm.s32 $0xA000  }
0x534: {  	[tilespmem:s20], [sflag:$0x2] =	stream.indirect_vreg.gather [hbm4b:s6+s3], $0x80, v4, vm0, $0xb8;
	[tilespmem:$0x16800] =	vst v63  }
0x535: {  	s21 =	simm.s32 $0xA800  }
0x536: {  	[tilespmem:s21], [sflag:$0x2] =	stream.indirect_vreg.gather [hbm4b:s6+s3], $0x80, v3, vm0, $0xb8;
	[tilespmem:$0x16800] =	vst v63  }
0x537: {  	v3 =	vld [tilespmem:s30+$0x14D8];
	_ =	sdelay $0x4  }
0x538: {  	v62 =	vshll.u32 v3, $0x1  }
0x539: {  	v3 =	vand.u32 $0x7, v3;
	v4 =	vand.u32 $0xFFFFFFF0, v62  }
0x53a: {  	v3 =	vor.u32 v3, v4  }
0x53b: {  	v4 =	vperm.xlane v3, v0;
	_ =	sdelay $0x1  }
0x53c: {  	v3 =	vperm.xlane v3, v2;
	v4 =	vadd.s32 v1, v4;
	_ =	sdelay $0x1  }
0x53d: {  	v3 =	vadd.s32 v1, v3;
	_ =	sdelay $0x1  }
0x53e: {  	s22 =	simm.s32 $0xB000  }
0x53f: {  	[tilespmem:s22], [sflag:$0x2] =	stream.indirect_vreg.gather [hbm4b:s6+s3], $0x80, v4, vm0, $0xb8;
	[tilespmem:$0x16800] =	vst v63  }
0x540: {  	s23 =	simm.s32 $0xB800  }
0x541: {  	[tilespmem:s23], [sflag:$0x2] =	stream.indirect_vreg.gather [hbm4b:s6+s3], $0x80, v3, vm0, $0xb8;
	[tilespmem:$0x16800] =	vst v63  }
0x542: {  	v3 =	vld.msk [tilespmem:s30+$0x14E8], $0xff;
	_ =	sdelay $0x4  }
0x543: {  	v63 =	vshll.u32 v3, $0x1  }
0x544: {  	v3 =	vand.u32 $0x7, v3;
	v4 =	vand.u32 $0xFFFFFFF0, v63  }
0x545: {  	v3 =	vor.u32 v3, v4  }
0x546: {  	v3 =	vperm.xlane v3, v0;
	_ =	sdelay $0x1  }
0x547: {  	v3 =	vadd.s32 v1, v3;
	_ =	sdelay $0x3  }
0x548: {  	s30 =	simm.s32 $0xC000  }
0x549: {  	[tilespmem:s30], [sflag:$0x2] =	stream.indirect_vreg.gather [hbm4b:s6+s3], $0x80, v3, vm0, $0xb8;
	[tilespmem:$0x16800] =	vst v63  }
.LBB2_18:
0x54a: {  	_ =	swait.ge [sflag:s12], $0x2800  }
0x54b: {  	[sflag:s12] =	ssyncset.done $0x0  }
0x54c: {  	[sflag:s12] =	ssyncadd.s32 $0xFFFFD800  }
0x54d: {  	s1 =	simm.s32 $0x0;
	_ =	swait.ge [sflag:s12], $0x2800  }
0x54e: {  	s19 =	sand.u32 $0x3800, s1;
	s1 =	sand.u32 $0x380, s1;
	[sflag:s12] =	ssyncset.done $0x0  }
0x54f: {  	s1 =	sor.u32 s1, s19;
	[sflag:s12] =	ssyncadd.s32 $0xFFFFD800  }
0x550: {  	v3 =	vld [tilespmem:s1+$0x14470]  }
0x551: {  	v4 =	vld [tilespmem:s1+$0x14000]  }
0x552: {  	v5 =	vld [tilespmem:s1+$0x14010]  }
0x553: {  	v6 =	vld [tilespmem:s1+$0x14020]  }
0x554: {  	v7 =	vld [tilespmem:s1+$0x14030]  }
0x555: {  	v8 =	vld [tilespmem:s1+$0x14040]  }
0x556: {  	v9 =	vld [tilespmem:s1+$0x14050]  }
0x557: {  	v10 =	vld [tilespmem:s1+$0x14060]  }
0x558: {  	v11 =	vld [tilespmem:s1+$0x14070]  }
0x559: {  	v12 =	vld [tilespmem:s1+$0x14400]  }
0x55a: {  	v13 =	vld [tilespmem:s1+$0x14410]  }
0x55b: {  	v14 =	vld [tilespmem:s1+$0x14420]  }
0x55c: {  	v15 =	vld [tilespmem:s1+$0x14430]  }
0x55d: {  	v16 =	vld [tilespmem:s1+$0x14440]  }
0x55e: {  	v17 =	vld [tilespmem:s1+$0x14450]  }
0x55f: {  	[tilespmem:s1+$0x11C70] =	vst.add.f32.msk $0xffff, v3  }
0x560: {  	v3 =	vld [tilespmem:s1+$0x14460]  }
0x561: {  	[tilespmem:s1+$0x11800] =	vst.add.f32.msk $0xffff, v4  }
0x562: {  	[tilespmem:s1+$0x11810] =	vst.add.f32.msk $0xffff, v5  }
0x563: {  	[tilespmem:s1+$0x11820] =	vst.add.f32.msk $0xffff, v6  }
0x564: {  	[tilespmem:s1+$0x11830] =	vst.add.f32.msk $0xffff, v7  }
0x565: {  	[tilespmem:s1+$0x11840] =	vst.add.f32.msk $0xffff, v8  }
0x566: {  	[tilespmem:s1+$0x11850] =	vst.add.f32.msk $0xffff, v9  }
0x567: {  	[tilespmem:s1+$0x11860] =	vst.add.f32.msk $0xffff, v10  }
0x568: {  	[tilespmem:s1+$0x11870] =	vst.add.f32.msk $0xffff, v11  }
0x569: {  	[tilespmem:s1+$0x11C00] =	vst.add.f32.msk $0xffff, v12  }
0x56a: {  	[tilespmem:s1+$0x11C10] =	vst.add.f32.msk $0xffff, v13  }
0x56b: {  	[tilespmem:s1+$0x11C20] =	vst.add.f32.msk $0xffff, v14  }
0x56c: {  	[tilespmem:s1+$0x11C30] =	vst.add.f32.msk $0xffff, v15  }
0x56d: {  	s20 =	simm.s32 $0x100;
	s19 =	simm.s32 $0x80;
	[tilespmem:s1+$0x11C40] =	vst.add.f32.msk $0xffff, v16  }
0x56e: {  	s21 =	sand.u32 $0x3800, s20;
	s20 =	simm.s32 $0x200;
	s22 =	sand.u32 $0x380, s19;
	[tilespmem:s1+$0x11C50] =	vst.add.f32.msk $0xffff, v17  }
.LBB2_19:
0x56f: {  	p0 =	sne.s32 s20, $0x2700;
	[tilespmem:s1+$0x11C60] =	vst.add.f32.msk $0xffff, v3;
	s1 =	sor.u32 s22, s21  }
0x570: {  	v3 =	vld [tilespmem:s1+$0x14470]  }
0x571: {  	v4 =	vld [tilespmem:s1+$0x14000]  }
0x572: {  	v5 =	vld [tilespmem:s1+$0x14010]  }
0x573: {  	v6 =	vld [tilespmem:s1+$0x14020]  }
0x574: {  	v7 =	vld [tilespmem:s1+$0x14030]  }
0x575: {  	[tilespmem:s1+$0x11C70] =	vst.add.f32.msk $0xffff, v3  }
0x576: {  	v8 =	vld [tilespmem:s1+$0x14040]  }
0x577: {  	v9 =	vld [tilespmem:s1+$0x14050]  }
0x578: {  	v10 =	vld [tilespmem:s1+$0x14060]  }
0x579: {  	v11 =	vld [tilespmem:s1+$0x14070]  }
0x57a: {  	v12 =	vld [tilespmem:s1+$0x14400]  }
0x57b: {  	v13 =	vld [tilespmem:s1+$0x14410]  }
0x57c: {  	v14 =	vld [tilespmem:s1+$0x14420]  }
0x57d: {  	v15 =	vld [tilespmem:s1+$0x14430]  }
0x57e: {  	v16 =	vld [tilespmem:s1+$0x14440]  }
0x57f: {  	v17 =	vld [tilespmem:s1+$0x14450]  }
0x580: {  	v3 =	vld [tilespmem:s1+$0x14460]  }
0x581: {  	[tilespmem:s1+$0x11800] =	vst.add.f32.msk $0xffff, v4  }
0x582: {  	[tilespmem:s1+$0x11810] =	vst.add.f32.msk $0xffff, v5  }
0x583: {  	[tilespmem:s1+$0x11820] =	vst.add.f32.msk $0xffff, v6  }
0x584: {  	[tilespmem:s1+$0x11830] =	vst.add.f32.msk $0xffff, v7  }
0x585: {  	[tilespmem:s1+$0x11840] =	vst.add.f32.msk $0xffff, v8  }
0x586: {  	[tilespmem:s1+$0x11850] =	vst.add.f32.msk $0xffff, v9  }
0x587: {  	[tilespmem:s1+$0x11860] =	vst.add.f32.msk $0xffff, v10  }
0x588: {  	[tilespmem:s1+$0x11870] =	vst.add.f32.msk $0xffff, v11  }
0x589: {  	[tilespmem:s1+$0x11C00] =	vst.add.f32.msk $0xffff, v12  }
.Ltmp8:
0x58a: {  	[tilespmem:s1+$0x11C10] =	vst.add.f32.msk $0xffff, v13;
	(pc) =	sbr.rel @p0 .LBB2_19-.Ltmp8, $4  }
0x58b: {  	[tilespmem:s1+$0x11C20] =	vst.add.f32.msk $0xffff, v14  }
0x58c: {  	[tilespmem:s1+$0x11C30] =	vst.add.f32.msk $0xffff, v15  }
0x58d: {  	s19 =	sadd.s32 $0x80, s19;
	[tilespmem:s1+$0x11C40] =	vst.add.f32.msk $0xffff, v16  }
0x58e: {  	s21 =	sand.u32 $0x3800, s20;
	s20 =	sadd.s32 $0x100, s20;
	s22 =	sand.u32 $0x380, s19;
	[tilespmem:s1+$0x11C50] =	vst.add.f32.msk $0xffff, v17  }
0x58f: {  	s19 =	sor.u32 s22, s21;
	[tilespmem:s1+$0x11C60] =	vst.add.f32.msk $0xffff, v3  }
0x590: {  	v3 =	vld [tilespmem:s19+$0x14470]  }
0x591: {  	v4 =	vld [tilespmem:s19+$0x14000]  }
0x592: {  	v5 =	vld [tilespmem:s19+$0x14010]  }
0x593: {  	v6 =	vld [tilespmem:s19+$0x14020]  }
0x594: {  	v7 =	vld [tilespmem:s19+$0x14030]  }
0x595: {  	v8 =	vld [tilespmem:s19+$0x14050]  }
0x596: {  	v9 =	vld [tilespmem:s19+$0x14060]  }
0x597: {  	v10 =	vld [tilespmem:s19+$0x14070]  }
0x598: {  	v11 =	vld [tilespmem:s19+$0x14400]  }
0x599: {  	v12 =	vld [tilespmem:s19+$0x14410]  }
0x59a: {  	v13 =	vld [tilespmem:s19+$0x14420]  }
0x59b: {  	v14 =	vld [tilespmem:s19+$0x14430]  }
0x59c: {  	v15 =	vld [tilespmem:s19+$0x14440]  }
0x59d: {  	v16 =	vld [tilespmem:s19+$0x14450]  }
0x59e: {  	v17 =	vld [tilespmem:s19+$0x14460]  }
0x59f: {  	[tilespmem:s19+$0x11C70] =	vst.add.f32.msk $0xffff, v3  }
0x5a0: {  	v3 =	vld [tilespmem:s19+$0x14040]  }
0x5a1: {  	[tilespmem:s19+$0x11800] =	vst.add.f32.msk $0xffff, v4  }
0x5a2: {  	[tilespmem:s19+$0x11810] =	vst.add.f32.msk $0xffff, v5  }
0x5a3: {  	[tilespmem:s19+$0x11820] =	vst.add.f32.msk $0xffff, v6  }
0x5a4: {  	[tilespmem:s19+$0x11830] =	vst.add.f32.msk $0xffff, v7  }
0x5a5: {  	[tilespmem:s19+$0x11850] =	vst.add.f32.msk $0xffff, v8  }
0x5a6: {  	[tilespmem:s19+$0x11860] =	vst.add.f32.msk $0xffff, v9  }
0x5a7: {  	[tilespmem:s19+$0x11870] =	vst.add.f32.msk $0xffff, v10  }
0x5a8: {  	[tilespmem:s19+$0x11C00] =	vst.add.f32.msk $0xffff, v11  }
0x5a9: {  	[tilespmem:s19+$0x11C10] =	vst.add.f32.msk $0xffff, v12  }
0x5aa: {  	s16 =	sadd.s32 $0x1, s16;
	[tilespmem:s19+$0x11C20] =	vst.add.f32.msk $0xffff, v13  }
0x5ab: {  	p0 =	sne.s32 s16, $0x1F;
	[tilespmem:s19+$0x11C30] =	vst.add.f32.msk $0xffff, v14  }
.Ltmp9:
0x5ac: {  	[tilespmem:s19+$0x11C40] =	vst.add.f32.msk $0xffff, v15;
	(pc) =	sbr.rel @p0 .LBB2_10-.Ltmp9, $4  }
0x5ad: {  	s31 =	sadd.s32 s4, s31;
	[tilespmem:s19+$0x11C50] =	vst.add.f32.msk $0xffff, v16  }
0x5ae: {  	s1 =	sshll.u32 s31, $0x5;
	[tilespmem:s19+$0x11C60] =	vst.add.f32.msk $0xffff, v17  }
0x5af: {  	s1 =	sadd.s32 s2, s1;
	[tilespmem:s19+$0x11840] =	vst.add.f32.msk $0xffff, v3  }
0x5b0: {  	[hbm4b:s1+s3] =	stream.linear.scatter [tilespmem:s8], [sflag:$0x8], $0x2800, $0x38;
	[tilespmem:$0x16800] =	vst v63  }
0x5b1: {  	_ =	swait.ge [sflag:s7], $0x2800  }
0x5b2: {  	[sflag:s7] =	ssyncset.done $0x0  }
0x5b3: {  	[sflag:s7] =	ssyncadd.s32 $0xFFFFD800  }
0x5b4: {  	s1 =	simm.s32 $0x0;
	_ =	swait.ge [sflag:s7], $0x2800  }
0x5b5: {  	s16 =	sand.u32 $0x3800, s1;
	s1 =	sand.u32 $0x380, s1;
	[sflag:s7] =	ssyncset.done $0x0  }
0x5b6: {  	s1 =	sor.u32 s1, s16;
	[sflag:s7] =	ssyncadd.s32 $0xFFFFD800  }
0x5b7: {  	v3 =	vld [tilespmem:s1+$0x5470]  }
0x5b8: {  	v4 =	vld [tilespmem:s1+$0x5000]  }
0x5b9: {  	v5 =	vld [tilespmem:s1+$0x5010]  }
0x5ba: {  	v6 =	vld [tilespmem:s1+$0x5020]  }
0x5bb: {  	v7 =	vld [tilespmem:s1+$0x5030]  }
0x5bc: {  	v8 =	vld [tilespmem:s1+$0x5040]  }
0x5bd: {  	v9 =	vld [tilespmem:s1+$0x5050]  }
0x5be: {  	v10 =	vld [tilespmem:s1+$0x5060]  }
0x5bf: {  	v11 =	vld [tilespmem:s1+$0x5070]  }
0x5c0: {  	v12 =	vld [tilespmem:s1+$0x5400]  }
0x5c1: {  	v13 =	vld [tilespmem:s1+$0x5410]  }
0x5c2: {  	v14 =	vld [tilespmem:s1+$0x5420]  }
0x5c3: {  	v15 =	vld [tilespmem:s1+$0x5430]  }
0x5c4: {  	v16 =	vld [tilespmem:s1+$0x5440]  }
0x5c5: {  	v17 =	vld [tilespmem:s1+$0x5450]  }
0x5c6: {  	[tilespmem:s1+$0x2C70] =	vst.add.f32.msk $0xffff, v3  }
0x5c7: {  	v3 =	vld [tilespmem:s1+$0x5460]  }
0x5c8: {  	[tilespmem:s1+$0x2800] =	vst.add.f32.msk $0xffff, v4  }
0x5c9: {  	[tilespmem:s1+$0x2810] =	vst.add.f32.msk $0xffff, v5  }
0x5ca: {  	[tilespmem:s1+$0x2820] =	vst.add.f32.msk $0xffff, v6  }
0x5cb: {  	[tilespmem:s1+$0x2830] =	vst.add.f32.msk $0xffff, v7  }
0x5cc: {  	[tilespmem:s1+$0x2840] =	vst.add.f32.msk $0xffff, v8  }
0x5cd: {  	[tilespmem:s1+$0x2850] =	vst.add.f32.msk $0xffff, v9  }
0x5ce: {  	[tilespmem:s1+$0x2860] =	vst.add.f32.msk $0xffff, v10  }
0x5cf: {  	[tilespmem:s1+$0x2870] =	vst.add.f32.msk $0xffff, v11  }
0x5d0: {  	[tilespmem:s1+$0x2C00] =	vst.add.f32.msk $0xffff, v12  }
0x5d1: {  	[tilespmem:s1+$0x2C10] =	vst.add.f32.msk $0xffff, v13  }
0x5d2: {  	[tilespmem:s1+$0x2C20] =	vst.add.f32.msk $0xffff, v14  }
0x5d3: {  	[tilespmem:s1+$0x2C30] =	vst.add.f32.msk $0xffff, v15  }
0x5d4: {  	s19 =	simm.s32 $0x100;
	s16 =	simm.s32 $0x80;
	[tilespmem:s1+$0x2C40] =	vst.add.f32.msk $0xffff, v16  }
0x5d5: {  	s20 =	sand.u32 $0x3800, s19;
	s19 =	simm.s32 $0x200;
	s21 =	sand.u32 $0x380, s16;
	[tilespmem:s1+$0x2C50] =	vst.add.f32.msk $0xffff, v17  }
.LBB2_22:
0x5d6: {  	p0 =	sne.s32 s19, $0x2700;
	[tilespmem:s1+$0x2C60] =	vst.add.f32.msk $0xffff, v3;
	s1 =	sor.u32 s21, s20  }
0x5d7: {  	v3 =	vld [tilespmem:s1+$0x5470]  }
0x5d8: {  	v4 =	vld [tilespmem:s1+$0x5000]  }
0x5d9: {  	v5 =	vld [tilespmem:s1+$0x5010]  }
0x5da: {  	v6 =	vld [tilespmem:s1+$0x5020]  }
0x5db: {  	v7 =	vld [tilespmem:s1+$0x5030]  }
0x5dc: {  	[tilespmem:s1+$0x2C70] =	vst.add.f32.msk $0xffff, v3  }
0x5dd: {  	v8 =	vld [tilespmem:s1+$0x5040]  }
0x5de: {  	v9 =	vld [tilespmem:s1+$0x5050]  }
0x5df: {  	v10 =	vld [tilespmem:s1+$0x5060]  }
0x5e0: {  	v11 =	vld [tilespmem:s1+$0x5070]  }
0x5e1: {  	v12 =	vld [tilespmem:s1+$0x5400]  }
0x5e2: {  	v13 =	vld [tilespmem:s1+$0x5410]  }
0x5e3: {  	v14 =	vld [tilespmem:s1+$0x5420]  }
0x5e4: {  	v15 =	vld [tilespmem:s1+$0x5430]  }
0x5e5: {  	v16 =	vld [tilespmem:s1+$0x5440]  }
0x5e6: {  	v17 =	vld [tilespmem:s1+$0x5450]  }
0x5e7: {  	v3 =	vld [tilespmem:s1+$0x5460]  }
0x5e8: {  	[tilespmem:s1+$0x2800] =	vst.add.f32.msk $0xffff, v4  }
0x5e9: {  	[tilespmem:s1+$0x2810] =	vst.add.f32.msk $0xffff, v5  }
0x5ea: {  	[tilespmem:s1+$0x2820] =	vst.add.f32.msk $0xffff, v6  }
0x5eb: {  	[tilespmem:s1+$0x2830] =	vst.add.f32.msk $0xffff, v7  }
0x5ec: {  	[tilespmem:s1+$0x2840] =	vst.add.f32.msk $0xffff, v8  }
0x5ed: {  	[tilespmem:s1+$0x2850] =	vst.add.f32.msk $0xffff, v9  }
0x5ee: {  	[tilespmem:s1+$0x2860] =	vst.add.f32.msk $0xffff, v10  }
0x5ef: {  	[tilespmem:s1+$0x2870] =	vst.add.f32.msk $0xffff, v11  }
0x5f0: {  	[tilespmem:s1+$0x2C00] =	vst.add.f32.msk $0xffff, v12  }
.Ltmp10:
0x5f1: {  	[tilespmem:s1+$0x2C10] =	vst.add.f32.msk $0xffff, v13;
	(pc) =	sbr.rel @p0 .LBB2_22-.Ltmp10, $4  }
0x5f2: {  	[tilespmem:s1+$0x2C20] =	vst.add.f32.msk $0xffff, v14  }
0x5f3: {  	[tilespmem:s1+$0x2C30] =	vst.add.f32.msk $0xffff, v15  }
0x5f4: {  	s16 =	sadd.s32 $0x80, s16;
	[tilespmem:s1+$0x2C40] =	vst.add.f32.msk $0xffff, v16  }
0x5f5: {  	s20 =	sand.u32 $0x3800, s19;
	s19 =	sadd.s32 $0x100, s19;
	s21 =	sand.u32 $0x380, s16;
	[tilespmem:s1+$0x2C50] =	vst.add.f32.msk $0xffff, v17  }
0x5f6: {  	s16 =	sor.u32 s21, s20;
	[tilespmem:s1+$0x2C60] =	vst.add.f32.msk $0xffff, v3  }
0x5f7: {  	v3 =	vld [tilespmem:s16+$0x5470]  }
0x5f8: {  	v4 =	vld [tilespmem:s16+$0x5000]  }
0x5f9: {  	v5 =	vld [tilespmem:s16+$0x5010]  }
0x5fa: {  	v6 =	vld [tilespmem:s16+$0x5020]  }
0x5fb: {  	v7 =	vld [tilespmem:s16+$0x5030]  }
0x5fc: {  	v8 =	vld [tilespmem:s16+$0x5050]  }
0x5fd: {  	v9 =	vld [tilespmem:s16+$0x5060]  }
0x5fe: {  	v10 =	vld [tilespmem:s16+$0x5070]  }
0x5ff: {  	v11 =	vld [tilespmem:s16+$0x5400]  }
0x600: {  	v12 =	vld [tilespmem:s16+$0x5410]  }
0x601: {  	v13 =	vld [tilespmem:s16+$0x5420]  }
0x602: {  	v14 =	vld [tilespmem:s16+$0x5430]  }
0x603: {  	v15 =	vld [tilespmem:s16+$0x5440]  }
0x604: {  	v16 =	vld [tilespmem:s16+$0x5450]  }
0x605: {  	v17 =	vld [tilespmem:s16+$0x5460]  }
0x606: {  	[tilespmem:s16+$0x2C70] =	vst.add.f32.msk $0xffff, v3  }
0x607: {  	v3 =	vld [tilespmem:s16+$0x5040]  }
0x608: {  	[tilespmem:s16+$0x2800] =	vst.add.f32.msk $0xffff, v4  }
0x609: {  	[tilespmem:s16+$0x2810] =	vst.add.f32.msk $0xffff, v5  }
0x60a: {  	[tilespmem:s16+$0x2820] =	vst.add.f32.msk $0xffff, v6  }
0x60b: {  	[tilespmem:s16+$0x2830] =	vst.add.f32.msk $0xffff, v7  }
0x60c: {  	[tilespmem:s16+$0x2850] =	vst.add.f32.msk $0xffff, v8  }
0x60d: {  	[tilespmem:s16+$0x2860] =	vst.add.f32.msk $0xffff, v9  }
0x60e: {  	[tilespmem:s16+$0x2870] =	vst.add.f32.msk $0xffff, v10  }
0x60f: {  	[tilespmem:s16+$0x2C00] =	vst.add.f32.msk $0xffff, v11  }
0x610: {  	[tilespmem:s16+$0x2C10] =	vst.add.f32.msk $0xffff, v12  }
0x611: {  	[tilespmem:s16+$0x2C20] =	vst.add.f32.msk $0xffff, v13  }
0x612: {  	[tilespmem:s16+$0x2C30] =	vst.add.f32.msk $0xffff, v14  }
0x613: {  	[tilespmem:s16+$0x2C40] =	vst.add.f32.msk $0xffff, v15  }
0x614: {  	[tilespmem:s16+$0x2C50] =	vst.add.f32.msk $0xffff, v16  }
0x615: {  	[tilespmem:s16+$0x2C60] =	vst.add.f32.msk $0xffff, v17  }
0x616: {  	s23 =	rddreg [dreg:$0x9];
	[tilespmem:s16+$0x2840] =	vst.add.f32.msk $0xffff, v3  }
0x617: {  	[hbm4b:s23+s3] =	stream.linear.scatter [tilespmem:s18], [sflag:$0x5], $0x2800, $0x38;
	[tilespmem:$0x16800] =	vst v63  }
0x618: {  	_ =	swait.ge [sflag:s10], $0x2800  }
0x619: {  	[sflag:s10] =	ssyncset.done $0x0  }
0x61a: {  	[sflag:s10] =	ssyncadd.s32 $0xFFFFD800  }
0x61b: {  	_ =	swait.ge [sflag:s14], $0x2800  }
0x61c: {  	[sflag:s14] =	ssyncset.done $0x0  }
0x61d: {  	[sflag:s14] =	ssyncadd.s32 $0xFFFFD800  }
0x61e: {  	_ =	swait.ge [sflag:s15], $0x2800  }
0x61f: {  	[sflag:s15] =	ssyncset.done $0x0  }
0x620: {  	[sflag:s15] =	ssyncadd.s32 $0xFFFFD800  }
0x621: {  	_ =	swait.ge [sflag:s17], $0x2800  }
0x622: {  	s30 =	rddreg [dreg:$0xb]  }
0x623: {  	s31 =	rddreg [dreg:$0xa];
	s16 =	sadd.s32 $0x1, s30  }
0x624: {  	p0 =	sne.s32 s16, s31  }
.Ltmp11:
0x625: {  	_ = 	snop;
	(pc) =	sbr.rel @p0 .LBB2_1-.Ltmp11, $3  }
0x626: {  	_ =	sdelay $0x1  }
0x627: {  	[sflag:s17] =	ssyncset.done $0x0  }
0x628: {  	[sflag:s17] =	ssyncadd.s32 $0xFFFFD800  }
0x629: {  	_ =	sfence.sel $0x180000  }
0x62a: {  	[bflag:$0x0] =	sbarrier.arrive $0xFFFF  }
0x62b: {  	_ =	strace $0x90000047  }
0x62c: {  	s0 =	stileid.u32;
	[bflag:$0x2] =	sbarrier.arrive $0xFFFF  }
0x62d: {  	p0 =	sne.s32 s0, $0x0;
	s0 =	rddreg [dreg:$0x2]  }
0x62e: {  	s0 =	sadd.s32 @!p0 $0x100000, s0  }
0x62f: {  	[sflag:s0] =	ssyncadd.tile.s32 @!p0 $0x1;
	_ =	shalt  }
.Lfunc_end2:
_tile_overlayer_lowered:
.L_overlay_start_2:
0x630: {  	(tag) =	ssettag $0x2  }
0x631: {  	s0 =	rddreg [dreg:$0x0];
	s2 =	stileid.u32  }
0x632: {  	s1 =	rddreg [dreg:$0x1];
	p0 =	sne.s32 s2, $0x0  }
0x633: {  	s3 =	rddreg [dreg:$0x2];
	[bflag:$0x3] =	sbarrier.arrive $0xFFFF;
	s2 =	simm.s32 @!p0 $0x1C09  }
0x634: {  	[timem:s3], [sflag:s2] =	dma.local @!p0 [hbm:s0], s1  }
0x635: {  	s0 =	simm.s32 @!p0 $0x9  }
0x636: {  	_ =	swait.ge @!p0 [sflag:s0], s1  }
0x637: {  	s1 =	ssub.s32 @!p0 $0x0, s1;
	[sflag:s0] =	ssyncset.done @!p0 $0x0  }
0x638: {  	[sflag:s0] =	ssyncadd.s32 @!p0 s1  }
0x639: {  	[bflag:$0x3] =	sbarrier.arrive $0xFFFF  }
0x63a: {  	_ =	shalt  }

</sc_bundles>
